<compile_context>
chip_gen: v7x
topology: tpu7x:2x2x1
jax: 0.10.2.dev20260603
libtpu: 0.0.44.dev20260713+nightly
codegen_flags: <defaults>
</compile_context>

<pallas_src>
import functools

import jax
import jax.numpy as jnp
from jax import lax
from jax.experimental import pallas as pl
from jax.experimental.pallas import tpu as pltpu
from jax.experimental.pallas import tpu_sc as plsc

L_ROWS = 4096
M = 200
M1 = M - 1
EMB_DIM = 32

NC = 2
NS = 16
NW = NC * NS
CHUNK = 128
NCB = L_ROWS // CHUNK
PAIRS = M1 * NCB
PPW = PAIRS // NW
NTILE = EMB_DIM // 8

TB = 512


def _tc_body(obs_ref, src_ref, hiidx_ref, xi_ref, xjx_ref, xjy_ref):
    info = obs_ref[0]
    rx = obs_ref[3]
    ry = obs_ref[4]

    iota = lax.broadcasted_iota(jnp.int32, (M, TB), 0)
    masked = jnp.where(info == 1.0, iota, M)
    first_one = jnp.min(masked, axis=0, keepdims=True)
    self_idx = jnp.where(first_one == M, 0, first_one)

    at_self = iota == self_idx
    info_i = info.astype(jnp.int32)
    hiidx_ref[...] = jnp.sum(jnp.where(at_self, info_i, 0), axis=0, keepdims=True)
    xi_x = jnp.sum(jnp.where(at_self, rx, 0.0), axis=0, keepdims=True)
    xi_y = jnp.sum(jnp.where(at_self, ry, 0.0), axis=0, keepdims=True)
    xi_ref[...] = jnp.concatenate([xi_x, xi_y], axis=0)

    keep_left = lax.broadcasted_iota(jnp.int32, (M1, TB), 0) < self_idx
    src = jnp.where(keep_left, info_i[:M1], info_i[1:])
    src_ref[...] = jnp.concatenate([src, src[:1]], axis=0)
    xjx_ref[...] = jnp.where(keep_left, rx[:M1], rx[1:])
    xjy_ref[...] = jnp.where(keep_left, ry[:M1], ry[1:])


def _tc_prepare(obs3t):
    grid = (L_ROWS // TB,)
    return pl.pallas_call(
        _tc_body,
        grid=grid,
        in_specs=[pl.BlockSpec((5, M, TB), lambda i: (0, 0, i))],
        out_specs=[
            pl.BlockSpec((M, TB), lambda i: (0, i)),
            pl.BlockSpec((1, TB), lambda i: (0, i)),
            pl.BlockSpec((2, TB), lambda i: (0, i)),
            pl.BlockSpec((M1, TB), lambda i: (0, i)),
            pl.BlockSpec((M1, TB), lambda i: (0, i)),
        ],
        out_shape=[
            jax.ShapeDtypeStruct((M, L_ROWS), jnp.int32),
            jax.ShapeDtypeStruct((1, L_ROWS), jnp.int32),
            jax.ShapeDtypeStruct((2, L_ROWS), jnp.float32),
            jax.ShapeDtypeStruct((M1, L_ROWS), jnp.float32),
            jax.ShapeDtypeStruct((M1, L_ROWS), jnp.float32),
        ],
    )(obs3t)


def _transpose_chunk(gbuf, tbuf, eidx, zeros):
    def blk(i8, _):
        for bs in range(8):
            b = i8 * 8 + bs
            bvec = zeros + b
            for h in range(2):
                v = gbuf[b, pl.ds(h * 16, 16)]
                e = eidx + h * 16
                plsc.store_scatter(tbuf, [e >> 3, e & 7, bvec], v)
        return 0

    lax.fori_loop(0, CHUNK // 8, blk, 0)


def _sc_body(table_hbm, srct_hbm, hiidx_hbm, hj_hbm, hi_hbm,
             idx_v, cidx_v, gbuf, tbuf, hgbuf, gsem, ssem):
    wid = lax.axis_index("s") * NC + lax.axis_index("c")
    eidx = lax.iota(jnp.int32, 16)
    zeros = jnp.zeros((16,), jnp.int32)

    pltpu.sync_copy(srct_hbm.at[pl.ds(wid * PPW, PPW)], idx_v)

    qbase = wid * PPW

    def gdesc(t, gslot):
        return pltpu.make_async_copy(
            table_hbm.at[idx_v.at[t]], gbuf.at[gslot], gsem)

    def sdesc(t, tslot):
        q = qbase + t
        return pltpu.make_async_copy(
            tbuf.at[tslot, :, :, pl.ds(0, 128)],
            hj_hbm.at[q >> 5, :, q & 31], ssem)

    for u in range(4):
        gdesc(u, u).start()

    def step(k, _):
        for u in range(4):
            t = 4 * k + u
            live = t <= PPW - 1

            @pl.when(live)
            def _():
                gdesc(t, u).wait()

            @pl.when(jnp.logical_and(t >= 2, live))
            def _():
                sdesc(t - 2, u % 2).wait()

            @pl.when(live)
            def _():
                _transpose_chunk(gbuf.at[u], tbuf.at[u % 2], eidx, zeros)
                sdesc(t, u % 2).start()

            @pl.when(t + 4 <= PPW - 1)
            def _():
                gdesc(t + 4, u).start()

        return 0

    lax.fori_loop(0, (PPW + 3) // 4, step, 0)

    for t in (PPW - 2, PPW - 1):
        sdesc(t, t % 2).wait()

    pltpu.sync_copy(hiidx_hbm.at[wid], cidx_v)
    pltpu.async_copy(table_hbm.at[cidx_v], hgbuf, gsem).wait()
    _transpose_chunk(hgbuf, tbuf.at[0], eidx, zeros)
    pltpu.make_async_copy(tbuf.at[0, :, :, pl.ds(0, 128)],
                          hi_hbm.at[:, wid], ssem).start()
    pltpu.make_async_copy(tbuf.at[0, :, :, pl.ds(0, 128)],
                          hi_hbm.at[:, wid], ssem).wait()


@functools.cache
def _sc_gather():
    return pl.kernel(
        _sc_body,
        out_type=[
            jax.ShapeDtypeStruct((M1, NTILE, NCB, 8, 128), jnp.float32),
            jax.ShapeDtypeStruct((NTILE, NCB, 8, 128), jnp.float32),
        ],
        mesh=plsc.VectorSubcoreMesh(core_axis_name="c", subcore_axis_name="s",
                                    num_cores=NC, num_subcores=NS),
        compiler_params=pltpu.CompilerParams(use_tc_tiling_on_sc=False,
                                             needs_layout_passes=False),
        scratch_types=[
            pltpu.VMEM((PPW, CHUNK), jnp.int32),
            pltpu.VMEM((CHUNK,), jnp.int32),
            pltpu.VMEM((4, CHUNK, EMB_DIM), jnp.float32),
            pltpu.VMEM((2, NTILE, 8, 129), jnp.float32),
            pltpu.VMEM((CHUNK, EMB_DIM), jnp.float32),
            pltpu.SemaphoreType.DMA,
            pltpu.SemaphoreType.DMA,
        ],
    )


def kernel(obs, emb_weight):
    obs3t = jnp.transpose(obs.reshape(L_ROWS, 5, M), (1, 2, 0))
    srct, hiidx, xi_t, xjxt, xjyt = _tc_prepare(obs3t)
    srct3 = srct.reshape(M * NCB, CHUNK)
    hiidx2 = hiidx.reshape(NW, CHUNK)
    hj5, hi4 = _sc_gather()(emb_weight, srct3, hiidx2)
    hj = hj5.transpose(2, 4, 0, 1, 3).reshape(L_ROWS, M1, EMB_DIM)
    hi = hi4.transpose(1, 3, 0, 2).reshape(L_ROWS, EMB_DIM)
    xi = xi_t.T
    xj = jnp.stack([xjxt, xjyt], axis=1).transpose(2, 0, 1)
    return (hi, xi, hj, xj)

# --- scband reference (transcript-rebuilt; emitter-appended) ---
"""Pipeline reference for scband-feature-extractor-72138270704320 (READ-ONLY COPY).

The authoritative reference and input builder live on the scoring server;
editing this copy changes nothing except your own understanding.
"""

import jax, jax.numpy as jnp
import numpy as np

NUM_EMB = 100000
EMB_DIM = 32
COORD_SCALE = 1.0


def setup_inputs(seed: int = 0) -> dict:
    key = jax.random.key(seed)
    k1, k2 = jax.random.split(key)
    obs = jax.random.randint(k1, (4096, 5, 20, 10), 0, NUM_EMB).astype(jnp.float32)
    emb_weight = jax.random.normal(k2, (NUM_EMB, EMB_DIM), dtype=jnp.float32)
    return {"obs": obs, "emb_weight": emb_weight}


def reference(obs, emb_weight):
    dims = list(obs.shape)
    nd = obs.ndim
    channel_axis = next(i for i, d in enumerate(dims) if d == 5 and i <= nd - 3)
    lead_shape = dims[:channel_axis]
    obs_flat = obs.reshape(dims[:channel_axis + 1] + [-1])
    M = obs_flat.shape[-1]
    C = obs_flat.shape[channel_axis]
    L = int(np.prod(lead_shape)) if lead_shape else 1
    obs2 = obs_flat.reshape(L, C, M)
    infos = obs2[:, 0, :].astype(jnp.int32)
    rot_x = obs2[:, 3, :]
    rot_y = obs2[:, 4, :]
    symbol_h = jnp.take(emb_weight, infos, axis=0)
    coords = jnp.stack([rot_x, rot_y], axis=-1)
    self_idx = jnp.argmax((infos == 1).astype(jnp.int32), axis=1)
    batch_idx = jnp.arange(L)
    hi = symbol_h[batch_idx, self_idx]
    xi = coords[batch_idx, self_idx] / COORD_SCALE
    arange_row = jnp.broadcast_to(jnp.arange(M)[None, :], (L, M))
    mask = arange_row != self_idx[:, None]
    # masked select of M-1 in-order indices per row (jit-safe: push self_idx to end, drop it)
    other_idxs = jnp.sort(jnp.where(mask, arange_row, M), axis=1)[:, :M - 1]
    E = symbol_h.shape[-1]
    hj = jnp.take_along_axis(symbol_h, jnp.broadcast_to(other_idxs[:, :, None], (L, M - 1, E)), axis=1)
    xj = jnp.take_along_axis(coords, jnp.broadcast_to(other_idxs[:, :, None], (L, M - 1, 2)), axis=1) / COORD_SCALE
    if lead_shape:
        hi = hi.reshape(lead_shape + [-1])
        xi = xi.reshape(lead_shape + [-1])
        hj = hj.reshape(lead_shape + [M - 1, -1])
        xj = xj.reshape(lead_shape + [M - 1, 2])
    else:
        hi = hi[0]
        xi = xi[0]
        hj = hj[0]
        xj = xj[0]
    return (hi, xi, hj, xj)

if __name__ == "__main__":
    import jax
    _d = setup_inputs()
    print(jax.jit(kernel)(*tuple(_d.values())))

</pallas_src>

<mosaic_0001>
#map = affine_map<(d0, d1) -> (0, 0)>
#map1 = affine_map<(d0, d1) -> (0, 0, 0, 0, 0)>
#map2 = affine_map<(d0, d1) -> (0, 0, 0, 0)>
module attributes {stable_mosaic.version = 14 : i64} {
  func.func @_sc_body(%arg0: i32, %arg1: i32, %arg2: memref<100000x32xf32, #tpu.memory_space<hbm>>, %arg3: memref<6400x128xi32, #tpu.memory_space<hbm>>, %arg4: memref<32x128xi32, #tpu.memory_space<hbm>>, %arg5: memref<199x4x32x8x128xf32, #tpu.memory_space<hbm>>, %arg6: memref<4x32x8x128xf32, #tpu.memory_space<hbm>>, %arg7: memref<199x128xi32, #tpu.memory_space<vmem>>, %arg8: memref<128xi32, #tpu.memory_space<vmem>>, %arg9: memref<4x128x32xf32, #tpu.memory_space<vmem>>, %arg10: memref<2x4x8x129xf32, #tpu.memory_space<vmem>>, %arg11: memref<128x32xf32, #tpu.memory_space<vmem>>, %arg12: memref<!tpu.dma_semaphore, #tpu.memory_space<semaphore_mem>>, %arg13: memref<!tpu.dma_semaphore, #tpu.memory_space<semaphore_mem>>) attributes {dimension_semantics = [#tpu.dimension_semantics<core_parallel>, #tpu.dimension_semantics<subcore_parallel>], iteration_bounds = array<i64: 2, 16>, scalar_prefetch = 0 : i64, scratch_operands = 7 : i64, tpu.core_type = #tpu.core_type<sc_vector_subcore>, window_params = [{transform_indices = #map}, {transform_indices = #map}, {transform_indices = #map}, {transform_indices = #map1}, {transform_indices = #map2}]} {
    %mul3A = arith.constant 2 : i32
    %mul3A_0 = arith.muli %arg1, %mul3A : i32
    %add3A = arith.addi %mul3A_0, %arg0 : i32
    %iota3A = tpu.iota {dimensions = array<i32: 0>} : vector<16xi32>
    %broadcast_in_dim3A = arith.constant 0 : i32
    %broadcast_in_dim3A_1 = vector.broadcast %broadcast_in_dim3A : i32 to vector<16xi32>
    %mul3A_2 = arith.constant 199 : i32
    %mul3A_3 = arith.muli %add3A, %mul3A_2 : i32
    "tpu.region"() ({
      %run_scoped3A = tpu.sem_alloc : memref<!tpu.dma_semaphore, #tpu.memory_space<semaphore_mem>>
      %dma_start3A_166 = arith.constant 0 : i32
      %dma_start3A_167 = tpu.memref_slice %arg3[%mul3A_3, %dma_start3A_166] : memref<6400x128xi32, #tpu.memory_space<hbm>> -> memref<199x128xi32, #tpu.memory_space<hbm>>
      %dma_start3A_168 = arith.constant 0 : i32
      %dma_start3A_169 = tpu.memref_slice %arg3[%mul3A_3, %dma_start3A_168] : memref<6400x128xi32, #tpu.memory_space<hbm>> -> memref<199x128xi32, #tpu.memory_space<hbm>>
      tpu.enqueue_dma source(%dma_start3A_169 : memref<199x128xi32, #tpu.memory_space<hbm>>) target(%arg7 : memref<199x128xi32, #tpu.memory_space<vmem>>) target_semaphore(%run_scoped3A : memref<!tpu.dma_semaphore, #tpu.memory_space<semaphore_mem>>)
      %dma_wait3A_170 = arith.constant 0 : i32
      %dma_wait3A_171 = tpu.memref_slice %arg3[%mul3A_3, %dma_wait3A_170] : memref<6400x128xi32, #tpu.memory_space<hbm>> -> memref<199x128xi32, #tpu.memory_space<hbm>>
      %dma_wait3A_172 = arith.constant 0 : i32
      %dma_wait3A_173 = tpu.memref_slice %arg3[%mul3A_3, %dma_wait3A_172] : memref<6400x128xi32, #tpu.memory_space<hbm>> -> memref<199x128xi32, #tpu.memory_space<hbm>>
      tpu.wait_dma2 semaphore(%run_scoped3A : memref<!tpu.dma_semaphore, #tpu.memory_space<semaphore_mem>>) src(%dma_wait3A_173 : memref<199x128xi32, #tpu.memory_space<hbm>>) dst(%arg7 : memref<199x128xi32, #tpu.memory_space<vmem>>)
      tpu.yield
    }) : () -> ()
    %mul3A_4 = arith.constant 199 : i32
    %mul3A_5 = arith.muli %add3A, %mul3A_4 : i32
    %dma_start3A = arith.constant 0 : i32
    %dma_start3A_6 = arith.constant 0 : i32
    %dma_start3A_7 = arith.constant 0 : i32
    %dma_start3A_8 = arith.constant 0 : i32
    %dma_start3A_9 = tpu.memref_slice %arg9[%dma_start3A_6, %dma_start3A_7, %dma_start3A_8] : memref<4x128x32xf32, #tpu.memory_space<vmem>> -> memref<1x128x32xf32, #tpu.memory_space<vmem>>
    %dma_start3A_10 = tpu.memref_squeeze %dma_start3A_9 : memref<1x128x32xf32, #tpu.memory_space<vmem>> -> memref<128x32xf32, #tpu.memory_space<vmem>>
    %dma_start3A_11 = arith.constant 0 : i32
    %dma_start3A_12 = tpu.memref_slice %arg7[%dma_start3A, %dma_start3A_11] : memref<199x128xi32, #tpu.memory_space<vmem>> -> memref<1x128xi32, #tpu.memory_space<vmem>>
    %dma_start3A_13 = tpu.memref_squeeze %dma_start3A_12 : memref<1x128xi32, #tpu.memory_space<vmem>> -> memref<128xi32, #tpu.memory_space<vmem>>
    %dma_start3A_14 = arith.constant 0 : i32
    %dma_start3A_15 = arith.constant 0 : i32
    %dma_start3A_16 = tpu.memref_slice %arg2[%dma_start3A_14, %dma_start3A_15] : memref<100000x32xf32, #tpu.memory_space<hbm>> -> memref<100000x32xf32, #tpu.memory_space<hbm>>
    tpu.enqueue_indirect_dma source(%dma_start3A_16 : memref<100000x32xf32, #tpu.memory_space<hbm>>) target(%dma_start3A_10 : memref<128x32xf32, #tpu.memory_space<vmem>>) offsets(%dma_start3A_13 : memref<128xi32, #tpu.memory_space<vmem>>) semaphore(%arg12 : memref<!tpu.dma_semaphore, #tpu.memory_space<semaphore_mem>>)
    %dma_start3A_17 = arith.constant 1 : i32
    %dma_start3A_18 = arith.constant 1 : i32
    %dma_start3A_19 = arith.constant 0 : i32
    %dma_start3A_20 = arith.constant 0 : i32
    %dma_start3A_21 = tpu.memref_slice %arg9[%dma_start3A_18, %dma_start3A_19, %dma_start3A_20] : memref<4x128x32xf32, #tpu.memory_space<vmem>> -> memref<1x128x32xf32, #tpu.memory_space<vmem>>
    %dma_start3A_22 = tpu.memref_squeeze %dma_start3A_21 : memref<1x128x32xf32, #tpu.memory_space<vmem>> -> memref<128x32xf32, #tpu.memory_space<vmem>>
    %dma_start3A_23 = arith.constant 0 : i32
    %dma_start3A_24 = tpu.memref_slice %arg7[%dma_start3A_17, %dma_start3A_23] : memref<199x128xi32, #tpu.memory_space<vmem>> -> memref<1x128xi32, #tpu.memory_space<vmem>>
    %dma_start3A_25 = tpu.memref_squeeze %dma_start3A_24 : memref<1x128xi32, #tpu.memory_space<vmem>> -> memref<128xi32, #tpu.memory_space<vmem>>
    %dma_start3A_26 = arith.constant 0 : i32
    %dma_start3A_27 = arith.constant 0 : i32
    %dma_start3A_28 = tpu.memref_slice %arg2[%dma_start3A_26, %dma_start3A_27] : memref<100000x32xf32, #tpu.memory_space<hbm>> -> memref<100000x32xf32, #tpu.memory_space<hbm>>
    tpu.enqueue_indirect_dma source(%dma_start3A_28 : memref<100000x32xf32, #tpu.memory_space<hbm>>) target(%dma_start3A_22 : memref<128x32xf32, #tpu.memory_space<vmem>>) offsets(%dma_start3A_25 : memref<128xi32, #tpu.memory_space<vmem>>) semaphore(%arg12 : memref<!tpu.dma_semaphore, #tpu.memory_space<semaphore_mem>>)
    %dma_start3A_29 = arith.constant 2 : i32
    %dma_start3A_30 = arith.constant 2 : i32
    %dma_start3A_31 = arith.constant 0 : i32
    %dma_start3A_32 = arith.constant 0 : i32
    %dma_start3A_33 = tpu.memref_slice %arg9[%dma_start3A_30, %dma_start3A_31, %dma_start3A_32] : memref<4x128x32xf32, #tpu.memory_space<vmem>> -> memref<1x128x32xf32, #tpu.memory_space<vmem>>
    %dma_start3A_34 = tpu.memref_squeeze %dma_start3A_33 : memref<1x128x32xf32, #tpu.memory_space<vmem>> -> memref<128x32xf32, #tpu.memory_space<vmem>>
    %dma_start3A_35 = arith.constant 0 : i32
    %dma_start3A_36 = tpu.memref_slice %arg7[%dma_start3A_29, %dma_start3A_35] : memref<199x128xi32, #tpu.memory_space<vmem>> -> memref<1x128xi32, #tpu.memory_space<vmem>>
    %dma_start3A_37 = tpu.memref_squeeze %dma_start3A_36 : memref<1x128xi32, #tpu.memory_space<vmem>> -> memref<128xi32, #tpu.memory_space<vmem>>
    %dma_start3A_38 = arith.constant 0 : i32
    %dma_start3A_39 = arith.constant 0 : i32
    %dma_start3A_40 = tpu.memref_slice %arg2[%dma_start3A_38, %dma_start3A_39] : memref<100000x32xf32, #tpu.memory_space<hbm>> -> memref<100000x32xf32, #tpu.memory_space<hbm>>
    tpu.enqueue_indirect_dma source(%dma_start3A_40 : memref<100000x32xf32, #tpu.memory_space<hbm>>) target(%dma_start3A_34 : memref<128x32xf32, #tpu.memory_space<vmem>>) offsets(%dma_start3A_37 : memref<128xi32, #tpu.memory_space<vmem>>) semaphore(%arg12 : memref<!tpu.dma_semaphore, #tpu.memory_space<semaphore_mem>>)
    %dma_start3A_41 = arith.constant 3 : i32
    %dma_start3A_42 = arith.constant 3 : i32
    %dma_start3A_43 = arith.constant 0 : i32
    %dma_start3A_44 = arith.constant 0 : i32
    %dma_start3A_45 = tpu.memref_slice %arg9[%dma_start3A_42, %dma_start3A_43, %dma_start3A_44] : memref<4x128x32xf32, #tpu.memory_space<vmem>> -> memref<1x128x32xf32, #tpu.memory_space<vmem>>
    %dma_start3A_46 = tpu.memref_squeeze %dma_start3A_45 : memref<1x128x32xf32, #tpu.memory_space<vmem>> -> memref<128x32xf32, #tpu.memory_space<vmem>>
    %dma_start3A_47 = arith.constant 0 : i32
    %dma_start3A_48 = tpu.memref_slice %arg7[%dma_start3A_41, %dma_start3A_47] : memref<199x128xi32, #tpu.memory_space<vmem>> -> memref<1x128xi32, #tpu.memory_space<vmem>>
    %dma_start3A_49 = tpu.memref_squeeze %dma_start3A_48 : memref<1x128xi32, #tpu.memory_space<vmem>> -> memref<128xi32, #tpu.memory_space<vmem>>
    %dma_start3A_50 = arith.constant 0 : i32
    %dma_start3A_51 = arith.constant 0 : i32
    %dma_start3A_52 = tpu.memref_slice %arg2[%dma_start3A_50, %dma_start3A_51] : memref<100000x32xf32, #tpu.memory_space<hbm>> -> memref<100000x32xf32, #tpu.memory_space<hbm>>
    tpu.enqueue_indirect_dma source(%dma_start3A_52 : memref<100000x32xf32, #tpu.memory_space<hbm>>) target(%dma_start3A_46 : memref<128x32xf32, #tpu.memory_space<vmem>>) offsets(%dma_start3A_49 : memref<128xi32, #tpu.memory_space<vmem>>) semaphore(%arg12 : memref<!tpu.dma_semaphore, #tpu.memory_space<semaphore_mem>>)
    %scan3A = arith.constant 0 : i32
    %scan3A_53 = arith.constant 0 : i32
    %scan3A_54 = arith.constant 50 : i32
    %scan3A_55 = arith.addi %scan3A_53, %scan3A_54 : i32
    %scan3A_56 = arith.constant 1 : i32
    %scan3A_57 = scf.for %scan3A_166 = %scan3A_53 to %scan3A_55 step %scan3A_56 iter_args(%scan3A_167 = %scan3A) -> (i32)  : i32 {
      %mul3A_168 = arith.constant 4 : i32
      %mul3A_169 = arith.muli %mul3A_168, %scan3A_166 : i32
      %add3A_170 = arith.constant 0 : i32
      %add3A_171 = arith.addi %mul3A_169, %add3A_170 : i32
      %le3A = arith.constant 198 : i32
      %le3A_172 = arith.cmpi sle, %add3A_171, %le3A : i32
      %convert_element_type3A = arith.extui %le3A_172 : i1 to i32
      %cond3A = arith.constant 0 : i32
      %cond3A_173 = arith.cmpi ne, %convert_element_type3A, %cond3A : i32
      scf.if %cond3A_173 {
        %dma_wait3A_265 = arith.constant 0 : i32
        %dma_wait3A_266 = arith.constant 0 : i32
        %dma_wait3A_267 = arith.constant 0 : i32
        %dma_wait3A_268 = tpu.memref_slice %arg9[%dma_wait3A_265, %dma_wait3A_266, %dma_wait3A_267] : memref<4x128x32xf32, #tpu.memory_space<vmem>> -> memref<1x128x32xf32, #tpu.memory_space<vmem>>
        %dma_wait3A_269 = tpu.memref_squeeze %dma_wait3A_268 : memref<1x128x32xf32, #tpu.memory_space<vmem>> -> memref<128x32xf32, #tpu.memory_space<vmem>>
        %dma_wait3A_270 = arith.constant 0 : i32
        %dma_wait3A_271 = tpu.memref_slice %arg7[%add3A_171, %dma_wait3A_270] : memref<199x128xi32, #tpu.memory_space<vmem>> -> memref<1x128xi32, #tpu.memory_space<vmem>>
        %dma_wait3A_272 = tpu.memref_squeeze %dma_wait3A_271 : memref<1x128xi32, #tpu.memory_space<vmem>> -> memref<128xi32, #tpu.memory_space<vmem>>
        %dma_wait3A_273 = arith.constant 0 : i32
        %dma_wait3A_274 = arith.constant 0 : i32
        %dma_wait3A_275 = tpu.memref_slice %arg2[%dma_wait3A_273, %dma_wait3A_274] : memref<100000x32xf32, #tpu.memory_space<hbm>> -> memref<100000x32xf32, #tpu.memory_space<hbm>>
        tpu.wait_indirect_dma semaphore(%arg12 : memref<!tpu.dma_semaphore, #tpu.memory_space<semaphore_mem>>) src(%dma_wait3A_275 : memref<100000x32xf32, #tpu.memory_space<hbm>>) dst(%dma_wait3A_269 : memref<128x32xf32, #tpu.memory_space<vmem>>)
      } else {
      }
      %ge3A = arith.constant 2 : i32
      %ge3A_174 = arith.cmpi sge, %add3A_171, %ge3A : i32
      %and3A_175 = arith.andi %ge3A_174, %le3A_172 : i1
      %convert_element_type3A_176 = arith.extui %and3A_175 : i1 to i32
      %cond3A_177 = arith.constant 0 : i32
      %cond3A_178 = arith.cmpi ne, %convert_element_type3A_176, %cond3A_177 : i32
      scf.if %cond3A_178 {
        %sub3A = arith.constant 2 : i32
        %sub3A_265 = arith.subi %add3A_171, %sub3A : i32
        %add3A_266 = arith.addi %mul3A_5, %sub3A_265 : i32
        %shift_right_arithmetic3A_267 = arith.constant 5 : i32
        %shift_right_arithmetic3A_268 = arith.shrsi %add3A_266, %shift_right_arithmetic3A_267 : i32
        %and3A_269 = arith.constant 31 : i32
        %and3A_270 = arith.andi %add3A_266, %and3A_269 : i32
        %dma_wait3A_271 = arith.constant 0 : i32
        %dma_wait3A_272 = arith.constant 0 : i32
        %dma_wait3A_273 = arith.constant 0 : i32
        %dma_wait3A_274 = arith.constant 0 : i32
        %dma_wait3A_275 = tpu.memref_slice %arg10[%dma_wait3A_271, %dma_wait3A_272, %dma_wait3A_273, %dma_wait3A_274] : memref<2x4x8x129xf32, #tpu.memory_space<vmem>> -> memref<1x4x8x128xf32, #tpu.memory_space<vmem>>
        %dma_wait3A_276 = tpu.memref_squeeze %dma_wait3A_275 : memref<1x4x8x128xf32, #tpu.memory_space<vmem>> -> memref<4x8x128xf32, #tpu.memory_space<vmem>>
        %dma_wait3A_277 = arith.constant 0 : i32
        %dma_wait3A_278 = arith.constant 0 : i32
        %dma_wait3A_279 = arith.constant 0 : i32
        %dma_wait3A_280 = tpu.memref_slice %arg5[%shift_right_arithmetic3A_268, %dma_wait3A_277, %and3A_270, %dma_wait3A_278, %dma_wait3A_279] : memref<199x4x32x8x128xf32, #tpu.memory_space<hbm>> -> memref<1x4x1x8x128xf32, #tpu.memory_space<hbm>>
        %dma_wait3A_281 = tpu.memref_squeeze %dma_wait3A_280 : memref<1x4x1x8x128xf32, #tpu.memory_space<hbm>> -> memref<4x8x128xf32, #tpu.memory_space<hbm>>
        %dma_wait3A_282 = arith.constant 0 : i32
        %dma_wait3A_283 = arith.constant 0 : i32
        %dma_wait3A_284 = arith.constant 0 : i32
        %dma_wait3A_285 = tpu.memref_slice %arg5[%shift_right_arithmetic3A_268, %dma_wait3A_282, %and3A_270, %dma_wait3A_283, %dma_wait3A_284] : memref<199x4x32x8x128xf32, #tpu.memory_space<hbm>> -> memref<1x4x1x8x128xf32, #tpu.memory_space<hbm>>
        %dma_wait3A_286 = tpu.memref_squeeze %dma_wait3A_285 : memref<1x4x1x8x128xf32, #tpu.memory_space<hbm>> -> memref<4x8x128xf32, #tpu.memory_space<hbm>>
        %dma_wait3A_287 = arith.constant 0 : i32
        %dma_wait3A_288 = arith.constant 0 : i32
        %dma_wait3A_289 = arith.constant 0 : i32
        %dma_wait3A_290 = tpu.memref_slice %arg10[%dma_wait3A_271, %dma_wait3A_287, %dma_wait3A_288, %dma_wait3A_289] : memref<2x4x8x129xf32, #tpu.memory_space<vmem>> -> memref<1x4x8x128xf32, #tpu.memory_space<vmem>>
        %dma_wait3A_291 = tpu.memref_squeeze %dma_wait3A_290 : memref<1x4x8x128xf32, #tpu.memory_space<vmem>> -> memref<4x8x128xf32, #tpu.memory_space<vmem>>
        tpu.wait_dma2 semaphore(%arg13 : memref<!tpu.dma_semaphore, #tpu.memory_space<semaphore_mem>>) src(%dma_wait3A_291 : memref<4x8x128xf32, #tpu.memory_space<vmem>>) dst(%dma_wait3A_286 : memref<4x8x128xf32, #tpu.memory_space<hbm>>)
      } else {
      }
      %convert_element_type3A_179 = arith.extui %le3A_172 : i1 to i32
      %cond3A_180 = arith.constant 0 : i32
      %cond3A_181 = arith.cmpi ne, %convert_element_type3A_179, %cond3A_180 : i32
      scf.if %cond3A_181 {
        %scan3A_265 = arith.constant 0 : i32
        %scan3A_266 = arith.constant 0 : i32
        %scan3A_267 = arith.constant 0 : i32
        %scan3A_268 = arith.constant 0 : i32
        %scan3A_269 = arith.constant 16 : i32
        %scan3A_270 = arith.addi %scan3A_268, %scan3A_269 : i32
        %scan3A_271 = arith.constant 1 : i32
        %scan3A_272 = scf.for %scan3A_300 = %scan3A_268 to %scan3A_270 step %scan3A_271 iter_args(%scan3A_301 = %scan3A_267) -> (i32)  : i32 {
          %mul3A_302 = arith.constant 8 : i32
          %mul3A_303 = arith.muli %scan3A_300, %mul3A_302 : i32
          %add3A_304 = arith.constant 0 : i32
          %add3A_305 = arith.addi %mul3A_303, %add3A_304 : i32
          %add3A_306 = vector.broadcast %add3A_305 : i32 to vector<16xi32>
          %add3A_307 = arith.addi %broadcast_in_dim3A_1, %add3A_306 : vector<16xi32>
          %get3A = arith.constant 0 : i32
          %get3A_308 = arith.constant 0 : i32
          %get3A_309 = tpu.memref_slice %arg9[%scan3A_265, %get3A, %get3A_308] : memref<4x128x32xf32, #tpu.memory_space<vmem>> -> memref<1x128x32xf32, #tpu.memory_space<vmem>>
          %get3A_310 = tpu.memref_squeeze %get3A_309 : memref<1x128x32xf32, #tpu.memory_space<vmem>> -> memref<128x32xf32, #tpu.memory_space<vmem>>
          %get3A_311 = arith.index_cast %add3A_305 : i32 to index
          %get3A_312 = arith.constant 0 : index
          %get3A_313 = tpu.vector_load %get3A_310[%get3A_311, %get3A_312] {strides = array<i32>} : memref<128x32xf32, #tpu.memory_space<vmem>>, vector<16xf32>,
          %add3A_314 = arith.constant 0 : i32
          %add3A_315 = vector.broadcast %add3A_314 : i32 to vector<16xi32>
          %add3A_316 = arith.addi %iota3A, %add3A_315 : vector<16xi32>
          %shift_right_arithmetic3A_317 = arith.constant 3 : i32
          %shift_right_arithmetic3A_318 = vector.broadcast %shift_right_arithmetic3A_317 : i32 to vector<16xi32>
          %shift_right_arithmetic3A_319 = arith.shrsi %add3A_316, %shift_right_arithmetic3A_318 : vector<16xi32>
          %and3A_320 = arith.constant 7 : i32
          %and3A_321 = vector.broadcast %and3A_320 : i32 to vector<16xi32>
          %and3A_322 = arith.andi %add3A_316, %and3A_321 : vector<16xi32>
          %scatter3A = arith.constant 0 : i32
          %scatter3A_323 = arith.constant 0 : i32
          %scatter3A_324 = arith.constant 0 : i32
          %scatter3A_325 = tpu.memref_slice %arg10[%scan3A_266, %scatter3A, %scatter3A_323, %scatter3A_324] : memref<2x4x8x129xf32, #tpu.memory_space<vmem>> -> memref<1x4x8x129xf32, #tpu.memory_space<vmem>>
          %scatter3A_326 = tpu.memref_squeeze %scatter3A_325 : memref<1x4x8x129xf32, #tpu.memory_space<vmem>> -> memref<4x8x129xf32, #tpu.memory_space<vmem>>
          tpu.vector_store_idx %scatter3A_326[%shift_right_arithmetic3A_319, %and3A_322, %add3A_307], %get3A_313 : memref<4x8x129xf32, #tpu.memory_space<vmem>>[vector<16xi32>, vector<16xi32>, vector<16xi32>], vector<16xf32>,
          %get3A_327 = arith.constant 0 : i32
          %get3A_328 = arith.constant 0 : i32
          %get3A_329 = tpu.memref_slice %arg9[%scan3A_265, %get3A_327, %get3A_328] : memref<4x128x32xf32, #tpu.memory_space<vmem>> -> memref<1x128x32xf32, #tpu.memory_space<vmem>>
          %get3A_330 = tpu.memref_squeeze %get3A_329 : memref<1x128x32xf32, #tpu.memory_space<vmem>> -> memref<128x32xf32, #tpu.memory_space<vmem>>
          %get3A_331 = arith.index_cast %add3A_305 : i32 to index
          %get3A_332 = arith.constant 16 : index
          %get3A_333 = tpu.vector_load %get3A_330[%get3A_331, %get3A_332] {strides = array<i32>} : memref<128x32xf32, #tpu.memory_space<vmem>>, vector<16xf32>,
          %add3A_334 = arith.constant 16 : i32
          %add3A_335 = vector.broadcast %add3A_334 : i32 to vector<16xi32>
          %add3A_336 = arith.addi %iota3A, %add3A_335 : vector<16xi32>
          %shift_right_arithmetic3A_337 = arith.constant 3 : i32
          %shift_right_arithmetic3A_338 = vector.broadcast %shift_right_arithmetic3A_337 : i32 to vector<16xi32>
          %shift_right_arithmetic3A_339 = arith.shrsi %add3A_336, %shift_right_arithmetic3A_338 : vector<16xi32>
          %and3A_340 = arith.constant 7 : i32
          %and3A_341 = vector.broadcast %and3A_340 : i32 to vector<16xi32>
          %and3A_342 = arith.andi %add3A_336, %and3A_341 : vector<16xi32>
          %scatter3A_343 = arith.constant 0 : i32
          %scatter3A_344 = arith.constant 0 : i32
          %scatter3A_345 = arith.constant 0 : i32
          %scatter3A_346 = tpu.memref_slice %arg10[%scan3A_266, %scatter3A_343, %scatter3A_344, %scatter3A_345] : memref<2x4x8x129xf32, #tpu.memory_space<vmem>> -> memref<1x4x8x129xf32, #tpu.memory_space<vmem>>
          %scatter3A_347 = tpu.memref_squeeze %scatter3A_346 : memref<1x4x8x129xf32, #tpu.memory_space<vmem>> -> memref<4x8x129xf32, #tpu.memory_space<vmem>>
          tpu.vector_store_idx %scatter3A_347[%shift_right_arithmetic3A_339, %and3A_342, %add3A_307], %get3A_333 : memref<4x8x129xf32, #tpu.memory_space<vmem>>[vector<16xi32>, vector<16xi32>, vector<16xi32>], vector<16xf32>,
          %mul3A_348 = arith.constant 8 : i32
          %mul3A_349 = arith.muli %scan3A_300, %mul3A_348 : i32
          %add3A_350 = arith.constant 1 : i32
          %add3A_351 = arith.addi %mul3A_349, %add3A_350 : i32
          %add3A_352 = vector.broadcast %add3A_351 : i32 to vector<16xi32>
          %add3A_353 = arith.addi %broadcast_in_dim3A_1, %add3A_352 : vector<16xi32>
          %get3A_354 = arith.constant 0 : i32
          %get3A_355 = arith.constant 0 : i32
          %get3A_356 = tpu.memref_slice %arg9[%scan3A_265, %get3A_354, %get3A_355] : memref<4x128x32xf32, #tpu.memory_space<vmem>> -> memref<1x128x32xf32, #tpu.memory_space<vmem>>
          %get3A_357 = tpu.memref_squeeze %get3A_356 : memref<1x128x32xf32, #tpu.memory_space<vmem>> -> memref<128x32xf32, #tpu.memory_space<vmem>>
          %get3A_358 = arith.index_cast %add3A_351 : i32 to index
          %get3A_359 = arith.constant 0 : index
          %get3A_360 = tpu.vector_load %get3A_357[%get3A_358, %get3A_359] {strides = array<i32>} : memref<128x32xf32, #tpu.memory_space<vmem>>, vector<16xf32>,
          %add3A_361 = arith.constant 0 : i32
          %add3A_362 = vector.broadcast %add3A_361 : i32 to vector<16xi32>
          %add3A_363 = arith.addi %iota3A, %add3A_362 : vector<16xi32>
          %shift_right_arithmetic3A_364 = arith.constant 3 : i32
          %shift_right_arithmetic3A_365 = vector.broadcast %shift_right_arithmetic3A_364 : i32 to vector<16xi32>
          %shift_right_arithmetic3A_366 = arith.shrsi %add3A_363, %shift_right_arithmetic3A_365 : vector<16xi32>
          %and3A_367 = arith.constant 7 : i32
          %and3A_368 = vector.broadcast %and3A_367 : i32 to vector<16xi32>
          %and3A_369 = arith.andi %add3A_363, %and3A_368 : vector<16xi32>
          %scatter3A_370 = arith.constant 0 : i32
          %scatter3A_371 = arith.constant 0 : i32
          %scatter3A_372 = arith.constant 0 : i32
          %scatter3A_373 = tpu.memref_slice %arg10[%scan3A_266, %scatter3A_370, %scatter3A_371, %scatter3A_372] : memref<2x4x8x129xf32, #tpu.memory_space<vmem>> -> memref<1x4x8x129xf32, #tpu.memory_space<vmem>>
          %scatter3A_374 = tpu.memref_squeeze %scatter3A_373 : memref<1x4x8x129xf32, #tpu.memory_space<vmem>> -> memref<4x8x129xf32, #tpu.memory_space<vmem>>
          tpu.vector_store_idx %scatter3A_374[%shift_right_arithmetic3A_366, %and3A_369, %add3A_353], %get3A_360 : memref<4x8x129xf32, #tpu.memory_space<vmem>>[vector<16xi32>, vector<16xi32>, vector<16xi32>], vector<16xf32>,
          %get3A_375 = arith.constant 0 : i32
          %get3A_376 = arith.constant 0 : i32
          %get3A_377 = tpu.memref_slice %arg9[%scan3A_265, %get3A_375, %get3A_376] : memref<4x128x32xf32, #tpu.memory_space<vmem>> -> memref<1x128x32xf32, #tpu.memory_space<vmem>>
          %get3A_378 = tpu.memref_squeeze %get3A_377 : memref<1x128x32xf32, #tpu.memory_space<vmem>> -> memref<128x32xf32, #tpu.memory_space<vmem>>
          %get3A_379 = arith.index_cast %add3A_351 : i32 to index
          %get3A_380 = arith.constant 16 : index
          %get3A_381 = tpu.vector_load %get3A_378[%get3A_379, %get3A_380] {strides = array<i32>} : memref<128x32xf32, #tpu.memory_space<vmem>>, vector<16xf32>,
          %add3A_382 = arith.constant 16 : i32
          %add3A_383 = vector.broadcast %add3A_382 : i32 to vector<16xi32>
          %add3A_384 = arith.addi %iota3A, %add3A_383 : vector<16xi32>
          %shift_right_arithmetic3A_385 = arith.constant 3 : i32
          %shift_right_arithmetic3A_386 = vector.broadcast %shift_right_arithmetic3A_385 : i32 to vector<16xi32>
          %shift_right_arithmetic3A_387 = arith.shrsi %add3A_384, %shift_right_arithmetic3A_386 : vector<16xi32>
          %and3A_388 = arith.constant 7 : i32
          %and3A_389 = vector.broadcast %and3A_388 : i32 to vector<16xi32>
          %and3A_390 = arith.andi %add3A_384, %and3A_389 : vector<16xi32>
          %scatter3A_391 = arith.constant 0 : i32
          %scatter3A_392 = arith.constant 0 : i32
          %scatter3A_393 = arith.constant 0 : i32
          %scatter3A_394 = tpu.memref_slice %arg10[%scan3A_266, %scatter3A_391, %scatter3A_392, %scatter3A_393] : memref<2x4x8x129xf32, #tpu.memory_space<vmem>> -> memref<1x4x8x129xf32, #tpu.memory_space<vmem>>
          %scatter3A_395 = tpu.memref_squeeze %scatter3A_394 : memref<1x4x8x129xf32, #tpu.memory_space<vmem>> -> memref<4x8x129xf32, #tpu.memory_space<vmem>>
          tpu.vector_store_idx %scatter3A_395[%shift_right_arithmetic3A_387, %and3A_390, %add3A_353], %get3A_381 : memref<4x8x129xf32, #tpu.memory_space<vmem>>[vector<16xi32>, vector<16xi32>, vector<16xi32>], vector<16xf32>,
          %mul3A_396 = arith.constant 8 : i32
          %mul3A_397 = arith.muli %scan3A_300, %mul3A_396 : i32
          %add3A_398 = arith.constant 2 : i32
          %add3A_399 = arith.addi %mul3A_397, %add3A_398 : i32
          %add3A_400 = vector.broadcast %add3A_399 : i32 to vector<16xi32>
          %add3A_401 = arith.addi %broadcast_in_dim3A_1, %add3A_400 : vector<16xi32>
          %get3A_402 = arith.constant 0 : i32
          %get3A_403 = arith.constant 0 : i32
          %get3A_404 = tpu.memref_slice %arg9[%scan3A_265, %get3A_402, %get3A_403] : memref<4x128x32xf32, #tpu.memory_space<vmem>> -> memref<1x128x32xf32, #tpu.memory_space<vmem>>
          %get3A_405 = tpu.memref_squeeze %get3A_404 : memref<1x128x32xf32, #tpu.memory_space<vmem>> -> memref<128x32xf32, #tpu.memory_space<vmem>>
          %get3A_406 = arith.index_cast %add3A_399 : i32 to index
          %get3A_407 = arith.constant 0 : index
          %get3A_408 = tpu.vector_load %get3A_405[%get3A_406, %get3A_407] {strides = array<i32>} : memref<128x32xf32, #tpu.memory_space<vmem>>, vector<16xf32>,
          %add3A_409 = arith.constant 0 : i32
          %add3A_410 = vector.broadcast %add3A_409 : i32 to vector<16xi32>
          %add3A_411 = arith.addi %iota3A, %add3A_410 : vector<16xi32>
          %shift_right_arithmetic3A_412 = arith.constant 3 : i32
          %shift_right_arithmetic3A_413 = vector.broadcast %shift_right_arithmetic3A_412 : i32 to vector<16xi32>
          %shift_right_arithmetic3A_414 = arith.shrsi %add3A_411, %shift_right_arithmetic3A_413 : vector<16xi32>
          %and3A_415 = arith.constant 7 : i32
          %and3A_416 = vector.broadcast %and3A_415 : i32 to vector<16xi32>
          %and3A_417 = arith.andi %add3A_411, %and3A_416 : vector<16xi32>
          %scatter3A_418 = arith.constant 0 : i32
          %scatter3A_419 = arith.constant 0 : i32
          %scatter3A_420 = arith.constant 0 : i32
          %scatter3A_421 = tpu.memref_slice %arg10[%scan3A_266, %scatter3A_418, %scatter3A_419, %scatter3A_420] : memref<2x4x8x129xf32, #tpu.memory_space<vmem>> -> memref<1x4x8x129xf32, #tpu.memory_space<vmem>>
          %scatter3A_422 = tpu.memref_squeeze %scatter3A_421 : memref<1x4x8x129xf32, #tpu.memory_space<vmem>> -> memref<4x8x129xf32, #tpu.memory_space<vmem>>
          tpu.vector_store_idx %scatter3A_422[%shift_right_arithmetic3A_414, %and3A_417, %add3A_401], %get3A_408 : memref<4x8x129xf32, #tpu.memory_space<vmem>>[vector<16xi32>, vector<16xi32>, vector<16xi32>], vector<16xf32>,
          %get3A_423 = arith.constant 0 : i32
          %get3A_424 = arith.constant 0 : i32
          %get3A_425 = tpu.memref_slice %arg9[%scan3A_265, %get3A_423, %get3A_424] : memref<4x128x32xf32, #tpu.memory_space<vmem>> -> memref<1x128x32xf32, #tpu.memory_space<vmem>>
          %get3A_426 = tpu.memref_squeeze %get3A_425 : memref<1x128x32xf32, #tpu.memory_space<vmem>> -> memref<128x32xf32, #tpu.memory_space<vmem>>
          %get3A_427 = arith.index_cast %add3A_399 : i32 to index
          %get3A_428 = arith.constant 16 : index
          %get3A_429 = tpu.vector_load %get3A_426[%get3A_427, %get3A_428] {strides = array<i32>} : memref<128x32xf32, #tpu.memory_space<vmem>>, vector<16xf32>,
          %add3A_430 = arith.constant 16 : i32
          %add3A_431 = vector.broadcast %add3A_430 : i32 to vector<16xi32>
          %add3A_432 = arith.addi %iota3A, %add3A_431 : vector<16xi32>
          %shift_right_arithmetic3A_433 = arith.constant 3 : i32
          %shift_right_arithmetic3A_434 = vector.broadcast %shift_right_arithmetic3A_433 : i32 to vector<16xi32>
          %shift_right_arithmetic3A_435 = arith.shrsi %add3A_432, %shift_right_arithmetic3A_434 : vector<16xi32>
          %and3A_436 = arith.constant 7 : i32
          %and3A_437 = vector.broadcast %and3A_436 : i32 to vector<16xi32>
          %and3A_438 = arith.andi %add3A_432, %and3A_437 : vector<16xi32>
          %scatter3A_439 = arith.constant 0 : i32
          %scatter3A_440 = arith.constant 0 : i32
          %scatter3A_441 = arith.constant 0 : i32
          %scatter3A_442 = tpu.memref_slice %arg10[%scan3A_266, %scatter3A_439, %scatter3A_440, %scatter3A_441] : memref<2x4x8x129xf32, #tpu.memory_space<vmem>> -> memref<1x4x8x129xf32, #tpu.memory_space<vmem>>
          %scatter3A_443 = tpu.memref_squeeze %scatter3A_442 : memref<1x4x8x129xf32, #tpu.memory_space<vmem>> -> memref<4x8x129xf32, #tpu.memory_space<vmem>>
          tpu.vector_store_idx %scatter3A_443[%shift_right_arithmetic3A_435, %and3A_438, %add3A_401], %get3A_429 : memref<4x8x129xf32, #tpu.memory_space<vmem>>[vector<16xi32>, vector<16xi32>, vector<16xi32>], vector<16xf32>,
          %mul3A_444 = arith.constant 8 : i32
          %mul3A_445 = arith.muli %scan3A_300, %mul3A_444 : i32
          %add3A_446 = arith.constant 3 : i32
          %add3A_447 = arith.addi %mul3A_445, %add3A_446 : i32
          %add3A_448 = vector.broadcast %add3A_447 : i32 to vector<16xi32>
          %add3A_449 = arith.addi %broadcast_in_dim3A_1, %add3A_448 : vector<16xi32>
          %get3A_450 = arith.constant 0 : i32
          %get3A_451 = arith.constant 0 : i32
          %get3A_452 = tpu.memref_slice %arg9[%scan3A_265, %get3A_450, %get3A_451] : memref<4x128x32xf32, #tpu.memory_space<vmem>> -> memref<1x128x32xf32, #tpu.memory_space<vmem>>
          %get3A_453 = tpu.memref_squeeze %get3A_452 : memref<1x128x32xf32, #tpu.memory_space<vmem>> -> memref<128x32xf32, #tpu.memory_space<vmem>>
          %get3A_454 = arith.index_cast %add3A_447 : i32 to index
          %get3A_455 = arith.constant 0 : index
          %get3A_456 = tpu.vector_load %get3A_453[%get3A_454, %get3A_455] {strides = array<i32>} : memref<128x32xf32, #tpu.memory_space<vmem>>, vector<16xf32>,
          %add3A_457 = arith.constant 0 : i32
          %add3A_458 = vector.broadcast %add3A_457 : i32 to vector<16xi32>
          %add3A_459 = arith.addi %iota3A, %add3A_458 : vector<16xi32>
          %shift_right_arithmetic3A_460 = arith.constant 3 : i32
          %shift_right_arithmetic3A_461 = vector.broadcast %shift_right_arithmetic3A_460 : i32 to vector<16xi32>
          %shift_right_arithmetic3A_462 = arith.shrsi %add3A_459, %shift_right_arithmetic3A_461 : vector<16xi32>
          %and3A_463 = arith.constant 7 : i32
          %and3A_464 = vector.broadcast %and3A_463 : i32 to vector<16xi32>
          %and3A_465 = arith.andi %add3A_459, %and3A_464 : vector<16xi32>
          %scatter3A_466 = arith.constant 0 : i32
          %scatter3A_467 = arith.constant 0 : i32
          %scatter3A_468 = arith.constant 0 : i32
          %scatter3A_469 = tpu.memref_slice %arg10[%scan3A_266, %scatter3A_466, %scatter3A_467, %scatter3A_468] : memref<2x4x8x129xf32, #tpu.memory_space<vmem>> -> memref<1x4x8x129xf32, #tpu.memory_space<vmem>>
          %scatter3A_470 = tpu.memref_squeeze %scatter3A_469 : memref<1x4x8x129xf32, #tpu.memory_space<vmem>> -> memref<4x8x129xf32, #tpu.memory_space<vmem>>
          tpu.vector_store_idx %scatter3A_470[%shift_right_arithmetic3A_462, %and3A_465, %add3A_449], %get3A_456 : memref<4x8x129xf32, #tpu.memory_space<vmem>>[vector<16xi32>, vector<16xi32>, vector<16xi32>], vector<16xf32>,
          %get3A_471 = arith.constant 0 : i32
          %get3A_472 = arith.constant 0 : i32
          %get3A_473 = tpu.memref_slice %arg9[%scan3A_265, %get3A_471, %get3A_472] : memref<4x128x32xf32, #tpu.memory_space<vmem>> -> memref<1x128x32xf32, #tpu.memory_space<vmem>>
          %get3A_474 = tpu.memref_squeeze %get3A_473 : memref<1x128x32xf32, #tpu.memory_space<vmem>> -> memref<128x32xf32, #tpu.memory_space<vmem>>
          %get3A_475 = arith.index_cast %add3A_447 : i32 to index
          %get3A_476 = arith.constant 16 : index
          %get3A_477 = tpu.vector_load %get3A_474[%get3A_475, %get3A_476] {strides = array<i32>} : memref<128x32xf32, #tpu.memory_space<vmem>>, vector<16xf32>,
          %add3A_478 = arith.constant 16 : i32
          %add3A_479 = vector.broadcast %add3A_478 : i32 to vector<16xi32>
          %add3A_480 = arith.addi %iota3A, %add3A_479 : vector<16xi32>
          %shift_right_arithmetic3A_481 = arith.constant 3 : i32
          %shift_right_arithmetic3A_482 = vector.broadcast %shift_right_arithmetic3A_481 : i32 to vector<16xi32>
          %shift_right_arithmetic3A_483 = arith.shrsi %add3A_480, %shift_right_arithmetic3A_482 : vector<16xi32>
          %and3A_484 = arith.constant 7 : i32
          %and3A_485 = vector.broadcast %and3A_484 : i32 to vector<16xi32>
          %and3A_486 = arith.andi %add3A_480, %and3A_485 : vector<16xi32>
          %scatter3A_487 = arith.constant 0 : i32
          %scatter3A_488 = arith.constant 0 : i32
          %scatter3A_489 = arith.constant 0 : i32
          %scatter3A_490 = tpu.memref_slice %arg10[%scan3A_266, %scatter3A_487, %scatter3A_488, %scatter3A_489] : memref<2x4x8x129xf32, #tpu.memory_space<vmem>> -> memref<1x4x8x129xf32, #tpu.memory_space<vmem>>
          %scatter3A_491 = tpu.memref_squeeze %scatter3A_490 : memref<1x4x8x129xf32, #tpu.memory_space<vmem>> -> memref<4x8x129xf32, #tpu.memory_space<vmem>>
          tpu.vector_store_idx %scatter3A_491[%shift_right_arithmetic3A_483, %and3A_486, %add3A_449], %get3A_477 : memref<4x8x129xf32, #tpu.memory_space<vmem>>[vector<16xi32>, vector<16xi32>, vector<16xi32>], vector<16xf32>,
          %mul3A_492 = arith.constant 8 : i32
          %mul3A_493 = arith.muli %scan3A_300, %mul3A_492 : i32
          %add3A_494 = arith.constant 4 : i32
          %add3A_495 = arith.addi %mul3A_493, %add3A_494 : i32
          %add3A_496 = vector.broadcast %add3A_495 : i32 to vector<16xi32>
          %add3A_497 = arith.addi %broadcast_in_dim3A_1, %add3A_496 : vector<16xi32>
          %get3A_498 = arith.constant 0 : i32
          %get3A_499 = arith.constant 0 : i32
          %get3A_500 = tpu.memref_slice %arg9[%scan3A_265, %get3A_498, %get3A_499] : memref<4x128x32xf32, #tpu.memory_space<vmem>> -> memref<1x128x32xf32, #tpu.memory_space<vmem>>
          %get3A_501 = tpu.memref_squeeze %get3A_500 : memref<1x128x32xf32, #tpu.memory_space<vmem>> -> memref<128x32xf32, #tpu.memory_space<vmem>>
          %get3A_502 = arith.index_cast %add3A_495 : i32 to index
          %get3A_503 = arith.constant 0 : index
          %get3A_504 = tpu.vector_load %get3A_501[%get3A_502, %get3A_503] {strides = array<i32>} : memref<128x32xf32, #tpu.memory_space<vmem>>, vector<16xf32>,
          %add3A_505 = arith.constant 0 : i32
          %add3A_506 = vector.broadcast %add3A_505 : i32 to vector<16xi32>
          %add3A_507 = arith.addi %iota3A, %add3A_506 : vector<16xi32>
          %shift_right_arithmetic3A_508 = arith.constant 3 : i32
          %shift_right_arithmetic3A_509 = vector.broadcast %shift_right_arithmetic3A_508 : i32 to vector<16xi32>
          %shift_right_arithmetic3A_510 = arith.shrsi %add3A_507, %shift_right_arithmetic3A_509 : vector<16xi32>
          %and3A_511 = arith.constant 7 : i32
          %and3A_512 = vector.broadcast %and3A_511 : i32 to vector<16xi32>
          %and3A_513 = arith.andi %add3A_507, %and3A_512 : vector<16xi32>
          %scatter3A_514 = arith.constant 0 : i32
          %scatter3A_515 = arith.constant 0 : i32
          %scatter3A_516 = arith.constant 0 : i32
          %scatter3A_517 = tpu.memref_slice %arg10[%scan3A_266, %scatter3A_514, %scatter3A_515, %scatter3A_516] : memref<2x4x8x129xf32, #tpu.memory_space<vmem>> -> memref<1x4x8x129xf32, #tpu.memory_space<vmem>>
          %scatter3A_518 = tpu.memref_squeeze %scatter3A_517 : memref<1x4x8x129xf32, #tpu.memory_space<vmem>> -> memref<4x8x129xf32, #tpu.memory_space<vmem>>
          tpu.vector_store_idx %scatter3A_518[%shift_right_arithmetic3A_510, %and3A_513, %add3A_497], %get3A_504 : memref<4x8x129xf32, #tpu.memory_space<vmem>>[vector<16xi32>, vector<16xi32>, vector<16xi32>], vector<16xf32>,
          %get3A_519 = arith.constant 0 : i32
          %get3A_520 = arith.constant 0 : i32
          %get3A_521 = tpu.memref_slice %arg9[%scan3A_265, %get3A_519, %get3A_520] : memref<4x128x32xf32, #tpu.memory_space<vmem>> -> memref<1x128x32xf32, #tpu.memory_space<vmem>>
          %get3A_522 = tpu.memref_squeeze %get3A_521 : memref<1x128x32xf32, #tpu.memory_space<vmem>> -> memref<128x32xf32, #tpu.memory_space<vmem>>
          %get3A_523 = arith.index_cast %add3A_495 : i32 to index
          %get3A_524 = arith.constant 16 : index
          %get3A_525 = tpu.vector_load %get3A_522[%get3A_523, %get3A_524] {strides = array<i32>} : memref<128x32xf32, #tpu.memory_space<vmem>>, vector<16xf32>,
          %add3A_526 = arith.constant 16 : i32
          %add3A_527 = vector.broadcast %add3A_526 : i32 to vector<16xi32>
          %add3A_528 = arith.addi %iota3A, %add3A_527 : vector<16xi32>
          %shift_right_arithmetic3A_529 = arith.constant 3 : i32
          %shift_right_arithmetic3A_530 = vector.broadcast %shift_right_arithmetic3A_529 : i32 to vector<16xi32>
          %shift_right_arithmetic3A_531 = arith.shrsi %add3A_528, %shift_right_arithmetic3A_530 : vector<16xi32>
          %and3A_532 = arith.constant 7 : i32
          %and3A_533 = vector.broadcast %and3A_532 : i32 to vector<16xi32>
          %and3A_534 = arith.andi %add3A_528, %and3A_533 : vector<16xi32>
          %scatter3A_535 = arith.constant 0 : i32
          %scatter3A_536 = arith.constant 0 : i32
          %scatter3A_537 = arith.constant 0 : i32
          %scatter3A_538 = tpu.memref_slice %arg10[%scan3A_266, %scatter3A_535, %scatter3A_536, %scatter3A_537] : memref<2x4x8x129xf32, #tpu.memory_space<vmem>> -> memref<1x4x8x129xf32, #tpu.memory_space<vmem>>
          %scatter3A_539 = tpu.memref_squeeze %scatter3A_538 : memref<1x4x8x129xf32, #tpu.memory_space<vmem>> -> memref<4x8x129xf32, #tpu.memory_space<vmem>>
          tpu.vector_store_idx %scatter3A_539[%shift_right_arithmetic3A_531, %and3A_534, %add3A_497], %get3A_525 : memref<4x8x129xf32, #tpu.memory_space<vmem>>[vector<16xi32>, vector<16xi32>, vector<16xi32>], vector<16xf32>,
          %mul3A_540 = arith.constant 8 : i32
          %mul3A_541 = arith.muli %scan3A_300, %mul3A_540 : i32
          %add3A_542 = arith.constant 5 : i32
          %add3A_543 = arith.addi %mul3A_541, %add3A_542 : i32
          %add3A_544 = vector.broadcast %add3A_543 : i32 to vector<16xi32>
          %add3A_545 = arith.addi %broadcast_in_dim3A_1, %add3A_544 : vector<16xi32>
          %get3A_546 = arith.constant 0 : i32
          %get3A_547 = arith.constant 0 : i32
          %get3A_548 = tpu.memref_slice %arg9[%scan3A_265, %get3A_546, %get3A_547] : memref<4x128x32xf32, #tpu.memory_space<vmem>> -> memref<1x128x32xf32, #tpu.memory_space<vmem>>
          %get3A_549 = tpu.memref_squeeze %get3A_548 : memref<1x128x32xf32, #tpu.memory_space<vmem>> -> memref<128x32xf32, #tpu.memory_space<vmem>>
          %get3A_550 = arith.index_cast %add3A_543 : i32 to index
          %get3A_551 = arith.constant 0 : index
          %get3A_552 = tpu.vector_load %get3A_549[%get3A_550, %get3A_551] {strides = array<i32>} : memref<128x32xf32, #tpu.memory_space<vmem>>, vector<16xf32>,
          %add3A_553 = arith.constant 0 : i32
          %add3A_554 = vector.broadcast %add3A_553 : i32 to vector<16xi32>
          %add3A_555 = arith.addi %iota3A, %add3A_554 : vector<16xi32>
          %shift_right_arithmetic3A_556 = arith.constant 3 : i32
          %shift_right_arithmetic3A_557 = vector.broadcast %shift_right_arithmetic3A_556 : i32 to vector<16xi32>
          %shift_right_arithmetic3A_558 = arith.shrsi %add3A_555, %shift_right_arithmetic3A_557 : vector<16xi32>
          %and3A_559 = arith.constant 7 : i32
          %and3A_560 = vector.broadcast %and3A_559 : i32 to vector<16xi32>
          %and3A_561 = arith.andi %add3A_555, %and3A_560 : vector<16xi32>
          %scatter3A_562 = arith.constant 0 : i32
          %scatter3A_563 = arith.constant 0 : i32
          %scatter3A_564 = arith.constant 0 : i32
          %scatter3A_565 = tpu.memref_slice %arg10[%scan3A_266, %scatter3A_562, %scatter3A_563, %scatter3A_564] : memref<2x4x8x129xf32, #tpu.memory_space<vmem>> -> memref<1x4x8x129xf32, #tpu.memory_space<vmem>>
          %scatter3A_566 = tpu.memref_squeeze %scatter3A_565 : memref<1x4x8x129xf32, #tpu.memory_space<vmem>> -> memref<4x8x129xf32, #tpu.memory_space<vmem>>
          tpu.vector_store_idx %scatter3A_566[%shift_right_arithmetic3A_558, %and3A_561, %add3A_545], %get3A_552 : memref<4x8x129xf32, #tpu.memory_space<vmem>>[vector<16xi32>, vector<16xi32>, vector<16xi32>], vector<16xf32>,
          %get3A_567 = arith.constant 0 : i32
          %get3A_568 = arith.constant 0 : i32
          %get3A_569 = tpu.memref_slice %arg9[%scan3A_265, %get3A_567, %get3A_568] : memref<4x128x32xf32, #tpu.memory_space<vmem>> -> memref<1x128x32xf32, #tpu.memory_space<vmem>>
          %get3A_570 = tpu.memref_squeeze %get3A_569 : memref<1x128x32xf32, #tpu.memory_space<vmem>> -> memref<128x32xf32, #tpu.memory_space<vmem>>
          %get3A_571 = arith.index_cast %add3A_543 : i32 to index
          %get3A_572 = arith.constant 16 : index
          %get3A_573 = tpu.vector_load %get3A_570[%get3A_571, %get3A_572] {strides = array<i32>} : memref<128x32xf32, #tpu.memory_space<vmem>>, vector<16xf32>,
          %add3A_574 = arith.constant 16 : i32
          %add3A_575 = vector.broadcast %add3A_574 : i32 to vector<16xi32>
          %add3A_576 = arith.addi %iota3A, %add3A_575 : vector<16xi32>
          %shift_right_arithmetic3A_577 = arith.constant 3 : i32
          %shift_right_arithmetic3A_578 = vector.broadcast %shift_right_arithmetic3A_577 : i32 to vector<16xi32>
          %shift_right_arithmetic3A_579 = arith.shrsi %add3A_576, %shift_right_arithmetic3A_578 : vector<16xi32>
          %and3A_580 = arith.constant 7 : i32
          %and3A_581 = vector.broadcast %and3A_580 : i32 to vector<16xi32>
          %and3A_582 = arith.andi %add3A_576, %and3A_581 : vector<16xi32>
          %scatter3A_583 = arith.constant 0 : i32
          %scatter3A_584 = arith.constant 0 : i32
          %scatter3A_585 = arith.constant 0 : i32
          %scatter3A_586 = tpu.memref_slice %arg10[%scan3A_266, %scatter3A_583, %scatter3A_584, %scatter3A_585] : memref<2x4x8x129xf32, #tpu.memory_space<vmem>> -> memref<1x4x8x129xf32, #tpu.memory_space<vmem>>
          %scatter3A_587 = tpu.memref_squeeze %scatter3A_586 : memref<1x4x8x129xf32, #tpu.memory_space<vmem>> -> memref<4x8x129xf32, #tpu.memory_space<vmem>>
          tpu.vector_store_idx %scatter3A_587[%shift_right_arithmetic3A_579, %and3A_582, %add3A_545], %get3A_573 : memref<4x8x129xf32, #tpu.memory_space<vmem>>[vector<16xi32>, vector<16xi32>, vector<16xi32>], vector<16xf32>,
          %mul3A_588 = arith.constant 8 : i32
          %mul3A_589 = arith.muli %scan3A_300, %mul3A_588 : i32
          %add3A_590 = arith.constant 6 : i32
          %add3A_591 = arith.addi %mul3A_589, %add3A_590 : i32
          %add3A_592 = vector.broadcast %add3A_591 : i32 to vector<16xi32>
          %add3A_593 = arith.addi %broadcast_in_dim3A_1, %add3A_592 : vector<16xi32>
          %get3A_594 = arith.constant 0 : i32
          %get3A_595 = arith.constant 0 : i32
          %get3A_596 = tpu.memref_slice %arg9[%scan3A_265, %get3A_594, %get3A_595] : memref<4x128x32xf32, #tpu.memory_space<vmem>> -> memref<1x128x32xf32, #tpu.memory_space<vmem>>
          %get3A_597 = tpu.memref_squeeze %get3A_596 : memref<1x128x32xf32, #tpu.memory_space<vmem>> -> memref<128x32xf32, #tpu.memory_space<vmem>>
          %get3A_598 = arith.index_cast %add3A_591 : i32 to index
          %get3A_599 = arith.constant 0 : index
          %get3A_600 = tpu.vector_load %get3A_597[%get3A_598, %get3A_599] {strides = array<i32>} : memref<128x32xf32, #tpu.memory_space<vmem>>, vector<16xf32>,
          %add3A_601 = arith.constant 0 : i32
          %add3A_602 = vector.broadcast %add3A_601 : i32 to vector<16xi32>
          %add3A_603 = arith.addi %iota3A, %add3A_602 : vector<16xi32>
          %shift_right_arithmetic3A_604 = arith.constant 3 : i32
          %shift_right_arithmetic3A_605 = vector.broadcast %shift_right_arithmetic3A_604 : i32 to vector<16xi32>
          %shift_right_arithmetic3A_606 = arith.shrsi %add3A_603, %shift_right_arithmetic3A_605 : vector<16xi32>
          %and3A_607 = arith.constant 7 : i32
          %and3A_608 = vector.broadcast %and3A_607 : i32 to vector<16xi32>
          %and3A_609 = arith.andi %add3A_603, %and3A_608 : vector<16xi32>
          %scatter3A_610 = arith.constant 0 : i32
          %scatter3A_611 = arith.constant 0 : i32
          %scatter3A_612 = arith.constant 0 : i32
          %scatter3A_613 = tpu.memref_slice %arg10[%scan3A_266, %scatter3A_610, %scatter3A_611, %scatter3A_612] : memref<2x4x8x129xf32, #tpu.memory_space<vmem>> -> memref<1x4x8x129xf32, #tpu.memory_space<vmem>>
          %scatter3A_614 = tpu.memref_squeeze %scatter3A_613 : memref<1x4x8x129xf32, #tpu.memory_space<vmem>> -> memref<4x8x129xf32, #tpu.memory_space<vmem>>
          tpu.vector_store_idx %scatter3A_614[%shift_right_arithmetic3A_606, %and3A_609, %add3A_593], %get3A_600 : memref<4x8x129xf32, #tpu.memory_space<vmem>>[vector<16xi32>, vector<16xi32>, vector<16xi32>], vector<16xf32>,
          %get3A_615 = arith.constant 0 : i32
          %get3A_616 = arith.constant 0 : i32
          %get3A_617 = tpu.memref_slice %arg9[%scan3A_265, %get3A_615, %get3A_616] : memref<4x128x32xf32, #tpu.memory_space<vmem>> -> memref<1x128x32xf32, #tpu.memory_space<vmem>>
          %get3A_618 = tpu.memref_squeeze %get3A_617 : memref<1x128x32xf32, #tpu.memory_space<vmem>> -> memref<128x32xf32, #tpu.memory_space<vmem>>
          %get3A_619 = arith.index_cast %add3A_591 : i32 to index
          %get3A_620 = arith.constant 16 : index
          %get3A_621 = tpu.vector_load %get3A_618[%get3A_619, %get3A_620] {strides = array<i32>} : memref<128x32xf32, #tpu.memory_space<vmem>>, vector<16xf32>,
          %add3A_622 = arith.constant 16 : i32
          %add3A_623 = vector.broadcast %add3A_622 : i32 to vector<16xi32>
          %add3A_624 = arith.addi %iota3A, %add3A_623 : vector<16xi32>
          %shift_right_arithmetic3A_625 = arith.constant 3 : i32
          %shift_right_arithmetic3A_626 = vector.broadcast %shift_right_arithmetic3A_625 : i32 to vector<16xi32>
          %shift_right_arithmetic3A_627 = arith.shrsi %add3A_624, %shift_right_arithmetic3A_626 : vector<16xi32>
          %and3A_628 = arith.constant 7 : i32
          %and3A_629 = vector.broadcast %and3A_628 : i32 to vector<16xi32>
          %and3A_630 = arith.andi %add3A_624, %and3A_629 : vector<16xi32>
          %scatter3A_631 = arith.constant 0 : i32
          %scatter3A_632 = arith.constant 0 : i32
          %scatter3A_633 = arith.constant 0 : i32
          %scatter3A_634 = tpu.memref_slice %arg10[%scan3A_266, %scatter3A_631, %scatter3A_632, %scatter3A_633] : memref<2x4x8x129xf32, #tpu.memory_space<vmem>> -> memref<1x4x8x129xf32, #tpu.memory_space<vmem>>
          %scatter3A_635 = tpu.memref_squeeze %scatter3A_634 : memref<1x4x8x129xf32, #tpu.memory_space<vmem>> -> memref<4x8x129xf32, #tpu.memory_space<vmem>>
          tpu.vector_store_idx %scatter3A_635[%shift_right_arithmetic3A_627, %and3A_630, %add3A_593], %get3A_621 : memref<4x8x129xf32, #tpu.memory_space<vmem>>[vector<16xi32>, vector<16xi32>, vector<16xi32>], vector<16xf32>,
          %mul3A_636 = arith.constant 8 : i32
          %mul3A_637 = arith.muli %scan3A_300, %mul3A_636 : i32
          %add3A_638 = arith.constant 7 : i32
          %add3A_639 = arith.addi %mul3A_637, %add3A_638 : i32
          %add3A_640 = vector.broadcast %add3A_639 : i32 to vector<16xi32>
          %add3A_641 = arith.addi %broadcast_in_dim3A_1, %add3A_640 : vector<16xi32>
          %get3A_642 = arith.constant 0 : i32
          %get3A_643 = arith.constant 0 : i32
          %get3A_644 = tpu.memref_slice %arg9[%scan3A_265, %get3A_642, %get3A_643] : memref<4x128x32xf32, #tpu.memory_space<vmem>> -> memref<1x128x32xf32, #tpu.memory_space<vmem>>
          %get3A_645 = tpu.memref_squeeze %get3A_644 : memref<1x128x32xf32, #tpu.memory_space<vmem>> -> memref<128x32xf32, #tpu.memory_space<vmem>>
          %get3A_646 = arith.index_cast %add3A_639 : i32 to index
          %get3A_647 = arith.constant 0 : index
          %get3A_648 = tpu.vector_load %get3A_645[%get3A_646, %get3A_647] {strides = array<i32>} : memref<128x32xf32, #tpu.memory_space<vmem>>, vector<16xf32>,
          %add3A_649 = arith.constant 0 : i32
          %add3A_650 = vector.broadcast %add3A_649 : i32 to vector<16xi32>
          %add3A_651 = arith.addi %iota3A, %add3A_650 : vector<16xi32>
          %shift_right_arithmetic3A_652 = arith.constant 3 : i32
          %shift_right_arithmetic3A_653 = vector.broadcast %shift_right_arithmetic3A_652 : i32 to vector<16xi32>
          %shift_right_arithmetic3A_654 = arith.shrsi %add3A_651, %shift_right_arithmetic3A_653 : vector<16xi32>
          %and3A_655 = arith.constant 7 : i32
          %and3A_656 = vector.broadcast %and3A_655 : i32 to vector<16xi32>
          %and3A_657 = arith.andi %add3A_651, %and3A_656 : vector<16xi32>
          %scatter3A_658 = arith.constant 0 : i32
          %scatter3A_659 = arith.constant 0 : i32
          %scatter3A_660 = arith.constant 0 : i32
          %scatter3A_661 = tpu.memref_slice %arg10[%scan3A_266, %scatter3A_658, %scatter3A_659, %scatter3A_660] : memref<2x4x8x129xf32, #tpu.memory_space<vmem>> -> memref<1x4x8x129xf32, #tpu.memory_space<vmem>>
          %scatter3A_662 = tpu.memref_squeeze %scatter3A_661 : memref<1x4x8x129xf32, #tpu.memory_space<vmem>> -> memref<4x8x129xf32, #tpu.memory_space<vmem>>
          tpu.vector_store_idx %scatter3A_662[%shift_right_arithmetic3A_654, %and3A_657, %add3A_641], %get3A_648 : memref<4x8x129xf32, #tpu.memory_space<vmem>>[vector<16xi32>, vector<16xi32>, vector<16xi32>], vector<16xf32>,
          %get3A_663 = arith.constant 0 : i32
          %get3A_664 = arith.constant 0 : i32
          %get3A_665 = tpu.memref_slice %arg9[%scan3A_265, %get3A_663, %get3A_664] : memref<4x128x32xf32, #tpu.memory_space<vmem>> -> memref<1x128x32xf32, #tpu.memory_space<vmem>>
          %get3A_666 = tpu.memref_squeeze %get3A_665 : memref<1x128x32xf32, #tpu.memory_space<vmem>> -> memref<128x32xf32, #tpu.memory_space<vmem>>
          %get3A_667 = arith.index_cast %add3A_639 : i32 to index
          %get3A_668 = arith.constant 16 : index
          %get3A_669 = tpu.vector_load %get3A_666[%get3A_667, %get3A_668] {strides = array<i32>} : memref<128x32xf32, #tpu.memory_space<vmem>>, vector<16xf32>,
          %add3A_670 = arith.constant 16 : i32
          %add3A_671 = vector.broadcast %add3A_670 : i32 to vector<16xi32>
          %add3A_672 = arith.addi %iota3A, %add3A_671 : vector<16xi32>
          %shift_right_arithmetic3A_673 = arith.constant 3 : i32
          %shift_right_arithmetic3A_674 = vector.broadcast %shift_right_arithmetic3A_673 : i32 to vector<16xi32>
          %shift_right_arithmetic3A_675 = arith.shrsi %add3A_672, %shift_right_arithmetic3A_674 : vector<16xi32>
          %and3A_676 = arith.constant 7 : i32
          %and3A_677 = vector.broadcast %and3A_676 : i32 to vector<16xi32>
          %and3A_678 = arith.andi %add3A_672, %and3A_677 : vector<16xi32>
          %scatter3A_679 = arith.constant 0 : i32
          %scatter3A_680 = arith.constant 0 : i32
          %scatter3A_681 = arith.constant 0 : i32
          %scatter3A_682 = tpu.memref_slice %arg10[%scan3A_266, %scatter3A_679, %scatter3A_680, %scatter3A_681] : memref<2x4x8x129xf32, #tpu.memory_space<vmem>> -> memref<1x4x8x129xf32, #tpu.memory_space<vmem>>
          %scatter3A_683 = tpu.memref_squeeze %scatter3A_682 : memref<1x4x8x129xf32, #tpu.memory_space<vmem>> -> memref<4x8x129xf32, #tpu.memory_space<vmem>>
          tpu.vector_store_idx %scatter3A_683[%shift_right_arithmetic3A_675, %and3A_678, %add3A_641], %get3A_669 : memref<4x8x129xf32, #tpu.memory_space<vmem>>[vector<16xi32>, vector<16xi32>, vector<16xi32>], vector<16xf32>,
          %scan3A_684 = arith.constant 0 : i32
          scf.yield %scan3A_684 : i32
        }
        %scan3A_273 = arith.constant 16 : i32
        %add3A_274 = arith.addi %mul3A_5, %add3A_171 : i32
        %shift_right_arithmetic3A_275 = arith.constant 5 : i32
        %shift_right_arithmetic3A_276 = arith.shrsi %add3A_274, %shift_right_arithmetic3A_275 : i32
        %and3A_277 = arith.constant 31 : i32
        %and3A_278 = arith.andi %add3A_274, %and3A_277 : i32
        %dma_start3A_279 = arith.constant 0 : i32
        %dma_start3A_280 = arith.constant 0 : i32
        %dma_start3A_281 = arith.constant 0 : i32
        %dma_start3A_282 = arith.constant 0 : i32
        %dma_start3A_283 = tpu.memref_slice %arg10[%dma_start3A_279, %dma_start3A_280, %dma_start3A_281, %dma_start3A_282] : memref<2x4x8x129xf32, #tpu.memory_space<vmem>> -> memref<1x4x8x128xf32, #tpu.memory_space<vmem>>
        %dma_start3A_284 = tpu.memref_squeeze %dma_start3A_283 : memref<1x4x8x128xf32, #tpu.memory_space<vmem>> -> memref<4x8x128xf32, #tpu.memory_space<vmem>>
        %dma_start3A_285 = arith.constant 0 : i32
        %dma_start3A_286 = arith.constant 0 : i32
        %dma_start3A_287 = arith.constant 0 : i32
        %dma_start3A_288 = tpu.memref_slice %arg5[%shift_right_arithmetic3A_276, %dma_start3A_285, %and3A_278, %dma_start3A_286, %dma_start3A_287] : memref<199x4x32x8x128xf32, #tpu.memory_space<hbm>> -> memref<1x4x1x8x128xf32, #tpu.memory_space<hbm>>
        %dma_start3A_289 = tpu.memref_squeeze %dma_start3A_288 : memref<1x4x1x8x128xf32, #tpu.memory_space<hbm>> -> memref<4x8x128xf32, #tpu.memory_space<hbm>>
        %dma_start3A_290 = arith.constant 0 : i32
        %dma_start3A_291 = arith.constant 0 : i32
        %dma_start3A_292 = arith.constant 0 : i32
        %dma_start3A_293 = tpu.memref_slice %arg5[%shift_right_arithmetic3A_276, %dma_start3A_290, %and3A_278, %dma_start3A_291, %dma_start3A_292] : memref<199x4x32x8x128xf32, #tpu.memory_space<hbm>> -> memref<1x4x1x8x128xf32, #tpu.memory_space<hbm>>
        %dma_start3A_294 = tpu.memref_squeeze %dma_start3A_293 : memref<1x4x1x8x128xf32, #tpu.memory_space<hbm>> -> memref<4x8x128xf32, #tpu.memory_space<hbm>>
        %dma_start3A_295 = arith.constant 0 : i32
        %dma_start3A_296 = arith.constant 0 : i32
        %dma_start3A_297 = arith.constant 0 : i32
        %dma_start3A_298 = tpu.memref_slice %arg10[%dma_start3A_279, %dma_start3A_295, %dma_start3A_296, %dma_start3A_297] : memref<2x4x8x129xf32, #tpu.memory_space<vmem>> -> memref<1x4x8x128xf32, #tpu.memory_space<vmem>>
        %dma_start3A_299 = tpu.memref_squeeze %dma_start3A_298 : memref<1x4x8x128xf32, #tpu.memory_space<vmem>> -> memref<4x8x128xf32, #tpu.memory_space<vmem>>
        tpu.enqueue_dma source(%dma_start3A_299 : memref<4x8x128xf32, #tpu.memory_space<vmem>>) target(%dma_start3A_294 : memref<4x8x128xf32, #tpu.memory_space<hbm>>) target_semaphore(%arg13 : memref<!tpu.dma_semaphore, #tpu.memory_space<semaphore_mem>>)
      } else {
      }
      %add3A_182 = arith.constant 4 : i32
      %add3A_183 = arith.addi %add3A_171, %add3A_182 : i32
      %le3A_184 = arith.constant 198 : i32
      %le3A_185 = arith.cmpi sle, %add3A_183, %le3A_184 : i32
      %convert_element_type3A_186 = arith.extui %le3A_185 : i1 to i32
      %cond3A_187 = arith.constant 0 : i32
      %cond3A_188 = arith.cmpi ne, %convert_element_type3A_186, %cond3A_187 : i32
      scf.if %cond3A_188 {
        %add3A_265 = arith.constant 4 : i32
        %add3A_266 = arith.addi %add3A_171, %add3A_265 : i32
        %dma_start3A_267 = arith.constant 0 : i32
        %dma_start3A_268 = arith.constant 0 : i32
        %dma_start3A_269 = arith.constant 0 : i32
        %dma_start3A_270 = tpu.memref_slice %arg9[%dma_start3A_267, %dma_start3A_268, %dma_start3A_269] : memref<4x128x32xf32, #tpu.memory_space<vmem>> -> memref<1x128x32xf32, #tpu.memory_space<vmem>>
        %dma_start3A_271 = tpu.memref_squeeze %dma_start3A_270 : memref<1x128x32xf32, #tpu.memory_space<vmem>> -> memref<128x32xf32, #tpu.memory_space<vmem>>
        %dma_start3A_272 = arith.constant 0 : i32
        %dma_start3A_273 = tpu.memref_slice %arg7[%add3A_266, %dma_start3A_272] : memref<199x128xi32, #tpu.memory_space<vmem>> -> memref<1x128xi32, #tpu.memory_space<vmem>>
        %dma_start3A_274 = tpu.memref_squeeze %dma_start3A_273 : memref<1x128xi32, #tpu.memory_space<vmem>> -> memref<128xi32, #tpu.memory_space<vmem>>
        %dma_start3A_275 = arith.constant 0 : i32
        %dma_start3A_276 = arith.constant 0 : i32
        %dma_start3A_277 = tpu.memref_slice %arg2[%dma_start3A_275, %dma_start3A_276] : memref<100000x32xf32, #tpu.memory_space<hbm>> -> memref<100000x32xf32, #tpu.memory_space<hbm>>
        tpu.enqueue_indirect_dma source(%dma_start3A_277 : memref<100000x32xf32, #tpu.memory_space<hbm>>) target(%dma_start3A_271 : memref<128x32xf32, #tpu.memory_space<vmem>>) offsets(%dma_start3A_274 : memref<128xi32, #tpu.memory_space<vmem>>) semaphore(%arg12 : memref<!tpu.dma_semaphore, #tpu.memory_space<semaphore_mem>>)
      } else {
      }
      %mul3A_189 = arith.constant 4 : i32
      %mul3A_190 = arith.muli %mul3A_189, %scan3A_166 : i32
      %add3A_191 = arith.constant 1 : i32
      %add3A_192 = arith.addi %mul3A_190, %add3A_191 : i32
      %le3A_193 = arith.constant 198 : i32
      %le3A_194 = arith.cmpi sle, %add3A_192, %le3A_193 : i32
      %convert_element_type3A_195 = arith.extui %le3A_194 : i1 to i32
      %cond3A_196 = arith.constant 0 : i32
      %cond3A_197 = arith.cmpi ne, %convert_element_type3A_195, %cond3A_196 : i32
      scf.if %cond3A_197 {
        %dma_wait3A_265 = arith.constant 1 : i32
        %dma_wait3A_266 = arith.constant 0 : i32
        %dma_wait3A_267 = arith.constant 0 : i32
        %dma_wait3A_268 = tpu.memref_slice %arg9[%dma_wait3A_265, %dma_wait3A_266, %dma_wait3A_267] : memref<4x128x32xf32, #tpu.memory_space<vmem>> -> memref<1x128x32xf32, #tpu.memory_space<vmem>>
        %dma_wait3A_269 = tpu.memref_squeeze %dma_wait3A_268 : memref<1x128x32xf32, #tpu.memory_space<vmem>> -> memref<128x32xf32, #tpu.memory_space<vmem>>
        %dma_wait3A_270 = arith.constant 0 : i32
        %dma_wait3A_271 = tpu.memref_slice %arg7[%add3A_192, %dma_wait3A_270] : memref<199x128xi32, #tpu.memory_space<vmem>> -> memref<1x128xi32, #tpu.memory_space<vmem>>
        %dma_wait3A_272 = tpu.memref_squeeze %dma_wait3A_271 : memref<1x128xi32, #tpu.memory_space<vmem>> -> memref<128xi32, #tpu.memory_space<vmem>>
        %dma_wait3A_273 = arith.constant 0 : i32
        %dma_wait3A_274 = arith.constant 0 : i32
        %dma_wait3A_275 = tpu.memref_slice %arg2[%dma_wait3A_273, %dma_wait3A_274] : memref<100000x32xf32, #tpu.memory_space<hbm>> -> memref<100000x32xf32, #tpu.memory_space<hbm>>
        tpu.wait_indirect_dma semaphore(%arg12 : memref<!tpu.dma_semaphore, #tpu.memory_space<semaphore_mem>>) src(%dma_wait3A_275 : memref<100000x32xf32, #tpu.memory_space<hbm>>) dst(%dma_wait3A_269 : memref<128x32xf32, #tpu.memory_space<vmem>>)
      } else {
      }
      %ge3A_198 = arith.constant 2 : i32
      %ge3A_199 = arith.cmpi sge, %add3A_192, %ge3A_198 : i32
      %and3A_200 = arith.andi %ge3A_199, %le3A_194 : i1
      %convert_element_type3A_201 = arith.extui %and3A_200 : i1 to i32
      %cond3A_202 = arith.constant 0 : i32
      %cond3A_203 = arith.cmpi ne, %convert_element_type3A_201, %cond3A_202 : i32
      scf.if %cond3A_203 {
        %sub3A = arith.constant 2 : i32
        %sub3A_265 = arith.subi %add3A_192, %sub3A : i32
        %add3A_266 = arith.addi %mul3A_5, %sub3A_265 : i32
        %shift_right_arithmetic3A_267 = arith.constant 5 : i32
        %shift_right_arithmetic3A_268 = arith.shrsi %add3A_266, %shift_right_arithmetic3A_267 : i32
        %and3A_269 = arith.constant 31 : i32
        %and3A_270 = arith.andi %add3A_266, %and3A_269 : i32
        %dma_wait3A_271 = arith.constant 1 : i32
        %dma_wait3A_272 = arith.constant 0 : i32
        %dma_wait3A_273 = arith.constant 0 : i32
        %dma_wait3A_274 = arith.constant 0 : i32
        %dma_wait3A_275 = tpu.memref_slice %arg10[%dma_wait3A_271, %dma_wait3A_272, %dma_wait3A_273, %dma_wait3A_274] : memref<2x4x8x129xf32, #tpu.memory_space<vmem>> -> memref<1x4x8x128xf32, #tpu.memory_space<vmem>>
        %dma_wait3A_276 = tpu.memref_squeeze %dma_wait3A_275 : memref<1x4x8x128xf32, #tpu.memory_space<vmem>> -> memref<4x8x128xf32, #tpu.memory_space<vmem>>
        %dma_wait3A_277 = arith.constant 0 : i32
        %dma_wait3A_278 = arith.constant 0 : i32
        %dma_wait3A_279 = arith.constant 0 : i32
        %dma_wait3A_280 = tpu.memref_slice %arg5[%shift_right_arithmetic3A_268, %dma_wait3A_277, %and3A_270, %dma_wait3A_278, %dma_wait3A_279] : memref<199x4x32x8x128xf32, #tpu.memory_space<hbm>> -> memref<1x4x1x8x128xf32, #tpu.memory_space<hbm>>
        %dma_wait3A_281 = tpu.memref_squeeze %dma_wait3A_280 : memref<1x4x1x8x128xf32, #tpu.memory_space<hbm>> -> memref<4x8x128xf32, #tpu.memory_space<hbm>>
        %dma_wait3A_282 = arith.constant 0 : i32
        %dma_wait3A_283 = arith.constant 0 : i32
        %dma_wait3A_284 = arith.constant 0 : i32
        %dma_wait3A_285 = tpu.memref_slice %arg5[%shift_right_arithmetic3A_268, %dma_wait3A_282, %and3A_270, %dma_wait3A_283, %dma_wait3A_284] : memref<199x4x32x8x128xf32, #tpu.memory_space<hbm>> -> memref<1x4x1x8x128xf32, #tpu.memory_space<hbm>>
        %dma_wait3A_286 = tpu.memref_squeeze %dma_wait3A_285 : memref<1x4x1x8x128xf32, #tpu.memory_space<hbm>> -> memref<4x8x128xf32, #tpu.memory_space<hbm>>
        %dma_wait3A_287 = arith.constant 0 : i32
        %dma_wait3A_288 = arith.constant 0 : i32
        %dma_wait3A_289 = arith.constant 0 : i32
        %dma_wait3A_290 = tpu.memref_slice %arg10[%dma_wait3A_271, %dma_wait3A_287, %dma_wait3A_288, %dma_wait3A_289] : memref<2x4x8x129xf32, #tpu.memory_space<vmem>> -> memref<1x4x8x128xf32, #tpu.memory_space<vmem>>
        %dma_wait3A_291 = tpu.memref_squeeze %dma_wait3A_290 : memref<1x4x8x128xf32, #tpu.memory_space<vmem>> -> memref<4x8x128xf32, #tpu.memory_space<vmem>>
        tpu.wait_dma2 semaphore(%arg13 : memref<!tpu.dma_semaphore, #tpu.memory_space<semaphore_mem>>) src(%dma_wait3A_291 : memref<4x8x128xf32, #tpu.memory_space<vmem>>) dst(%dma_wait3A_286 : memref<4x8x128xf32, #tpu.memory_space<hbm>>)
      } else {
      }
      %convert_element_type3A_204 = arith.extui %le3A_194 : i1 to i32
      %cond3A_205 = arith.constant 0 : i32
      %cond3A_206 = arith.cmpi ne, %convert_element_type3A_204, %cond3A_205 : i32
      scf.if %cond3A_206 {
        %scan3A_265 = arith.constant 1 : i32
        %scan3A_266 = arith.constant 1 : i32
        %scan3A_267 = arith.constant 0 : i32
        %scan3A_268 = arith.constant 0 : i32
        %scan3A_269 = arith.constant 16 : i32
        %scan3A_270 = arith.addi %scan3A_268, %scan3A_269 : i32
        %scan3A_271 = arith.constant 1 : i32
        %scan3A_272 = scf.for %scan3A_300 = %scan3A_268 to %scan3A_270 step %scan3A_271 iter_args(%scan3A_301 = %scan3A_267) -> (i32)  : i32 {
          %mul3A_302 = arith.constant 8 : i32
          %mul3A_303 = arith.muli %scan3A_300, %mul3A_302 : i32
          %add3A_304 = arith.constant 0 : i32
          %add3A_305 = arith.addi %mul3A_303, %add3A_304 : i32
          %add3A_306 = vector.broadcast %add3A_305 : i32 to vector<16xi32>
          %add3A_307 = arith.addi %broadcast_in_dim3A_1, %add3A_306 : vector<16xi32>
          %get3A = arith.constant 0 : i32
          %get3A_308 = arith.constant 0 : i32
          %get3A_309 = tpu.memref_slice %arg9[%scan3A_265, %get3A, %get3A_308] : memref<4x128x32xf32, #tpu.memory_space<vmem>> -> memref<1x128x32xf32, #tpu.memory_space<vmem>>
          %get3A_310 = tpu.memref_squeeze %get3A_309 : memref<1x128x32xf32, #tpu.memory_space<vmem>> -> memref<128x32xf32, #tpu.memory_space<vmem>>
          %get3A_311 = arith.index_cast %add3A_305 : i32 to index
          %get3A_312 = arith.constant 0 : index
          %get3A_313 = tpu.vector_load %get3A_310[%get3A_311, %get3A_312] {strides = array<i32>} : memref<128x32xf32, #tpu.memory_space<vmem>>, vector<16xf32>,
          %add3A_314 = arith.constant 0 : i32
          %add3A_315 = vector.broadcast %add3A_314 : i32 to vector<16xi32>
          %add3A_316 = arith.addi %iota3A, %add3A_315 : vector<16xi32>
          %shift_right_arithmetic3A_317 = arith.constant 3 : i32
          %shift_right_arithmetic3A_318 = vector.broadcast %shift_right_arithmetic3A_317 : i32 to vector<16xi32>
          %shift_right_arithmetic3A_319 = arith.shrsi %add3A_316, %shift_right_arithmetic3A_318 : vector<16xi32>
          %and3A_320 = arith.constant 7 : i32
          %and3A_321 = vector.broadcast %and3A_320 : i32 to vector<16xi32>
          %and3A_322 = arith.andi %add3A_316, %and3A_321 : vector<16xi32>
          %scatter3A = arith.constant 0 : i32
          %scatter3A_323 = arith.constant 0 : i32
          %scatter3A_324 = arith.constant 0 : i32
          %scatter3A_325 = tpu.memref_slice %arg10[%scan3A_266, %scatter3A, %scatter3A_323, %scatter3A_324] : memref<2x4x8x129xf32, #tpu.memory_space<vmem>> -> memref<1x4x8x129xf32, #tpu.memory_space<vmem>>
          %scatter3A_326 = tpu.memref_squeeze %scatter3A_325 : memref<1x4x8x129xf32, #tpu.memory_space<vmem>> -> memref<4x8x129xf32, #tpu.memory_space<vmem>>
          tpu.vector_store_idx %scatter3A_326[%shift_right_arithmetic3A_319, %and3A_322, %add3A_307], %get3A_313 : memref<4x8x129xf32, #tpu.memory_space<vmem>>[vector<16xi32>, vector<16xi32>, vector<16xi32>], vector<16xf32>,
          %get3A_327 = arith.constant 0 : i32
          %get3A_328 = arith.constant 0 : i32
          %get3A_329 = tpu.memref_slice %arg9[%scan3A_265, %get3A_327, %get3A_328] : memref<4x128x32xf32, #tpu.memory_space<vmem>> -> memref<1x128x32xf32, #tpu.memory_space<vmem>>
          %get3A_330 = tpu.memref_squeeze %get3A_329 : memref<1x128x32xf32, #tpu.memory_space<vmem>> -> memref<128x32xf32, #tpu.memory_space<vmem>>
          %get3A_331 = arith.index_cast %add3A_305 : i32 to index
          %get3A_332 = arith.constant 16 : index
          %get3A_333 = tpu.vector_load %get3A_330[%get3A_331, %get3A_332] {strides = array<i32>} : memref<128x32xf32, #tpu.memory_space<vmem>>, vector<16xf32>,
          %add3A_334 = arith.constant 16 : i32
          %add3A_335 = vector.broadcast %add3A_334 : i32 to vector<16xi32>
          %add3A_336 = arith.addi %iota3A, %add3A_335 : vector<16xi32>
          %shift_right_arithmetic3A_337 = arith.constant 3 : i32
          %shift_right_arithmetic3A_338 = vector.broadcast %shift_right_arithmetic3A_337 : i32 to vector<16xi32>
          %shift_right_arithmetic3A_339 = arith.shrsi %add3A_336, %shift_right_arithmetic3A_338 : vector<16xi32>
          %and3A_340 = arith.constant 7 : i32
          %and3A_341 = vector.broadcast %and3A_340 : i32 to vector<16xi32>
          %and3A_342 = arith.andi %add3A_336, %and3A_341 : vector<16xi32>
          %scatter3A_343 = arith.constant 0 : i32
          %scatter3A_344 = arith.constant 0 : i32
          %scatter3A_345 = arith.constant 0 : i32
          %scatter3A_346 = tpu.memref_slice %arg10[%scan3A_266, %scatter3A_343, %scatter3A_344, %scatter3A_345] : memref<2x4x8x129xf32, #tpu.memory_space<vmem>> -> memref<1x4x8x129xf32, #tpu.memory_space<vmem>>
          %scatter3A_347 = tpu.memref_squeeze %scatter3A_346 : memref<1x4x8x129xf32, #tpu.memory_space<vmem>> -> memref<4x8x129xf32, #tpu.memory_space<vmem>>
          tpu.vector_store_idx %scatter3A_347[%shift_right_arithmetic3A_339, %and3A_342, %add3A_307], %get3A_333 : memref<4x8x129xf32, #tpu.memory_space<vmem>>[vector<16xi32>, vector<16xi32>, vector<16xi32>], vector<16xf32>,
          %mul3A_348 = arith.constant 8 : i32
          %mul3A_349 = arith.muli %scan3A_300, %mul3A_348 : i32
          %add3A_350 = arith.constant 1 : i32
          %add3A_351 = arith.addi %mul3A_349, %add3A_350 : i32
          %add3A_352 = vector.broadcast %add3A_351 : i32 to vector<16xi32>
          %add3A_353 = arith.addi %broadcast_in_dim3A_1, %add3A_352 : vector<16xi32>
          %get3A_354 = arith.constant 0 : i32
          %get3A_355 = arith.constant 0 : i32
          %get3A_356 = tpu.memref_slice %arg9[%scan3A_265, %get3A_354, %get3A_355] : memref<4x128x32xf32, #tpu.memory_space<vmem>> -> memref<1x128x32xf32, #tpu.memory_space<vmem>>
          %get3A_357 = tpu.memref_squeeze %get3A_356 : memref<1x128x32xf32, #tpu.memory_space<vmem>> -> memref<128x32xf32, #tpu.memory_space<vmem>>
          %get3A_358 = arith.index_cast %add3A_351 : i32 to index
          %get3A_359 = arith.constant 0 : index
          %get3A_360 = tpu.vector_load %get3A_357[%get3A_358, %get3A_359] {strides = array<i32>} : memref<128x32xf32, #tpu.memory_space<vmem>>, vector<16xf32>,
          %add3A_361 = arith.constant 0 : i32
          %add3A_362 = vector.broadcast %add3A_361 : i32 to vector<16xi32>
          %add3A_363 = arith.addi %iota3A, %add3A_362 : vector<16xi32>
          %shift_right_arithmetic3A_364 = arith.constant 3 : i32
          %shift_right_arithmetic3A_365 = vector.broadcast %shift_right_arithmetic3A_364 : i32 to vector<16xi32>
          %shift_right_arithmetic3A_366 = arith.shrsi %add3A_363, %shift_right_arithmetic3A_365 : vector<16xi32>
          %and3A_367 = arith.constant 7 : i32
          %and3A_368 = vector.broadcast %and3A_367 : i32 to vector<16xi32>
          %and3A_369 = arith.andi %add3A_363, %and3A_368 : vector<16xi32>
          %scatter3A_370 = arith.constant 0 : i32
          %scatter3A_371 = arith.constant 0 : i32
          %scatter3A_372 = arith.constant 0 : i32
          %scatter3A_373 = tpu.memref_slice %arg10[%scan3A_266, %scatter3A_370, %scatter3A_371, %scatter3A_372] : memref<2x4x8x129xf32, #tpu.memory_space<vmem>> -> memref<1x4x8x129xf32, #tpu.memory_space<vmem>>
          %scatter3A_374 = tpu.memref_squeeze %scatter3A_373 : memref<1x4x8x129xf32, #tpu.memory_space<vmem>> -> memref<4x8x129xf32, #tpu.memory_space<vmem>>
          tpu.vector_store_idx %scatter3A_374[%shift_right_arithmetic3A_366, %and3A_369, %add3A_353], %get3A_360 : memref<4x8x129xf32, #tpu.memory_space<vmem>>[vector<16xi32>, vector<16xi32>, vector<16xi32>], vector<16xf32>,
          %get3A_375 = arith.constant 0 : i32
          %get3A_376 = arith.constant 0 : i32
          %get3A_377 = tpu.memref_slice %arg9[%scan3A_265, %get3A_375, %get3A_376] : memref<4x128x32xf32, #tpu.memory_space<vmem>> -> memref<1x128x32xf32, #tpu.memory_space<vmem>>
          %get3A_378 = tpu.memref_squeeze %get3A_377 : memref<1x128x32xf32, #tpu.memory_space<vmem>> -> memref<128x32xf32, #tpu.memory_space<vmem>>
          %get3A_379 = arith.index_cast %add3A_351 : i32 to index
          %get3A_380 = arith.constant 16 : index
          %get3A_381 = tpu.vector_load %get3A_378[%get3A_379, %get3A_380] {strides = array<i32>} : memref<128x32xf32, #tpu.memory_space<vmem>>, vector<16xf32>,
          %add3A_382 = arith.constant 16 : i32
          %add3A_383 = vector.broadcast %add3A_382 : i32 to vector<16xi32>
          %add3A_384 = arith.addi %iota3A, %add3A_383 : vector<16xi32>
          %shift_right_arithmetic3A_385 = arith.constant 3 : i32
          %shift_right_arithmetic3A_386 = vector.broadcast %shift_right_arithmetic3A_385 : i32 to vector<16xi32>
          %shift_right_arithmetic3A_387 = arith.shrsi %add3A_384, %shift_right_arithmetic3A_386 : vector<16xi32>
          %and3A_388 = arith.constant 7 : i32
          %and3A_389 = vector.broadcast %and3A_388 : i32 to vector<16xi32>
          %and3A_390 = arith.andi %add3A_384, %and3A_389 : vector<16xi32>
          %scatter3A_391 = arith.constant 0 : i32
          %scatter3A_392 = arith.constant 0 : i32
          %scatter3A_393 = arith.constant 0 : i32
          %scatter3A_394 = tpu.memref_slice %arg10[%scan3A_266, %scatter3A_391, %scatter3A_392, %scatter3A_393] : memref<2x4x8x129xf32, #tpu.memory_space<vmem>> -> memref<1x4x8x129xf32, #tpu.memory_space<vmem>>
          %scatter3A_395 = tpu.memref_squeeze %scatter3A_394 : memref<1x4x8x129xf32, #tpu.memory_space<vmem>> -> memref<4x8x129xf32, #tpu.memory_space<vmem>>
          tpu.vector_store_idx %scatter3A_395[%shift_right_arithmetic3A_387, %and3A_390, %add3A_353], %get3A_381 : memref<4x8x129xf32, #tpu.memory_space<vmem>>[vector<16xi32>, vector<16xi32>, vector<16xi32>], vector<16xf32>,
          %mul3A_396 = arith.constant 8 : i32
          %mul3A_397 = arith.muli %scan3A_300, %mul3A_396 : i32
          %add3A_398 = arith.constant 2 : i32
          %add3A_399 = arith.addi %mul3A_397, %add3A_398 : i32
          %add3A_400 = vector.broadcast %add3A_399 : i32 to vector<16xi32>
          %add3A_401 = arith.addi %broadcast_in_dim3A_1, %add3A_400 : vector<16xi32>
          %get3A_402 = arith.constant 0 : i32
          %get3A_403 = arith.constant 0 : i32
          %get3A_404 = tpu.memref_slice %arg9[%scan3A_265, %get3A_402, %get3A_403] : memref<4x128x32xf32, #tpu.memory_space<vmem>> -> memref<1x128x32xf32, #tpu.memory_space<vmem>>
          %get3A_405 = tpu.memref_squeeze %get3A_404 : memref<1x128x32xf32, #tpu.memory_space<vmem>> -> memref<128x32xf32, #tpu.memory_space<vmem>>
          %get3A_406 = arith.index_cast %add3A_399 : i32 to index
          %get3A_407 = arith.constant 0 : index
          %get3A_408 = tpu.vector_load %get3A_405[%get3A_406, %get3A_407] {strides = array<i32>} : memref<128x32xf32, #tpu.memory_space<vmem>>, vector<16xf32>,
          %add3A_409 = arith.constant 0 : i32
          %add3A_410 = vector.broadcast %add3A_409 : i32 to vector<16xi32>
          %add3A_411 = arith.addi %iota3A, %add3A_410 : vector<16xi32>
          %shift_right_arithmetic3A_412 = arith.constant 3 : i32
          %shift_right_arithmetic3A_413 = vector.broadcast %shift_right_arithmetic3A_412 : i32 to vector<16xi32>
          %shift_right_arithmetic3A_414 = arith.shrsi %add3A_411, %shift_right_arithmetic3A_413 : vector<16xi32>
          %and3A_415 = arith.constant 7 : i32
          %and3A_416 = vector.broadcast %and3A_415 : i32 to vector<16xi32>
          %and3A_417 = arith.andi %add3A_411, %and3A_416 : vector<16xi32>
          %scatter3A_418 = arith.constant 0 : i32
          %scatter3A_419 = arith.constant 0 : i32
          %scatter3A_420 = arith.constant 0 : i32
          %scatter3A_421 = tpu.memref_slice %arg10[%scan3A_266, %scatter3A_418, %scatter3A_419, %scatter3A_420] : memref<2x4x8x129xf32, #tpu.memory_space<vmem>> -> memref<1x4x8x129xf32, #tpu.memory_space<vmem>>
          %scatter3A_422 = tpu.memref_squeeze %scatter3A_421 : memref<1x4x8x129xf32, #tpu.memory_space<vmem>> -> memref<4x8x129xf32, #tpu.memory_space<vmem>>
          tpu.vector_store_idx %scatter3A_422[%shift_right_arithmetic3A_414, %and3A_417, %add3A_401], %get3A_408 : memref<4x8x129xf32, #tpu.memory_space<vmem>>[vector<16xi32>, vector<16xi32>, vector<16xi32>], vector<16xf32>,
          %get3A_423 = arith.constant 0 : i32
          %get3A_424 = arith.constant 0 : i32
          %get3A_425 = tpu.memref_slice %arg9[%scan3A_265, %get3A_423, %get3A_424] : memref<4x128x32xf32, #tpu.memory_space<vmem>> -> memref<1x128x32xf32, #tpu.memory_space<vmem>>
          %get3A_426 = tpu.memref_squeeze %get3A_425 : memref<1x128x32xf32, #tpu.memory_space<vmem>> -> memref<128x32xf32, #tpu.memory_space<vmem>>
          %get3A_427 = arith.index_cast %add3A_399 : i32 to index
          %get3A_428 = arith.constant 16 : index
          %get3A_429 = tpu.vector_load %get3A_426[%get3A_427, %get3A_428] {strides = array<i32>} : memref<128x32xf32, #tpu.memory_space<vmem>>, vector<16xf32>,
          %add3A_430 = arith.constant 16 : i32
          %add3A_431 = vector.broadcast %add3A_430 : i32 to vector<16xi32>
          %add3A_432 = arith.addi %iota3A, %add3A_431 : vector<16xi32>
          %shift_right_arithmetic3A_433 = arith.constant 3 : i32
          %shift_right_arithmetic3A_434 = vector.broadcast %shift_right_arithmetic3A_433 : i32 to vector<16xi32>
          %shift_right_arithmetic3A_435 = arith.shrsi %add3A_432, %shift_right_arithmetic3A_434 : vector<16xi32>
          %and3A_436 = arith.constant 7 : i32
          %and3A_437 = vector.broadcast %and3A_436 : i32 to vector<16xi32>
          %and3A_438 = arith.andi %add3A_432, %and3A_437 : vector<16xi32>
          %scatter3A_439 = arith.constant 0 : i32
          %scatter3A_440 = arith.constant 0 : i32
          %scatter3A_441 = arith.constant 0 : i32
          %scatter3A_442 = tpu.memref_slice %arg10[%scan3A_266, %scatter3A_439, %scatter3A_440, %scatter3A_441] : memref<2x4x8x129xf32, #tpu.memory_space<vmem>> -> memref<1x4x8x129xf32, #tpu.memory_space<vmem>>
          %scatter3A_443 = tpu.memref_squeeze %scatter3A_442 : memref<1x4x8x129xf32, #tpu.memory_space<vmem>> -> memref<4x8x129xf32, #tpu.memory_space<vmem>>
          tpu.vector_store_idx %scatter3A_443[%shift_right_arithmetic3A_435, %and3A_438, %add3A_401], %get3A_429 : memref<4x8x129xf32, #tpu.memory_space<vmem>>[vector<16xi32>, vector<16xi32>, vector<16xi32>], vector<16xf32>,
          %mul3A_444 = arith.constant 8 : i32
          %mul3A_445 = arith.muli %scan3A_300, %mul3A_444 : i32
          %add3A_446 = arith.constant 3 : i32
          %add3A_447 = arith.addi %mul3A_445, %add3A_446 : i32
          %add3A_448 = vector.broadcast %add3A_447 : i32 to vector<16xi32>
          %add3A_449 = arith.addi %broadcast_in_dim3A_1, %add3A_448 : vector<16xi32>
          %get3A_450 = arith.constant 0 : i32
          %get3A_451 = arith.constant 0 : i32
          %get3A_452 = tpu.memref_slice %arg9[%scan3A_265, %get3A_450, %get3A_451] : memref<4x128x32xf32, #tpu.memory_space<vmem>> -> memref<1x128x32xf32, #tpu.memory_space<vmem>>
          %get3A_453 = tpu.memref_squeeze %get3A_452 : memref<1x128x32xf32, #tpu.memory_space<vmem>> -> memref<128x32xf32, #tpu.memory_space<vmem>>
          %get3A_454 = arith.index_cast %add3A_447 : i32 to index
          %get3A_455 = arith.constant 0 : index
          %get3A_456 = tpu.vector_load %get3A_453[%get3A_454, %get3A_455] {strides = array<i32>} : memref<128x32xf32, #tpu.memory_space<vmem>>, vector<16xf32>,
          %add3A_457 = arith.constant 0 : i32
          %add3A_458 = vector.broadcast %add3A_457 : i32 to vector<16xi32>
          %add3A_459 = arith.addi %iota3A, %add3A_458 : vector<16xi32>
          %shift_right_arithmetic3A_460 = arith.constant 3 : i32
          %shift_right_arithmetic3A_461 = vector.broadcast %shift_right_arithmetic3A_460 : i32 to vector<16xi32>
          %shift_right_arithmetic3A_462 = arith.shrsi %add3A_459, %shift_right_arithmetic3A_461 : vector<16xi32>
          %and3A_463 = arith.constant 7 : i32
          %and3A_464 = vector.broadcast %and3A_463 : i32 to vector<16xi32>
          %and3A_465 = arith.andi %add3A_459, %and3A_464 : vector<16xi32>
          %scatter3A_466 = arith.constant 0 : i32
          %scatter3A_467 = arith.constant 0 : i32
          %scatter3A_468 = arith.constant 0 : i32
          %scatter3A_469 = tpu.memref_slice %arg10[%scan3A_266, %scatter3A_466, %scatter3A_467, %scatter3A_468] : memref<2x4x8x129xf32, #tpu.memory_space<vmem>> -> memref<1x4x8x129xf32, #tpu.memory_space<vmem>>
          %scatter3A_470 = tpu.memref_squeeze %scatter3A_469 : memref<1x4x8x129xf32, #tpu.memory_space<vmem>> -> memref<4x8x129xf32, #tpu.memory_space<vmem>>
          tpu.vector_store_idx %scatter3A_470[%shift_right_arithmetic3A_462, %and3A_465, %add3A_449], %get3A_456 : memref<4x8x129xf32, #tpu.memory_space<vmem>>[vector<16xi32>, vector<16xi32>, vector<16xi32>], vector<16xf32>,
          %get3A_471 = arith.constant 0 : i32
          %get3A_472 = arith.constant 0 : i32
          %get3A_473 = tpu.memref_slice %arg9[%scan3A_265, %get3A_471, %get3A_472] : memref<4x128x32xf32, #tpu.memory_space<vmem>> -> memref<1x128x32xf32, #tpu.memory_space<vmem>>
          %get3A_474 = tpu.memref_squeeze %get3A_473 : memref<1x128x32xf32, #tpu.memory_space<vmem>> -> memref<128x32xf32, #tpu.memory_space<vmem>>
          %get3A_475 = arith.index_cast %add3A_447 : i32 to index
          %get3A_476 = arith.constant 16 : index
          %get3A_477 = tpu.vector_load %get3A_474[%get3A_475, %get3A_476] {strides = array<i32>} : memref<128x32xf32, #tpu.memory_space<vmem>>, vector<16xf32>,
          %add3A_478 = arith.constant 16 : i32
          %add3A_479 = vector.broadcast %add3A_478 : i32 to vector<16xi32>
          %add3A_480 = arith.addi %iota3A, %add3A_479 : vector<16xi32>
          %shift_right_arithmetic3A_481 = arith.constant 3 : i32
          %shift_right_arithmetic3A_482 = vector.broadcast %shift_right_arithmetic3A_481 : i32 to vector<16xi32>
          %shift_right_arithmetic3A_483 = arith.shrsi %add3A_480, %shift_right_arithmetic3A_482 : vector<16xi32>
          %and3A_484 = arith.constant 7 : i32
          %and3A_485 = vector.broadcast %and3A_484 : i32 to vector<16xi32>
          %and3A_486 = arith.andi %add3A_480, %and3A_485 : vector<16xi32>
          %scatter3A_487 = arith.constant 0 : i32
          %scatter3A_488 = arith.constant 0 : i32
          %scatter3A_489 = arith.constant 0 : i32
          %scatter3A_490 = tpu.memref_slice %arg10[%scan3A_266, %scatter3A_487, %scatter3A_488, %scatter3A_489] : memref<2x4x8x129xf32, #tpu.memory_space<vmem>> -> memref<1x4x8x129xf32, #tpu.memory_space<vmem>>
          %scatter3A_491 = tpu.memref_squeeze %scatter3A_490 : memref<1x4x8x129xf32, #tpu.memory_space<vmem>> -> memref<4x8x129xf32, #tpu.memory_space<vmem>>
          tpu.vector_store_idx %scatter3A_491[%shift_right_arithmetic3A_483, %and3A_486, %add3A_449], %get3A_477 : memref<4x8x129xf32, #tpu.memory_space<vmem>>[vector<16xi32>, vector<16xi32>, vector<16xi32>], vector<16xf32>,
          %mul3A_492 = arith.constant 8 : i32
          %mul3A_493 = arith.muli %scan3A_300, %mul3A_492 : i32
          %add3A_494 = arith.constant 4 : i32
          %add3A_495 = arith.addi %mul3A_493, %add3A_494 : i32
          %add3A_496 = vector.broadcast %add3A_495 : i32 to vector<16xi32>
          %add3A_497 = arith.addi %broadcast_in_dim3A_1, %add3A_496 : vector<16xi32>
          %get3A_498 = arith.constant 0 : i32
          %get3A_499 = arith.constant 0 : i32
          %get3A_500 = tpu.memref_slice %arg9[%scan3A_265, %get3A_498, %get3A_499] : memref<4x128x32xf32, #tpu.memory_space<vmem>> -> memref<1x128x32xf32, #tpu.memory_space<vmem>>
          %get3A_501 = tpu.memref_squeeze %get3A_500 : memref<1x128x32xf32, #tpu.memory_space<vmem>> -> memref<128x32xf32, #tpu.memory_space<vmem>>
          %get3A_502 = arith.index_cast %add3A_495 : i32 to index
          %get3A_503 = arith.constant 0 : index
          %get3A_504 = tpu.vector_load %get3A_501[%get3A_502, %get3A_503] {strides = array<i32>} : memref<128x32xf32, #tpu.memory_space<vmem>>, vector<16xf32>,
          %add3A_505 = arith.constant 0 : i32
          %add3A_506 = vector.broadcast %add3A_505 : i32 to vector<16xi32>
          %add3A_507 = arith.addi %iota3A, %add3A_506 : vector<16xi32>
          %shift_right_arithmetic3A_508 = arith.constant 3 : i32
          %shift_right_arithmetic3A_509 = vector.broadcast %shift_right_arithmetic3A_508 : i32 to vector<16xi32>
          %shift_right_arithmetic3A_510 = arith.shrsi %add3A_507, %shift_right_arithmetic3A_509 : vector<16xi32>
          %and3A_511 = arith.constant 7 : i32
          %and3A_512 = vector.broadcast %and3A_511 : i32 to vector<16xi32>
          %and3A_513 = arith.andi %add3A_507, %and3A_512 : vector<16xi32>
          %scatter3A_514 = arith.constant 0 : i32
          %scatter3A_515 = arith.constant 0 : i32
          %scatter3A_516 = arith.constant 0 : i32
          %scatter3A_517 = tpu.memref_slice %arg10[%scan3A_266, %scatter3A_514, %scatter3A_515, %scatter3A_516] : memref<2x4x8x129xf32, #tpu.memory_space<vmem>> -> memref<1x4x8x129xf32, #tpu.memory_space<vmem>>
          %scatter3A_518 = tpu.memref_squeeze %scatter3A_517 : memref<1x4x8x129xf32, #tpu.memory_space<vmem>> -> memref<4x8x129xf32, #tpu.memory_space<vmem>>
          tpu.vector_store_idx %scatter3A_518[%shift_right_arithmetic3A_510, %and3A_513, %add3A_497], %get3A_504 : memref<4x8x129xf32, #tpu.memory_space<vmem>>[vector<16xi32>, vector<16xi32>, vector<16xi32>], vector<16xf32>,
          %get3A_519 = arith.constant 0 : i32
          %get3A_520 = arith.constant 0 : i32
          %get3A_521 = tpu.memref_slice %arg9[%scan3A_265, %get3A_519, %get3A_520] : memref<4x128x32xf32, #tpu.memory_space<vmem>> -> memref<1x128x32xf32, #tpu.memory_space<vmem>>
          %get3A_522 = tpu.memref_squeeze %get3A_521 : memref<1x128x32xf32, #tpu.memory_space<vmem>> -> memref<128x32xf32, #tpu.memory_space<vmem>>
          %get3A_523 = arith.index_cast %add3A_495 : i32 to index
          %get3A_524 = arith.constant 16 : index
          %get3A_525 = tpu.vector_load %get3A_522[%get3A_523, %get3A_524] {strides = array<i32>} : memref<128x32xf32, #tpu.memory_space<vmem>>, vector<16xf32>,
          %add3A_526 = arith.constant 16 : i32
          %add3A_527 = vector.broadcast %add3A_526 : i32 to vector<16xi32>
          %add3A_528 = arith.addi %iota3A, %add3A_527 : vector<16xi32>
          %shift_right_arithmetic3A_529 = arith.constant 3 : i32
          %shift_right_arithmetic3A_530 = vector.broadcast %shift_right_arithmetic3A_529 : i32 to vector<16xi32>
          %shift_right_arithmetic3A_531 = arith.shrsi %add3A_528, %shift_right_arithmetic3A_530 : vector<16xi32>
          %and3A_532 = arith.constant 7 : i32
          %and3A_533 = vector.broadcast %and3A_532 : i32 to vector<16xi32>
          %and3A_534 = arith.andi %add3A_528, %and3A_533 : vector<16xi32>
          %scatter3A_535 = arith.constant 0 : i32
          %scatter3A_536 = arith.constant 0 : i32
          %scatter3A_537 = arith.constant 0 : i32
          %scatter3A_538 = tpu.memref_slice %arg10[%scan3A_266, %scatter3A_535, %scatter3A_536, %scatter3A_537] : memref<2x4x8x129xf32, #tpu.memory_space<vmem>> -> memref<1x4x8x129xf32, #tpu.memory_space<vmem>>
          %scatter3A_539 = tpu.memref_squeeze %scatter3A_538 : memref<1x4x8x129xf32, #tpu.memory_space<vmem>> -> memref<4x8x129xf32, #tpu.memory_space<vmem>>
          tpu.vector_store_idx %scatter3A_539[%shift_right_arithmetic3A_531, %and3A_534, %add3A_497], %get3A_525 : memref<4x8x129xf32, #tpu.memory_space<vmem>>[vector<16xi32>, vector<16xi32>, vector<16xi32>], vector<16xf32>,
          %mul3A_540 = arith.constant 8 : i32
          %mul3A_541 = arith.muli %scan3A_300, %mul3A_540 : i32
          %add3A_542 = arith.constant 5 : i32
          %add3A_543 = arith.addi %mul3A_541, %add3A_542 : i32
          %add3A_544 = vector.broadcast %add3A_543 : i32 to vector<16xi32>
          %add3A_545 = arith.addi %broadcast_in_dim3A_1, %add3A_544 : vector<16xi32>
          %get3A_546 = arith.constant 0 : i32
          %get3A_547 = arith.constant 0 : i32
          %get3A_548 = tpu.memref_slice %arg9[%scan3A_265, %get3A_546, %get3A_547] : memref<4x128x32xf32, #tpu.memory_space<vmem>> -> memref<1x128x32xf32, #tpu.memory_space<vmem>>
          %get3A_549 = tpu.memref_squeeze %get3A_548 : memref<1x128x32xf32, #tpu.memory_space<vmem>> -> memref<128x32xf32, #tpu.memory_space<vmem>>
          %get3A_550 = arith.index_cast %add3A_543 : i32 to index
          %get3A_551 = arith.constant 0 : index
          %get3A_552 = tpu.vector_load %get3A_549[%get3A_550, %get3A_551] {strides = array<i32>} : memref<128x32xf32, #tpu.memory_space<vmem>>, vector<16xf32>,
          %add3A_553 = arith.constant 0 : i32
          %add3A_554 = vector.broadcast %add3A_553 : i32 to vector<16xi32>
          %add3A_555 = arith.addi %iota3A, %add3A_554 : vector<16xi32>
          %shift_right_arithmetic3A_556 = arith.constant 3 : i32
          %shift_right_arithmetic3A_557 = vector.broadcast %shift_right_arithmetic3A_556 : i32 to vector<16xi32>
          %shift_right_arithmetic3A_558 = arith.shrsi %add3A_555, %shift_right_arithmetic3A_557 : vector<16xi32>
          %and3A_559 = arith.constant 7 : i32
          %and3A_560 = vector.broadcast %and3A_559 : i32 to vector<16xi32>
          %and3A_561 = arith.andi %add3A_555, %and3A_560 : vector<16xi32>
          %scatter3A_562 = arith.constant 0 : i32
          %scatter3A_563 = arith.constant 0 : i32
          %scatter3A_564 = arith.constant 0 : i32
          %scatter3A_565 = tpu.memref_slice %arg10[%scan3A_266, %scatter3A_562, %scatter3A_563, %scatter3A_564] : memref<2x4x8x129xf32, #tpu.memory_space<vmem>> -> memref<1x4x8x129xf32, #tpu.memory_space<vmem>>
          %scatter3A_566 = tpu.memref_squeeze %scatter3A_565 : memref<1x4x8x129xf32, #tpu.memory_space<vmem>> -> memref<4x8x129xf32, #tpu.memory_space<vmem>>
          tpu.vector_store_idx %scatter3A_566[%shift_right_arithmetic3A_558, %and3A_561, %add3A_545], %get3A_552 : memref<4x8x129xf32, #tpu.memory_space<vmem>>[vector<16xi32>, vector<16xi32>, vector<16xi32>], vector<16xf32>,
          %get3A_567 = arith.constant 0 : i32
          %get3A_568 = arith.constant 0 : i32
          %get3A_569 = tpu.memref_slice %arg9[%scan3A_265, %get3A_567, %get3A_568] : memref<4x128x32xf32, #tpu.memory_space<vmem>> -> memref<1x128x32xf32, #tpu.memory_space<vmem>>
          %get3A_570 = tpu.memref_squeeze %get3A_569 : memref<1x128x32xf32, #tpu.memory_space<vmem>> -> memref<128x32xf32, #tpu.memory_space<vmem>>
          %get3A_571 = arith.index_cast %add3A_543 : i32 to index
          %get3A_572 = arith.constant 16 : index
          %get3A_573 = tpu.vector_load %get3A_570[%get3A_571, %get3A_572] {strides = array<i32>} : memref<128x32xf32, #tpu.memory_space<vmem>>, vector<16xf32>,
          %add3A_574 = arith.constant 16 : i32
          %add3A_575 = vector.broadcast %add3A_574 : i32 to vector<16xi32>
          %add3A_576 = arith.addi %iota3A, %add3A_575 : vector<16xi32>
          %shift_right_arithmetic3A_577 = arith.constant 3 : i32
          %shift_right_arithmetic3A_578 = vector.broadcast %shift_right_arithmetic3A_577 : i32 to vector<16xi32>
          %shift_right_arithmetic3A_579 = arith.shrsi %add3A_576, %shift_right_arithmetic3A_578 : vector<16xi32>
          %and3A_580 = arith.constant 7 : i32
          %and3A_581 = vector.broadcast %and3A_580 : i32 to vector<16xi32>
          %and3A_582 = arith.andi %add3A_576, %and3A_581 : vector<16xi32>
          %scatter3A_583 = arith.constant 0 : i32
          %scatter3A_584 = arith.constant 0 : i32
          %scatter3A_585 = arith.constant 0 : i32
          %scatter3A_586 = tpu.memref_slice %arg10[%scan3A_266, %scatter3A_583, %scatter3A_584, %scatter3A_585] : memref<2x4x8x129xf32, #tpu.memory_space<vmem>> -> memref<1x4x8x129xf32, #tpu.memory_space<vmem>>
          %scatter3A_587 = tpu.memref_squeeze %scatter3A_586 : memref<1x4x8x129xf32, #tpu.memory_space<vmem>> -> memref<4x8x129xf32, #tpu.memory_space<vmem>>
          tpu.vector_store_idx %scatter3A_587[%shift_right_arithmetic3A_579, %and3A_582, %add3A_545], %get3A_573 : memref<4x8x129xf32, #tpu.memory_space<vmem>>[vector<16xi32>, vector<16xi32>, vector<16xi32>], vector<16xf32>,
          %mul3A_588 = arith.constant 8 : i32
          %mul3A_589 = arith.muli %scan3A_300, %mul3A_588 : i32
          %add3A_590 = arith.constant 6 : i32
          %add3A_591 = arith.addi %mul3A_589, %add3A_590 : i32
          %add3A_592 = vector.broadcast %add3A_591 : i32 to vector<16xi32>
          %add3A_593 = arith.addi %broadcast_in_dim3A_1, %add3A_592 : vector<16xi32>
          %get3A_594 = arith.constant 0 : i32
          %get3A_595 = arith.constant 0 : i32
          %get3A_596 = tpu.memref_slice %arg9[%scan3A_265, %get3A_594, %get3A_595] : memref<4x128x32xf32, #tpu.memory_space<vmem>> -> memref<1x128x32xf32, #tpu.memory_space<vmem>>
          %get3A_597 = tpu.memref_squeeze %get3A_596 : memref<1x128x32xf32, #tpu.memory_space<vmem>> -> memref<128x32xf32, #tpu.memory_space<vmem>>
          %get3A_598 = arith.index_cast %add3A_591 : i32 to index
          %get3A_599 = arith.constant 0 : index
          %get3A_600 = tpu.vector_load %get3A_597[%get3A_598, %get3A_599] {strides = array<i32>} : memref<128x32xf32, #tpu.memory_space<vmem>>, vector<16xf32>,
          %add3A_601 = arith.constant 0 : i32
          %add3A_602 = vector.broadcast %add3A_601 : i32 to vector<16xi32>
          %add3A_603 = arith.addi %iota3A, %add3A_602 : vector<16xi32>
          %shift_right_arithmetic3A_604 = arith.constant 3 : i32
          %shift_right_arithmetic3A_605 = vector.broadcast %shift_right_arithmetic3A_604 : i32 to vector<16xi32>
          %shift_right_arithmetic3A_606 = arith.shrsi %add3A_603, %shift_right_arithmetic3A_605 : vector<16xi32>
          %and3A_607 = arith.constant 7 : i32
          %and3A_608 = vector.broadcast %and3A_607 : i32 to vector<16xi32>
          %and3A_609 = arith.andi %add3A_603, %and3A_608 : vector<16xi32>
          %scatter3A_610 = arith.constant 0 : i32
          %scatter3A_611 = arith.constant 0 : i32
          %scatter3A_612 = arith.constant 0 : i32
          %scatter3A_613 = tpu.memref_slice %arg10[%scan3A_266, %scatter3A_610, %scatter3A_611, %scatter3A_612] : memref<2x4x8x129xf32, #tpu.memory_space<vmem>> -> memref<1x4x8x129xf32, #tpu.memory_space<vmem>>
          %scatter3A_614 = tpu.memref_squeeze %scatter3A_613 : memref<1x4x8x129xf32, #tpu.memory_space<vmem>> -> memref<4x8x129xf32, #tpu.memory_space<vmem>>
          tpu.vector_store_idx %scatter3A_614[%shift_right_arithmetic3A_606, %and3A_609, %add3A_593], %get3A_600 : memref<4x8x129xf32, #tpu.memory_space<vmem>>[vector<16xi32>, vector<16xi32>, vector<16xi32>], vector<16xf32>,
          %get3A_615 = arith.constant 0 : i32
          %get3A_616 = arith.constant 0 : i32
          %get3A_617 = tpu.memref_slice %arg9[%scan3A_265, %get3A_615, %get3A_616] : memref<4x128x32xf32, #tpu.memory_space<vmem>> -> memref<1x128x32xf32, #tpu.memory_space<vmem>>
          %get3A_618 = tpu.memref_squeeze %get3A_617 : memref<1x128x32xf32, #tpu.memory_space<vmem>> -> memref<128x32xf32, #tpu.memory_space<vmem>>
          %get3A_619 = arith.index_cast %add3A_591 : i32 to index
          %get3A_620 = arith.constant 16 : index
          %get3A_621 = tpu.vector_load %get3A_618[%get3A_619, %get3A_620] {strides = array<i32>} : memref<128x32xf32, #tpu.memory_space<vmem>>, vector<16xf32>,
          %add3A_622 = arith.constant 16 : i32
          %add3A_623 = vector.broadcast %add3A_622 : i32 to vector<16xi32>
          %add3A_624 = arith.addi %iota3A, %add3A_623 : vector<16xi32>
          %shift_right_arithmetic3A_625 = arith.constant 3 : i32
          %shift_right_arithmetic3A_626 = vector.broadcast %shift_right_arithmetic3A_625 : i32 to vector<16xi32>
          %shift_right_arithmetic3A_627 = arith.shrsi %add3A_624, %shift_right_arithmetic3A_626 : vector<16xi32>
          %and3A_628 = arith.constant 7 : i32
          %and3A_629 = vector.broadcast %and3A_628 : i32 to vector<16xi32>
          %and3A_630 = arith.andi %add3A_624, %and3A_629 : vector<16xi32>
          %scatter3A_631 = arith.constant 0 : i32
          %scatter3A_632 = arith.constant 0 : i32
          %scatter3A_633 = arith.constant 0 : i32
          %scatter3A_634 = tpu.memref_slice %arg10[%scan3A_266, %scatter3A_631, %scatter3A_632, %scatter3A_633] : memref<2x4x8x129xf32, #tpu.memory_space<vmem>> -> memref<1x4x8x129xf32, #tpu.memory_space<vmem>>
          %scatter3A_635 = tpu.memref_squeeze %scatter3A_634 : memref<1x4x8x129xf32, #tpu.memory_space<vmem>> -> memref<4x8x129xf32, #tpu.memory_space<vmem>>
          tpu.vector_store_idx %scatter3A_635[%shift_right_arithmetic3A_627, %and3A_630, %add3A_593], %get3A_621 : memref<4x8x129xf32, #tpu.memory_space<vmem>>[vector<16xi32>, vector<16xi32>, vector<16xi32>], vector<16xf32>,
          %mul3A_636 = arith.constant 8 : i32
          %mul3A_637 = arith.muli %scan3A_300, %mul3A_636 : i32
          %add3A_638 = arith.constant 7 : i32
          %add3A_639 = arith.addi %mul3A_637, %add3A_638 : i32
          %add3A_640 = vector.broadcast %add3A_639 : i32 to vector<16xi32>
          %add3A_641 = arith.addi %broadcast_in_dim3A_1, %add3A_640 : vector<16xi32>
          %get3A_642 = arith.constant 0 : i32
          %get3A_643 = arith.constant 0 : i32
          %get3A_644 = tpu.memref_slice %arg9[%scan3A_265, %get3A_642, %get3A_643] : memref<4x128x32xf32, #tpu.memory_space<vmem>> -> memref<1x128x32xf32, #tpu.memory_space<vmem>>
          %get3A_645 = tpu.memref_squeeze %get3A_644 : memref<1x128x32xf32, #tpu.memory_space<vmem>> -> memref<128x32xf32, #tpu.memory_space<vmem>>
          %get3A_646 = arith.index_cast %add3A_639 : i32 to index
          %get3A_647 = arith.constant 0 : index
          %get3A_648 = tpu.vector_load %get3A_645[%get3A_646, %get3A_647] {strides = array<i32>} : memref<128x32xf32, #tpu.memory_space<vmem>>, vector<16xf32>,
          %add3A_649 = arith.constant 0 : i32
          %add3A_650 = vector.broadcast %add3A_649 : i32 to vector<16xi32>
          %add3A_651 = arith.addi %iota3A, %add3A_650 : vector<16xi32>
          %shift_right_arithmetic3A_652 = arith.constant 3 : i32
          %shift_right_arithmetic3A_653 = vector.broadcast %shift_right_arithmetic3A_652 : i32 to vector<16xi32>
          %shift_right_arithmetic3A_654 = arith.shrsi %add3A_651, %shift_right_arithmetic3A_653 : vector<16xi32>
          %and3A_655 = arith.constant 7 : i32
          %and3A_656 = vector.broadcast %and3A_655 : i32 to vector<16xi32>
          %and3A_657 = arith.andi %add3A_651, %and3A_656 : vector<16xi32>
          %scatter3A_658 = arith.constant 0 : i32
          %scatter3A_659 = arith.constant 0 : i32
          %scatter3A_660 = arith.constant 0 : i32
          %scatter3A_661 = tpu.memref_slice %arg10[%scan3A_266, %scatter3A_658, %scatter3A_659, %scatter3A_660] : memref<2x4x8x129xf32, #tpu.memory_space<vmem>> -> memref<1x4x8x129xf32, #tpu.memory_space<vmem>>
          %scatter3A_662 = tpu.memref_squeeze %scatter3A_661 : memref<1x4x8x129xf32, #tpu.memory_space<vmem>> -> memref<4x8x129xf32, #tpu.memory_space<vmem>>
          tpu.vector_store_idx %scatter3A_662[%shift_right_arithmetic3A_654, %and3A_657, %add3A_641], %get3A_648 : memref<4x8x129xf32, #tpu.memory_space<vmem>>[vector<16xi32>, vector<16xi32>, vector<16xi32>], vector<16xf32>,
          %get3A_663 = arith.constant 0 : i32
          %get3A_664 = arith.constant 0 : i32
          %get3A_665 = tpu.memref_slice %arg9[%scan3A_265, %get3A_663, %get3A_664] : memref<4x128x32xf32, #tpu.memory_space<vmem>> -> memref<1x128x32xf32, #tpu.memory_space<vmem>>
          %get3A_666 = tpu.memref_squeeze %get3A_665 : memref<1x128x32xf32, #tpu.memory_space<vmem>> -> memref<128x32xf32, #tpu.memory_space<vmem>>
          %get3A_667 = arith.index_cast %add3A_639 : i32 to index
          %get3A_668 = arith.constant 16 : index
          %get3A_669 = tpu.vector_load %get3A_666[%get3A_667, %get3A_668] {strides = array<i32>} : memref<128x32xf32, #tpu.memory_space<vmem>>, vector<16xf32>,
          %add3A_670 = arith.constant 16 : i32
          %add3A_671 = vector.broadcast %add3A_670 : i32 to vector<16xi32>
          %add3A_672 = arith.addi %iota3A, %add3A_671 : vector<16xi32>
          %shift_right_arithmetic3A_673 = arith.constant 3 : i32
          %shift_right_arithmetic3A_674 = vector.broadcast %shift_right_arithmetic3A_673 : i32 to vector<16xi32>
          %shift_right_arithmetic3A_675 = arith.shrsi %add3A_672, %shift_right_arithmetic3A_674 : vector<16xi32>
          %and3A_676 = arith.constant 7 : i32
          %and3A_677 = vector.broadcast %and3A_676 : i32 to vector<16xi32>
          %and3A_678 = arith.andi %add3A_672, %and3A_677 : vector<16xi32>
          %scatter3A_679 = arith.constant 0 : i32
          %scatter3A_680 = arith.constant 0 : i32
          %scatter3A_681 = arith.constant 0 : i32
          %scatter3A_682 = tpu.memref_slice %arg10[%scan3A_266, %scatter3A_679, %scatter3A_680, %scatter3A_681] : memref<2x4x8x129xf32, #tpu.memory_space<vmem>> -> memref<1x4x8x129xf32, #tpu.memory_space<vmem>>
          %scatter3A_683 = tpu.memref_squeeze %scatter3A_682 : memref<1x4x8x129xf32, #tpu.memory_space<vmem>> -> memref<4x8x129xf32, #tpu.memory_space<vmem>>
          tpu.vector_store_idx %scatter3A_683[%shift_right_arithmetic3A_675, %and3A_678, %add3A_641], %get3A_669 : memref<4x8x129xf32, #tpu.memory_space<vmem>>[vector<16xi32>, vector<16xi32>, vector<16xi32>], vector<16xf32>,
          %scan3A_684 = arith.constant 0 : i32
          scf.yield %scan3A_684 : i32
        }
        %scan3A_273 = arith.constant 16 : i32
        %add3A_274 = arith.addi %mul3A_5, %add3A_192 : i32
        %shift_right_arithmetic3A_275 = arith.constant 5 : i32
        %shift_right_arithmetic3A_276 = arith.shrsi %add3A_274, %shift_right_arithmetic3A_275 : i32
        %and3A_277 = arith.constant 31 : i32
        %and3A_278 = arith.andi %add3A_274, %and3A_277 : i32
        %dma_start3A_279 = arith.constant 1 : i32
        %dma_start3A_280 = arith.constant 0 : i32
        %dma_start3A_281 = arith.constant 0 : i32
        %dma_start3A_282 = arith.constant 0 : i32
        %dma_start3A_283 = tpu.memref_slice %arg10[%dma_start3A_279, %dma_start3A_280, %dma_start3A_281, %dma_start3A_282] : memref<2x4x8x129xf32, #tpu.memory_space<vmem>> -> memref<1x4x8x128xf32, #tpu.memory_space<vmem>>
        %dma_start3A_284 = tpu.memref_squeeze %dma_start3A_283 : memref<1x4x8x128xf32, #tpu.memory_space<vmem>> -> memref<4x8x128xf32, #tpu.memory_space<vmem>>
        %dma_start3A_285 = arith.constant 0 : i32
        %dma_start3A_286 = arith.constant 0 : i32
        %dma_start3A_287 = arith.constant 0 : i32
        %dma_start3A_288 = tpu.memref_slice %arg5[%shift_right_arithmetic3A_276, %dma_start3A_285, %and3A_278, %dma_start3A_286, %dma_start3A_287] : memref<199x4x32x8x128xf32, #tpu.memory_space<hbm>> -> memref<1x4x1x8x128xf32, #tpu.memory_space<hbm>>
        %dma_start3A_289 = tpu.memref_squeeze %dma_start3A_288 : memref<1x4x1x8x128xf32, #tpu.memory_space<hbm>> -> memref<4x8x128xf32, #tpu.memory_space<hbm>>
        %dma_start3A_290 = arith.constant 0 : i32
        %dma_start3A_291 = arith.constant 0 : i32
        %dma_start3A_292 = arith.constant 0 : i32
        %dma_start3A_293 = tpu.memref_slice %arg5[%shift_right_arithmetic3A_276, %dma_start3A_290, %and3A_278, %dma_start3A_291, %dma_start3A_292] : memref<199x4x32x8x128xf32, #tpu.memory_space<hbm>> -> memref<1x4x1x8x128xf32, #tpu.memory_space<hbm>>
        %dma_start3A_294 = tpu.memref_squeeze %dma_start3A_293 : memref<1x4x1x8x128xf32, #tpu.memory_space<hbm>> -> memref<4x8x128xf32, #tpu.memory_space<hbm>>
        %dma_start3A_295 = arith.constant 0 : i32
        %dma_start3A_296 = arith.constant 0 : i32
        %dma_start3A_297 = arith.constant 0 : i32
        %dma_start3A_298 = tpu.memref_slice %arg10[%dma_start3A_279, %dma_start3A_295, %dma_start3A_296, %dma_start3A_297] : memref<2x4x8x129xf32, #tpu.memory_space<vmem>> -> memref<1x4x8x128xf32, #tpu.memory_space<vmem>>
        %dma_start3A_299 = tpu.memref_squeeze %dma_start3A_298 : memref<1x4x8x128xf32, #tpu.memory_space<vmem>> -> memref<4x8x128xf32, #tpu.memory_space<vmem>>
        tpu.enqueue_dma source(%dma_start3A_299 : memref<4x8x128xf32, #tpu.memory_space<vmem>>) target(%dma_start3A_294 : memref<4x8x128xf32, #tpu.memory_space<hbm>>) target_semaphore(%arg13 : memref<!tpu.dma_semaphore, #tpu.memory_space<semaphore_mem>>)
      } else {
      }
      %add3A_207 = arith.constant 4 : i32
      %add3A_208 = arith.addi %add3A_192, %add3A_207 : i32
      %le3A_209 = arith.constant 198 : i32
      %le3A_210 = arith.cmpi sle, %add3A_208, %le3A_209 : i32
      %convert_element_type3A_211 = arith.extui %le3A_210 : i1 to i32
      %cond3A_212 = arith.constant 0 : i32
      %cond3A_213 = arith.cmpi ne, %convert_element_type3A_211, %cond3A_212 : i32
      scf.if %cond3A_213 {
        %add3A_265 = arith.constant 4 : i32
        %add3A_266 = arith.addi %add3A_192, %add3A_265 : i32
        %dma_start3A_267 = arith.constant 1 : i32
        %dma_start3A_268 = arith.constant 0 : i32
        %dma_start3A_269 = arith.constant 0 : i32
        %dma_start3A_270 = tpu.memref_slice %arg9[%dma_start3A_267, %dma_start3A_268, %dma_start3A_269] : memref<4x128x32xf32, #tpu.memory_space<vmem>> -> memref<1x128x32xf32, #tpu.memory_space<vmem>>
        %dma_start3A_271 = tpu.memref_squeeze %dma_start3A_270 : memref<1x128x32xf32, #tpu.memory_space<vmem>> -> memref<128x32xf32, #tpu.memory_space<vmem>>
        %dma_start3A_272 = arith.constant 0 : i32
        %dma_start3A_273 = tpu.memref_slice %arg7[%add3A_266, %dma_start3A_272] : memref<199x128xi32, #tpu.memory_space<vmem>> -> memref<1x128xi32, #tpu.memory_space<vmem>>
        %dma_start3A_274 = tpu.memref_squeeze %dma_start3A_273 : memref<1x128xi32, #tpu.memory_space<vmem>> -> memref<128xi32, #tpu.memory_space<vmem>>
        %dma_start3A_275 = arith.constant 0 : i32
        %dma_start3A_276 = arith.constant 0 : i32
        %dma_start3A_277 = tpu.memref_slice %arg2[%dma_start3A_275, %dma_start3A_276] : memref<100000x32xf32, #tpu.memory_space<hbm>> -> memref<100000x32xf32, #tpu.memory_space<hbm>>
        tpu.enqueue_indirect_dma source(%dma_start3A_277 : memref<100000x32xf32, #tpu.memory_space<hbm>>) target(%dma_start3A_271 : memref<128x32xf32, #tpu.memory_space<vmem>>) offsets(%dma_start3A_274 : memref<128xi32, #tpu.memory_space<vmem>>) semaphore(%arg12 : memref<!tpu.dma_semaphore, #tpu.memory_space<semaphore_mem>>)
      } else {
      }
      %mul3A_214 = arith.constant 4 : i32
      %mul3A_215 = arith.muli %mul3A_214, %scan3A_166 : i32
      %add3A_216 = arith.constant 2 : i32
      %add3A_217 = arith.addi %mul3A_215, %add3A_216 : i32
      %le3A_218 = arith.constant 198 : i32
      %le3A_219 = arith.cmpi sle, %add3A_217, %le3A_218 : i32
      %convert_element_type3A_220 = arith.extui %le3A_219 : i1 to i32
      %cond3A_221 = arith.constant 0 : i32
      %cond3A_222 = arith.cmpi ne, %convert_element_type3A_220, %cond3A_221 : i32
      scf.if %cond3A_222 {
        %dma_wait3A_265 = arith.constant 2 : i32
        %dma_wait3A_266 = arith.constant 0 : i32
        %dma_wait3A_267 = arith.constant 0 : i32
        %dma_wait3A_268 = tpu.memref_slice %arg9[%dma_wait3A_265, %dma_wait3A_266, %dma_wait3A_267] : memref<4x128x32xf32, #tpu.memory_space<vmem>> -> memref<1x128x32xf32, #tpu.memory_space<vmem>>
        %dma_wait3A_269 = tpu.memref_squeeze %dma_wait3A_268 : memref<1x128x32xf32, #tpu.memory_space<vmem>> -> memref<128x32xf32, #tpu.memory_space<vmem>>
        %dma_wait3A_270 = arith.constant 0 : i32
        %dma_wait3A_271 = tpu.memref_slice %arg7[%add3A_217, %dma_wait3A_270] : memref<199x128xi32, #tpu.memory_space<vmem>> -> memref<1x128xi32, #tpu.memory_space<vmem>>
        %dma_wait3A_272 = tpu.memref_squeeze %dma_wait3A_271 : memref<1x128xi32, #tpu.memory_space<vmem>> -> memref<128xi32, #tpu.memory_space<vmem>>
        %dma_wait3A_273 = arith.constant 0 : i32
        %dma_wait3A_274 = arith.constant 0 : i32
        %dma_wait3A_275 = tpu.memref_slice %arg2[%dma_wait3A_273, %dma_wait3A_274] : memref<100000x32xf32, #tpu.memory_space<hbm>> -> memref<100000x32xf32, #tpu.memory_space<hbm>>
        tpu.wait_indirect_dma semaphore(%arg12 : memref<!tpu.dma_semaphore, #tpu.memory_space<semaphore_mem>>) src(%dma_wait3A_275 : memref<100000x32xf32, #tpu.memory_space<hbm>>) dst(%dma_wait3A_269 : memref<128x32xf32, #tpu.memory_space<vmem>>)
      } else {
      }
      %ge3A_223 = arith.constant 2 : i32
      %ge3A_224 = arith.cmpi sge, %add3A_217, %ge3A_223 : i32
      %and3A_225 = arith.andi %ge3A_224, %le3A_219 : i1
      %convert_element_type3A_226 = arith.extui %and3A_225 : i1 to i32
      %cond3A_227 = arith.constant 0 : i32
      %cond3A_228 = arith.cmpi ne, %convert_element_type3A_226, %cond3A_227 : i32
      scf.if %cond3A_228 {
        %sub3A = arith.constant 2 : i32
        %sub3A_265 = arith.subi %add3A_217, %sub3A : i32
        %add3A_266 = arith.addi %mul3A_5, %sub3A_265 : i32
        %shift_right_arithmetic3A_267 = arith.constant 5 : i32
        %shift_right_arithmetic3A_268 = arith.shrsi %add3A_266, %shift_right_arithmetic3A_267 : i32
        %and3A_269 = arith.constant 31 : i32
        %and3A_270 = arith.andi %add3A_266, %and3A_269 : i32
        %dma_wait3A_271 = arith.constant 0 : i32
        %dma_wait3A_272 = arith.constant 0 : i32
        %dma_wait3A_273 = arith.constant 0 : i32
        %dma_wait3A_274 = arith.constant 0 : i32
        %dma_wait3A_275 = tpu.memref_slice %arg10[%dma_wait3A_271, %dma_wait3A_272, %dma_wait3A_273, %dma_wait3A_274] : memref<2x4x8x129xf32, #tpu.memory_space<vmem>> -> memref<1x4x8x128xf32, #tpu.memory_space<vmem>>
        %dma_wait3A_276 = tpu.memref_squeeze %dma_wait3A_275 : memref<1x4x8x128xf32, #tpu.memory_space<vmem>> -> memref<4x8x128xf32, #tpu.memory_space<vmem>>
        %dma_wait3A_277 = arith.constant 0 : i32
        %dma_wait3A_278 = arith.constant 0 : i32
        %dma_wait3A_279 = arith.constant 0 : i32
        %dma_wait3A_280 = tpu.memref_slice %arg5[%shift_right_arithmetic3A_268, %dma_wait3A_277, %and3A_270, %dma_wait3A_278, %dma_wait3A_279] : memref<199x4x32x8x128xf32, #tpu.memory_space<hbm>> -> memref<1x4x1x8x128xf32, #tpu.memory_space<hbm>>
        %dma_wait3A_281 = tpu.memref_squeeze %dma_wait3A_280 : memref<1x4x1x8x128xf32, #tpu.memory_space<hbm>> -> memref<4x8x128xf32, #tpu.memory_space<hbm>>
        %dma_wait3A_282 = arith.constant 0 : i32
        %dma_wait3A_283 = arith.constant 0 : i32
        %dma_wait3A_284 = arith.constant 0 : i32
        %dma_wait3A_285 = tpu.memref_slice %arg5[%shift_right_arithmetic3A_268, %dma_wait3A_282, %and3A_270, %dma_wait3A_283, %dma_wait3A_284] : memref<199x4x32x8x128xf32, #tpu.memory_space<hbm>> -> memref<1x4x1x8x128xf32, #tpu.memory_space<hbm>>
        %dma_wait3A_286 = tpu.memref_squeeze %dma_wait3A_285 : memref<1x4x1x8x128xf32, #tpu.memory_space<hbm>> -> memref<4x8x128xf32, #tpu.memory_space<hbm>>
        %dma_wait3A_287 = arith.constant 0 : i32
        %dma_wait3A_288 = arith.constant 0 : i32
        %dma_wait3A_289 = arith.constant 0 : i32
        %dma_wait3A_290 = tpu.memref_slice %arg10[%dma_wait3A_271, %dma_wait3A_287, %dma_wait3A_288, %dma_wait3A_289] : memref<2x4x8x129xf32, #tpu.memory_space<vmem>> -> memref<1x4x8x128xf32, #tpu.memory_space<vmem>>
        %dma_wait3A_291 = tpu.memref_squeeze %dma_wait3A_290 : memref<1x4x8x128xf32, #tpu.memory_space<vmem>> -> memref<4x8x128xf32, #tpu.memory_space<vmem>>
        tpu.wait_dma2 semaphore(%arg13 : memref<!tpu.dma_semaphore, #tpu.memory_space<semaphore_mem>>) src(%dma_wait3A_291 : memref<4x8x128xf32, #tpu.memory_space<vmem>>) dst(%dma_wait3A_286 : memref<4x8x128xf32, #tpu.memory_space<hbm>>)
      } else {
      }
      %convert_element_type3A_229 = arith.extui %le3A_219 : i1 to i32
      %cond3A_230 = arith.constant 0 : i32
      %cond3A_231 = arith.cmpi ne, %convert_element_type3A_229, %cond3A_230 : i32
      scf.if %cond3A_231 {
        %scan3A_265 = arith.constant 2 : i32
        %scan3A_266 = arith.constant 0 : i32
        %scan3A_267 = arith.constant 0 : i32
        %scan3A_268 = arith.constant 0 : i32
        %scan3A_269 = arith.constant 16 : i32
        %scan3A_270 = arith.addi %scan3A_268, %scan3A_269 : i32
        %scan3A_271 = arith.constant 1 : i32
        %scan3A_272 = scf.for %scan3A_300 = %scan3A_268 to %scan3A_270 step %scan3A_271 iter_args(%scan3A_301 = %scan3A_267) -> (i32)  : i32 {
          %mul3A_302 = arith.constant 8 : i32
          %mul3A_303 = arith.muli %scan3A_300, %mul3A_302 : i32
          %add3A_304 = arith.constant 0 : i32
          %add3A_305 = arith.addi %mul3A_303, %add3A_304 : i32
          %add3A_306 = vector.broadcast %add3A_305 : i32 to vector<16xi32>
          %add3A_307 = arith.addi %broadcast_in_dim3A_1, %add3A_306 : vector<16xi32>
          %get3A = arith.constant 0 : i32
          %get3A_308 = arith.constant 0 : i32
          %get3A_309 = tpu.memref_slice %arg9[%scan3A_265, %get3A, %get3A_308] : memref<4x128x32xf32, #tpu.memory_space<vmem>> -> memref<1x128x32xf32, #tpu.memory_space<vmem>>
          %get3A_310 = tpu.memref_squeeze %get3A_309 : memref<1x128x32xf32, #tpu.memory_space<vmem>> -> memref<128x32xf32, #tpu.memory_space<vmem>>
          %get3A_311 = arith.index_cast %add3A_305 : i32 to index
          %get3A_312 = arith.constant 0 : index
          %get3A_313 = tpu.vector_load %get3A_310[%get3A_311, %get3A_312] {strides = array<i32>} : memref<128x32xf32, #tpu.memory_space<vmem>>, vector<16xf32>,
          %add3A_314 = arith.constant 0 : i32
          %add3A_315 = vector.broadcast %add3A_314 : i32 to vector<16xi32>
          %add3A_316 = arith.addi %iota3A, %add3A_315 : vector<16xi32>
          %shift_right_arithmetic3A_317 = arith.constant 3 : i32
          %shift_right_arithmetic3A_318 = vector.broadcast %shift_right_arithmetic3A_317 : i32 to vector<16xi32>
          %shift_right_arithmetic3A_319 = arith.shrsi %add3A_316, %shift_right_arithmetic3A_318 : vector<16xi32>
          %and3A_320 = arith.constant 7 : i32
          %and3A_321 = vector.broadcast %and3A_320 : i32 to vector<16xi32>
          %and3A_322 = arith.andi %add3A_316, %and3A_321 : vector<16xi32>
          %scatter3A = arith.constant 0 : i32
          %scatter3A_323 = arith.constant 0 : i32
          %scatter3A_324 = arith.constant 0 : i32
          %scatter3A_325 = tpu.memref_slice %arg10[%scan3A_266, %scatter3A, %scatter3A_323, %scatter3A_324] : memref<2x4x8x129xf32, #tpu.memory_space<vmem>> -> memref<1x4x8x129xf32, #tpu.memory_space<vmem>>
          %scatter3A_326 = tpu.memref_squeeze %scatter3A_325 : memref<1x4x8x129xf32, #tpu.memory_space<vmem>> -> memref<4x8x129xf32, #tpu.memory_space<vmem>>
          tpu.vector_store_idx %scatter3A_326[%shift_right_arithmetic3A_319, %and3A_322, %add3A_307], %get3A_313 : memref<4x8x129xf32, #tpu.memory_space<vmem>>[vector<16xi32>, vector<16xi32>, vector<16xi32>], vector<16xf32>,
          %get3A_327 = arith.constant 0 : i32
          %get3A_328 = arith.constant 0 : i32
          %get3A_329 = tpu.memref_slice %arg9[%scan3A_265, %get3A_327, %get3A_328] : memref<4x128x32xf32, #tpu.memory_space<vmem>> -> memref<1x128x32xf32, #tpu.memory_space<vmem>>
          %get3A_330 = tpu.memref_squeeze %get3A_329 : memref<1x128x32xf32, #tpu.memory_space<vmem>> -> memref<128x32xf32, #tpu.memory_space<vmem>>
          %get3A_331 = arith.index_cast %add3A_305 : i32 to index
          %get3A_332 = arith.constant 16 : index
          %get3A_333 = tpu.vector_load %get3A_330[%get3A_331, %get3A_332] {strides = array<i32>} : memref<128x32xf32, #tpu.memory_space<vmem>>, vector<16xf32>,
          %add3A_334 = arith.constant 16 : i32
          %add3A_335 = vector.broadcast %add3A_334 : i32 to vector<16xi32>
          %add3A_336 = arith.addi %iota3A, %add3A_335 : vector<16xi32>
          %shift_right_arithmetic3A_337 = arith.constant 3 : i32
          %shift_right_arithmetic3A_338 = vector.broadcast %shift_right_arithmetic3A_337 : i32 to vector<16xi32>
          %shift_right_arithmetic3A_339 = arith.shrsi %add3A_336, %shift_right_arithmetic3A_338 : vector<16xi32>
          %and3A_340 = arith.constant 7 : i32
          %and3A_341 = vector.broadcast %and3A_340 : i32 to vector<16xi32>
          %and3A_342 = arith.andi %add3A_336, %and3A_341 : vector<16xi32>
          %scatter3A_343 = arith.constant 0 : i32
          %scatter3A_344 = arith.constant 0 : i32
          %scatter3A_345 = arith.constant 0 : i32
          %scatter3A_346 = tpu.memref_slice %arg10[%scan3A_266, %scatter3A_343, %scatter3A_344, %scatter3A_345] : memref<2x4x8x129xf32, #tpu.memory_space<vmem>> -> memref<1x4x8x129xf32, #tpu.memory_space<vmem>>
          %scatter3A_347 = tpu.memref_squeeze %scatter3A_346 : memref<1x4x8x129xf32, #tpu.memory_space<vmem>> -> memref<4x8x129xf32, #tpu.memory_space<vmem>>
          tpu.vector_store_idx %scatter3A_347[%shift_right_arithmetic3A_339, %and3A_342, %add3A_307], %get3A_333 : memref<4x8x129xf32, #tpu.memory_space<vmem>>[vector<16xi32>, vector<16xi32>, vector<16xi32>], vector<16xf32>,
          %mul3A_348 = arith.constant 8 : i32
          %mul3A_349 = arith.muli %scan3A_300, %mul3A_348 : i32
          %add3A_350 = arith.constant 1 : i32
          %add3A_351 = arith.addi %mul3A_349, %add3A_350 : i32
          %add3A_352 = vector.broadcast %add3A_351 : i32 to vector<16xi32>
          %add3A_353 = arith.addi %broadcast_in_dim3A_1, %add3A_352 : vector<16xi32>
          %get3A_354 = arith.constant 0 : i32
          %get3A_355 = arith.constant 0 : i32
          %get3A_356 = tpu.memref_slice %arg9[%scan3A_265, %get3A_354, %get3A_355] : memref<4x128x32xf32, #tpu.memory_space<vmem>> -> memref<1x128x32xf32, #tpu.memory_space<vmem>>
          %get3A_357 = tpu.memref_squeeze %get3A_356 : memref<1x128x32xf32, #tpu.memory_space<vmem>> -> memref<128x32xf32, #tpu.memory_space<vmem>>
          %get3A_358 = arith.index_cast %add3A_351 : i32 to index
          %get3A_359 = arith.constant 0 : index
          %get3A_360 = tpu.vector_load %get3A_357[%get3A_358, %get3A_359] {strides = array<i32>} : memref<128x32xf32, #tpu.memory_space<vmem>>, vector<16xf32>,
          %add3A_361 = arith.constant 0 : i32
          %add3A_362 = vector.broadcast %add3A_361 : i32 to vector<16xi32>
          %add3A_363 = arith.addi %iota3A, %add3A_362 : vector<16xi32>
          %shift_right_arithmetic3A_364 = arith.constant 3 : i32
          %shift_right_arithmetic3A_365 = vector.broadcast %shift_right_arithmetic3A_364 : i32 to vector<16xi32>
          %shift_right_arithmetic3A_366 = arith.shrsi %add3A_363, %shift_right_arithmetic3A_365 : vector<16xi32>
          %and3A_367 = arith.constant 7 : i32
          %and3A_368 = vector.broadcast %and3A_367 : i32 to vector<16xi32>
          %and3A_369 = arith.andi %add3A_363, %and3A_368 : vector<16xi32>
          %scatter3A_370 = arith.constant 0 : i32
          %scatter3A_371 = arith.constant 0 : i32
          %scatter3A_372 = arith.constant 0 : i32
          %scatter3A_373 = tpu.memref_slice %arg10[%scan3A_266, %scatter3A_370, %scatter3A_371, %scatter3A_372] : memref<2x4x8x129xf32, #tpu.memory_space<vmem>> -> memref<1x4x8x129xf32, #tpu.memory_space<vmem>>
          %scatter3A_374 = tpu.memref_squeeze %scatter3A_373 : memref<1x4x8x129xf32, #tpu.memory_space<vmem>> -> memref<4x8x129xf32, #tpu.memory_space<vmem>>
          tpu.vector_store_idx %scatter3A_374[%shift_right_arithmetic3A_366, %and3A_369, %add3A_353], %get3A_360 : memref<4x8x129xf32, #tpu.memory_space<vmem>>[vector<16xi32>, vector<16xi32>, vector<16xi32>], vector<16xf32>,
          %get3A_375 = arith.constant 0 : i32
          %get3A_376 = arith.constant 0 : i32
          %get3A_377 = tpu.memref_slice %arg9[%scan3A_265, %get3A_375, %get3A_376] : memref<4x128x32xf32, #tpu.memory_space<vmem>> -> memref<1x128x32xf32, #tpu.memory_space<vmem>>
          %get3A_378 = tpu.memref_squeeze %get3A_377 : memref<1x128x32xf32, #tpu.memory_space<vmem>> -> memref<128x32xf32, #tpu.memory_space<vmem>>
          %get3A_379 = arith.index_cast %add3A_351 : i32 to index
          %get3A_380 = arith.constant 16 : index
          %get3A_381 = tpu.vector_load %get3A_378[%get3A_379, %get3A_380] {strides = array<i32>} : memref<128x32xf32, #tpu.memory_space<vmem>>, vector<16xf32>,
          %add3A_382 = arith.constant 16 : i32
          %add3A_383 = vector.broadcast %add3A_382 : i32 to vector<16xi32>
          %add3A_384 = arith.addi %iota3A, %add3A_383 : vector<16xi32>
          %shift_right_arithmetic3A_385 = arith.constant 3 : i32
          %shift_right_arithmetic3A_386 = vector.broadcast %shift_right_arithmetic3A_385 : i32 to vector<16xi32>
          %shift_right_arithmetic3A_387 = arith.shrsi %add3A_384, %shift_right_arithmetic3A_386 : vector<16xi32>
          %and3A_388 = arith.constant 7 : i32
          %and3A_389 = vector.broadcast %and3A_388 : i32 to vector<16xi32>
          %and3A_390 = arith.andi %add3A_384, %and3A_389 : vector<16xi32>
          %scatter3A_391 = arith.constant 0 : i32
          %scatter3A_392 = arith.constant 0 : i32
          %scatter3A_393 = arith.constant 0 : i32
          %scatter3A_394 = tpu.memref_slice %arg10[%scan3A_266, %scatter3A_391, %scatter3A_392, %scatter3A_393] : memref<2x4x8x129xf32, #tpu.memory_space<vmem>> -> memref<1x4x8x129xf32, #tpu.memory_space<vmem>>
          %scatter3A_395 = tpu.memref_squeeze %scatter3A_394 : memref<1x4x8x129xf32, #tpu.memory_space<vmem>> -> memref<4x8x129xf32, #tpu.memory_space<vmem>>
          tpu.vector_store_idx %scatter3A_395[%shift_right_arithmetic3A_387, %and3A_390, %add3A_353], %get3A_381 : memref<4x8x129xf32, #tpu.memory_space<vmem>>[vector<16xi32>, vector<16xi32>, vector<16xi32>], vector<16xf32>,
          %mul3A_396 = arith.constant 8 : i32
          %mul3A_397 = arith.muli %scan3A_300, %mul3A_396 : i32
          %add3A_398 = arith.constant 2 : i32
          %add3A_399 = arith.addi %mul3A_397, %add3A_398 : i32
          %add3A_400 = vector.broadcast %add3A_399 : i32 to vector<16xi32>
          %add3A_401 = arith.addi %broadcast_in_dim3A_1, %add3A_400 : vector<16xi32>
          %get3A_402 = arith.constant 0 : i32
          %get3A_403 = arith.constant 0 : i32
          %get3A_404 = tpu.memref_slice %arg9[%scan3A_265, %get3A_402, %get3A_403] : memref<4x128x32xf32, #tpu.memory_space<vmem>> -> memref<1x128x32xf32, #tpu.memory_space<vmem>>
          %get3A_405 = tpu.memref_squeeze %get3A_404 : memref<1x128x32xf32, #tpu.memory_space<vmem>> -> memref<128x32xf32, #tpu.memory_space<vmem>>
          %get3A_406 = arith.index_cast %add3A_399 : i32 to index
          %get3A_407 = arith.constant 0 : index
          %get3A_408 = tpu.vector_load %get3A_405[%get3A_406, %get3A_407] {strides = array<i32>} : memref<128x32xf32, #tpu.memory_space<vmem>>, vector<16xf32>,
          %add3A_409 = arith.constant 0 : i32
          %add3A_410 = vector.broadcast %add3A_409 : i32 to vector<16xi32>
          %add3A_411 = arith.addi %iota3A, %add3A_410 : vector<16xi32>
          %shift_right_arithmetic3A_412 = arith.constant 3 : i32
          %shift_right_arithmetic3A_413 = vector.broadcast %shift_right_arithmetic3A_412 : i32 to vector<16xi32>
          %shift_right_arithmetic3A_414 = arith.shrsi %add3A_411, %shift_right_arithmetic3A_413 : vector<16xi32>
          %and3A_415 = arith.constant 7 : i32
          %and3A_416 = vector.broadcast %and3A_415 : i32 to vector<16xi32>
          %and3A_417 = arith.andi %add3A_411, %and3A_416 : vector<16xi32>
          %scatter3A_418 = arith.constant 0 : i32
          %scatter3A_419 = arith.constant 0 : i32
          %scatter3A_420 = arith.constant 0 : i32
          %scatter3A_421 = tpu.memref_slice %arg10[%scan3A_266, %scatter3A_418, %scatter3A_419, %scatter3A_420] : memref<2x4x8x129xf32, #tpu.memory_space<vmem>> -> memref<1x4x8x129xf32, #tpu.memory_space<vmem>>
          %scatter3A_422 = tpu.memref_squeeze %scatter3A_421 : memref<1x4x8x129xf32, #tpu.memory_space<vmem>> -> memref<4x8x129xf32, #tpu.memory_space<vmem>>
          tpu.vector_store_idx %scatter3A_422[%shift_right_arithmetic3A_414, %and3A_417, %add3A_401], %get3A_408 : memref<4x8x129xf32, #tpu.memory_space<vmem>>[vector<16xi32>, vector<16xi32>, vector<16xi32>], vector<16xf32>,
          %get3A_423 = arith.constant 0 : i32
          %get3A_424 = arith.constant 0 : i32
          %get3A_425 = tpu.memref_slice %arg9[%scan3A_265, %get3A_423, %get3A_424] : memref<4x128x32xf32, #tpu.memory_space<vmem>> -> memref<1x128x32xf32, #tpu.memory_space<vmem>>
          %get3A_426 = tpu.memref_squeeze %get3A_425 : memref<1x128x32xf32, #tpu.memory_space<vmem>> -> memref<128x32xf32, #tpu.memory_space<vmem>>
          %get3A_427 = arith.index_cast %add3A_399 : i32 to index
          %get3A_428 = arith.constant 16 : index
          %get3A_429 = tpu.vector_load %get3A_426[%get3A_427, %get3A_428] {strides = array<i32>} : memref<128x32xf32, #tpu.memory_space<vmem>>, vector<16xf32>,
          %add3A_430 = arith.constant 16 : i32
          %add3A_431 = vector.broadcast %add3A_430 : i32 to vector<16xi32>
          %add3A_432 = arith.addi %iota3A, %add3A_431 : vector<16xi32>
          %shift_right_arithmetic3A_433 = arith.constant 3 : i32
          %shift_right_arithmetic3A_434 = vector.broadcast %shift_right_arithmetic3A_433 : i32 to vector<16xi32>
          %shift_right_arithmetic3A_435 = arith.shrsi %add3A_432, %shift_right_arithmetic3A_434 : vector<16xi32>
          %and3A_436 = arith.constant 7 : i32
          %and3A_437 = vector.broadcast %and3A_436 : i32 to vector<16xi32>
          %and3A_438 = arith.andi %add3A_432, %and3A_437 : vector<16xi32>
          %scatter3A_439 = arith.constant 0 : i32
          %scatter3A_440 = arith.constant 0 : i32
          %scatter3A_441 = arith.constant 0 : i32
          %scatter3A_442 = tpu.memref_slice %arg10[%scan3A_266, %scatter3A_439, %scatter3A_440, %scatter3A_441] : memref<2x4x8x129xf32, #tpu.memory_space<vmem>> -> memref<1x4x8x129xf32, #tpu.memory_space<vmem>>
          %scatter3A_443 = tpu.memref_squeeze %scatter3A_442 : memref<1x4x8x129xf32, #tpu.memory_space<vmem>> -> memref<4x8x129xf32, #tpu.memory_space<vmem>>
          tpu.vector_store_idx %scatter3A_443[%shift_right_arithmetic3A_435, %and3A_438, %add3A_401], %get3A_429 : memref<4x8x129xf32, #tpu.memory_space<vmem>>[vector<16xi32>, vector<16xi32>, vector<16xi32>], vector<16xf32>,
          %mul3A_444 = arith.constant 8 : i32
          %mul3A_445 = arith.muli %scan3A_300, %mul3A_444 : i32
          %add3A_446 = arith.constant 3 : i32
          %add3A_447 = arith.addi %mul3A_445, %add3A_446 : i32
          %add3A_448 = vector.broadcast %add3A_447 : i32 to vector<16xi32>
          %add3A_449 = arith.addi %broadcast_in_dim3A_1, %add3A_448 : vector<16xi32>
          %get3A_450 = arith.constant 0 : i32
          %get3A_451 = arith.constant 0 : i32
          %get3A_452 = tpu.memref_slice %arg9[%scan3A_265, %get3A_450, %get3A_451] : memref<4x128x32xf32, #tpu.memory_space<vmem>> -> memref<1x128x32xf32, #tpu.memory_space<vmem>>
          %get3A_453 = tpu.memref_squeeze %get3A_452 : memref<1x128x32xf32, #tpu.memory_space<vmem>> -> memref<128x32xf32, #tpu.memory_space<vmem>>
          %get3A_454 = arith.index_cast %add3A_447 : i32 to index
          %get3A_455 = arith.constant 0 : index
          %get3A_456 = tpu.vector_load %get3A_453[%get3A_454, %get3A_455] {strides = array<i32>} : memref<128x32xf32, #tpu.memory_space<vmem>>, vector<16xf32>,
          %add3A_457 = arith.constant 0 : i32
          %add3A_458 = vector.broadcast %add3A_457 : i32 to vector<16xi32>
          %add3A_459 = arith.addi %iota3A, %add3A_458 : vector<16xi32>
          %shift_right_arithmetic3A_460 = arith.constant 3 : i32
          %shift_right_arithmetic3A_461 = vector.broadcast %shift_right_arithmetic3A_460 : i32 to vector<16xi32>
          %shift_right_arithmetic3A_462 = arith.shrsi %add3A_459, %shift_right_arithmetic3A_461 : vector<16xi32>
          %and3A_463 = arith.constant 7 : i32
          %and3A_464 = vector.broadcast %and3A_463 : i32 to vector<16xi32>
          %and3A_465 = arith.andi %add3A_459, %and3A_464 : vector<16xi32>
          %scatter3A_466 = arith.constant 0 : i32
          %scatter3A_467 = arith.constant 0 : i32
          %scatter3A_468 = arith.constant 0 : i32
          %scatter3A_469 = tpu.memref_slice %arg10[%scan3A_266, %scatter3A_466, %scatter3A_467, %scatter3A_468] : memref<2x4x8x129xf32, #tpu.memory_space<vmem>> -> memref<1x4x8x129xf32, #tpu.memory_space<vmem>>
          %scatter3A_470 = tpu.memref_squeeze %scatter3A_469 : memref<1x4x8x129xf32, #tpu.memory_space<vmem>> -> memref<4x8x129xf32, #tpu.memory_space<vmem>>
          tpu.vector_store_idx %scatter3A_470[%shift_right_arithmetic3A_462, %and3A_465, %add3A_449], %get3A_456 : memref<4x8x129xf32, #tpu.memory_space<vmem>>[vector<16xi32>, vector<16xi32>, vector<16xi32>], vector<16xf32>,
          %get3A_471 = arith.constant 0 : i32
          %get3A_472 = arith.constant 0 : i32
          %get3A_473 = tpu.memref_slice %arg9[%scan3A_265, %get3A_471, %get3A_472] : memref<4x128x32xf32, #tpu.memory_space<vmem>> -> memref<1x128x32xf32, #tpu.memory_space<vmem>>
          %get3A_474 = tpu.memref_squeeze %get3A_473 : memref<1x128x32xf32, #tpu.memory_space<vmem>> -> memref<128x32xf32, #tpu.memory_space<vmem>>
          %get3A_475 = arith.index_cast %add3A_447 : i32 to index
          %get3A_476 = arith.constant 16 : index
          %get3A_477 = tpu.vector_load %get3A_474[%get3A_475, %get3A_476] {strides = array<i32>} : memref<128x32xf32, #tpu.memory_space<vmem>>, vector<16xf32>,
          %add3A_478 = arith.constant 16 : i32
          %add3A_479 = vector.broadcast %add3A_478 : i32 to vector<16xi32>
          %add3A_480 = arith.addi %iota3A, %add3A_479 : vector<16xi32>
          %shift_right_arithmetic3A_481 = arith.constant 3 : i32
          %shift_right_arithmetic3A_482 = vector.broadcast %shift_right_arithmetic3A_481 : i32 to vector<16xi32>
          %shift_right_arithmetic3A_483 = arith.shrsi %add3A_480, %shift_right_arithmetic3A_482 : vector<16xi32>
          %and3A_484 = arith.constant 7 : i32
          %and3A_485 = vector.broadcast %and3A_484 : i32 to vector<16xi32>
          %and3A_486 = arith.andi %add3A_480, %and3A_485 : vector<16xi32>
          %scatter3A_487 = arith.constant 0 : i32
          %scatter3A_488 = arith.constant 0 : i32
          %scatter3A_489 = arith.constant 0 : i32
          %scatter3A_490 = tpu.memref_slice %arg10[%scan3A_266, %scatter3A_487, %scatter3A_488, %scatter3A_489] : memref<2x4x8x129xf32, #tpu.memory_space<vmem>> -> memref<1x4x8x129xf32, #tpu.memory_space<vmem>>
          %scatter3A_491 = tpu.memref_squeeze %scatter3A_490 : memref<1x4x8x129xf32, #tpu.memory_space<vmem>> -> memref<4x8x129xf32, #tpu.memory_space<vmem>>
          tpu.vector_store_idx %scatter3A_491[%shift_right_arithmetic3A_483, %and3A_486, %add3A_449], %get3A_477 : memref<4x8x129xf32, #tpu.memory_space<vmem>>[vector<16xi32>, vector<16xi32>, vector<16xi32>], vector<16xf32>,
          %mul3A_492 = arith.constant 8 : i32
          %mul3A_493 = arith.muli %scan3A_300, %mul3A_492 : i32
          %add3A_494 = arith.constant 4 : i32
          %add3A_495 = arith.addi %mul3A_493, %add3A_494 : i32
          %add3A_496 = vector.broadcast %add3A_495 : i32 to vector<16xi32>
          %add3A_497 = arith.addi %broadcast_in_dim3A_1, %add3A_496 : vector<16xi32>
          %get3A_498 = arith.constant 0 : i32
          %get3A_499 = arith.constant 0 : i32
          %get3A_500 = tpu.memref_slice %arg9[%scan3A_265, %get3A_498, %get3A_499] : memref<4x128x32xf32, #tpu.memory_space<vmem>> -> memref<1x128x32xf32, #tpu.memory_space<vmem>>
          %get3A_501 = tpu.memref_squeeze %get3A_500 : memref<1x128x32xf32, #tpu.memory_space<vmem>> -> memref<128x32xf32, #tpu.memory_space<vmem>>
          %get3A_502 = arith.index_cast %add3A_495 : i32 to index
          %get3A_503 = arith.constant 0 : index
          %get3A_504 = tpu.vector_load %get3A_501[%get3A_502, %get3A_503] {strides = array<i32>} : memref<128x32xf32, #tpu.memory_space<vmem>>, vector<16xf32>,
          %add3A_505 = arith.constant 0 : i32
          %add3A_506 = vector.broadcast %add3A_505 : i32 to vector<16xi32>
          %add3A_507 = arith.addi %iota3A, %add3A_506 : vector<16xi32>
          %shift_right_arithmetic3A_508 = arith.constant 3 : i32
          %shift_right_arithmetic3A_509 = vector.broadcast %shift_right_arithmetic3A_508 : i32 to vector<16xi32>
          %shift_right_arithmetic3A_510 = arith.shrsi %add3A_507, %shift_right_arithmetic3A_509 : vector<16xi32>
          %and3A_511 = arith.constant 7 : i32
          %and3A_512 = vector.broadcast %and3A_511 : i32 to vector<16xi32>
          %and3A_513 = arith.andi %add3A_507, %and3A_512 : vector<16xi32>
          %scatter3A_514 = arith.constant 0 : i32
          %scatter3A_515 = arith.constant 0 : i32
          %scatter3A_516 = arith.constant 0 : i32
          %scatter3A_517 = tpu.memref_slice %arg10[%scan3A_266, %scatter3A_514, %scatter3A_515, %scatter3A_516] : memref<2x4x8x129xf32, #tpu.memory_space<vmem>> -> memref<1x4x8x129xf32, #tpu.memory_space<vmem>>
          %scatter3A_518 = tpu.memref_squeeze %scatter3A_517 : memref<1x4x8x129xf32, #tpu.memory_space<vmem>> -> memref<4x8x129xf32, #tpu.memory_space<vmem>>
          tpu.vector_store_idx %scatter3A_518[%shift_right_arithmetic3A_510, %and3A_513, %add3A_497], %get3A_504 : memref<4x8x129xf32, #tpu.memory_space<vmem>>[vector<16xi32>, vector<16xi32>, vector<16xi32>], vector<16xf32>,
          %get3A_519 = arith.constant 0 : i32
          %get3A_520 = arith.constant 0 : i32
          %get3A_521 = tpu.memref_slice %arg9[%scan3A_265, %get3A_519, %get3A_520] : memref<4x128x32xf32, #tpu.memory_space<vmem>> -> memref<1x128x32xf32, #tpu.memory_space<vmem>>
          %get3A_522 = tpu.memref_squeeze %get3A_521 : memref<1x128x32xf32, #tpu.memory_space<vmem>> -> memref<128x32xf32, #tpu.memory_space<vmem>>
          %get3A_523 = arith.index_cast %add3A_495 : i32 to index
          %get3A_524 = arith.constant 16 : index
          %get3A_525 = tpu.vector_load %get3A_522[%get3A_523, %get3A_524] {strides = array<i32>} : memref<128x32xf32, #tpu.memory_space<vmem>>, vector<16xf32>,
          %add3A_526 = arith.constant 16 : i32
          %add3A_527 = vector.broadcast %add3A_526 : i32 to vector<16xi32>
          %add3A_528 = arith.addi %iota3A, %add3A_527 : vector<16xi32>
          %shift_right_arithmetic3A_529 = arith.constant 3 : i32
          %shift_right_arithmetic3A_530 = vector.broadcast %shift_right_arithmetic3A_529 : i32 to vector<16xi32>
          %shift_right_arithmetic3A_531 = arith.shrsi %add3A_528, %shift_right_arithmetic3A_530 : vector<16xi32>
          %and3A_532 = arith.constant 7 : i32
          %and3A_533 = vector.broadcast %and3A_532 : i32 to vector<16xi32>
          %and3A_534 = arith.andi %add3A_528, %and3A_533 : vector<16xi32>
          %scatter3A_535 = arith.constant 0 : i32
          %scatter3A_536 = arith.constant 0 : i32
          %scatter3A_537 = arith.constant 0 : i32
          %scatter3A_538 = tpu.memref_slice %arg10[%scan3A_266, %scatter3A_535, %scatter3A_536, %scatter3A_537] : memref<2x4x8x129xf32, #tpu.memory_space<vmem>> -> memref<1x4x8x129xf32, #tpu.memory_space<vmem>>
          %scatter3A_539 = tpu.memref_squeeze %scatter3A_538 : memref<1x4x8x129xf32, #tpu.memory_space<vmem>> -> memref<4x8x129xf32, #tpu.memory_space<vmem>>
          tpu.vector_store_idx %scatter3A_539[%shift_right_arithmetic3A_531, %and3A_534, %add3A_497], %get3A_525 : memref<4x8x129xf32, #tpu.memory_space<vmem>>[vector<16xi32>, vector<16xi32>, vector<16xi32>], vector<16xf32>,
          %mul3A_540 = arith.constant 8 : i32
          %mul3A_541 = arith.muli %scan3A_300, %mul3A_540 : i32
          %add3A_542 = arith.constant 5 : i32
          %add3A_543 = arith.addi %mul3A_541, %add3A_542 : i32
          %add3A_544 = vector.broadcast %add3A_543 : i32 to vector<16xi32>
          %add3A_545 = arith.addi %broadcast_in_dim3A_1, %add3A_544 : vector<16xi32>
          %get3A_546 = arith.constant 0 : i32
          %get3A_547 = arith.constant 0 : i32
          %get3A_548 = tpu.memref_slice %arg9[%scan3A_265, %get3A_546, %get3A_547] : memref<4x128x32xf32, #tpu.memory_space<vmem>> -> memref<1x128x32xf32, #tpu.memory_space<vmem>>
          %get3A_549 = tpu.memref_squeeze %get3A_548 : memref<1x128x32xf32, #tpu.memory_space<vmem>> -> memref<128x32xf32, #tpu.memory_space<vmem>>
          %get3A_550 = arith.index_cast %add3A_543 : i32 to index
          %get3A_551 = arith.constant 0 : index
          %get3A_552 = tpu.vector_load %get3A_549[%get3A_550, %get3A_551] {strides = array<i32>} : memref<128x32xf32, #tpu.memory_space<vmem>>, vector<16xf32>,
          %add3A_553 = arith.constant 0 : i32
          %add3A_554 = vector.broadcast %add3A_553 : i32 to vector<16xi32>
          %add3A_555 = arith.addi %iota3A, %add3A_554 : vector<16xi32>
          %shift_right_arithmetic3A_556 = arith.constant 3 : i32
          %shift_right_arithmetic3A_557 = vector.broadcast %shift_right_arithmetic3A_556 : i32 to vector<16xi32>
          %shift_right_arithmetic3A_558 = arith.shrsi %add3A_555, %shift_right_arithmetic3A_557 : vector<16xi32>
          %and3A_559 = arith.constant 7 : i32
          %and3A_560 = vector.broadcast %and3A_559 : i32 to vector<16xi32>
          %and3A_561 = arith.andi %add3A_555, %and3A_560 : vector<16xi32>
          %scatter3A_562 = arith.constant 0 : i32
          %scatter3A_563 = arith.constant 0 : i32
          %scatter3A_564 = arith.constant 0 : i32
          %scatter3A_565 = tpu.memref_slice %arg10[%scan3A_266, %scatter3A_562, %scatter3A_563, %scatter3A_564] : memref<2x4x8x129xf32, #tpu.memory_space<vmem>> -> memref<1x4x8x129xf32, #tpu.memory_space<vmem>>
          %scatter3A_566 = tpu.memref_squeeze %scatter3A_565 : memref<1x4x8x129xf32, #tpu.memory_space<vmem>> -> memref<4x8x129xf32, #tpu.memory_space<vmem>>
          tpu.vector_store_idx %scatter3A_566[%shift_right_arithmetic3A_558, %and3A_561, %add3A_545], %get3A_552 : memref<4x8x129xf32, #tpu.memory_space<vmem>>[vector<16xi32>, vector<16xi32>, vector<16xi32>], vector<16xf32>,
          %get3A_567 = arith.constant 0 : i32
          %get3A_568 = arith.constant 0 : i32
          %get3A_569 = tpu.memref_slice %arg9[%scan3A_265, %get3A_567, %get3A_568] : memref<4x128x32xf32, #tpu.memory_space<vmem>> -> memref<1x128x32xf32, #tpu.memory_space<vmem>>
          %get3A_570 = tpu.memref_squeeze %get3A_569 : memref<1x128x32xf32, #tpu.memory_space<vmem>> -> memref<128x32xf32, #tpu.memory_space<vmem>>
          %get3A_571 = arith.index_cast %add3A_543 : i32 to index
          %get3A_572 = arith.constant 16 : index
          %get3A_573 = tpu.vector_load %get3A_570[%get3A_571, %get3A_572] {strides = array<i32>} : memref<128x32xf32, #tpu.memory_space<vmem>>, vector<16xf32>,
          %add3A_574 = arith.constant 16 : i32
          %add3A_575 = vector.broadcast %add3A_574 : i32 to vector<16xi32>
          %add3A_576 = arith.addi %iota3A, %add3A_575 : vector<16xi32>
          %shift_right_arithmetic3A_577 = arith.constant 3 : i32
          %shift_right_arithmetic3A_578 = vector.broadcast %shift_right_arithmetic3A_577 : i32 to vector<16xi32>
          %shift_right_arithmetic3A_579 = arith.shrsi %add3A_576, %shift_right_arithmetic3A_578 : vector<16xi32>
          %and3A_580 = arith.constant 7 : i32
          %and3A_581 = vector.broadcast %and3A_580 : i32 to vector<16xi32>
          %and3A_582 = arith.andi %add3A_576, %and3A_581 : vector<16xi32>
          %scatter3A_583 = arith.constant 0 : i32
          %scatter3A_584 = arith.constant 0 : i32
          %scatter3A_585 = arith.constant 0 : i32
          %scatter3A_586 = tpu.memref_slice %arg10[%scan3A_266, %scatter3A_583, %scatter3A_584, %scatter3A_585] : memref<2x4x8x129xf32, #tpu.memory_space<vmem>> -> memref<1x4x8x129xf32, #tpu.memory_space<vmem>>
          %scatter3A_587 = tpu.memref_squeeze %scatter3A_586 : memref<1x4x8x129xf32, #tpu.memory_space<vmem>> -> memref<4x8x129xf32, #tpu.memory_space<vmem>>
          tpu.vector_store_idx %scatter3A_587[%shift_right_arithmetic3A_579, %and3A_582, %add3A_545], %get3A_573 : memref<4x8x129xf32, #tpu.memory_space<vmem>>[vector<16xi32>, vector<16xi32>, vector<16xi32>], vector<16xf32>,
          %mul3A_588 = arith.constant 8 : i32
          %mul3A_589 = arith.muli %scan3A_300, %mul3A_588 : i32
          %add3A_590 = arith.constant 6 : i32
          %add3A_591 = arith.addi %mul3A_589, %add3A_590 : i32
          %add3A_592 = vector.broadcast %add3A_591 : i32 to vector<16xi32>
          %add3A_593 = arith.addi %broadcast_in_dim3A_1, %add3A_592 : vector<16xi32>
          %get3A_594 = arith.constant 0 : i32
          %get3A_595 = arith.constant 0 : i32
          %get3A_596 = tpu.memref_slice %arg9[%scan3A_265, %get3A_594, %get3A_595] : memref<4x128x32xf32, #tpu.memory_space<vmem>> -> memref<1x128x32xf32, #tpu.memory_space<vmem>>
          %get3A_597 = tpu.memref_squeeze %get3A_596 : memref<1x128x32xf32, #tpu.memory_space<vmem>> -> memref<128x32xf32, #tpu.memory_space<vmem>>
          %get3A_598 = arith.index_cast %add3A_591 : i32 to index
          %get3A_599 = arith.constant 0 : index
          %get3A_600 = tpu.vector_load %get3A_597[%get3A_598, %get3A_599] {strides = array<i32>} : memref<128x32xf32, #tpu.memory_space<vmem>>, vector<16xf32>,
          %add3A_601 = arith.constant 0 : i32
          %add3A_602 = vector.broadcast %add3A_601 : i32 to vector<16xi32>
          %add3A_603 = arith.addi %iota3A, %add3A_602 : vector<16xi32>
          %shift_right_arithmetic3A_604 = arith.constant 3 : i32
          %shift_right_arithmetic3A_605 = vector.broadcast %shift_right_arithmetic3A_604 : i32 to vector<16xi32>
          %shift_right_arithmetic3A_606 = arith.shrsi %add3A_603, %shift_right_arithmetic3A_605 : vector<16xi32>
          %and3A_607 = arith.constant 7 : i32
          %and3A_608 = vector.broadcast %and3A_607 : i32 to vector<16xi32>
          %and3A_609 = arith.andi %add3A_603, %and3A_608 : vector<16xi32>
          %scatter3A_610 = arith.constant 0 : i32
          %scatter3A_611 = arith.constant 0 : i32
          %scatter3A_612 = arith.constant 0 : i32
          %scatter3A_613 = tpu.memref_slice %arg10[%scan3A_266, %scatter3A_610, %scatter3A_611, %scatter3A_612] : memref<2x4x8x129xf32, #tpu.memory_space<vmem>> -> memref<1x4x8x129xf32, #tpu.memory_space<vmem>>
          %scatter3A_614 = tpu.memref_squeeze %scatter3A_613 : memref<1x4x8x129xf32, #tpu.memory_space<vmem>> -> memref<4x8x129xf32, #tpu.memory_space<vmem>>
          tpu.vector_store_idx %scatter3A_614[%shift_right_arithmetic3A_606, %and3A_609, %add3A_593], %get3A_600 : memref<4x8x129xf32, #tpu.memory_space<vmem>>[vector<16xi32>, vector<16xi32>, vector<16xi32>], vector<16xf32>,
          %get3A_615 = arith.constant 0 : i32
          %get3A_616 = arith.constant 0 : i32
          %get3A_617 = tpu.memref_slice %arg9[%scan3A_265, %get3A_615, %get3A_616] : memref<4x128x32xf32, #tpu.memory_space<vmem>> -> memref<1x128x32xf32, #tpu.memory_space<vmem>>
          %get3A_618 = tpu.memref_squeeze %get3A_617 : memref<1x128x32xf32, #tpu.memory_space<vmem>> -> memref<128x32xf32, #tpu.memory_space<vmem>>
          %get3A_619 = arith.index_cast %add3A_591 : i32 to index
          %get3A_620 = arith.constant 16 : index
          %get3A_621 = tpu.vector_load %get3A_618[%get3A_619, %get3A_620] {strides = array<i32>} : memref<128x32xf32, #tpu.memory_space<vmem>>, vector<16xf32>,
          %add3A_622 = arith.constant 16 : i32
          %add3A_623 = vector.broadcast %add3A_622 : i32 to vector<16xi32>
          %add3A_624 = arith.addi %iota3A, %add3A_623 : vector<16xi32>
          %shift_right_arithmetic3A_625 = arith.constant 3 : i32
          %shift_right_arithmetic3A_626 = vector.broadcast %shift_right_arithmetic3A_625 : i32 to vector<16xi32>
          %shift_right_arithmetic3A_627 = arith.shrsi %add3A_624, %shift_right_arithmetic3A_626 : vector<16xi32>
          %and3A_628 = arith.constant 7 : i32
          %and3A_629 = vector.broadcast %and3A_628 : i32 to vector<16xi32>
          %and3A_630 = arith.andi %add3A_624, %and3A_629 : vector<16xi32>
          %scatter3A_631 = arith.constant 0 : i32
          %scatter3A_632 = arith.constant 0 : i32
          %scatter3A_633 = arith.constant 0 : i32
          %scatter3A_634 = tpu.memref_slice %arg10[%scan3A_266, %scatter3A_631, %scatter3A_632, %scatter3A_633] : memref<2x4x8x129xf32, #tpu.memory_space<vmem>> -> memref<1x4x8x129xf32, #tpu.memory_space<vmem>>
          %scatter3A_635 = tpu.memref_squeeze %scatter3A_634 : memref<1x4x8x129xf32, #tpu.memory_space<vmem>> -> memref<4x8x129xf32, #tpu.memory_space<vmem>>
          tpu.vector_store_idx %scatter3A_635[%shift_right_arithmetic3A_627, %and3A_630, %add3A_593], %get3A_621 : memref<4x8x129xf32, #tpu.memory_space<vmem>>[vector<16xi32>, vector<16xi32>, vector<16xi32>], vector<16xf32>,
          %mul3A_636 = arith.constant 8 : i32
          %mul3A_637 = arith.muli %scan3A_300, %mul3A_636 : i32
          %add3A_638 = arith.constant 7 : i32
          %add3A_639 = arith.addi %mul3A_637, %add3A_638 : i32
          %add3A_640 = vector.broadcast %add3A_639 : i32 to vector<16xi32>
          %add3A_641 = arith.addi %broadcast_in_dim3A_1, %add3A_640 : vector<16xi32>
          %get3A_642 = arith.constant 0 : i32
          %get3A_643 = arith.constant 0 : i32
          %get3A_644 = tpu.memref_slice %arg9[%scan3A_265, %get3A_642, %get3A_643] : memref<4x128x32xf32, #tpu.memory_space<vmem>> -> memref<1x128x32xf32, #tpu.memory_space<vmem>>
          %get3A_645 = tpu.memref_squeeze %get3A_644 : memref<1x128x32xf32, #tpu.memory_space<vmem>> -> memref<128x32xf32, #tpu.memory_space<vmem>>
          %get3A_646 = arith.index_cast %add3A_639 : i32 to index
          %get3A_647 = arith.constant 0 : index
          %get3A_648 = tpu.vector_load %get3A_645[%get3A_646, %get3A_647] {strides = array<i32>} : memref<128x32xf32, #tpu.memory_space<vmem>>, vector<16xf32>,
          %add3A_649 = arith.constant 0 : i32
          %add3A_650 = vector.broadcast %add3A_649 : i32 to vector<16xi32>
          %add3A_651 = arith.addi %iota3A, %add3A_650 : vector<16xi32>
          %shift_right_arithmetic3A_652 = arith.constant 3 : i32
          %shift_right_arithmetic3A_653 = vector.broadcast %shift_right_arithmetic3A_652 : i32 to vector<16xi32>
          %shift_right_arithmetic3A_654 = arith.shrsi %add3A_651, %shift_right_arithmetic3A_653 : vector<16xi32>
          %and3A_655 = arith.constant 7 : i32
          %and3A_656 = vector.broadcast %and3A_655 : i32 to vector<16xi32>
          %and3A_657 = arith.andi %add3A_651, %and3A_656 : vector<16xi32>
          %scatter3A_658 = arith.constant 0 : i32
          %scatter3A_659 = arith.constant 0 : i32
          %scatter3A_660 = arith.constant 0 : i32
          %scatter3A_661 = tpu.memref_slice %arg10[%scan3A_266, %scatter3A_658, %scatter3A_659, %scatter3A_660] : memref<2x4x8x129xf32, #tpu.memory_space<vmem>> -> memref<1x4x8x129xf32, #tpu.memory_space<vmem>>
          %scatter3A_662 = tpu.memref_squeeze %scatter3A_661 : memref<1x4x8x129xf32, #tpu.memory_space<vmem>> -> memref<4x8x129xf32, #tpu.memory_space<vmem>>
          tpu.vector_store_idx %scatter3A_662[%shift_right_arithmetic3A_654, %and3A_657, %add3A_641], %get3A_648 : memref<4x8x129xf32, #tpu.memory_space<vmem>>[vector<16xi32>, vector<16xi32>, vector<16xi32>], vector<16xf32>,
          %get3A_663 = arith.constant 0 : i32
          %get3A_664 = arith.constant 0 : i32
          %get3A_665 = tpu.memref_slice %arg9[%scan3A_265, %get3A_663, %get3A_664] : memref<4x128x32xf32, #tpu.memory_space<vmem>> -> memref<1x128x32xf32, #tpu.memory_space<vmem>>
          %get3A_666 = tpu.memref_squeeze %get3A_665 : memref<1x128x32xf32, #tpu.memory_space<vmem>> -> memref<128x32xf32, #tpu.memory_space<vmem>>
          %get3A_667 = arith.index_cast %add3A_639 : i32 to index
          %get3A_668 = arith.constant 16 : index
          %get3A_669 = tpu.vector_load %get3A_666[%get3A_667, %get3A_668] {strides = array<i32>} : memref<128x32xf32, #tpu.memory_space<vmem>>, vector<16xf32>,
          %add3A_670 = arith.constant 16 : i32
          %add3A_671 = vector.broadcast %add3A_670 : i32 to vector<16xi32>
          %add3A_672 = arith.addi %iota3A, %add3A_671 : vector<16xi32>
          %shift_right_arithmetic3A_673 = arith.constant 3 : i32
          %shift_right_arithmetic3A_674 = vector.broadcast %shift_right_arithmetic3A_673 : i32 to vector<16xi32>
          %shift_right_arithmetic3A_675 = arith.shrsi %add3A_672, %shift_right_arithmetic3A_674 : vector<16xi32>
          %and3A_676 = arith.constant 7 : i32
          %and3A_677 = vector.broadcast %and3A_676 : i32 to vector<16xi32>
          %and3A_678 = arith.andi %add3A_672, %and3A_677 : vector<16xi32>
          %scatter3A_679 = arith.constant 0 : i32
          %scatter3A_680 = arith.constant 0 : i32
          %scatter3A_681 = arith.constant 0 : i32
          %scatter3A_682 = tpu.memref_slice %arg10[%scan3A_266, %scatter3A_679, %scatter3A_680, %scatter3A_681] : memref<2x4x8x129xf32, #tpu.memory_space<vmem>> -> memref<1x4x8x129xf32, #tpu.memory_space<vmem>>
          %scatter3A_683 = tpu.memref_squeeze %scatter3A_682 : memref<1x4x8x129xf32, #tpu.memory_space<vmem>> -> memref<4x8x129xf32, #tpu.memory_space<vmem>>
          tpu.vector_store_idx %scatter3A_683[%shift_right_arithmetic3A_675, %and3A_678, %add3A_641], %get3A_669 : memref<4x8x129xf32, #tpu.memory_space<vmem>>[vector<16xi32>, vector<16xi32>, vector<16xi32>], vector<16xf32>,
          %scan3A_684 = arith.constant 0 : i32
          scf.yield %scan3A_684 : i32
        }
        %scan3A_273 = arith.constant 16 : i32
        %add3A_274 = arith.addi %mul3A_5, %add3A_217 : i32
        %shift_right_arithmetic3A_275 = arith.constant 5 : i32
        %shift_right_arithmetic3A_276 = arith.shrsi %add3A_274, %shift_right_arithmetic3A_275 : i32
        %and3A_277 = arith.constant 31 : i32
        %and3A_278 = arith.andi %add3A_274, %and3A_277 : i32
        %dma_start3A_279 = arith.constant 0 : i32
        %dma_start3A_280 = arith.constant 0 : i32
        %dma_start3A_281 = arith.constant 0 : i32
        %dma_start3A_282 = arith.constant 0 : i32
        %dma_start3A_283 = tpu.memref_slice %arg10[%dma_start3A_279, %dma_start3A_280, %dma_start3A_281, %dma_start3A_282] : memref<2x4x8x129xf32, #tpu.memory_space<vmem>> -> memref<1x4x8x128xf32, #tpu.memory_space<vmem>>
        %dma_start3A_284 = tpu.memref_squeeze %dma_start3A_283 : memref<1x4x8x128xf32, #tpu.memory_space<vmem>> -> memref<4x8x128xf32, #tpu.memory_space<vmem>>
        %dma_start3A_285 = arith.constant 0 : i32
        %dma_start3A_286 = arith.constant 0 : i32
        %dma_start3A_287 = arith.constant 0 : i32
        %dma_start3A_288 = tpu.memref_slice %arg5[%shift_right_arithmetic3A_276, %dma_start3A_285, %and3A_278, %dma_start3A_286, %dma_start3A_287] : memref<199x4x32x8x128xf32, #tpu.memory_space<hbm>> -> memref<1x4x1x8x128xf32, #tpu.memory_space<hbm>>
        %dma_start3A_289 = tpu.memref_squeeze %dma_start3A_288 : memref<1x4x1x8x128xf32, #tpu.memory_space<hbm>> -> memref<4x8x128xf32, #tpu.memory_space<hbm>>
        %dma_start3A_290 = arith.constant 0 : i32
        %dma_start3A_291 = arith.constant 0 : i32
        %dma_start3A_292 = arith.constant 0 : i32
        %dma_start3A_293 = tpu.memref_slice %arg5[%shift_right_arithmetic3A_276, %dma_start3A_290, %and3A_278, %dma_start3A_291, %dma_start3A_292] : memref<199x4x32x8x128xf32, #tpu.memory_space<hbm>> -> memref<1x4x1x8x128xf32, #tpu.memory_space<hbm>>
        %dma_start3A_294 = tpu.memref_squeeze %dma_start3A_293 : memref<1x4x1x8x128xf32, #tpu.memory_space<hbm>> -> memref<4x8x128xf32, #tpu.memory_space<hbm>>
        %dma_start3A_295 = arith.constant 0 : i32
        %dma_start3A_296 = arith.constant 0 : i32
        %dma_start3A_297 = arith.constant 0 : i32
        %dma_start3A_298 = tpu.memref_slice %arg10[%dma_start3A_279, %dma_start3A_295, %dma_start3A_296, %dma_start3A_297] : memref<2x4x8x129xf32, #tpu.memory_space<vmem>> -> memref<1x4x8x128xf32, #tpu.memory_space<vmem>>
        %dma_start3A_299 = tpu.memref_squeeze %dma_start3A_298 : memref<1x4x8x128xf32, #tpu.memory_space<vmem>> -> memref<4x8x128xf32, #tpu.memory_space<vmem>>
        tpu.enqueue_dma source(%dma_start3A_299 : memref<4x8x128xf32, #tpu.memory_space<vmem>>) target(%dma_start3A_294 : memref<4x8x128xf32, #tpu.memory_space<hbm>>) target_semaphore(%arg13 : memref<!tpu.dma_semaphore, #tpu.memory_space<semaphore_mem>>)
      } else {
      }
      %add3A_232 = arith.constant 4 : i32
      %add3A_233 = arith.addi %add3A_217, %add3A_232 : i32
      %le3A_234 = arith.constant 198 : i32
      %le3A_235 = arith.cmpi sle, %add3A_233, %le3A_234 : i32
      %convert_element_type3A_236 = arith.extui %le3A_235 : i1 to i32
      %cond3A_237 = arith.constant 0 : i32
      %cond3A_238 = arith.cmpi ne, %convert_element_type3A_236, %cond3A_237 : i32
      scf.if %cond3A_238 {
        %add3A_265 = arith.constant 4 : i32
        %add3A_266 = arith.addi %add3A_217, %add3A_265 : i32
        %dma_start3A_267 = arith.constant 2 : i32
        %dma_start3A_268 = arith.constant 0 : i32
        %dma_start3A_269 = arith.constant 0 : i32
        %dma_start3A_270 = tpu.memref_slice %arg9[%dma_start3A_267, %dma_start3A_268, %dma_start3A_269] : memref<4x128x32xf32, #tpu.memory_space<vmem>> -> memref<1x128x32xf32, #tpu.memory_space<vmem>>
        %dma_start3A_271 = tpu.memref_squeeze %dma_start3A_270 : memref<1x128x32xf32, #tpu.memory_space<vmem>> -> memref<128x32xf32, #tpu.memory_space<vmem>>
        %dma_start3A_272 = arith.constant 0 : i32
        %dma_start3A_273 = tpu.memref_slice %arg7[%add3A_266, %dma_start3A_272] : memref<199x128xi32, #tpu.memory_space<vmem>> -> memref<1x128xi32, #tpu.memory_space<vmem>>
        %dma_start3A_274 = tpu.memref_squeeze %dma_start3A_273 : memref<1x128xi32, #tpu.memory_space<vmem>> -> memref<128xi32, #tpu.memory_space<vmem>>
        %dma_start3A_275 = arith.constant 0 : i32
        %dma_start3A_276 = arith.constant 0 : i32
        %dma_start3A_277 = tpu.memref_slice %arg2[%dma_start3A_275, %dma_start3A_276] : memref<100000x32xf32, #tpu.memory_space<hbm>> -> memref<100000x32xf32, #tpu.memory_space<hbm>>
        tpu.enqueue_indirect_dma source(%dma_start3A_277 : memref<100000x32xf32, #tpu.memory_space<hbm>>) target(%dma_start3A_271 : memref<128x32xf32, #tpu.memory_space<vmem>>) offsets(%dma_start3A_274 : memref<128xi32, #tpu.memory_space<vmem>>) semaphore(%arg12 : memref<!tpu.dma_semaphore, #tpu.memory_space<semaphore_mem>>)
      } else {
      }
      %mul3A_239 = arith.constant 4 : i32
      %mul3A_240 = arith.muli %mul3A_239, %scan3A_166 : i32
      %add3A_241 = arith.constant 3 : i32
      %add3A_242 = arith.addi %mul3A_240, %add3A_241 : i32
      %le3A_243 = arith.constant 198 : i32
      %le3A_244 = arith.cmpi sle, %add3A_242, %le3A_243 : i32
      %convert_element_type3A_245 = arith.extui %le3A_244 : i1 to i32
      %cond3A_246 = arith.constant 0 : i32
      %cond3A_247 = arith.cmpi ne, %convert_element_type3A_245, %cond3A_246 : i32
      scf.if %cond3A_247 {
        %dma_wait3A_265 = arith.constant 3 : i32
        %dma_wait3A_266 = arith.constant 0 : i32
        %dma_wait3A_267 = arith.constant 0 : i32
        %dma_wait3A_268 = tpu.memref_slice %arg9[%dma_wait3A_265, %dma_wait3A_266, %dma_wait3A_267] : memref<4x128x32xf32, #tpu.memory_space<vmem>> -> memref<1x128x32xf32, #tpu.memory_space<vmem>>
        %dma_wait3A_269 = tpu.memref_squeeze %dma_wait3A_268 : memref<1x128x32xf32, #tpu.memory_space<vmem>> -> memref<128x32xf32, #tpu.memory_space<vmem>>
        %dma_wait3A_270 = arith.constant 0 : i32
        %dma_wait3A_271 = tpu.memref_slice %arg7[%add3A_242, %dma_wait3A_270] : memref<199x128xi32, #tpu.memory_space<vmem>> -> memref<1x128xi32, #tpu.memory_space<vmem>>
        %dma_wait3A_272 = tpu.memref_squeeze %dma_wait3A_271 : memref<1x128xi32, #tpu.memory_space<vmem>> -> memref<128xi32, #tpu.memory_space<vmem>>
        %dma_wait3A_273 = arith.constant 0 : i32
        %dma_wait3A_274 = arith.constant 0 : i32
        %dma_wait3A_275 = tpu.memref_slice %arg2[%dma_wait3A_273, %dma_wait3A_274] : memref<100000x32xf32, #tpu.memory_space<hbm>> -> memref<100000x32xf32, #tpu.memory_space<hbm>>
        tpu.wait_indirect_dma semaphore(%arg12 : memref<!tpu.dma_semaphore, #tpu.memory_space<semaphore_mem>>) src(%dma_wait3A_275 : memref<100000x32xf32, #tpu.memory_space<hbm>>) dst(%dma_wait3A_269 : memref<128x32xf32, #tpu.memory_space<vmem>>)
      } else {
      }
      %ge3A_248 = arith.constant 2 : i32
      %ge3A_249 = arith.cmpi sge, %add3A_242, %ge3A_248 : i32
      %and3A_250 = arith.andi %ge3A_249, %le3A_244 : i1
      %convert_element_type3A_251 = arith.extui %and3A_250 : i1 to i32
      %cond3A_252 = arith.constant 0 : i32
      %cond3A_253 = arith.cmpi ne, %convert_element_type3A_251, %cond3A_252 : i32
      scf.if %cond3A_253 {
        %sub3A = arith.constant 2 : i32
        %sub3A_265 = arith.subi %add3A_242, %sub3A : i32
        %add3A_266 = arith.addi %mul3A_5, %sub3A_265 : i32
        %shift_right_arithmetic3A_267 = arith.constant 5 : i32
        %shift_right_arithmetic3A_268 = arith.shrsi %add3A_266, %shift_right_arithmetic3A_267 : i32
        %and3A_269 = arith.constant 31 : i32
        %and3A_270 = arith.andi %add3A_266, %and3A_269 : i32
        %dma_wait3A_271 = arith.constant 1 : i32
        %dma_wait3A_272 = arith.constant 0 : i32
        %dma_wait3A_273 = arith.constant 0 : i32
        %dma_wait3A_274 = arith.constant 0 : i32
        %dma_wait3A_275 = tpu.memref_slice %arg10[%dma_wait3A_271, %dma_wait3A_272, %dma_wait3A_273, %dma_wait3A_274] : memref<2x4x8x129xf32, #tpu.memory_space<vmem>> -> memref<1x4x8x128xf32, #tpu.memory_space<vmem>>
        %dma_wait3A_276 = tpu.memref_squeeze %dma_wait3A_275 : memref<1x4x8x128xf32, #tpu.memory_space<vmem>> -> memref<4x8x128xf32, #tpu.memory_space<vmem>>
        %dma_wait3A_277 = arith.constant 0 : i32
        %dma_wait3A_278 = arith.constant 0 : i32
        %dma_wait3A_279 = arith.constant 0 : i32
        %dma_wait3A_280 = tpu.memref_slice %arg5[%shift_right_arithmetic3A_268, %dma_wait3A_277, %and3A_270, %dma_wait3A_278, %dma_wait3A_279] : memref<199x4x32x8x128xf32, #tpu.memory_space<hbm>> -> memref<1x4x1x8x128xf32, #tpu.memory_space<hbm>>
        %dma_wait3A_281 = tpu.memref_squeeze %dma_wait3A_280 : memref<1x4x1x8x128xf32, #tpu.memory_space<hbm>> -> memref<4x8x128xf32, #tpu.memory_space<hbm>>
        %dma_wait3A_282 = arith.constant 0 : i32
        %dma_wait3A_283 = arith.constant 0 : i32
        %dma_wait3A_284 = arith.constant 0 : i32
        %dma_wait3A_285 = tpu.memref_slice %arg5[%shift_right_arithmetic3A_268, %dma_wait3A_282, %and3A_270, %dma_wait3A_283, %dma_wait3A_284] : memref<199x4x32x8x128xf32, #tpu.memory_space<hbm>> -> memref<1x4x1x8x128xf32, #tpu.memory_space<hbm>>
        %dma_wait3A_286 = tpu.memref_squeeze %dma_wait3A_285 : memref<1x4x1x8x128xf32, #tpu.memory_space<hbm>> -> memref<4x8x128xf32, #tpu.memory_space<hbm>>
        %dma_wait3A_287 = arith.constant 0 : i32
        %dma_wait3A_288 = arith.constant 0 : i32
        %dma_wait3A_289 = arith.constant 0 : i32
        %dma_wait3A_290 = tpu.memref_slice %arg10[%dma_wait3A_271, %dma_wait3A_287, %dma_wait3A_288, %dma_wait3A_289] : memref<2x4x8x129xf32, #tpu.memory_space<vmem>> -> memref<1x4x8x128xf32, #tpu.memory_space<vmem>>
        %dma_wait3A_291 = tpu.memref_squeeze %dma_wait3A_290 : memref<1x4x8x128xf32, #tpu.memory_space<vmem>> -> memref<4x8x128xf32, #tpu.memory_space<vmem>>
        tpu.wait_dma2 semaphore(%arg13 : memref<!tpu.dma_semaphore, #tpu.memory_space<semaphore_mem>>) src(%dma_wait3A_291 : memref<4x8x128xf32, #tpu.memory_space<vmem>>) dst(%dma_wait3A_286 : memref<4x8x128xf32, #tpu.memory_space<hbm>>)
      } else {
      }
      %convert_element_type3A_254 = arith.extui %le3A_244 : i1 to i32
      %cond3A_255 = arith.constant 0 : i32
      %cond3A_256 = arith.cmpi ne, %convert_element_type3A_254, %cond3A_255 : i32
      scf.if %cond3A_256 {
        %scan3A_265 = arith.constant 3 : i32
        %scan3A_266 = arith.constant 1 : i32
        %scan3A_267 = arith.constant 0 : i32
        %scan3A_268 = arith.constant 0 : i32
        %scan3A_269 = arith.constant 16 : i32
        %scan3A_270 = arith.addi %scan3A_268, %scan3A_269 : i32
        %scan3A_271 = arith.constant 1 : i32
        %scan3A_272 = scf.for %scan3A_300 = %scan3A_268 to %scan3A_270 step %scan3A_271 iter_args(%scan3A_301 = %scan3A_267) -> (i32)  : i32 {
          %mul3A_302 = arith.constant 8 : i32
          %mul3A_303 = arith.muli %scan3A_300, %mul3A_302 : i32
          %add3A_304 = arith.constant 0 : i32
          %add3A_305 = arith.addi %mul3A_303, %add3A_304 : i32
          %add3A_306 = vector.broadcast %add3A_305 : i32 to vector<16xi32>
          %add3A_307 = arith.addi %broadcast_in_dim3A_1, %add3A_306 : vector<16xi32>
          %get3A = arith.constant 0 : i32
          %get3A_308 = arith.constant 0 : i32
          %get3A_309 = tpu.memref_slice %arg9[%scan3A_265, %get3A, %get3A_308] : memref<4x128x32xf32, #tpu.memory_space<vmem>> -> memref<1x128x32xf32, #tpu.memory_space<vmem>>
          %get3A_310 = tpu.memref_squeeze %get3A_309 : memref<1x128x32xf32, #tpu.memory_space<vmem>> -> memref<128x32xf32, #tpu.memory_space<vmem>>
          %get3A_311 = arith.index_cast %add3A_305 : i32 to index
          %get3A_312 = arith.constant 0 : index
          %get3A_313 = tpu.vector_load %get3A_310[%get3A_311, %get3A_312] {strides = array<i32>} : memref<128x32xf32, #tpu.memory_space<vmem>>, vector<16xf32>,
          %add3A_314 = arith.constant 0 : i32
          %add3A_315 = vector.broadcast %add3A_314 : i32 to vector<16xi32>
          %add3A_316 = arith.addi %iota3A, %add3A_315 : vector<16xi32>
          %shift_right_arithmetic3A_317 = arith.constant 3 : i32
          %shift_right_arithmetic3A_318 = vector.broadcast %shift_right_arithmetic3A_317 : i32 to vector<16xi32>
          %shift_right_arithmetic3A_319 = arith.shrsi %add3A_316, %shift_right_arithmetic3A_318 : vector<16xi32>
          %and3A_320 = arith.constant 7 : i32
          %and3A_321 = vector.broadcast %and3A_320 : i32 to vector<16xi32>
          %and3A_322 = arith.andi %add3A_316, %and3A_321 : vector<16xi32>
          %scatter3A = arith.constant 0 : i32
          %scatter3A_323 = arith.constant 0 : i32
          %scatter3A_324 = arith.constant 0 : i32
          %scatter3A_325 = tpu.memref_slice %arg10[%scan3A_266, %scatter3A, %scatter3A_323, %scatter3A_324] : memref<2x4x8x129xf32, #tpu.memory_space<vmem>> -> memref<1x4x8x129xf32, #tpu.memory_space<vmem>>
          %scatter3A_326 = tpu.memref_squeeze %scatter3A_325 : memref<1x4x8x129xf32, #tpu.memory_space<vmem>> -> memref<4x8x129xf32, #tpu.memory_space<vmem>>
          tpu.vector_store_idx %scatter3A_326[%shift_right_arithmetic3A_319, %and3A_322, %add3A_307], %get3A_313 : memref<4x8x129xf32, #tpu.memory_space<vmem>>[vector<16xi32>, vector<16xi32>, vector<16xi32>], vector<16xf32>,
          %get3A_327 = arith.constant 0 : i32
          %get3A_328 = arith.constant 0 : i32
          %get3A_329 = tpu.memref_slice %arg9[%scan3A_265, %get3A_327, %get3A_328] : memref<4x128x32xf32, #tpu.memory_space<vmem>> -> memref<1x128x32xf32, #tpu.memory_space<vmem>>
          %get3A_330 = tpu.memref_squeeze %get3A_329 : memref<1x128x32xf32, #tpu.memory_space<vmem>> -> memref<128x32xf32, #tpu.memory_space<vmem>>
          %get3A_331 = arith.index_cast %add3A_305 : i32 to index
          %get3A_332 = arith.constant 16 : index
          %get3A_333 = tpu.vector_load %get3A_330[%get3A_331, %get3A_332] {strides = array<i32>} : memref<128x32xf32, #tpu.memory_space<vmem>>, vector<16xf32>,
          %add3A_334 = arith.constant 16 : i32
          %add3A_335 = vector.broadcast %add3A_334 : i32 to vector<16xi32>
          %add3A_336 = arith.addi %iota3A, %add3A_335 : vector<16xi32>
          %shift_right_arithmetic3A_337 = arith.constant 3 : i32
          %shift_right_arithmetic3A_338 = vector.broadcast %shift_right_arithmetic3A_337 : i32 to vector<16xi32>
          %shift_right_arithmetic3A_339 = arith.shrsi %add3A_336, %shift_right_arithmetic3A_338 : vector<16xi32>
          %and3A_340 = arith.constant 7 : i32
          %and3A_341 = vector.broadcast %and3A_340 : i32 to vector<16xi32>
          %and3A_342 = arith.andi %add3A_336, %and3A_341 : vector<16xi32>
          %scatter3A_343 = arith.constant 0 : i32
          %scatter3A_344 = arith.constant 0 : i32
          %scatter3A_345 = arith.constant 0 : i32
          %scatter3A_346 = tpu.memref_slice %arg10[%scan3A_266, %scatter3A_343, %scatter3A_344, %scatter3A_345] : memref<2x4x8x129xf32, #tpu.memory_space<vmem>> -> memref<1x4x8x129xf32, #tpu.memory_space<vmem>>
          %scatter3A_347 = tpu.memref_squeeze %scatter3A_346 : memref<1x4x8x129xf32, #tpu.memory_space<vmem>> -> memref<4x8x129xf32, #tpu.memory_space<vmem>>
          tpu.vector_store_idx %scatter3A_347[%shift_right_arithmetic3A_339, %and3A_342, %add3A_307], %get3A_333 : memref<4x8x129xf32, #tpu.memory_space<vmem>>[vector<16xi32>, vector<16xi32>, vector<16xi32>], vector<16xf32>,
          %mul3A_348 = arith.constant 8 : i32
          %mul3A_349 = arith.muli %scan3A_300, %mul3A_348 : i32
          %add3A_350 = arith.constant 1 : i32
          %add3A_351 = arith.addi %mul3A_349, %add3A_350 : i32
          %add3A_352 = vector.broadcast %add3A_351 : i32 to vector<16xi32>
          %add3A_353 = arith.addi %broadcast_in_dim3A_1, %add3A_352 : vector<16xi32>
          %get3A_354 = arith.constant 0 : i32
          %get3A_355 = arith.constant 0 : i32
          %get3A_356 = tpu.memref_slice %arg9[%scan3A_265, %get3A_354, %get3A_355] : memref<4x128x32xf32, #tpu.memory_space<vmem>> -> memref<1x128x32xf32, #tpu.memory_space<vmem>>
          %get3A_357 = tpu.memref_squeeze %get3A_356 : memref<1x128x32xf32, #tpu.memory_space<vmem>> -> memref<128x32xf32, #tpu.memory_space<vmem>>
          %get3A_358 = arith.index_cast %add3A_351 : i32 to index
          %get3A_359 = arith.constant 0 : index
          %get3A_360 = tpu.vector_load %get3A_357[%get3A_358, %get3A_359] {strides = array<i32>} : memref<128x32xf32, #tpu.memory_space<vmem>>, vector<16xf32>,
          %add3A_361 = arith.constant 0 : i32
          %add3A_362 = vector.broadcast %add3A_361 : i32 to vector<16xi32>
          %add3A_363 = arith.addi %iota3A, %add3A_362 : vector<16xi32>
          %shift_right_arithmetic3A_364 = arith.constant 3 : i32
          %shift_right_arithmetic3A_365 = vector.broadcast %shift_right_arithmetic3A_364 : i32 to vector<16xi32>
          %shift_right_arithmetic3A_366 = arith.shrsi %add3A_363, %shift_right_arithmetic3A_365 : vector<16xi32>
          %and3A_367 = arith.constant 7 : i32
          %and3A_368 = vector.broadcast %and3A_367 : i32 to vector<16xi32>
          %and3A_369 = arith.andi %add3A_363, %and3A_368 : vector<16xi32>
          %scatter3A_370 = arith.constant 0 : i32
          %scatter3A_371 = arith.constant 0 : i32
          %scatter3A_372 = arith.constant 0 : i32
          %scatter3A_373 = tpu.memref_slice %arg10[%scan3A_266, %scatter3A_370, %scatter3A_371, %scatter3A_372] : memref<2x4x8x129xf32, #tpu.memory_space<vmem>> -> memref<1x4x8x129xf32, #tpu.memory_space<vmem>>
          %scatter3A_374 = tpu.memref_squeeze %scatter3A_373 : memref<1x4x8x129xf32, #tpu.memory_space<vmem>> -> memref<4x8x129xf32, #tpu.memory_space<vmem>>
          tpu.vector_store_idx %scatter3A_374[%shift_right_arithmetic3A_366, %and3A_369, %add3A_353], %get3A_360 : memref<4x8x129xf32, #tpu.memory_space<vmem>>[vector<16xi32>, vector<16xi32>, vector<16xi32>], vector<16xf32>,
          %get3A_375 = arith.constant 0 : i32
          %get3A_376 = arith.constant 0 : i32
          %get3A_377 = tpu.memref_slice %arg9[%scan3A_265, %get3A_375, %get3A_376] : memref<4x128x32xf32, #tpu.memory_space<vmem>> -> memref<1x128x32xf32, #tpu.memory_space<vmem>>
          %get3A_378 = tpu.memref_squeeze %get3A_377 : memref<1x128x32xf32, #tpu.memory_space<vmem>> -> memref<128x32xf32, #tpu.memory_space<vmem>>
          %get3A_379 = arith.index_cast %add3A_351 : i32 to index
          %get3A_380 = arith.constant 16 : index
          %get3A_381 = tpu.vector_load %get3A_378[%get3A_379, %get3A_380] {strides = array<i32>} : memref<128x32xf32, #tpu.memory_space<vmem>>, vector<16xf32>,
          %add3A_382 = arith.constant 16 : i32
          %add3A_383 = vector.broadcast %add3A_382 : i32 to vector<16xi32>
          %add3A_384 = arith.addi %iota3A, %add3A_383 : vector<16xi32>
          %shift_right_arithmetic3A_385 = arith.constant 3 : i32
          %shift_right_arithmetic3A_386 = vector.broadcast %shift_right_arithmetic3A_385 : i32 to vector<16xi32>
          %shift_right_arithmetic3A_387 = arith.shrsi %add3A_384, %shift_right_arithmetic3A_386 : vector<16xi32>
          %and3A_388 = arith.constant 7 : i32
          %and3A_389 = vector.broadcast %and3A_388 : i32 to vector<16xi32>
          %and3A_390 = arith.andi %add3A_384, %and3A_389 : vector<16xi32>
          %scatter3A_391 = arith.constant 0 : i32
          %scatter3A_392 = arith.constant 0 : i32
          %scatter3A_393 = arith.constant 0 : i32
          %scatter3A_394 = tpu.memref_slice %arg10[%scan3A_266, %scatter3A_391, %scatter3A_392, %scatter3A_393] : memref<2x4x8x129xf32, #tpu.memory_space<vmem>> -> memref<1x4x8x129xf32, #tpu.memory_space<vmem>>
          %scatter3A_395 = tpu.memref_squeeze %scatter3A_394 : memref<1x4x8x129xf32, #tpu.memory_space<vmem>> -> memref<4x8x129xf32, #tpu.memory_space<vmem>>
          tpu.vector_store_idx %scatter3A_395[%shift_right_arithmetic3A_387, %and3A_390, %add3A_353], %get3A_381 : memref<4x8x129xf32, #tpu.memory_space<vmem>>[vector<16xi32>, vector<16xi32>, vector<16xi32>], vector<16xf32>,
          %mul3A_396 = arith.constant 8 : i32
          %mul3A_397 = arith.muli %scan3A_300, %mul3A_396 : i32
          %add3A_398 = arith.constant 2 : i32
          %add3A_399 = arith.addi %mul3A_397, %add3A_398 : i32
          %add3A_400 = vector.broadcast %add3A_399 : i32 to vector<16xi32>
          %add3A_401 = arith.addi %broadcast_in_dim3A_1, %add3A_400 : vector<16xi32>
          %get3A_402 = arith.constant 0 : i32
          %get3A_403 = arith.constant 0 : i32
          %get3A_404 = tpu.memref_slice %arg9[%scan3A_265, %get3A_402, %get3A_403] : memref<4x128x32xf32, #tpu.memory_space<vmem>> -> memref<1x128x32xf32, #tpu.memory_space<vmem>>
          %get3A_405 = tpu.memref_squeeze %get3A_404 : memref<1x128x32xf32, #tpu.memory_space<vmem>> -> memref<128x32xf32, #tpu.memory_space<vmem>>
          %get3A_406 = arith.index_cast %add3A_399 : i32 to index
          %get3A_407 = arith.constant 0 : index
          %get3A_408 = tpu.vector_load %get3A_405[%get3A_406, %get3A_407] {strides = array<i32>} : memref<128x32xf32, #tpu.memory_space<vmem>>, vector<16xf32>,
          %add3A_409 = arith.constant 0 : i32
          %add3A_410 = vector.broadcast %add3A_409 : i32 to vector<16xi32>
          %add3A_411 = arith.addi %iota3A, %add3A_410 : vector<16xi32>
          %shift_right_arithmetic3A_412 = arith.constant 3 : i32
          %shift_right_arithmetic3A_413 = vector.broadcast %shift_right_arithmetic3A_412 : i32 to vector<16xi32>
          %shift_right_arithmetic3A_414 = arith.shrsi %add3A_411, %shift_right_arithmetic3A_413 : vector<16xi32>
          %and3A_415 = arith.constant 7 : i32
          %and3A_416 = vector.broadcast %and3A_415 : i32 to vector<16xi32>
          %and3A_417 = arith.andi %add3A_411, %and3A_416 : vector<16xi32>
          %scatter3A_418 = arith.constant 0 : i32
          %scatter3A_419 = arith.constant 0 : i32
          %scatter3A_420 = arith.constant 0 : i32
          %scatter3A_421 = tpu.memref_slice %arg10[%scan3A_266, %scatter3A_418, %scatter3A_419, %scatter3A_420] : memref<2x4x8x129xf32, #tpu.memory_space<vmem>> -> memref<1x4x8x129xf32, #tpu.memory_space<vmem>>
          %scatter3A_422 = tpu.memref_squeeze %scatter3A_421 : memref<1x4x8x129xf32, #tpu.memory_space<vmem>> -> memref<4x8x129xf32, #tpu.memory_space<vmem>>
          tpu.vector_store_idx %scatter3A_422[%shift_right_arithmetic3A_414, %and3A_417, %add3A_401], %get3A_408 : memref<4x8x129xf32, #tpu.memory_space<vmem>>[vector<16xi32>, vector<16xi32>, vector<16xi32>], vector<16xf32>,
          %get3A_423 = arith.constant 0 : i32
          %get3A_424 = arith.constant 0 : i32
          %get3A_425 = tpu.memref_slice %arg9[%scan3A_265, %get3A_423, %get3A_424] : memref<4x128x32xf32, #tpu.memory_space<vmem>> -> memref<1x128x32xf32, #tpu.memory_space<vmem>>
          %get3A_426 = tpu.memref_squeeze %get3A_425 : memref<1x128x32xf32, #tpu.memory_space<vmem>> -> memref<128x32xf32, #tpu.memory_space<vmem>>
          %get3A_427 = arith.index_cast %add3A_399 : i32 to index
          %get3A_428 = arith.constant 16 : index
          %get3A_429 = tpu.vector_load %get3A_426[%get3A_427, %get3A_428] {strides = array<i32>} : memref<128x32xf32, #tpu.memory_space<vmem>>, vector<16xf32>,
          %add3A_430 = arith.constant 16 : i32
          %add3A_431 = vector.broadcast %add3A_430 : i32 to vector<16xi32>
          %add3A_432 = arith.addi %iota3A, %add3A_431 : vector<16xi32>
          %shift_right_arithmetic3A_433 = arith.constant 3 : i32
          %shift_right_arithmetic3A_434 = vector.broadcast %shift_right_arithmetic3A_433 : i32 to vector<16xi32>
          %shift_right_arithmetic3A_435 = arith.shrsi %add3A_432, %shift_right_arithmetic3A_434 : vector<16xi32>
          %and3A_436 = arith.constant 7 : i32
          %and3A_437 = vector.broadcast %and3A_436 : i32 to vector<16xi32>
          %and3A_438 = arith.andi %add3A_432, %and3A_437 : vector<16xi32>
          %scatter3A_439 = arith.constant 0 : i32
          %scatter3A_440 = arith.constant 0 : i32
          %scatter3A_441 = arith.constant 0 : i32
          %scatter3A_442 = tpu.memref_slice %arg10[%scan3A_266, %scatter3A_439, %scatter3A_440, %scatter3A_441] : memref<2x4x8x129xf32, #tpu.memory_space<vmem>> -> memref<1x4x8x129xf32, #tpu.memory_space<vmem>>
          %scatter3A_443 = tpu.memref_squeeze %scatter3A_442 : memref<1x4x8x129xf32, #tpu.memory_space<vmem>> -> memref<4x8x129xf32, #tpu.memory_space<vmem>>
          tpu.vector_store_idx %scatter3A_443[%shift_right_arithmetic3A_435, %and3A_438, %add3A_401], %get3A_429 : memref<4x8x129xf32, #tpu.memory_space<vmem>>[vector<16xi32>, vector<16xi32>, vector<16xi32>], vector<16xf32>,
          %mul3A_444 = arith.constant 8 : i32
          %mul3A_445 = arith.muli %scan3A_300, %mul3A_444 : i32
          %add3A_446 = arith.constant 3 : i32
          %add3A_447 = arith.addi %mul3A_445, %add3A_446 : i32
          %add3A_448 = vector.broadcast %add3A_447 : i32 to vector<16xi32>
          %add3A_449 = arith.addi %broadcast_in_dim3A_1, %add3A_448 : vector<16xi32>
          %get3A_450 = arith.constant 0 : i32
          %get3A_451 = arith.constant 0 : i32
          %get3A_452 = tpu.memref_slice %arg9[%scan3A_265, %get3A_450, %get3A_451] : memref<4x128x32xf32, #tpu.memory_space<vmem>> -> memref<1x128x32xf32, #tpu.memory_space<vmem>>
          %get3A_453 = tpu.memref_squeeze %get3A_452 : memref<1x128x32xf32, #tpu.memory_space<vmem>> -> memref<128x32xf32, #tpu.memory_space<vmem>>
          %get3A_454 = arith.index_cast %add3A_447 : i32 to index
          %get3A_455 = arith.constant 0 : index
          %get3A_456 = tpu.vector_load %get3A_453[%get3A_454, %get3A_455] {strides = array<i32>} : memref<128x32xf32, #tpu.memory_space<vmem>>, vector<16xf32>,
          %add3A_457 = arith.constant 0 : i32
          %add3A_458 = vector.broadcast %add3A_457 : i32 to vector<16xi32>
          %add3A_459 = arith.addi %iota3A, %add3A_458 : vector<16xi32>
          %shift_right_arithmetic3A_460 = arith.constant 3 : i32
          %shift_right_arithmetic3A_461 = vector.broadcast %shift_right_arithmetic3A_460 : i32 to vector<16xi32>
          %shift_right_arithmetic3A_462 = arith.shrsi %add3A_459, %shift_right_arithmetic3A_461 : vector<16xi32>
          %and3A_463 = arith.constant 7 : i32
          %and3A_464 = vector.broadcast %and3A_463 : i32 to vector<16xi32>
          %and3A_465 = arith.andi %add3A_459, %and3A_464 : vector<16xi32>
          %scatter3A_466 = arith.constant 0 : i32
          %scatter3A_467 = arith.constant 0 : i32
          %scatter3A_468 = arith.constant 0 : i32
          %scatter3A_469 = tpu.memref_slice %arg10[%scan3A_266, %scatter3A_466, %scatter3A_467, %scatter3A_468] : memref<2x4x8x129xf32, #tpu.memory_space<vmem>> -> memref<1x4x8x129xf32, #tpu.memory_space<vmem>>
          %scatter3A_470 = tpu.memref_squeeze %scatter3A_469 : memref<1x4x8x129xf32, #tpu.memory_space<vmem>> -> memref<4x8x129xf32, #tpu.memory_space<vmem>>
          tpu.vector_store_idx %scatter3A_470[%shift_right_arithmetic3A_462, %and3A_465, %add3A_449], %get3A_456 : memref<4x8x129xf32, #tpu.memory_space<vmem>>[vector<16xi32>, vector<16xi32>, vector<16xi32>], vector<16xf32>,
          %get3A_471 = arith.constant 0 : i32
          %get3A_472 = arith.constant 0 : i32
          %get3A_473 = tpu.memref_slice %arg9[%scan3A_265, %get3A_471, %get3A_472] : memref<4x128x32xf32, #tpu.memory_space<vmem>> -> memref<1x128x32xf32, #tpu.memory_space<vmem>>
          %get3A_474 = tpu.memref_squeeze %get3A_473 : memref<1x128x32xf32, #tpu.memory_space<vmem>> -> memref<128x32xf32, #tpu.memory_space<vmem>>
          %get3A_475 = arith.index_cast %add3A_447 : i32 to index
          %get3A_476 = arith.constant 16 : index
          %get3A_477 = tpu.vector_load %get3A_474[%get3A_475, %get3A_476] {strides = array<i32>} : memref<128x32xf32, #tpu.memory_space<vmem>>, vector<16xf32>,
          %add3A_478 = arith.constant 16 : i32
          %add3A_479 = vector.broadcast %add3A_478 : i32 to vector<16xi32>
          %add3A_480 = arith.addi %iota3A, %add3A_479 : vector<16xi32>
          %shift_right_arithmetic3A_481 = arith.constant 3 : i32
          %shift_right_arithmetic3A_482 = vector.broadcast %shift_right_arithmetic3A_481 : i32 to vector<16xi32>
          %shift_right_arithmetic3A_483 = arith.shrsi %add3A_480, %shift_right_arithmetic3A_482 : vector<16xi32>
          %and3A_484 = arith.constant 7 : i32
          %and3A_485 = vector.broadcast %and3A_484 : i32 to vector<16xi32>
          %and3A_486 = arith.andi %add3A_480, %and3A_485 : vector<16xi32>
          %scatter3A_487 = arith.constant 0 : i32
          %scatter3A_488 = arith.constant 0 : i32
          %scatter3A_489 = arith.constant 0 : i32
          %scatter3A_490 = tpu.memref_slice %arg10[%scan3A_266, %scatter3A_487, %scatter3A_488, %scatter3A_489] : memref<2x4x8x129xf32, #tpu.memory_space<vmem>> -> memref<1x4x8x129xf32, #tpu.memory_space<vmem>>
          %scatter3A_491 = tpu.memref_squeeze %scatter3A_490 : memref<1x4x8x129xf32, #tpu.memory_space<vmem>> -> memref<4x8x129xf32, #tpu.memory_space<vmem>>
          tpu.vector_store_idx %scatter3A_491[%shift_right_arithmetic3A_483, %and3A_486, %add3A_449], %get3A_477 : memref<4x8x129xf32, #tpu.memory_space<vmem>>[vector<16xi32>, vector<16xi32>, vector<16xi32>], vector<16xf32>,
          %mul3A_492 = arith.constant 8 : i32
          %mul3A_493 = arith.muli %scan3A_300, %mul3A_492 : i32
          %add3A_494 = arith.constant 4 : i32
          %add3A_495 = arith.addi %mul3A_493, %add3A_494 : i32
          %add3A_496 = vector.broadcast %add3A_495 : i32 to vector<16xi32>
          %add3A_497 = arith.addi %broadcast_in_dim3A_1, %add3A_496 : vector<16xi32>
          %get3A_498 = arith.constant 0 : i32
          %get3A_499 = arith.constant 0 : i32
          %get3A_500 = tpu.memref_slice %arg9[%scan3A_265, %get3A_498, %get3A_499] : memref<4x128x32xf32, #tpu.memory_space<vmem>> -> memref<1x128x32xf32, #tpu.memory_space<vmem>>
          %get3A_501 = tpu.memref_squeeze %get3A_500 : memref<1x128x32xf32, #tpu.memory_space<vmem>> -> memref<128x32xf32, #tpu.memory_space<vmem>>
          %get3A_502 = arith.index_cast %add3A_495 : i32 to index
          %get3A_503 = arith.constant 0 : index
          %get3A_504 = tpu.vector_load %get3A_501[%get3A_502, %get3A_503] {strides = array<i32>} : memref<128x32xf32, #tpu.memory_space<vmem>>, vector<16xf32>,
          %add3A_505 = arith.constant 0 : i32
          %add3A_506 = vector.broadcast %add3A_505 : i32 to vector<16xi32>
          %add3A_507 = arith.addi %iota3A, %add3A_506 : vector<16xi32>
          %shift_right_arithmetic3A_508 = arith.constant 3 : i32
          %shift_right_arithmetic3A_509 = vector.broadcast %shift_right_arithmetic3A_508 : i32 to vector<16xi32>
          %shift_right_arithmetic3A_510 = arith.shrsi %add3A_507, %shift_right_arithmetic3A_509 : vector<16xi32>
          %and3A_511 = arith.constant 7 : i32
          %and3A_512 = vector.broadcast %and3A_511 : i32 to vector<16xi32>
          %and3A_513 = arith.andi %add3A_507, %and3A_512 : vector<16xi32>
          %scatter3A_514 = arith.constant 0 : i32
          %scatter3A_515 = arith.constant 0 : i32
          %scatter3A_516 = arith.constant 0 : i32
          %scatter3A_517 = tpu.memref_slice %arg10[%scan3A_266, %scatter3A_514, %scatter3A_515, %scatter3A_516] : memref<2x4x8x129xf32, #tpu.memory_space<vmem>> -> memref<1x4x8x129xf32, #tpu.memory_space<vmem>>
          %scatter3A_518 = tpu.memref_squeeze %scatter3A_517 : memref<1x4x8x129xf32, #tpu.memory_space<vmem>> -> memref<4x8x129xf32, #tpu.memory_space<vmem>>
          tpu.vector_store_idx %scatter3A_518[%shift_right_arithmetic3A_510, %and3A_513, %add3A_497], %get3A_504 : memref<4x8x129xf32, #tpu.memory_space<vmem>>[vector<16xi32>, vector<16xi32>, vector<16xi32>], vector<16xf32>,
          %get3A_519 = arith.constant 0 : i32
          %get3A_520 = arith.constant 0 : i32
          %get3A_521 = tpu.memref_slice %arg9[%scan3A_265, %get3A_519, %get3A_520] : memref<4x128x32xf32, #tpu.memory_space<vmem>> -> memref<1x128x32xf32, #tpu.memory_space<vmem>>
          %get3A_522 = tpu.memref_squeeze %get3A_521 : memref<1x128x32xf32, #tpu.memory_space<vmem>> -> memref<128x32xf32, #tpu.memory_space<vmem>>
          %get3A_523 = arith.index_cast %add3A_495 : i32 to index
          %get3A_524 = arith.constant 16 : index
          %get3A_525 = tpu.vector_load %get3A_522[%get3A_523, %get3A_524] {strides = array<i32>} : memref<128x32xf32, #tpu.memory_space<vmem>>, vector<16xf32>,
          %add3A_526 = arith.constant 16 : i32
          %add3A_527 = vector.broadcast %add3A_526 : i32 to vector<16xi32>
          %add3A_528 = arith.addi %iota3A, %add3A_527 : vector<16xi32>
          %shift_right_arithmetic3A_529 = arith.constant 3 : i32
          %shift_right_arithmetic3A_530 = vector.broadcast %shift_right_arithmetic3A_529 : i32 to vector<16xi32>
          %shift_right_arithmetic3A_531 = arith.shrsi %add3A_528, %shift_right_arithmetic3A_530 : vector<16xi32>
          %and3A_532 = arith.constant 7 : i32
          %and3A_533 = vector.broadcast %and3A_532 : i32 to vector<16xi32>
          %and3A_534 = arith.andi %add3A_528, %and3A_533 : vector<16xi32>
          %scatter3A_535 = arith.constant 0 : i32
          %scatter3A_536 = arith.constant 0 : i32
          %scatter3A_537 = arith.constant 0 : i32
          %scatter3A_538 = tpu.memref_slice %arg10[%scan3A_266, %scatter3A_535, %scatter3A_536, %scatter3A_537] : memref<2x4x8x129xf32, #tpu.memory_space<vmem>> -> memref<1x4x8x129xf32, #tpu.memory_space<vmem>>
          %scatter3A_539 = tpu.memref_squeeze %scatter3A_538 : memref<1x4x8x129xf32, #tpu.memory_space<vmem>> -> memref<4x8x129xf32, #tpu.memory_space<vmem>>
          tpu.vector_store_idx %scatter3A_539[%shift_right_arithmetic3A_531, %and3A_534, %add3A_497], %get3A_525 : memref<4x8x129xf32, #tpu.memory_space<vmem>>[vector<16xi32>, vector<16xi32>, vector<16xi32>], vector<16xf32>,
          %mul3A_540 = arith.constant 8 : i32
          %mul3A_541 = arith.muli %scan3A_300, %mul3A_540 : i32
          %add3A_542 = arith.constant 5 : i32
          %add3A_543 = arith.addi %mul3A_541, %add3A_542 : i32
          %add3A_544 = vector.broadcast %add3A_543 : i32 to vector<16xi32>
          %add3A_545 = arith.addi %broadcast_in_dim3A_1, %add3A_544 : vector<16xi32>
          %get3A_546 = arith.constant 0 : i32
          %get3A_547 = arith.constant 0 : i32
          %get3A_548 = tpu.memref_slice %arg9[%scan3A_265, %get3A_546, %get3A_547] : memref<4x128x32xf32, #tpu.memory_space<vmem>> -> memref<1x128x32xf32, #tpu.memory_space<vmem>>
          %get3A_549 = tpu.memref_squeeze %get3A_548 : memref<1x128x32xf32, #tpu.memory_space<vmem>> -> memref<128x32xf32, #tpu.memory_space<vmem>>
          %get3A_550 = arith.index_cast %add3A_543 : i32 to index
          %get3A_551 = arith.constant 0 : index
          %get3A_552 = tpu.vector_load %get3A_549[%get3A_550, %get3A_551] {strides = array<i32>} : memref<128x32xf32, #tpu.memory_space<vmem>>, vector<16xf32>,
          %add3A_553 = arith.constant 0 : i32
          %add3A_554 = vector.broadcast %add3A_553 : i32 to vector<16xi32>
          %add3A_555 = arith.addi %iota3A, %add3A_554 : vector<16xi32>
          %shift_right_arithmetic3A_556 = arith.constant 3 : i32
          %shift_right_arithmetic3A_557 = vector.broadcast %shift_right_arithmetic3A_556 : i32 to vector<16xi32>
          %shift_right_arithmetic3A_558 = arith.shrsi %add3A_555, %shift_right_arithmetic3A_557 : vector<16xi32>
          %and3A_559 = arith.constant 7 : i32
          %and3A_560 = vector.broadcast %and3A_559 : i32 to vector<16xi32>
          %and3A_561 = arith.andi %add3A_555, %and3A_560 : vector<16xi32>
          %scatter3A_562 = arith.constant 0 : i32
          %scatter3A_563 = arith.constant 0 : i32
          %scatter3A_564 = arith.constant 0 : i32
          %scatter3A_565 = tpu.memref_slice %arg10[%scan3A_266, %scatter3A_562, %scatter3A_563, %scatter3A_564] : memref<2x4x8x129xf32, #tpu.memory_space<vmem>> -> memref<1x4x8x129xf32, #tpu.memory_space<vmem>>
          %scatter3A_566 = tpu.memref_squeeze %scatter3A_565 : memref<1x4x8x129xf32, #tpu.memory_space<vmem>> -> memref<4x8x129xf32, #tpu.memory_space<vmem>>
          tpu.vector_store_idx %scatter3A_566[%shift_right_arithmetic3A_558, %and3A_561, %add3A_545], %get3A_552 : memref<4x8x129xf32, #tpu.memory_space<vmem>>[vector<16xi32>, vector<16xi32>, vector<16xi32>], vector<16xf32>,
          %get3A_567 = arith.constant 0 : i32
          %get3A_568 = arith.constant 0 : i32
          %get3A_569 = tpu.memref_slice %arg9[%scan3A_265, %get3A_567, %get3A_568] : memref<4x128x32xf32, #tpu.memory_space<vmem>> -> memref<1x128x32xf32, #tpu.memory_space<vmem>>
          %get3A_570 = tpu.memref_squeeze %get3A_569 : memref<1x128x32xf32, #tpu.memory_space<vmem>> -> memref<128x32xf32, #tpu.memory_space<vmem>>
          %get3A_571 = arith.index_cast %add3A_543 : i32 to index
          %get3A_572 = arith.constant 16 : index
          %get3A_573 = tpu.vector_load %get3A_570[%get3A_571, %get3A_572] {strides = array<i32>} : memref<128x32xf32, #tpu.memory_space<vmem>>, vector<16xf32>,
          %add3A_574 = arith.constant 16 : i32
          %add3A_575 = vector.broadcast %add3A_574 : i32 to vector<16xi32>
          %add3A_576 = arith.addi %iota3A, %add3A_575 : vector<16xi32>
          %shift_right_arithmetic3A_577 = arith.constant 3 : i32
          %shift_right_arithmetic3A_578 = vector.broadcast %shift_right_arithmetic3A_577 : i32 to vector<16xi32>
          %shift_right_arithmetic3A_579 = arith.shrsi %add3A_576, %shift_right_arithmetic3A_578 : vector<16xi32>
          %and3A_580 = arith.constant 7 : i32
          %and3A_581 = vector.broadcast %and3A_580 : i32 to vector<16xi32>
          %and3A_582 = arith.andi %add3A_576, %and3A_581 : vector<16xi32>
          %scatter3A_583 = arith.constant 0 : i32
          %scatter3A_584 = arith.constant 0 : i32
          %scatter3A_585 = arith.constant 0 : i32
          %scatter3A_586 = tpu.memref_slice %arg10[%scan3A_266, %scatter3A_583, %scatter3A_584, %scatter3A_585] : memref<2x4x8x129xf32, #tpu.memory_space<vmem>> -> memref<1x4x8x129xf32, #tpu.memory_space<vmem>>
          %scatter3A_587 = tpu.memref_squeeze %scatter3A_586 : memref<1x4x8x129xf32, #tpu.memory_space<vmem>> -> memref<4x8x129xf32, #tpu.memory_space<vmem>>
          tpu.vector_store_idx %scatter3A_587[%shift_right_arithmetic3A_579, %and3A_582, %add3A_545], %get3A_573 : memref<4x8x129xf32, #tpu.memory_space<vmem>>[vector<16xi32>, vector<16xi32>, vector<16xi32>], vector<16xf32>,
          %mul3A_588 = arith.constant 8 : i32
          %mul3A_589 = arith.muli %scan3A_300, %mul3A_588 : i32
          %add3A_590 = arith.constant 6 : i32
          %add3A_591 = arith.addi %mul3A_589, %add3A_590 : i32
          %add3A_592 = vector.broadcast %add3A_591 : i32 to vector<16xi32>
          %add3A_593 = arith.addi %broadcast_in_dim3A_1, %add3A_592 : vector<16xi32>
          %get3A_594 = arith.constant 0 : i32
          %get3A_595 = arith.constant 0 : i32
          %get3A_596 = tpu.memref_slice %arg9[%scan3A_265, %get3A_594, %get3A_595] : memref<4x128x32xf32, #tpu.memory_space<vmem>> -> memref<1x128x32xf32, #tpu.memory_space<vmem>>
          %get3A_597 = tpu.memref_squeeze %get3A_596 : memref<1x128x32xf32, #tpu.memory_space<vmem>> -> memref<128x32xf32, #tpu.memory_space<vmem>>
          %get3A_598 = arith.index_cast %add3A_591 : i32 to index
          %get3A_599 = arith.constant 0 : index
          %get3A_600 = tpu.vector_load %get3A_597[%get3A_598, %get3A_599] {strides = array<i32>} : memref<128x32xf32, #tpu.memory_space<vmem>>, vector<16xf32>,
          %add3A_601 = arith.constant 0 : i32
          %add3A_602 = vector.broadcast %add3A_601 : i32 to vector<16xi32>
          %add3A_603 = arith.addi %iota3A, %add3A_602 : vector<16xi32>
          %shift_right_arithmetic3A_604 = arith.constant 3 : i32
          %shift_right_arithmetic3A_605 = vector.broadcast %shift_right_arithmetic3A_604 : i32 to vector<16xi32>
          %shift_right_arithmetic3A_606 = arith.shrsi %add3A_603, %shift_right_arithmetic3A_605 : vector<16xi32>
          %and3A_607 = arith.constant 7 : i32
          %and3A_608 = vector.broadcast %and3A_607 : i32 to vector<16xi32>
          %and3A_609 = arith.andi %add3A_603, %and3A_608 : vector<16xi32>
          %scatter3A_610 = arith.constant 0 : i32
          %scatter3A_611 = arith.constant 0 : i32
          %scatter3A_612 = arith.constant 0 : i32
          %scatter3A_613 = tpu.memref_slice %arg10[%scan3A_266, %scatter3A_610, %scatter3A_611, %scatter3A_612] : memref<2x4x8x129xf32, #tpu.memory_space<vmem>> -> memref<1x4x8x129xf32, #tpu.memory_space<vmem>>
          %scatter3A_614 = tpu.memref_squeeze %scatter3A_613 : memref<1x4x8x129xf32, #tpu.memory_space<vmem>> -> memref<4x8x129xf32, #tpu.memory_space<vmem>>
          tpu.vector_store_idx %scatter3A_614[%shift_right_arithmetic3A_606, %and3A_609, %add3A_593], %get3A_600 : memref<4x8x129xf32, #tpu.memory_space<vmem>>[vector<16xi32>, vector<16xi32>, vector<16xi32>], vector<16xf32>,
          %get3A_615 = arith.constant 0 : i32
          %get3A_616 = arith.constant 0 : i32
          %get3A_617 = tpu.memref_slice %arg9[%scan3A_265, %get3A_615, %get3A_616] : memref<4x128x32xf32, #tpu.memory_space<vmem>> -> memref<1x128x32xf32, #tpu.memory_space<vmem>>
          %get3A_618 = tpu.memref_squeeze %get3A_617 : memref<1x128x32xf32, #tpu.memory_space<vmem>> -> memref<128x32xf32, #tpu.memory_space<vmem>>
          %get3A_619 = arith.index_cast %add3A_591 : i32 to index
          %get3A_620 = arith.constant 16 : index
          %get3A_621 = tpu.vector_load %get3A_618[%get3A_619, %get3A_620] {strides = array<i32>} : memref<128x32xf32, #tpu.memory_space<vmem>>, vector<16xf32>,
          %add3A_622 = arith.constant 16 : i32
          %add3A_623 = vector.broadcast %add3A_622 : i32 to vector<16xi32>
          %add3A_624 = arith.addi %iota3A, %add3A_623 : vector<16xi32>
          %shift_right_arithmetic3A_625 = arith.constant 3 : i32
          %shift_right_arithmetic3A_626 = vector.broadcast %shift_right_arithmetic3A_625 : i32 to vector<16xi32>
          %shift_right_arithmetic3A_627 = arith.shrsi %add3A_624, %shift_right_arithmetic3A_626 : vector<16xi32>
          %and3A_628 = arith.constant 7 : i32
          %and3A_629 = vector.broadcast %and3A_628 : i32 to vector<16xi32>
          %and3A_630 = arith.andi %add3A_624, %and3A_629 : vector<16xi32>
          %scatter3A_631 = arith.constant 0 : i32
          %scatter3A_632 = arith.constant 0 : i32
          %scatter3A_633 = arith.constant 0 : i32
          %scatter3A_634 = tpu.memref_slice %arg10[%scan3A_266, %scatter3A_631, %scatter3A_632, %scatter3A_633] : memref<2x4x8x129xf32, #tpu.memory_space<vmem>> -> memref<1x4x8x129xf32, #tpu.memory_space<vmem>>
          %scatter3A_635 = tpu.memref_squeeze %scatter3A_634 : memref<1x4x8x129xf32, #tpu.memory_space<vmem>> -> memref<4x8x129xf32, #tpu.memory_space<vmem>>
          tpu.vector_store_idx %scatter3A_635[%shift_right_arithmetic3A_627, %and3A_630, %add3A_593], %get3A_621 : memref<4x8x129xf32, #tpu.memory_space<vmem>>[vector<16xi32>, vector<16xi32>, vector<16xi32>], vector<16xf32>,
          %mul3A_636 = arith.constant 8 : i32
          %mul3A_637 = arith.muli %scan3A_300, %mul3A_636 : i32
          %add3A_638 = arith.constant 7 : i32
          %add3A_639 = arith.addi %mul3A_637, %add3A_638 : i32
          %add3A_640 = vector.broadcast %add3A_639 : i32 to vector<16xi32>
          %add3A_641 = arith.addi %broadcast_in_dim3A_1, %add3A_640 : vector<16xi32>
          %get3A_642 = arith.constant 0 : i32
          %get3A_643 = arith.constant 0 : i32
          %get3A_644 = tpu.memref_slice %arg9[%scan3A_265, %get3A_642, %get3A_643] : memref<4x128x32xf32, #tpu.memory_space<vmem>> -> memref<1x128x32xf32, #tpu.memory_space<vmem>>
          %get3A_645 = tpu.memref_squeeze %get3A_644 : memref<1x128x32xf32, #tpu.memory_space<vmem>> -> memref<128x32xf32, #tpu.memory_space<vmem>>
          %get3A_646 = arith.index_cast %add3A_639 : i32 to index
          %get3A_647 = arith.constant 0 : index
          %get3A_648 = tpu.vector_load %get3A_645[%get3A_646, %get3A_647] {strides = array<i32>} : memref<128x32xf32, #tpu.memory_space<vmem>>, vector<16xf32>,
          %add3A_649 = arith.constant 0 : i32
          %add3A_650 = vector.broadcast %add3A_649 : i32 to vector<16xi32>
          %add3A_651 = arith.addi %iota3A, %add3A_650 : vector<16xi32>
          %shift_right_arithmetic3A_652 = arith.constant 3 : i32
          %shift_right_arithmetic3A_653 = vector.broadcast %shift_right_arithmetic3A_652 : i32 to vector<16xi32>
          %shift_right_arithmetic3A_654 = arith.shrsi %add3A_651, %shift_right_arithmetic3A_653 : vector<16xi32>
          %and3A_655 = arith.constant 7 : i32
          %and3A_656 = vector.broadcast %and3A_655 : i32 to vector<16xi32>
          %and3A_657 = arith.andi %add3A_651, %and3A_656 : vector<16xi32>
          %scatter3A_658 = arith.constant 0 : i32
          %scatter3A_659 = arith.constant 0 : i32
          %scatter3A_660 = arith.constant 0 : i32
          %scatter3A_661 = tpu.memref_slice %arg10[%scan3A_266, %scatter3A_658, %scatter3A_659, %scatter3A_660] : memref<2x4x8x129xf32, #tpu.memory_space<vmem>> -> memref<1x4x8x129xf32, #tpu.memory_space<vmem>>
          %scatter3A_662 = tpu.memref_squeeze %scatter3A_661 : memref<1x4x8x129xf32, #tpu.memory_space<vmem>> -> memref<4x8x129xf32, #tpu.memory_space<vmem>>
          tpu.vector_store_idx %scatter3A_662[%shift_right_arithmetic3A_654, %and3A_657, %add3A_641], %get3A_648 : memref<4x8x129xf32, #tpu.memory_space<vmem>>[vector<16xi32>, vector<16xi32>, vector<16xi32>], vector<16xf32>,
          %get3A_663 = arith.constant 0 : i32
          %get3A_664 = arith.constant 0 : i32
          %get3A_665 = tpu.memref_slice %arg9[%scan3A_265, %get3A_663, %get3A_664] : memref<4x128x32xf32, #tpu.memory_space<vmem>> -> memref<1x128x32xf32, #tpu.memory_space<vmem>>
          %get3A_666 = tpu.memref_squeeze %get3A_665 : memref<1x128x32xf32, #tpu.memory_space<vmem>> -> memref<128x32xf32, #tpu.memory_space<vmem>>
          %get3A_667 = arith.index_cast %add3A_639 : i32 to index
          %get3A_668 = arith.constant 16 : index
          %get3A_669 = tpu.vector_load %get3A_666[%get3A_667, %get3A_668] {strides = array<i32>} : memref<128x32xf32, #tpu.memory_space<vmem>>, vector<16xf32>,
          %add3A_670 = arith.constant 16 : i32
          %add3A_671 = vector.broadcast %add3A_670 : i32 to vector<16xi32>
          %add3A_672 = arith.addi %iota3A, %add3A_671 : vector<16xi32>
          %shift_right_arithmetic3A_673 = arith.constant 3 : i32
          %shift_right_arithmetic3A_674 = vector.broadcast %shift_right_arithmetic3A_673 : i32 to vector<16xi32>
          %shift_right_arithmetic3A_675 = arith.shrsi %add3A_672, %shift_right_arithmetic3A_674 : vector<16xi32>
          %and3A_676 = arith.constant 7 : i32
          %and3A_677 = vector.broadcast %and3A_676 : i32 to vector<16xi32>
          %and3A_678 = arith.andi %add3A_672, %and3A_677 : vector<16xi32>
          %scatter3A_679 = arith.constant 0 : i32
          %scatter3A_680 = arith.constant 0 : i32
          %scatter3A_681 = arith.constant 0 : i32
          %scatter3A_682 = tpu.memref_slice %arg10[%scan3A_266, %scatter3A_679, %scatter3A_680, %scatter3A_681] : memref<2x4x8x129xf32, #tpu.memory_space<vmem>> -> memref<1x4x8x129xf32, #tpu.memory_space<vmem>>
          %scatter3A_683 = tpu.memref_squeeze %scatter3A_682 : memref<1x4x8x129xf32, #tpu.memory_space<vmem>> -> memref<4x8x129xf32, #tpu.memory_space<vmem>>
          tpu.vector_store_idx %scatter3A_683[%shift_right_arithmetic3A_675, %and3A_678, %add3A_641], %get3A_669 : memref<4x8x129xf32, #tpu.memory_space<vmem>>[vector<16xi32>, vector<16xi32>, vector<16xi32>], vector<16xf32>,
          %scan3A_684 = arith.constant 0 : i32
          scf.yield %scan3A_684 : i32
        }
        %scan3A_273 = arith.constant 16 : i32
        %add3A_274 = arith.addi %mul3A_5, %add3A_242 : i32
        %shift_right_arithmetic3A_275 = arith.constant 5 : i32
        %shift_right_arithmetic3A_276 = arith.shrsi %add3A_274, %shift_right_arithmetic3A_275 : i32
        %and3A_277 = arith.constant 31 : i32
        %and3A_278 = arith.andi %add3A_274, %and3A_277 : i32
        %dma_start3A_279 = arith.constant 1 : i32
        %dma_start3A_280 = arith.constant 0 : i32
        %dma_start3A_281 = arith.constant 0 : i32
        %dma_start3A_282 = arith.constant 0 : i32
        %dma_start3A_283 = tpu.memref_slice %arg10[%dma_start3A_279, %dma_start3A_280, %dma_start3A_281, %dma_start3A_282] : memref<2x4x8x129xf32, #tpu.memory_space<vmem>> -> memref<1x4x8x128xf32, #tpu.memory_space<vmem>>
        %dma_start3A_284 = tpu.memref_squeeze %dma_start3A_283 : memref<1x4x8x128xf32, #tpu.memory_space<vmem>> -> memref<4x8x128xf32, #tpu.memory_space<vmem>>
        %dma_start3A_285 = arith.constant 0 : i32
        %dma_start3A_286 = arith.constant 0 : i32
        %dma_start3A_287 = arith.constant 0 : i32
        %dma_start3A_288 = tpu.memref_slice %arg5[%shift_right_arithmetic3A_276, %dma_start3A_285, %and3A_278, %dma_start3A_286, %dma_start3A_287] : memref<199x4x32x8x128xf32, #tpu.memory_space<hbm>> -> memref<1x4x1x8x128xf32, #tpu.memory_space<hbm>>
        %dma_start3A_289 = tpu.memref_squeeze %dma_start3A_288 : memref<1x4x1x8x128xf32, #tpu.memory_space<hbm>> -> memref<4x8x128xf32, #tpu.memory_space<hbm>>
        %dma_start3A_290 = arith.constant 0 : i32
        %dma_start3A_291 = arith.constant 0 : i32
        %dma_start3A_292 = arith.constant 0 : i32
        %dma_start3A_293 = tpu.memref_slice %arg5[%shift_right_arithmetic3A_276, %dma_start3A_290, %and3A_278, %dma_start3A_291, %dma_start3A_292] : memref<199x4x32x8x128xf32, #tpu.memory_space<hbm>> -> memref<1x4x1x8x128xf32, #tpu.memory_space<hbm>>
        %dma_start3A_294 = tpu.memref_squeeze %dma_start3A_293 : memref<1x4x1x8x128xf32, #tpu.memory_space<hbm>> -> memref<4x8x128xf32, #tpu.memory_space<hbm>>
        %dma_start3A_295 = arith.constant 0 : i32
        %dma_start3A_296 = arith.constant 0 : i32
        %dma_start3A_297 = arith.constant 0 : i32
        %dma_start3A_298 = tpu.memref_slice %arg10[%dma_start3A_279, %dma_start3A_295, %dma_start3A_296, %dma_start3A_297] : memref<2x4x8x129xf32, #tpu.memory_space<vmem>> -> memref<1x4x8x128xf32, #tpu.memory_space<vmem>>
        %dma_start3A_299 = tpu.memref_squeeze %dma_start3A_298 : memref<1x4x8x128xf32, #tpu.memory_space<vmem>> -> memref<4x8x128xf32, #tpu.memory_space<vmem>>
        tpu.enqueue_dma source(%dma_start3A_299 : memref<4x8x128xf32, #tpu.memory_space<vmem>>) target(%dma_start3A_294 : memref<4x8x128xf32, #tpu.memory_space<hbm>>) target_semaphore(%arg13 : memref<!tpu.dma_semaphore, #tpu.memory_space<semaphore_mem>>)
      } else {
      }
      %add3A_257 = arith.constant 4 : i32
      %add3A_258 = arith.addi %add3A_242, %add3A_257 : i32
      %le3A_259 = arith.constant 198 : i32
      %le3A_260 = arith.cmpi sle, %add3A_258, %le3A_259 : i32
      %convert_element_type3A_261 = arith.extui %le3A_260 : i1 to i32
      %cond3A_262 = arith.constant 0 : i32
      %cond3A_263 = arith.cmpi ne, %convert_element_type3A_261, %cond3A_262 : i32
      scf.if %cond3A_263 {
        %add3A_265 = arith.constant 4 : i32
        %add3A_266 = arith.addi %add3A_242, %add3A_265 : i32
        %dma_start3A_267 = arith.constant 3 : i32
        %dma_start3A_268 = arith.constant 0 : i32
        %dma_start3A_269 = arith.constant 0 : i32
        %dma_start3A_270 = tpu.memref_slice %arg9[%dma_start3A_267, %dma_start3A_268, %dma_start3A_269] : memref<4x128x32xf32, #tpu.memory_space<vmem>> -> memref<1x128x32xf32, #tpu.memory_space<vmem>>
        %dma_start3A_271 = tpu.memref_squeeze %dma_start3A_270 : memref<1x128x32xf32, #tpu.memory_space<vmem>> -> memref<128x32xf32, #tpu.memory_space<vmem>>
        %dma_start3A_272 = arith.constant 0 : i32
        %dma_start3A_273 = tpu.memref_slice %arg7[%add3A_266, %dma_start3A_272] : memref<199x128xi32, #tpu.memory_space<vmem>> -> memref<1x128xi32, #tpu.memory_space<vmem>>
        %dma_start3A_274 = tpu.memref_squeeze %dma_start3A_273 : memref<1x128xi32, #tpu.memory_space<vmem>> -> memref<128xi32, #tpu.memory_space<vmem>>
        %dma_start3A_275 = arith.constant 0 : i32
        %dma_start3A_276 = arith.constant 0 : i32
        %dma_start3A_277 = tpu.memref_slice %arg2[%dma_start3A_275, %dma_start3A_276] : memref<100000x32xf32, #tpu.memory_space<hbm>> -> memref<100000x32xf32, #tpu.memory_space<hbm>>
        tpu.enqueue_indirect_dma source(%dma_start3A_277 : memref<100000x32xf32, #tpu.memory_space<hbm>>) target(%dma_start3A_271 : memref<128x32xf32, #tpu.memory_space<vmem>>) offsets(%dma_start3A_274 : memref<128xi32, #tpu.memory_space<vmem>>) semaphore(%arg12 : memref<!tpu.dma_semaphore, #tpu.memory_space<semaphore_mem>>)
      } else {
      }
      %scan3A_264 = arith.constant 0 : i32
      scf.yield %scan3A_264 : i32
    }
    %scan3A_58 = arith.constant 50 : i32
    %add3A_59 = arith.constant 197 : i32
    %add3A_60 = arith.addi %mul3A_5, %add3A_59 : i32
    %shift_right_arithmetic3A = arith.constant 5 : i32
    %shift_right_arithmetic3A_61 = arith.shrsi %add3A_60, %shift_right_arithmetic3A : i32
    %and3A = arith.constant 31 : i32
    %and3A_62 = arith.andi %add3A_60, %and3A : i32
    %dma_wait3A = arith.constant 1 : i32
    %dma_wait3A_63 = arith.constant 0 : i32
    %dma_wait3A_64 = arith.constant 0 : i32
    %dma_wait3A_65 = arith.constant 0 : i32
    %dma_wait3A_66 = tpu.memref_slice %arg10[%dma_wait3A, %dma_wait3A_63, %dma_wait3A_64, %dma_wait3A_65] : memref<2x4x8x129xf32, #tpu.memory_space<vmem>> -> memref<1x4x8x128xf32, #tpu.memory_space<vmem>>
    %dma_wait3A_67 = tpu.memref_squeeze %dma_wait3A_66 : memref<1x4x8x128xf32, #tpu.memory_space<vmem>> -> memref<4x8x128xf32, #tpu.memory_space<vmem>>
    %dma_wait3A_68 = arith.constant 0 : i32
    %dma_wait3A_69 = arith.constant 0 : i32
    %dma_wait3A_70 = arith.constant 0 : i32
    %dma_wait3A_71 = tpu.memref_slice %arg5[%shift_right_arithmetic3A_61, %dma_wait3A_68, %and3A_62, %dma_wait3A_69, %dma_wait3A_70] : memref<199x4x32x8x128xf32, #tpu.memory_space<hbm>> -> memref<1x4x1x8x128xf32, #tpu.memory_space<hbm>>
    %dma_wait3A_72 = tpu.memref_squeeze %dma_wait3A_71 : memref<1x4x1x8x128xf32, #tpu.memory_space<hbm>> -> memref<4x8x128xf32, #tpu.memory_space<hbm>>
    %dma_wait3A_73 = arith.constant 0 : i32
    %dma_wait3A_74 = arith.constant 0 : i32
    %dma_wait3A_75 = arith.constant 0 : i32
    %dma_wait3A_76 = tpu.memref_slice %arg5[%shift_right_arithmetic3A_61, %dma_wait3A_73, %and3A_62, %dma_wait3A_74, %dma_wait3A_75] : memref<199x4x32x8x128xf32, #tpu.memory_space<hbm>> -> memref<1x4x1x8x128xf32, #tpu.memory_space<hbm>>
    %dma_wait3A_77 = tpu.memref_squeeze %dma_wait3A_76 : memref<1x4x1x8x128xf32, #tpu.memory_space<hbm>> -> memref<4x8x128xf32, #tpu.memory_space<hbm>>
    %dma_wait3A_78 = arith.constant 0 : i32
    %dma_wait3A_79 = arith.constant 0 : i32
    %dma_wait3A_80 = arith.constant 0 : i32
    %dma_wait3A_81 = tpu.memref_slice %arg10[%dma_wait3A, %dma_wait3A_78, %dma_wait3A_79, %dma_wait3A_80] : memref<2x4x8x129xf32, #tpu.memory_space<vmem>> -> memref<1x4x8x128xf32, #tpu.memory_space<vmem>>
    %dma_wait3A_82 = tpu.memref_squeeze %dma_wait3A_81 : memref<1x4x8x128xf32, #tpu.memory_space<vmem>> -> memref<4x8x128xf32, #tpu.memory_space<vmem>>
    tpu.wait_dma2 semaphore(%arg13 : memref<!tpu.dma_semaphore, #tpu.memory_space<semaphore_mem>>) src(%dma_wait3A_82 : memref<4x8x128xf32, #tpu.memory_space<vmem>>) dst(%dma_wait3A_77 : memref<4x8x128xf32, #tpu.memory_space<hbm>>)
    %add3A_83 = arith.constant 198 : i32
    %add3A_84 = arith.addi %mul3A_5, %add3A_83 : i32
    %shift_right_arithmetic3A_85 = arith.constant 5 : i32
    %shift_right_arithmetic3A_86 = arith.shrsi %add3A_84, %shift_right_arithmetic3A_85 : i32
    %and3A_87 = arith.constant 31 : i32
    %and3A_88 = arith.andi %add3A_84, %and3A_87 : i32
    %dma_wait3A_89 = arith.constant 0 : i32
    %dma_wait3A_90 = arith.constant 0 : i32
    %dma_wait3A_91 = arith.constant 0 : i32
    %dma_wait3A_92 = arith.constant 0 : i32
    %dma_wait3A_93 = tpu.memref_slice %arg10[%dma_wait3A_89, %dma_wait3A_90, %dma_wait3A_91, %dma_wait3A_92] : memref<2x4x8x129xf32, #tpu.memory_space<vmem>> -> memref<1x4x8x128xf32, #tpu.memory_space<vmem>>
    %dma_wait3A_94 = tpu.memref_squeeze %dma_wait3A_93 : memref<1x4x8x128xf32, #tpu.memory_space<vmem>> -> memref<4x8x128xf32, #tpu.memory_space<vmem>>
    %dma_wait3A_95 = arith.constant 0 : i32
    %dma_wait3A_96 = arith.constant 0 : i32
    %dma_wait3A_97 = arith.constant 0 : i32
    %dma_wait3A_98 = tpu.memref_slice %arg5[%shift_right_arithmetic3A_86, %dma_wait3A_95, %and3A_88, %dma_wait3A_96, %dma_wait3A_97] : memref<199x4x32x8x128xf32, #tpu.memory_space<hbm>> -> memref<1x4x1x8x128xf32, #tpu.memory_space<hbm>>
    %dma_wait3A_99 = tpu.memref_squeeze %dma_wait3A_98 : memref<1x4x1x8x128xf32, #tpu.memory_space<hbm>> -> memref<4x8x128xf32, #tpu.memory_space<hbm>>
    %dma_wait3A_100 = arith.constant 0 : i32
    %dma_wait3A_101 = arith.constant 0 : i32
    %dma_wait3A_102 = arith.constant 0 : i32
    %dma_wait3A_103 = tpu.memref_slice %arg5[%shift_right_arithmetic3A_86, %dma_wait3A_100, %and3A_88, %dma_wait3A_101, %dma_wait3A_102] : memref<199x4x32x8x128xf32, #tpu.memory_space<hbm>> -> memref<1x4x1x8x128xf32, #tpu.memory_space<hbm>>
    %dma_wait3A_104 = tpu.memref_squeeze %dma_wait3A_103 : memref<1x4x1x8x128xf32, #tpu.memory_space<hbm>> -> memref<4x8x128xf32, #tpu.memory_space<hbm>>
    %dma_wait3A_105 = arith.constant 0 : i32
    %dma_wait3A_106 = arith.constant 0 : i32
    %dma_wait3A_107 = arith.constant 0 : i32
    %dma_wait3A_108 = tpu.memref_slice %arg10[%dma_wait3A_89, %dma_wait3A_105, %dma_wait3A_106, %dma_wait3A_107] : memref<2x4x8x129xf32, #tpu.memory_space<vmem>> -> memref<1x4x8x128xf32, #tpu.memory_space<vmem>>
    %dma_wait3A_109 = tpu.memref_squeeze %dma_wait3A_108 : memref<1x4x8x128xf32, #tpu.memory_space<vmem>> -> memref<4x8x128xf32, #tpu.memory_space<vmem>>
    tpu.wait_dma2 semaphore(%arg13 : memref<!tpu.dma_semaphore, #tpu.memory_space<semaphore_mem>>) src(%dma_wait3A_109 : memref<4x8x128xf32, #tpu.memory_space<vmem>>) dst(%dma_wait3A_104 : memref<4x8x128xf32, #tpu.memory_space<hbm>>)
    "tpu.region"() ({
      %run_scoped3A = tpu.sem_alloc : memref<!tpu.dma_semaphore, #tpu.memory_space<semaphore_mem>>
      %dma_start3A_166 = arith.constant 0 : i32
      %dma_start3A_167 = tpu.memref_slice %arg4[%add3A, %dma_start3A_166] : memref<32x128xi32, #tpu.memory_space<hbm>> -> memref<1x128xi32, #tpu.memory_space<hbm>>
      %dma_start3A_168 = tpu.memref_squeeze %dma_start3A_167 : memref<1x128xi32, #tpu.memory_space<hbm>> -> memref<128xi32, #tpu.memory_space<hbm>>
      %dma_start3A_169 = arith.constant 0 : i32
      %dma_start3A_170 = tpu.memref_slice %arg4[%add3A, %dma_start3A_169] : memref<32x128xi32, #tpu.memory_space<hbm>> -> memref<1x128xi32, #tpu.memory_space<hbm>>
      %dma_start3A_171 = tpu.memref_squeeze %dma_start3A_170 : memref<1x128xi32, #tpu.memory_space<hbm>> -> memref<128xi32, #tpu.memory_space<hbm>>
      tpu.enqueue_dma source(%dma_start3A_171 : memref<128xi32, #tpu.memory_space<hbm>>) target(%arg8 : memref<128xi32, #tpu.memory_space<vmem>>) target_semaphore(%run_scoped3A : memref<!tpu.dma_semaphore, #tpu.memory_space<semaphore_mem>>)
      %dma_wait3A_172 = arith.constant 0 : i32
      %dma_wait3A_173 = tpu.memref_slice %arg4[%add3A, %dma_wait3A_172] : memref<32x128xi32, #tpu.memory_space<hbm>> -> memref<1x128xi32, #tpu.memory_space<hbm>>
      %dma_wait3A_174 = tpu.memref_squeeze %dma_wait3A_173 : memref<1x128xi32, #tpu.memory_space<hbm>> -> memref<128xi32, #tpu.memory_space<hbm>>
      %dma_wait3A_175 = arith.constant 0 : i32
      %dma_wait3A_176 = tpu.memref_slice %arg4[%add3A, %dma_wait3A_175] : memref<32x128xi32, #tpu.memory_space<hbm>> -> memref<1x128xi32, #tpu.memory_space<hbm>>
      %dma_wait3A_177 = tpu.memref_squeeze %dma_wait3A_176 : memref<1x128xi32, #tpu.memory_space<hbm>> -> memref<128xi32, #tpu.memory_space<hbm>>
      tpu.wait_dma2 semaphore(%run_scoped3A : memref<!tpu.dma_semaphore, #tpu.memory_space<semaphore_mem>>) src(%dma_wait3A_177 : memref<128xi32, #tpu.memory_space<hbm>>) dst(%arg8 : memref<128xi32, #tpu.memory_space<vmem>>)
      tpu.yield
    }) : () -> ()
    %dma_start3A_110 = arith.constant 0 : i32
    %dma_start3A_111 = arith.constant 0 : i32
    %dma_start3A_112 = tpu.memref_slice %arg2[%dma_start3A_110, %dma_start3A_111] : memref<100000x32xf32, #tpu.memory_space<hbm>> -> memref<100000x32xf32, #tpu.memory_space<hbm>>
    tpu.enqueue_indirect_dma source(%dma_start3A_112 : memref<100000x32xf32, #tpu.memory_space<hbm>>) target(%arg11 : memref<128x32xf32, #tpu.memory_space<vmem>>) offsets(%arg8 : memref<128xi32, #tpu.memory_space<vmem>>) semaphore(%arg12 : memref<!tpu.dma_semaphore, #tpu.memory_space<semaphore_mem>>)
    %dma_wait3A_113 = arith.constant 0 : i32
    %dma_wait3A_114 = arith.constant 0 : i32
    %dma_wait3A_115 = tpu.memref_slice %arg2[%dma_wait3A_113, %dma_wait3A_114] : memref<100000x32xf32, #tpu.memory_space<hbm>> -> memref<100000x32xf32, #tpu.memory_space<hbm>>
    tpu.wait_indirect_dma semaphore(%arg12 : memref<!tpu.dma_semaphore, #tpu.memory_space<semaphore_mem>>) src(%dma_wait3A_115 : memref<100000x32xf32, #tpu.memory_space<hbm>>) dst(%arg11 : memref<128x32xf32, #tpu.memory_space<vmem>>)
    %scan3A_116 = arith.constant 0 : i32
    %scan3A_117 = arith.constant 0 : i32
    %scan3A_118 = arith.constant 0 : i32
    %scan3A_119 = arith.constant 16 : i32
    %scan3A_120 = arith.addi %scan3A_118, %scan3A_119 : i32
    %scan3A_121 = arith.constant 1 : i32
    %scan3A_122 = scf.for %scan3A_166 = %scan3A_118 to %scan3A_120 step %scan3A_121 iter_args(%scan3A_167 = %scan3A_117) -> (i32)  : i32 {
      %mul3A_168 = arith.constant 8 : i32
      %mul3A_169 = arith.muli %scan3A_166, %mul3A_168 : i32
      %add3A_170 = arith.constant 0 : i32
      %add3A_171 = arith.addi %mul3A_169, %add3A_170 : i32
      %add3A_172 = vector.broadcast %add3A_171 : i32 to vector<16xi32>
      %add3A_173 = arith.addi %broadcast_in_dim3A_1, %add3A_172 : vector<16xi32>
      %get3A = arith.index_cast %add3A_171 : i32 to index
      %get3A_174 = arith.constant 0 : index
      %get3A_175 = tpu.vector_load %arg11[%get3A, %get3A_174] {strides = array<i32>} : memref<128x32xf32, #tpu.memory_space<vmem>>, vector<16xf32>,
      %add3A_176 = arith.constant 0 : i32
      %add3A_177 = vector.broadcast %add3A_176 : i32 to vector<16xi32>
      %add3A_178 = arith.addi %iota3A, %add3A_177 : vector<16xi32>
      %shift_right_arithmetic3A_179 = arith.constant 3 : i32
      %shift_right_arithmetic3A_180 = vector.broadcast %shift_right_arithmetic3A_179 : i32 to vector<16xi32>
      %shift_right_arithmetic3A_181 = arith.shrsi %add3A_178, %shift_right_arithmetic3A_180 : vector<16xi32>
      %and3A_182 = arith.constant 7 : i32
      %and3A_183 = vector.broadcast %and3A_182 : i32 to vector<16xi32>
      %and3A_184 = arith.andi %add3A_178, %and3A_183 : vector<16xi32>
      %scatter3A = arith.constant 0 : i32
      %scatter3A_185 = arith.constant 0 : i32
      %scatter3A_186 = arith.constant 0 : i32
      %scatter3A_187 = tpu.memref_slice %arg10[%scan3A_116, %scatter3A, %scatter3A_185, %scatter3A_186] : memref<2x4x8x129xf32, #tpu.memory_space<vmem>> -> memref<1x4x8x129xf32, #tpu.memory_space<vmem>>
      %scatter3A_188 = tpu.memref_squeeze %scatter3A_187 : memref<1x4x8x129xf32, #tpu.memory_space<vmem>> -> memref<4x8x129xf32, #tpu.memory_space<vmem>>
      tpu.vector_store_idx %scatter3A_188[%shift_right_arithmetic3A_181, %and3A_184, %add3A_173], %get3A_175 : memref<4x8x129xf32, #tpu.memory_space<vmem>>[vector<16xi32>, vector<16xi32>, vector<16xi32>], vector<16xf32>,
      %get3A_189 = arith.index_cast %add3A_171 : i32 to index
      %get3A_190 = arith.constant 16 : index
      %get3A_191 = tpu.vector_load %arg11[%get3A_189, %get3A_190] {strides = array<i32>} : memref<128x32xf32, #tpu.memory_space<vmem>>, vector<16xf32>,
      %add3A_192 = arith.constant 16 : i32
      %add3A_193 = vector.broadcast %add3A_192 : i32 to vector<16xi32>
      %add3A_194 = arith.addi %iota3A, %add3A_193 : vector<16xi32>
      %shift_right_arithmetic3A_195 = arith.constant 3 : i32
      %shift_right_arithmetic3A_196 = vector.broadcast %shift_right_arithmetic3A_195 : i32 to vector<16xi32>
      %shift_right_arithmetic3A_197 = arith.shrsi %add3A_194, %shift_right_arithmetic3A_196 : vector<16xi32>
      %and3A_198 = arith.constant 7 : i32
      %and3A_199 = vector.broadcast %and3A_198 : i32 to vector<16xi32>
      %and3A_200 = arith.andi %add3A_194, %and3A_199 : vector<16xi32>
      %scatter3A_201 = arith.constant 0 : i32
      %scatter3A_202 = arith.constant 0 : i32
      %scatter3A_203 = arith.constant 0 : i32
      %scatter3A_204 = tpu.memref_slice %arg10[%scan3A_116, %scatter3A_201, %scatter3A_202, %scatter3A_203] : memref<2x4x8x129xf32, #tpu.memory_space<vmem>> -> memref<1x4x8x129xf32, #tpu.memory_space<vmem>>
      %scatter3A_205 = tpu.memref_squeeze %scatter3A_204 : memref<1x4x8x129xf32, #tpu.memory_space<vmem>> -> memref<4x8x129xf32, #tpu.memory_space<vmem>>
      tpu.vector_store_idx %scatter3A_205[%shift_right_arithmetic3A_197, %and3A_200, %add3A_173], %get3A_191 : memref<4x8x129xf32, #tpu.memory_space<vmem>>[vector<16xi32>, vector<16xi32>, vector<16xi32>], vector<16xf32>,
      %mul3A_206 = arith.constant 8 : i32
      %mul3A_207 = arith.muli %scan3A_166, %mul3A_206 : i32
      %add3A_208 = arith.constant 1 : i32
      %add3A_209 = arith.addi %mul3A_207, %add3A_208 : i32
      %add3A_210 = vector.broadcast %add3A_209 : i32 to vector<16xi32>
      %add3A_211 = arith.addi %broadcast_in_dim3A_1, %add3A_210 : vector<16xi32>
      %get3A_212 = arith.index_cast %add3A_209 : i32 to index
      %get3A_213 = arith.constant 0 : index
      %get3A_214 = tpu.vector_load %arg11[%get3A_212, %get3A_213] {strides = array<i32>} : memref<128x32xf32, #tpu.memory_space<vmem>>, vector<16xf32>,
      %add3A_215 = arith.constant 0 : i32
      %add3A_216 = vector.broadcast %add3A_215 : i32 to vector<16xi32>
      %add3A_217 = arith.addi %iota3A, %add3A_216 : vector<16xi32>
      %shift_right_arithmetic3A_218 = arith.constant 3 : i32
      %shift_right_arithmetic3A_219 = vector.broadcast %shift_right_arithmetic3A_218 : i32 to vector<16xi32>
      %shift_right_arithmetic3A_220 = arith.shrsi %add3A_217, %shift_right_arithmetic3A_219 : vector<16xi32>
      %and3A_221 = arith.constant 7 : i32
      %and3A_222 = vector.broadcast %and3A_221 : i32 to vector<16xi32>
      %and3A_223 = arith.andi %add3A_217, %and3A_222 : vector<16xi32>
      %scatter3A_224 = arith.constant 0 : i32
      %scatter3A_225 = arith.constant 0 : i32
      %scatter3A_226 = arith.constant 0 : i32
      %scatter3A_227 = tpu.memref_slice %arg10[%scan3A_116, %scatter3A_224, %scatter3A_225, %scatter3A_226] : memref<2x4x8x129xf32, #tpu.memory_space<vmem>> -> memref<1x4x8x129xf32, #tpu.memory_space<vmem>>
      %scatter3A_228 = tpu.memref_squeeze %scatter3A_227 : memref<1x4x8x129xf32, #tpu.memory_space<vmem>> -> memref<4x8x129xf32, #tpu.memory_space<vmem>>
      tpu.vector_store_idx %scatter3A_228[%shift_right_arithmetic3A_220, %and3A_223, %add3A_211], %get3A_214 : memref<4x8x129xf32, #tpu.memory_space<vmem>>[vector<16xi32>, vector<16xi32>, vector<16xi32>], vector<16xf32>,
      %get3A_229 = arith.index_cast %add3A_209 : i32 to index
      %get3A_230 = arith.constant 16 : index
      %get3A_231 = tpu.vector_load %arg11[%get3A_229, %get3A_230] {strides = array<i32>} : memref<128x32xf32, #tpu.memory_space<vmem>>, vector<16xf32>,
      %add3A_232 = arith.constant 16 : i32
      %add3A_233 = vector.broadcast %add3A_232 : i32 to vector<16xi32>
      %add3A_234 = arith.addi %iota3A, %add3A_233 : vector<16xi32>
      %shift_right_arithmetic3A_235 = arith.constant 3 : i32
      %shift_right_arithmetic3A_236 = vector.broadcast %shift_right_arithmetic3A_235 : i32 to vector<16xi32>
      %shift_right_arithmetic3A_237 = arith.shrsi %add3A_234, %shift_right_arithmetic3A_236 : vector<16xi32>
      %and3A_238 = arith.constant 7 : i32
      %and3A_239 = vector.broadcast %and3A_238 : i32 to vector<16xi32>
      %and3A_240 = arith.andi %add3A_234, %and3A_239 : vector<16xi32>
      %scatter3A_241 = arith.constant 0 : i32
      %scatter3A_242 = arith.constant 0 : i32
      %scatter3A_243 = arith.constant 0 : i32
      %scatter3A_244 = tpu.memref_slice %arg10[%scan3A_116, %scatter3A_241, %scatter3A_242, %scatter3A_243] : memref<2x4x8x129xf32, #tpu.memory_space<vmem>> -> memref<1x4x8x129xf32, #tpu.memory_space<vmem>>
      %scatter3A_245 = tpu.memref_squeeze %scatter3A_244 : memref<1x4x8x129xf32, #tpu.memory_space<vmem>> -> memref<4x8x129xf32, #tpu.memory_space<vmem>>
      tpu.vector_store_idx %scatter3A_245[%shift_right_arithmetic3A_237, %and3A_240, %add3A_211], %get3A_231 : memref<4x8x129xf32, #tpu.memory_space<vmem>>[vector<16xi32>, vector<16xi32>, vector<16xi32>], vector<16xf32>,
      %mul3A_246 = arith.constant 8 : i32
      %mul3A_247 = arith.muli %scan3A_166, %mul3A_246 : i32
      %add3A_248 = arith.constant 2 : i32
      %add3A_249 = arith.addi %mul3A_247, %add3A_248 : i32
      %add3A_250 = vector.broadcast %add3A_249 : i32 to vector<16xi32>
      %add3A_251 = arith.addi %broadcast_in_dim3A_1, %add3A_250 : vector<16xi32>
      %get3A_252 = arith.index_cast %add3A_249 : i32 to index
      %get3A_253 = arith.constant 0 : index
      %get3A_254 = tpu.vector_load %arg11[%get3A_252, %get3A_253] {strides = array<i32>} : memref<128x32xf32, #tpu.memory_space<vmem>>, vector<16xf32>,
      %add3A_255 = arith.constant 0 : i32
      %add3A_256 = vector.broadcast %add3A_255 : i32 to vector<16xi32>
      %add3A_257 = arith.addi %iota3A, %add3A_256 : vector<16xi32>
      %shift_right_arithmetic3A_258 = arith.constant 3 : i32
      %shift_right_arithmetic3A_259 = vector.broadcast %shift_right_arithmetic3A_258 : i32 to vector<16xi32>
      %shift_right_arithmetic3A_260 = arith.shrsi %add3A_257, %shift_right_arithmetic3A_259 : vector<16xi32>
      %and3A_261 = arith.constant 7 : i32
      %and3A_262 = vector.broadcast %and3A_261 : i32 to vector<16xi32>
      %and3A_263 = arith.andi %add3A_257, %and3A_262 : vector<16xi32>
      %scatter3A_264 = arith.constant 0 : i32
      %scatter3A_265 = arith.constant 0 : i32
      %scatter3A_266 = arith.constant 0 : i32
      %scatter3A_267 = tpu.memref_slice %arg10[%scan3A_116, %scatter3A_264, %scatter3A_265, %scatter3A_266] : memref<2x4x8x129xf32, #tpu.memory_space<vmem>> -> memref<1x4x8x129xf32, #tpu.memory_space<vmem>>
      %scatter3A_268 = tpu.memref_squeeze %scatter3A_267 : memref<1x4x8x129xf32, #tpu.memory_space<vmem>> -> memref<4x8x129xf32, #tpu.memory_space<vmem>>
      tpu.vector_store_idx %scatter3A_268[%shift_right_arithmetic3A_260, %and3A_263, %add3A_251], %get3A_254 : memref<4x8x129xf32, #tpu.memory_space<vmem>>[vector<16xi32>, vector<16xi32>, vector<16xi32>], vector<16xf32>,
      %get3A_269 = arith.index_cast %add3A_249 : i32 to index
      %get3A_270 = arith.constant 16 : index
      %get3A_271 = tpu.vector_load %arg11[%get3A_269, %get3A_270] {strides = array<i32>} : memref<128x32xf32, #tpu.memory_space<vmem>>, vector<16xf32>,
      %add3A_272 = arith.constant 16 : i32
      %add3A_273 = vector.broadcast %add3A_272 : i32 to vector<16xi32>
      %add3A_274 = arith.addi %iota3A, %add3A_273 : vector<16xi32>
      %shift_right_arithmetic3A_275 = arith.constant 3 : i32
      %shift_right_arithmetic3A_276 = vector.broadcast %shift_right_arithmetic3A_275 : i32 to vector<16xi32>
      %shift_right_arithmetic3A_277 = arith.shrsi %add3A_274, %shift_right_arithmetic3A_276 : vector<16xi32>
      %and3A_278 = arith.constant 7 : i32
      %and3A_279 = vector.broadcast %and3A_278 : i32 to vector<16xi32>
      %and3A_280 = arith.andi %add3A_274, %and3A_279 : vector<16xi32>
      %scatter3A_281 = arith.constant 0 : i32
      %scatter3A_282 = arith.constant 0 : i32
      %scatter3A_283 = arith.constant 0 : i32
      %scatter3A_284 = tpu.memref_slice %arg10[%scan3A_116, %scatter3A_281, %scatter3A_282, %scatter3A_283] : memref<2x4x8x129xf32, #tpu.memory_space<vmem>> -> memref<1x4x8x129xf32, #tpu.memory_space<vmem>>
      %scatter3A_285 = tpu.memref_squeeze %scatter3A_284 : memref<1x4x8x129xf32, #tpu.memory_space<vmem>> -> memref<4x8x129xf32, #tpu.memory_space<vmem>>
      tpu.vector_store_idx %scatter3A_285[%shift_right_arithmetic3A_277, %and3A_280, %add3A_251], %get3A_271 : memref<4x8x129xf32, #tpu.memory_space<vmem>>[vector<16xi32>, vector<16xi32>, vector<16xi32>], vector<16xf32>,
      %mul3A_286 = arith.constant 8 : i32
      %mul3A_287 = arith.muli %scan3A_166, %mul3A_286 : i32
      %add3A_288 = arith.constant 3 : i32
      %add3A_289 = arith.addi %mul3A_287, %add3A_288 : i32
      %add3A_290 = vector.broadcast %add3A_289 : i32 to vector<16xi32>
      %add3A_291 = arith.addi %broadcast_in_dim3A_1, %add3A_290 : vector<16xi32>
      %get3A_292 = arith.index_cast %add3A_289 : i32 to index
      %get3A_293 = arith.constant 0 : index
      %get3A_294 = tpu.vector_load %arg11[%get3A_292, %get3A_293] {strides = array<i32>} : memref<128x32xf32, #tpu.memory_space<vmem>>, vector<16xf32>,
      %add3A_295 = arith.constant 0 : i32
      %add3A_296 = vector.broadcast %add3A_295 : i32 to vector<16xi32>
      %add3A_297 = arith.addi %iota3A, %add3A_296 : vector<16xi32>
      %shift_right_arithmetic3A_298 = arith.constant 3 : i32
      %shift_right_arithmetic3A_299 = vector.broadcast %shift_right_arithmetic3A_298 : i32 to vector<16xi32>
      %shift_right_arithmetic3A_300 = arith.shrsi %add3A_297, %shift_right_arithmetic3A_299 : vector<16xi32>
      %and3A_301 = arith.constant 7 : i32
      %and3A_302 = vector.broadcast %and3A_301 : i32 to vector<16xi32>
      %and3A_303 = arith.andi %add3A_297, %and3A_302 : vector<16xi32>
      %scatter3A_304 = arith.constant 0 : i32
      %scatter3A_305 = arith.constant 0 : i32
      %scatter3A_306 = arith.constant 0 : i32
      %scatter3A_307 = tpu.memref_slice %arg10[%scan3A_116, %scatter3A_304, %scatter3A_305, %scatter3A_306] : memref<2x4x8x129xf32, #tpu.memory_space<vmem>> -> memref<1x4x8x129xf32, #tpu.memory_space<vmem>>
      %scatter3A_308 = tpu.memref_squeeze %scatter3A_307 : memref<1x4x8x129xf32, #tpu.memory_space<vmem>> -> memref<4x8x129xf32, #tpu.memory_space<vmem>>
      tpu.vector_store_idx %scatter3A_308[%shift_right_arithmetic3A_300, %and3A_303, %add3A_291], %get3A_294 : memref<4x8x129xf32, #tpu.memory_space<vmem>>[vector<16xi32>, vector<16xi32>, vector<16xi32>], vector<16xf32>,
      %get3A_309 = arith.index_cast %add3A_289 : i32 to index
      %get3A_310 = arith.constant 16 : index
      %get3A_311 = tpu.vector_load %arg11[%get3A_309, %get3A_310] {strides = array<i32>} : memref<128x32xf32, #tpu.memory_space<vmem>>, vector<16xf32>,
      %add3A_312 = arith.constant 16 : i32
      %add3A_313 = vector.broadcast %add3A_312 : i32 to vector<16xi32>
      %add3A_314 = arith.addi %iota3A, %add3A_313 : vector<16xi32>
      %shift_right_arithmetic3A_315 = arith.constant 3 : i32
      %shift_right_arithmetic3A_316 = vector.broadcast %shift_right_arithmetic3A_315 : i32 to vector<16xi32>
      %shift_right_arithmetic3A_317 = arith.shrsi %add3A_314, %shift_right_arithmetic3A_316 : vector<16xi32>
      %and3A_318 = arith.constant 7 : i32
      %and3A_319 = vector.broadcast %and3A_318 : i32 to vector<16xi32>
      %and3A_320 = arith.andi %add3A_314, %and3A_319 : vector<16xi32>
      %scatter3A_321 = arith.constant 0 : i32
      %scatter3A_322 = arith.constant 0 : i32
      %scatter3A_323 = arith.constant 0 : i32
      %scatter3A_324 = tpu.memref_slice %arg10[%scan3A_116, %scatter3A_321, %scatter3A_322, %scatter3A_323] : memref<2x4x8x129xf32, #tpu.memory_space<vmem>> -> memref<1x4x8x129xf32, #tpu.memory_space<vmem>>
      %scatter3A_325 = tpu.memref_squeeze %scatter3A_324 : memref<1x4x8x129xf32, #tpu.memory_space<vmem>> -> memref<4x8x129xf32, #tpu.memory_space<vmem>>
      tpu.vector_store_idx %scatter3A_325[%shift_right_arithmetic3A_317, %and3A_320, %add3A_291], %get3A_311 : memref<4x8x129xf32, #tpu.memory_space<vmem>>[vector<16xi32>, vector<16xi32>, vector<16xi32>], vector<16xf32>,
      %mul3A_326 = arith.constant 8 : i32
      %mul3A_327 = arith.muli %scan3A_166, %mul3A_326 : i32
      %add3A_328 = arith.constant 4 : i32
      %add3A_329 = arith.addi %mul3A_327, %add3A_328 : i32
      %add3A_330 = vector.broadcast %add3A_329 : i32 to vector<16xi32>
      %add3A_331 = arith.addi %broadcast_in_dim3A_1, %add3A_330 : vector<16xi32>
      %get3A_332 = arith.index_cast %add3A_329 : i32 to index
      %get3A_333 = arith.constant 0 : index
      %get3A_334 = tpu.vector_load %arg11[%get3A_332, %get3A_333] {strides = array<i32>} : memref<128x32xf32, #tpu.memory_space<vmem>>, vector<16xf32>,
      %add3A_335 = arith.constant 0 : i32
      %add3A_336 = vector.broadcast %add3A_335 : i32 to vector<16xi32>
      %add3A_337 = arith.addi %iota3A, %add3A_336 : vector<16xi32>
      %shift_right_arithmetic3A_338 = arith.constant 3 : i32
      %shift_right_arithmetic3A_339 = vector.broadcast %shift_right_arithmetic3A_338 : i32 to vector<16xi32>
      %shift_right_arithmetic3A_340 = arith.shrsi %add3A_337, %shift_right_arithmetic3A_339 : vector<16xi32>
      %and3A_341 = arith.constant 7 : i32
      %and3A_342 = vector.broadcast %and3A_341 : i32 to vector<16xi32>
      %and3A_343 = arith.andi %add3A_337, %and3A_342 : vector<16xi32>
      %scatter3A_344 = arith.constant 0 : i32
      %scatter3A_345 = arith.constant 0 : i32
      %scatter3A_346 = arith.constant 0 : i32
      %scatter3A_347 = tpu.memref_slice %arg10[%scan3A_116, %scatter3A_344, %scatter3A_345, %scatter3A_346] : memref<2x4x8x129xf32, #tpu.memory_space<vmem>> -> memref<1x4x8x129xf32, #tpu.memory_space<vmem>>
      %scatter3A_348 = tpu.memref_squeeze %scatter3A_347 : memref<1x4x8x129xf32, #tpu.memory_space<vmem>> -> memref<4x8x129xf32, #tpu.memory_space<vmem>>
      tpu.vector_store_idx %scatter3A_348[%shift_right_arithmetic3A_340, %and3A_343, %add3A_331], %get3A_334 : memref<4x8x129xf32, #tpu.memory_space<vmem>>[vector<16xi32>, vector<16xi32>, vector<16xi32>], vector<16xf32>,
      %get3A_349 = arith.index_cast %add3A_329 : i32 to index
      %get3A_350 = arith.constant 16 : index
      %get3A_351 = tpu.vector_load %arg11[%get3A_349, %get3A_350] {strides = array<i32>} : memref<128x32xf32, #tpu.memory_space<vmem>>, vector<16xf32>,
      %add3A_352 = arith.constant 16 : i32
      %add3A_353 = vector.broadcast %add3A_352 : i32 to vector<16xi32>
      %add3A_354 = arith.addi %iota3A, %add3A_353 : vector<16xi32>
      %shift_right_arithmetic3A_355 = arith.constant 3 : i32
      %shift_right_arithmetic3A_356 = vector.broadcast %shift_right_arithmetic3A_355 : i32 to vector<16xi32>
      %shift_right_arithmetic3A_357 = arith.shrsi %add3A_354, %shift_right_arithmetic3A_356 : vector<16xi32>
      %and3A_358 = arith.constant 7 : i32
      %and3A_359 = vector.broadcast %and3A_358 : i32 to vector<16xi32>
      %and3A_360 = arith.andi %add3A_354, %and3A_359 : vector<16xi32>
      %scatter3A_361 = arith.constant 0 : i32
      %scatter3A_362 = arith.constant 0 : i32
      %scatter3A_363 = arith.constant 0 : i32
      %scatter3A_364 = tpu.memref_slice %arg10[%scan3A_116, %scatter3A_361, %scatter3A_362, %scatter3A_363] : memref<2x4x8x129xf32, #tpu.memory_space<vmem>> -> memref<1x4x8x129xf32, #tpu.memory_space<vmem>>
      %scatter3A_365 = tpu.memref_squeeze %scatter3A_364 : memref<1x4x8x129xf32, #tpu.memory_space<vmem>> -> memref<4x8x129xf32, #tpu.memory_space<vmem>>
      tpu.vector_store_idx %scatter3A_365[%shift_right_arithmetic3A_357, %and3A_360, %add3A_331], %get3A_351 : memref<4x8x129xf32, #tpu.memory_space<vmem>>[vector<16xi32>, vector<16xi32>, vector<16xi32>], vector<16xf32>,
      %mul3A_366 = arith.constant 8 : i32
      %mul3A_367 = arith.muli %scan3A_166, %mul3A_366 : i32
      %add3A_368 = arith.constant 5 : i32
      %add3A_369 = arith.addi %mul3A_367, %add3A_368 : i32
      %add3A_370 = vector.broadcast %add3A_369 : i32 to vector<16xi32>
      %add3A_371 = arith.addi %broadcast_in_dim3A_1, %add3A_370 : vector<16xi32>
      %get3A_372 = arith.index_cast %add3A_369 : i32 to index
      %get3A_373 = arith.constant 0 : index
      %get3A_374 = tpu.vector_load %arg11[%get3A_372, %get3A_373] {strides = array<i32>} : memref<128x32xf32, #tpu.memory_space<vmem>>, vector<16xf32>,
      %add3A_375 = arith.constant 0 : i32
      %add3A_376 = vector.broadcast %add3A_375 : i32 to vector<16xi32>
      %add3A_377 = arith.addi %iota3A, %add3A_376 : vector<16xi32>
      %shift_right_arithmetic3A_378 = arith.constant 3 : i32
      %shift_right_arithmetic3A_379 = vector.broadcast %shift_right_arithmetic3A_378 : i32 to vector<16xi32>
      %shift_right_arithmetic3A_380 = arith.shrsi %add3A_377, %shift_right_arithmetic3A_379 : vector<16xi32>
      %and3A_381 = arith.constant 7 : i32
      %and3A_382 = vector.broadcast %and3A_381 : i32 to vector<16xi32>
      %and3A_383 = arith.andi %add3A_377, %and3A_382 : vector<16xi32>
      %scatter3A_384 = arith.constant 0 : i32
      %scatter3A_385 = arith.constant 0 : i32
      %scatter3A_386 = arith.constant 0 : i32
      %scatter3A_387 = tpu.memref_slice %arg10[%scan3A_116, %scatter3A_384, %scatter3A_385, %scatter3A_386] : memref<2x4x8x129xf32, #tpu.memory_space<vmem>> -> memref<1x4x8x129xf32, #tpu.memory_space<vmem>>
      %scatter3A_388 = tpu.memref_squeeze %scatter3A_387 : memref<1x4x8x129xf32, #tpu.memory_space<vmem>> -> memref<4x8x129xf32, #tpu.memory_space<vmem>>
      tpu.vector_store_idx %scatter3A_388[%shift_right_arithmetic3A_380, %and3A_383, %add3A_371], %get3A_374 : memref<4x8x129xf32, #tpu.memory_space<vmem>>[vector<16xi32>, vector<16xi32>, vector<16xi32>], vector<16xf32>,
      %get3A_389 = arith.index_cast %add3A_369 : i32 to index
      %get3A_390 = arith.constant 16 : index
      %get3A_391 = tpu.vector_load %arg11[%get3A_389, %get3A_390] {strides = array<i32>} : memref<128x32xf32, #tpu.memory_space<vmem>>, vector<16xf32>,
      %add3A_392 = arith.constant 16 : i32
      %add3A_393 = vector.broadcast %add3A_392 : i32 to vector<16xi32>
      %add3A_394 = arith.addi %iota3A, %add3A_393 : vector<16xi32>
      %shift_right_arithmetic3A_395 = arith.constant 3 : i32
      %shift_right_arithmetic3A_396 = vector.broadcast %shift_right_arithmetic3A_395 : i32 to vector<16xi32>
      %shift_right_arithmetic3A_397 = arith.shrsi %add3A_394, %shift_right_arithmetic3A_396 : vector<16xi32>
      %and3A_398 = arith.constant 7 : i32
      %and3A_399 = vector.broadcast %and3A_398 : i32 to vector<16xi32>
      %and3A_400 = arith.andi %add3A_394, %and3A_399 : vector<16xi32>
      %scatter3A_401 = arith.constant 0 : i32
      %scatter3A_402 = arith.constant 0 : i32
      %scatter3A_403 = arith.constant 0 : i32
      %scatter3A_404 = tpu.memref_slice %arg10[%scan3A_116, %scatter3A_401, %scatter3A_402, %scatter3A_403] : memref<2x4x8x129xf32, #tpu.memory_space<vmem>> -> memref<1x4x8x129xf32, #tpu.memory_space<vmem>>
      %scatter3A_405 = tpu.memref_squeeze %scatter3A_404 : memref<1x4x8x129xf32, #tpu.memory_space<vmem>> -> memref<4x8x129xf32, #tpu.memory_space<vmem>>
      tpu.vector_store_idx %scatter3A_405[%shift_right_arithmetic3A_397, %and3A_400, %add3A_371], %get3A_391 : memref<4x8x129xf32, #tpu.memory_space<vmem>>[vector<16xi32>, vector<16xi32>, vector<16xi32>], vector<16xf32>,
      %mul3A_406 = arith.constant 8 : i32
      %mul3A_407 = arith.muli %scan3A_166, %mul3A_406 : i32
      %add3A_408 = arith.constant 6 : i32
      %add3A_409 = arith.addi %mul3A_407, %add3A_408 : i32
      %add3A_410 = vector.broadcast %add3A_409 : i32 to vector<16xi32>
      %add3A_411 = arith.addi %broadcast_in_dim3A_1, %add3A_410 : vector<16xi32>
      %get3A_412 = arith.index_cast %add3A_409 : i32 to index
      %get3A_413 = arith.constant 0 : index
      %get3A_414 = tpu.vector_load %arg11[%get3A_412, %get3A_413] {strides = array<i32>} : memref<128x32xf32, #tpu.memory_space<vmem>>, vector<16xf32>,
      %add3A_415 = arith.constant 0 : i32
      %add3A_416 = vector.broadcast %add3A_415 : i32 to vector<16xi32>
      %add3A_417 = arith.addi %iota3A, %add3A_416 : vector<16xi32>
      %shift_right_arithmetic3A_418 = arith.constant 3 : i32
      %shift_right_arithmetic3A_419 = vector.broadcast %shift_right_arithmetic3A_418 : i32 to vector<16xi32>
      %shift_right_arithmetic3A_420 = arith.shrsi %add3A_417, %shift_right_arithmetic3A_419 : vector<16xi32>
      %and3A_421 = arith.constant 7 : i32
      %and3A_422 = vector.broadcast %and3A_421 : i32 to vector<16xi32>
      %and3A_423 = arith.andi %add3A_417, %and3A_422 : vector<16xi32>
      %scatter3A_424 = arith.constant 0 : i32
      %scatter3A_425 = arith.constant 0 : i32
      %scatter3A_426 = arith.constant 0 : i32
      %scatter3A_427 = tpu.memref_slice %arg10[%scan3A_116, %scatter3A_424, %scatter3A_425, %scatter3A_426] : memref<2x4x8x129xf32, #tpu.memory_space<vmem>> -> memref<1x4x8x129xf32, #tpu.memory_space<vmem>>
      %scatter3A_428 = tpu.memref_squeeze %scatter3A_427 : memref<1x4x8x129xf32, #tpu.memory_space<vmem>> -> memref<4x8x129xf32, #tpu.memory_space<vmem>>
      tpu.vector_store_idx %scatter3A_428[%shift_right_arithmetic3A_420, %and3A_423, %add3A_411], %get3A_414 : memref<4x8x129xf32, #tpu.memory_space<vmem>>[vector<16xi32>, vector<16xi32>, vector<16xi32>], vector<16xf32>,
      %get3A_429 = arith.index_cast %add3A_409 : i32 to index
      %get3A_430 = arith.constant 16 : index
      %get3A_431 = tpu.vector_load %arg11[%get3A_429, %get3A_430] {strides = array<i32>} : memref<128x32xf32, #tpu.memory_space<vmem>>, vector<16xf32>,
      %add3A_432 = arith.constant 16 : i32
      %add3A_433 = vector.broadcast %add3A_432 : i32 to vector<16xi32>
      %add3A_434 = arith.addi %iota3A, %add3A_433 : vector<16xi32>
      %shift_right_arithmetic3A_435 = arith.constant 3 : i32
      %shift_right_arithmetic3A_436 = vector.broadcast %shift_right_arithmetic3A_435 : i32 to vector<16xi32>
      %shift_right_arithmetic3A_437 = arith.shrsi %add3A_434, %shift_right_arithmetic3A_436 : vector<16xi32>
      %and3A_438 = arith.constant 7 : i32
      %and3A_439 = vector.broadcast %and3A_438 : i32 to vector<16xi32>
      %and3A_440 = arith.andi %add3A_434, %and3A_439 : vector<16xi32>
      %scatter3A_441 = arith.constant 0 : i32
      %scatter3A_442 = arith.constant 0 : i32
      %scatter3A_443 = arith.constant 0 : i32
      %scatter3A_444 = tpu.memref_slice %arg10[%scan3A_116, %scatter3A_441, %scatter3A_442, %scatter3A_443] : memref<2x4x8x129xf32, #tpu.memory_space<vmem>> -> memref<1x4x8x129xf32, #tpu.memory_space<vmem>>
      %scatter3A_445 = tpu.memref_squeeze %scatter3A_444 : memref<1x4x8x129xf32, #tpu.memory_space<vmem>> -> memref<4x8x129xf32, #tpu.memory_space<vmem>>
      tpu.vector_store_idx %scatter3A_445[%shift_right_arithmetic3A_437, %and3A_440, %add3A_411], %get3A_431 : memref<4x8x129xf32, #tpu.memory_space<vmem>>[vector<16xi32>, vector<16xi32>, vector<16xi32>], vector<16xf32>,
      %mul3A_446 = arith.constant 8 : i32
      %mul3A_447 = arith.muli %scan3A_166, %mul3A_446 : i32
      %add3A_448 = arith.constant 7 : i32
      %add3A_449 = arith.addi %mul3A_447, %add3A_448 : i32
      %add3A_450 = vector.broadcast %add3A_449 : i32 to vector<16xi32>
      %add3A_451 = arith.addi %broadcast_in_dim3A_1, %add3A_450 : vector<16xi32>
      %get3A_452 = arith.index_cast %add3A_449 : i32 to index
      %get3A_453 = arith.constant 0 : index
      %get3A_454 = tpu.vector_load %arg11[%get3A_452, %get3A_453] {strides = array<i32>} : memref<128x32xf32, #tpu.memory_space<vmem>>, vector<16xf32>,
      %add3A_455 = arith.constant 0 : i32
      %add3A_456 = vector.broadcast %add3A_455 : i32 to vector<16xi32>
      %add3A_457 = arith.addi %iota3A, %add3A_456 : vector<16xi32>
      %shift_right_arithmetic3A_458 = arith.constant 3 : i32
      %shift_right_arithmetic3A_459 = vector.broadcast %shift_right_arithmetic3A_458 : i32 to vector<16xi32>
      %shift_right_arithmetic3A_460 = arith.shrsi %add3A_457, %shift_right_arithmetic3A_459 : vector<16xi32>
      %and3A_461 = arith.constant 7 : i32
      %and3A_462 = vector.broadcast %and3A_461 : i32 to vector<16xi32>
      %and3A_463 = arith.andi %add3A_457, %and3A_462 : vector<16xi32>
      %scatter3A_464 = arith.constant 0 : i32
      %scatter3A_465 = arith.constant 0 : i32
      %scatter3A_466 = arith.constant 0 : i32
      %scatter3A_467 = tpu.memref_slice %arg10[%scan3A_116, %scatter3A_464, %scatter3A_465, %scatter3A_466] : memref<2x4x8x129xf32, #tpu.memory_space<vmem>> -> memref<1x4x8x129xf32, #tpu.memory_space<vmem>>
      %scatter3A_468 = tpu.memref_squeeze %scatter3A_467 : memref<1x4x8x129xf32, #tpu.memory_space<vmem>> -> memref<4x8x129xf32, #tpu.memory_space<vmem>>
      tpu.vector_store_idx %scatter3A_468[%shift_right_arithmetic3A_460, %and3A_463, %add3A_451], %get3A_454 : memref<4x8x129xf32, #tpu.memory_space<vmem>>[vector<16xi32>, vector<16xi32>, vector<16xi32>], vector<16xf32>,
      %get3A_469 = arith.index_cast %add3A_449 : i32 to index
      %get3A_470 = arith.constant 16 : index
      %get3A_471 = tpu.vector_load %arg11[%get3A_469, %get3A_470] {strides = array<i32>} : memref<128x32xf32, #tpu.memory_space<vmem>>, vector<16xf32>,
      %add3A_472 = arith.constant 16 : i32
      %add3A_473 = vector.broadcast %add3A_472 : i32 to vector<16xi32>
      %add3A_474 = arith.addi %iota3A, %add3A_473 : vector<16xi32>
      %shift_right_arithmetic3A_475 = arith.constant 3 : i32
      %shift_right_arithmetic3A_476 = vector.broadcast %shift_right_arithmetic3A_475 : i32 to vector<16xi32>
      %shift_right_arithmetic3A_477 = arith.shrsi %add3A_474, %shift_right_arithmetic3A_476 : vector<16xi32>
      %and3A_478 = arith.constant 7 : i32
      %and3A_479 = vector.broadcast %and3A_478 : i32 to vector<16xi32>
      %and3A_480 = arith.andi %add3A_474, %and3A_479 : vector<16xi32>
      %scatter3A_481 = arith.constant 0 : i32
      %scatter3A_482 = arith.constant 0 : i32
      %scatter3A_483 = arith.constant 0 : i32
      %scatter3A_484 = tpu.memref_slice %arg10[%scan3A_116, %scatter3A_481, %scatter3A_482, %scatter3A_483] : memref<2x4x8x129xf32, #tpu.memory_space<vmem>> -> memref<1x4x8x129xf32, #tpu.memory_space<vmem>>
      %scatter3A_485 = tpu.memref_squeeze %scatter3A_484 : memref<1x4x8x129xf32, #tpu.memory_space<vmem>> -> memref<4x8x129xf32, #tpu.memory_space<vmem>>
      tpu.vector_store_idx %scatter3A_485[%shift_right_arithmetic3A_477, %and3A_480, %add3A_451], %get3A_471 : memref<4x8x129xf32, #tpu.memory_space<vmem>>[vector<16xi32>, vector<16xi32>, vector<16xi32>], vector<16xf32>,
      %scan3A_486 = arith.constant 0 : i32
      scf.yield %scan3A_486 : i32
    }
    %scan3A_123 = arith.constant 16 : i32
    %dma_start3A_124 = arith.constant 0 : i32
    %dma_start3A_125 = arith.constant 0 : i32
    %dma_start3A_126 = arith.constant 0 : i32
    %dma_start3A_127 = arith.constant 0 : i32
    %dma_start3A_128 = tpu.memref_slice %arg10[%dma_start3A_124, %dma_start3A_125, %dma_start3A_126, %dma_start3A_127] : memref<2x4x8x129xf32, #tpu.memory_space<vmem>> -> memref<1x4x8x128xf32, #tpu.memory_space<vmem>>
    %dma_start3A_129 = tpu.memref_squeeze %dma_start3A_128 : memref<1x4x8x128xf32, #tpu.memory_space<vmem>> -> memref<4x8x128xf32, #tpu.memory_space<vmem>>
    %dma_start3A_130 = arith.constant 0 : i32
    %dma_start3A_131 = arith.constant 0 : i32
    %dma_start3A_132 = arith.constant 0 : i32
    %dma_start3A_133 = tpu.memref_slice %arg6[%dma_start3A_130, %add3A, %dma_start3A_131, %dma_start3A_132] : memref<4x32x8x128xf32, #tpu.memory_space<hbm>> -> memref<4x1x8x128xf32, #tpu.memory_space<hbm>>
    %dma_start3A_134 = tpu.memref_squeeze %dma_start3A_133 : memref<4x1x8x128xf32, #tpu.memory_space<hbm>> -> memref<4x8x128xf32, #tpu.memory_space<hbm>>
    %dma_start3A_135 = arith.constant 0 : i32
    %dma_start3A_136 = arith.constant 0 : i32
    %dma_start3A_137 = arith.constant 0 : i32
    %dma_start3A_138 = tpu.memref_slice %arg6[%dma_start3A_135, %add3A, %dma_start3A_136, %dma_start3A_137] : memref<4x32x8x128xf32, #tpu.memory_space<hbm>> -> memref<4x1x8x128xf32, #tpu.memory_space<hbm>>
    %dma_start3A_139 = tpu.memref_squeeze %dma_start3A_138 : memref<4x1x8x128xf32, #tpu.memory_space<hbm>> -> memref<4x8x128xf32, #tpu.memory_space<hbm>>
    %dma_start3A_140 = arith.constant 0 : i32
    %dma_start3A_141 = arith.constant 0 : i32
    %dma_start3A_142 = arith.constant 0 : i32
    %dma_start3A_143 = tpu.memref_slice %arg10[%dma_start3A_124, %dma_start3A_140, %dma_start3A_141, %dma_start3A_142] : memref<2x4x8x129xf32, #tpu.memory_space<vmem>> -> memref<1x4x8x128xf32, #tpu.memory_space<vmem>>
    %dma_start3A_144 = tpu.memref_squeeze %dma_start3A_143 : memref<1x4x8x128xf32, #tpu.memory_space<vmem>> -> memref<4x8x128xf32, #tpu.memory_space<vmem>>
    tpu.enqueue_dma source(%dma_start3A_144 : memref<4x8x128xf32, #tpu.memory_space<vmem>>) target(%dma_start3A_139 : memref<4x8x128xf32, #tpu.memory_space<hbm>>) target_semaphore(%arg13 : memref<!tpu.dma_semaphore, #tpu.memory_space<semaphore_mem>>)
    %dma_wait3A_145 = arith.constant 0 : i32
    %dma_wait3A_146 = arith.constant 0 : i32
    %dma_wait3A_147 = arith.constant 0 : i32
    %dma_wait3A_148 = arith.constant 0 : i32
    %dma_wait3A_149 = tpu.memref_slice %arg10[%dma_wait3A_145, %dma_wait3A_146, %dma_wait3A_147, %dma_wait3A_148] : memref<2x4x8x129xf32, #tpu.memory_space<vmem>> -> memref<1x4x8x128xf32, #tpu.memory_space<vmem>>
    %dma_wait3A_150 = tpu.memref_squeeze %dma_wait3A_149 : memref<1x4x8x128xf32, #tpu.memory_space<vmem>> -> memref<4x8x128xf32, #tpu.memory_space<vmem>>
    %dma_wait3A_151 = arith.constant 0 : i32
    %dma_wait3A_152 = arith.constant 0 : i32
    %dma_wait3A_153 = arith.constant 0 : i32
    %dma_wait3A_154 = tpu.memref_slice %arg6[%dma_wait3A_151, %add3A, %dma_wait3A_152, %dma_wait3A_153] : memref<4x32x8x128xf32, #tpu.memory_space<hbm>> -> memref<4x1x8x128xf32, #tpu.memory_space<hbm>>
    %dma_wait3A_155 = tpu.memref_squeeze %dma_wait3A_154 : memref<4x1x8x128xf32, #tpu.memory_space<hbm>> -> memref<4x8x128xf32, #tpu.memory_space<hbm>>
    %dma_wait3A_156 = arith.constant 0 : i32
    %dma_wait3A_157 = arith.constant 0 : i32
    %dma_wait3A_158 = arith.constant 0 : i32
    %dma_wait3A_159 = tpu.memref_slice %arg6[%dma_wait3A_156, %add3A, %dma_wait3A_157, %dma_wait3A_158] : memref<4x32x8x128xf32, #tpu.memory_space<hbm>> -> memref<4x1x8x128xf32, #tpu.memory_space<hbm>>
    %dma_wait3A_160 = tpu.memref_squeeze %dma_wait3A_159 : memref<4x1x8x128xf32, #tpu.memory_space<hbm>> -> memref<4x8x128xf32, #tpu.memory_space<hbm>>
    %dma_wait3A_161 = arith.constant 0 : i32
    %dma_wait3A_162 = arith.constant 0 : i32
    %dma_wait3A_163 = arith.constant 0 : i32
    %dma_wait3A_164 = tpu.memref_slice %arg10[%dma_wait3A_145, %dma_wait3A_161, %dma_wait3A_162, %dma_wait3A_163] : memref<2x4x8x129xf32, #tpu.memory_space<vmem>> -> memref<1x4x8x128xf32, #tpu.memory_space<vmem>>
    %dma_wait3A_165 = tpu.memref_squeeze %dma_wait3A_164 : memref<1x4x8x128xf32, #tpu.memory_space<vmem>> -> memref<4x8x128xf32, #tpu.memory_space<vmem>>
    tpu.wait_dma2 semaphore(%arg13 : memref<!tpu.dma_semaphore, #tpu.memory_space<semaphore_mem>>) src(%dma_wait3A_165 : memref<4x8x128xf32, #tpu.memory_space<vmem>>) dst(%dma_wait3A_160 : memref<4x8x128xf32, #tpu.memory_space<hbm>>)
    return
  }
}

module attributes {stable_mosaic.version = 14 : i64} {
  func.func @_tc_body(%arg0: i32, %arg1: memref<5x200x512xf32, #tpu.memory_space<vmem>>, %arg2: memref<200x512xi32, #tpu.memory_space<vmem>>, %arg3: memref<1x512xi32, #tpu.memory_space<vmem>>, %arg4: memref<2x512xf32, #tpu.memory_space<vmem>>, %arg5: memref<199x512xf32, #tpu.memory_space<vmem>>, %arg6: memref<199x512xf32, #tpu.memory_space<vmem>>) attributes {dimension_semantics = [#tpu.dimension_semantics<arbitrary>], iteration_bounds = array<i64: 8>, scalar_prefetch = 0 : i64, scratch_operands = 0 : i64, tpu.core_type = #tpu.core_type<tc>, window_params = [{transform_indices = @transform_0, window_bounds = array<i64: 5, 200, 512>}, {transform_indices = @transform_1, window_bounds = array<i64: 200, 512>}, {transform_indices = @transform_2, window_bounds = array<i64: 1, 512>}, {transform_indices = @transform_3, window_bounds = array<i64: 2, 512>}, {transform_indices = @transform_4, window_bounds = array<i64: 199, 512>}, {transform_indices = @transform_5, window_bounds = array<i64: 199, 512>}]} {
    %get3A = arith.constant 0 : index
    %get3A_0 = arith.constant 0 : index
    %get3A_1 = arith.constant 0 : index
    %get3A_2 = vector.load %arg1[%get3A, %get3A_0, %get3A_1] : memref<5x200x512xf32, #tpu.memory_space<vmem>>, vector<1x200x512xf32>
    %get3A_3 = vector.shape_cast %get3A_2 : vector<1x200x512xf32> to vector<200x512xf32>
    %get3A_4 = arith.constant 3 : index
    %get3A_5 = arith.constant 0 : index
    %get3A_6 = arith.constant 0 : index
    %get3A_7 = vector.load %arg1[%get3A_4, %get3A_5, %get3A_6] : memref<5x200x512xf32, #tpu.memory_space<vmem>>, vector<1x200x512xf32>
    %get3A_8 = vector.shape_cast %get3A_7 : vector<1x200x512xf32> to vector<200x512xf32>
    %get3A_9 = arith.constant 4 : index
    %get3A_10 = arith.constant 0 : index
    %get3A_11 = arith.constant 0 : index
    %get3A_12 = vector.load %arg1[%get3A_9, %get3A_10, %get3A_11] : memref<5x200x512xf32, #tpu.memory_space<vmem>>, vector<1x200x512xf32>
    %get3A_13 = vector.shape_cast %get3A_12 : vector<1x200x512xf32> to vector<200x512xf32>
    %iota3A = tpu.iota {dimensions = array<i32: 0>} : vector<200x512xi32>
    %eq3A = arith.constant 1.000000e+00 : f32
    %eq3A_14 = vector.broadcast %eq3A : f32 to vector<200x512xf32>
    %eq3A_15 = arith.cmpf oeq, %get3A_3, %eq3A_14 : vector<200x512xf32>
    %jit3A = arith.constant 200 : i32
    %broadcast_in_dim3A = vector.broadcast %jit3A : i32 to vector<200x512xi32>
    %select_n3A = arith.select %eq3A_15, %iota3A, %broadcast_in_dim3A : vector<200x512xi1>, vector<200x512xi32>
    %reduce_min3A = arith.constant dense<2147483647> : vector<512xi32>
    %reduce_min3A_16 = vector.multi_reduction <minsi>, %select_n3A, %reduce_min3A [0] : vector<200x512xi32> to vector<512xi32>
    %broadcast_in_dim3A_17 = vector.shape_cast %reduce_min3A_16 : vector<512xi32> to vector<1x512xi32>
    %eq3A_18 = arith.constant 200 : i32
    %eq3A_19 = vector.broadcast %eq3A_18 : i32 to vector<1x512xi32>
    %eq3A_20 = arith.cmpi eq, %broadcast_in_dim3A_17, %eq3A_19 : vector<1x512xi32>
    %jit3A_21 = arith.constant 0 : i32
    %broadcast_in_dim3A_22 = vector.broadcast %jit3A_21 : i32 to vector<1x512xi32>
    %select_n3A_23 = arith.select %eq3A_20, %broadcast_in_dim3A_22, %broadcast_in_dim3A_17 : vector<1x512xi1>, vector<1x512xi32>
    %eq3A_24 = vector.broadcast %select_n3A_23 : vector<1x512xi32> to vector<200x512xi32>
    %eq3A_25 = arith.cmpi eq, %iota3A, %eq3A_24 : vector<200x512xi32>
    %convert_element_type3A = arith.fptosi %get3A_3 : vector<200x512xf32> to vector<200x512xi32>
    %jit3A_26 = arith.constant 0 : i32
    %broadcast_in_dim3A_27 = vector.broadcast %jit3A_26 : i32 to vector<200x512xi32>
    %select_n3A_28 = arith.select %eq3A_25, %convert_element_type3A, %broadcast_in_dim3A_27 : vector<200x512xi1>, vector<200x512xi32>
    %reduce_sum3A = arith.constant dense<0> : vector<512xi32>
    %reduce_sum3A_29 = vector.multi_reduction <add>, %select_n3A_28, %reduce_sum3A [0] : vector<200x512xi32> to vector<512xi32>
    %broadcast_in_dim3A_30 = vector.shape_cast %reduce_sum3A_29 : vector<512xi32> to vector<1x512xi32>
    %swap3A = arith.constant 0 : index
    %swap3A_31 = arith.constant 0 : index
    %swap3A_32 = vector.load %arg3[%swap3A, %swap3A_31] : memref<1x512xi32, #tpu.memory_space<vmem>>, vector<1x512xi32>
    tpu.vector_store %arg3[%swap3A, %swap3A_31], %broadcast_in_dim3A_30 {strides = array<i32>} : memref<1x512xi32, #tpu.memory_space<vmem>>, vector<1x512xi32>,
    %jit3A_33 = arith.constant 0.000000e+00 : f32
    %broadcast_in_dim3A_34 = vector.broadcast %jit3A_33 : f32 to vector<200x512xf32>
    %select_n3A_35 = arith.select %eq3A_25, %get3A_8, %broadcast_in_dim3A_34 : vector<200x512xi1>, vector<200x512xf32>
    %reduce_sum3A_36 = arith.constant dense<0.000000e+00> : vector<512xf32>
    %reduce_sum3A_37 = vector.multi_reduction <add>, %select_n3A_35, %reduce_sum3A_36 [0] : vector<200x512xf32> to vector<512xf32>
    %broadcast_in_dim3A_38 = vector.shape_cast %reduce_sum3A_37 : vector<512xf32> to vector<1x512xf32>
    %jit3A_39 = arith.constant 0.000000e+00 : f32
    %broadcast_in_dim3A_40 = vector.broadcast %jit3A_39 : f32 to vector<200x512xf32>
    %select_n3A_41 = arith.select %eq3A_25, %get3A_13, %broadcast_in_dim3A_40 : vector<200x512xi1>, vector<200x512xf32>
    %reduce_sum3A_42 = arith.constant dense<0.000000e+00> : vector<512xf32>
    %reduce_sum3A_43 = vector.multi_reduction <add>, %select_n3A_41, %reduce_sum3A_42 [0] : vector<200x512xf32> to vector<512xf32>
    %broadcast_in_dim3A_44 = vector.shape_cast %reduce_sum3A_43 : vector<512xf32> to vector<1x512xf32>
    %concatenate3A = tpu.concatenate %broadcast_in_dim3A_38, %broadcast_in_dim3A_44 in 0 : vector<1x512xf32>, vector<1x512xf32> -> vector<2x512xf32>
    %swap3A_45 = arith.constant 0 : index
    %swap3A_46 = arith.constant 0 : index
    %swap3A_47 = vector.load %arg4[%swap3A_45, %swap3A_46] : memref<2x512xf32, #tpu.memory_space<vmem>>, vector<2x512xf32>
    tpu.vector_store %arg4[%swap3A_45, %swap3A_46], %concatenate3A {strides = array<i32>} : memref<2x512xf32, #tpu.memory_space<vmem>>, vector<2x512xf32>,
    %iota3A_48 = tpu.iota {dimensions = array<i32: 0>} : vector<199x512xi32>
    %lt3A = vector.broadcast %select_n3A_23 : vector<1x512xi32> to vector<199x512xi32>
    %lt3A_49 = arith.cmpi slt, %iota3A_48, %lt3A : vector<199x512xi32>
    %slice3A = vector.extract_strided_slice %convert_element_type3A {offsets = [0, 0], sizes = [199, 512], strides = [1, 1]} : vector<200x512xi32> to vector<199x512xi32>
    %slice3A_50 = vector.extract_strided_slice %convert_element_type3A {offsets = [1, 0], sizes = [199, 512], strides = [1, 1]} : vector<200x512xi32> to vector<199x512xi32>
    %select_n3A_51 = arith.select %lt3A_49, %slice3A, %slice3A_50 : vector<199x512xi1>, vector<199x512xi32>
    %slice3A_52 = vector.extract_strided_slice %select_n3A_51 {offsets = [0, 0], sizes = [1, 512], strides = [1, 1]} : vector<199x512xi32> to vector<1x512xi32>
    %concatenate3A_53 = tpu.concatenate %select_n3A_51, %slice3A_52 in 0 : vector<199x512xi32>, vector<1x512xi32> -> vector<200x512xi32>
    %swap3A_54 = arith.constant 0 : index
    %swap3A_55 = arith.constant 0 : index
    %swap3A_56 = vector.load %arg2[%swap3A_54, %swap3A_55] : memref<200x512xi32, #tpu.memory_space<vmem>>, vector<200x512xi32>
    tpu.vector_store %arg2[%swap3A_54, %swap3A_55], %concatenate3A_53 {strides = array<i32>} : memref<200x512xi32, #tpu.memory_space<vmem>>, vector<200x512xi32>,
    %slice3A_57 = vector.extract_strided_slice %get3A_8 {offsets = [0, 0], sizes = [199, 512], strides = [1, 1]} : vector<200x512xf32> to vector<199x512xf32>
    %slice3A_58 = vector.extract_strided_slice %get3A_8 {offsets = [1, 0], sizes = [199, 512], strides = [1, 1]} : vector<200x512xf32> to vector<199x512xf32>
    %select_n3A_59 = arith.select %lt3A_49, %slice3A_57, %slice3A_58 : vector<199x512xi1>, vector<199x512xf32>
    %swap3A_60 = arith.constant 0 : index
    %swap3A_61 = arith.constant 0 : index
    %swap3A_62 = vector.load %arg5[%swap3A_60, %swap3A_61] : memref<199x512xf32, #tpu.memory_space<vmem>>, vector<199x512xf32>
    tpu.vector_store %arg5[%swap3A_60, %swap3A_61], %select_n3A_59 {strides = array<i32>} : memref<199x512xf32, #tpu.memory_space<vmem>>, vector<199x512xf32>,
    %slice3A_63 = vector.extract_strided_slice %get3A_13 {offsets = [0, 0], sizes = [199, 512], strides = [1, 1]} : vector<200x512xf32> to vector<199x512xf32>
    %slice3A_64 = vector.extract_strided_slice %get3A_13 {offsets = [1, 0], sizes = [199, 512], strides = [1, 1]} : vector<200x512xf32> to vector<199x512xf32>
    %select_n3A_65 = arith.select %lt3A_49, %slice3A_63, %slice3A_64 : vector<199x512xi1>, vector<199x512xf32>
    %swap3A_66 = arith.constant 0 : index
    %swap3A_67 = arith.constant 0 : index
    %swap3A_68 = vector.load %arg6[%swap3A_66, %swap3A_67] : memref<199x512xf32, #tpu.memory_space<vmem>>, vector<199x512xf32>
    tpu.vector_store %arg6[%swap3A_66, %swap3A_67], %select_n3A_65 {strides = array<i32>} : memref<199x512xf32, #tpu.memory_space<vmem>>, vector<199x512xf32>,
    return
  }
  func.func @transform_0(%arg0: i32) -> (i32, i32, i32) {
    %c0_i32 = arith.constant 0 : i32
    %c0_i32_0 = arith.constant 0 : i32
    %c0_i32_1 = arith.constant 0 : i32
    return %c0_i32, %c0_i32_0, %arg0 : i32, i32, i32
  }
  func.func @transform_1(%arg0: i32) -> (i32, i32) {
    %c0_i32 = arith.constant 0 : i32
    %c0_i32_0 = arith.constant 0 : i32
    return %c0_i32, %arg0 : i32, i32
  }
  func.func @transform_2(%arg0: i32) -> (i32, i32) {
    %c0_i32 = arith.constant 0 : i32
    %c0_i32_0 = arith.constant 0 : i32
    return %c0_i32, %arg0 : i32, i32
  }
  func.func @transform_3(%arg0: i32) -> (i32, i32) {
    %c0_i32 = arith.constant 0 : i32
    %c0_i32_0 = arith.constant 0 : i32
    return %c0_i32, %arg0 : i32, i32
  }
  func.func @transform_4(%arg0: i32) -> (i32, i32) {
    %c0_i32 = arith.constant 0 : i32
    %c0_i32_0 = arith.constant 0 : i32
    return %c0_i32, %arg0 : i32, i32
  }
  func.func @transform_5(%arg0: i32) -> (i32, i32) {
    %c0_i32 = arith.constant 0 : i32
    %c0_i32_0 = arith.constant 0 : i32
    return %c0_i32, %arg0 : i32, i32
  }
}

</mosaic_0001>

<sc_bundles>
// kernel: kernel.4.cloned.1.call-start
scs
__scs_entry_jumppad:
0x0: {  	(pc) =	sbr.rel $0x88, $3  }
0x1: {  	(tag) =	ssettag $0x0;
	lr =	simm.s32 $0x1  }
0x2: {  	[smem:$0x3F9F] =	sst lr;
	_ =	strace $0xD0000000  }
0x3: {  	_ = 	snop  }
0x4: {  	_ = 	snop  }
0x5: {  	_ = 	snop  }
0x6: {  	_ = 	snop  }
0x7: {  	_ = 	snop  }
__scs_overlays_trampoline_lowered:
0x8: {  	[smem:$0x3FAE] =	sst s0  }
0x9: {  	[smem:$0x3FAF] =	sst s1  }
0xa: {  	[smem:$0x3FB0] =	sst s2  }
0xb: {  	[smem:$0x3FB1] =	sst s3  }
0xc: {  	[smem:$0x3FB2] =	sst s4  }
0xd: {  	[smem:$0x3FB3] =	sst s5  }
0xe: {  	[smem:$0x3FB4] =	sst s6  }
0xf: {  	[smem:$0x3FB5] =	sst s7  }
0x10: {  	[smem:$0x3FB6] =	sst s8  }
0x11: {  	[smem:$0x3FB7] =	sst s9;
	s0 =	simm.s32 @!p0 $0x0  }
0x12: {  	s1 =	sld [smem:$0x3F9D];
	s0 =	simm.s32 @p0 $0x1  }
0x13: {  	[smem:$0x3FB8] =	sst s0;
	s0 =	simm.s32 @!p1 $0x0  }
0x14: {  	s2 =	sld [smem:$0x3F9C];
	s0 =	simm.s32 @p1 $0x1  }
0x15: {  	[smem:$0x3FB9] =	sst s0;
	s0 =	simm.s32 @!p2 $0x0  }
0x16: {  	s3 =	sld [smem:$0x3FDB];
	s0 =	simm.s32 @p2 $0x1  }
0x17: {  	s4 =	simm.s32 $0x1BF5;
	[smem:$0x3FBB] =	sst s0  }
0x18: {  	s0 =	sld [smem:$0x3F9E];
	_ =	swait.ge [sflag:s4], $0x0  }
0x19: {  	s7 =	sld [smem:$0x3F9F]  }
0x1a: {  	s8 =	sadd.s32 $0xFFFFE003, lr  }
0x1b: {  	s9 =	sadd.s32 $0xFFFFFEF7, lr;
	s5 =	simm.s32 $0xFFFFFFFF;
	p2 =	slt.u32 s8, $0xFFFFF086  }
0x1c: {  	p1 =	slt.u32 s9, $0xF7A;
	s5 =	simm.s32 @!p2 $0x0  }
0x1d: {  	s5 =	simm.s32 @p1 $0x1;
	p0 =	seq.s32 s7, s2  }
0x1e: {  	s7 =	smul.u32 @!p0 $0xF7A, s2;
	p2 =	seq.s32 @!p0 s5, $0x0  }
0x1f: {  	s9 =	smul.u32 $0xF7A, s1;
	s8 =	simm.s32 @!p0 $0x1BF5;
	p2 =	por !p2, p0  }
0x20: {  	[sflag:s8] =	ssyncset.s32 @!p0 $0xFFFFF086;
	s6 =	sadd.s32 @!p0 s3, s7;
	s7 =	simm.s32 @!p0 $0x108  }
0x21: {  	s3 =	sadd.s32 s3, s9;
	s6 =	sadd.s32 @!p0 $0x88, s6;
	s7 =	simm.s32 @p2 $0x1082  }
0x22: {  	[simem:s7], [sflag:s8] =	dma.local @!p0 [hbm:s6], $0xF7A  }
0x23: {  	s9 =	sor.u32 $0xD0000000, s2;
	s6 =	simm.s32 $0x108;
	_ =	swait.ge @!p0 [sflag:s8], $0x0  }
0x24: {  	s3 =	sadd.s32 $0x88, s3;
	s6 =	simm.s32 @!p1 $0x1082;
	[sflag:s4] =	ssyncset.s32 $0xFFFFF086  }
0x25: {  	[simem:s6], [sflag:s4] =	dma.local [hbm:s3], $0xF7A  }
0x26: {  	[smem:$0x3F9F] =	sst s1;
	(tag) =	ssettag s2;
	_ =	strace s9  }
0x27: {  	s1 =	sld [smem:$0x3FAF]  }
0x28: {  	s2 =	sld [smem:$0x3FB0]  }
0x29: {  	s4 =	sld [smem:$0x3FB2]  }
0x2a: {  	p0 =	seq.s32 s5, $0x0;
	s5 =	sld [smem:$0x3FB3]  }
0x2b: {  	s6 =	sld [smem:$0x3FB4]  }
0x2c: {  	s7 =	sld [smem:$0x3FB5]  }
0x2d: {  	s3 =	simm.s32 $0x108;
	s8 =	sld [smem:$0x3FB6]  }
0x2e: {  	s3 =	simm.s32 @!p0 $0x1082;
	s9 =	sld [smem:$0x3FB7]  }
0x2f: {  	lr =	sadd.s32 s0, s3;
	s0 =	sld [smem:$0x3FAE]  }
0x30: {  	s3 =	sld [smem:$0x3FB1]  }
0x31: {  	[smem:$0x3FBA] =	sst s10  }
0x32: {  	s10 =	sld [smem:$0x3FB8];
	_ =	sdelay $0x3  }
0x33: {  	p0 =	seq.s32 s10, $0x1;
	s10 =	sld [smem:$0x3FBA];
	_ =	sdelay $0x3  }
0x34: {  	[smem:$0x3FBA] =	sst s10  }
0x35: {  	s10 =	sld [smem:$0x3FB9];
	_ =	sdelay $0x3  }
0x36: {  	p1 =	seq.s32 s10, $0x1;
	s10 =	sld [smem:$0x3FBA];
	_ =	sdelay $0x3  }
0x37: {  	[smem:$0x3FBA] =	sst s10  }
0x38: {  	s10 =	sld [smem:$0x3FBB]  }
0x39: {  	_ = 	snop;
	(pc) =	sbr.ind lr, $3  }
0x3a: {  	_ = 	snop  }
0x3b: {  	_ = 	snop  }
0x3c: {  	p2 =	seq.s32 s10, $0x1;
	s10 =	sld [smem:$0x3FBA]  }
0x3d: {  	_ =	shalt  }
0x3e: {  	_ =	shalt  }
0x3f: {  	_ =	shalt  }
0x40: {  	_ =	shalt  }
0x41: {  	_ =	shalt  }
0x42: {  	_ =	shalt  }
0x43: {  	_ =	shalt  }
0x44: {  	_ =	shalt  }
0x45: {  	_ =	shalt  }
0x46: {  	_ =	shalt  }
0x47: {  	_ =	shalt  }
0x48: {  	_ =	shalt  }
0x49: {  	_ =	shalt  }
0x4a: {  	_ =	shalt  }
0x4b: {  	_ =	shalt  }
0x4c: {  	_ =	shalt  }
0x4d: {  	_ =	shalt  }
0x4e: {  	_ =	shalt  }
0x4f: {  	_ =	shalt  }
0x50: {  	_ =	shalt  }
0x51: {  	_ =	shalt  }
0x52: {  	_ =	shalt  }
0x53: {  	_ =	shalt  }
0x54: {  	_ =	shalt  }
0x55: {  	_ =	shalt  }
0x56: {  	_ =	shalt  }
0x57: {  	_ =	shalt  }
0x58: {  	_ =	shalt  }
0x59: {  	_ =	shalt  }
0x5a: {  	_ =	shalt  }
0x5b: {  	_ =	shalt  }
0x5c: {  	_ =	shalt  }
0x5d: {  	_ =	shalt  }
0x5e: {  	_ =	shalt  }
0x5f: {  	_ =	shalt  }
0x60: {  	_ =	shalt  }
0x61: {  	_ =	shalt  }
0x62: {  	_ =	shalt  }
0x63: {  	_ =	shalt  }
0x64: {  	_ =	shalt  }
0x65: {  	_ =	shalt  }
0x66: {  	_ =	shalt  }
0x67: {  	_ =	shalt  }
0x68: {  	_ =	shalt  }
0x69: {  	_ =	shalt  }
0x6a: {  	_ =	shalt  }
0x6b: {  	_ =	shalt  }
0x6c: {  	_ =	shalt  }
0x6d: {  	_ =	shalt  }
0x6e: {  	_ =	shalt  }
0x6f: {  	_ =	shalt  }
0x70: {  	_ =	shalt  }
0x71: {  	_ =	shalt  }
0x72: {  	_ =	shalt  }
0x73: {  	_ =	shalt  }
0x74: {  	_ =	shalt  }
0x75: {  	_ =	shalt  }
0x76: {  	_ =	shalt  }
0x77: {  	_ =	shalt  }
0x78: {  	_ =	shalt  }
0x79: {  	_ =	shalt  }
0x7a: {  	_ =	shalt  }
0x7b: {  	_ =	shalt  }
0x7c: {  	_ =	shalt  }
0x7d: {  	_ =	shalt  }
0x7e: {  	_ =	shalt  }
0x7f: {  	_ =	shalt  }
0x80: {  	_ =	shalt  }
0x81: {  	_ =	shalt  }
0x82: {  	_ =	shalt  }
0x83: {  	_ =	shalt  }
0x84: {  	_ =	shalt  }
0x85: {  	_ =	shalt  }
0x86: {  	_ =	shalt  }
0x87: {  	_ =	shalt  }
.Lfunc_end0:
.L_simem_size_0:
called_computation_lowered:
.L_overlay_start_0:
0x88: {  	s2 =	sld [smem:$0x3FD9]  }
0x89: {  	s3 =	sld [smem:$0x3FFE];
	_ =	sdelay $0x1  }
0x8a: {  	s1 =	srdreg.scid  }
0x8b: {  	s0 =	sand.u32 $0x1, s1  }
0x8c: {  	s14 =	sshll.u32 s0, $0xA;
	s2 =	sadd.s32 s3, s2  }
0x8d: {  	s2 =	sadd.s32 s2, s14  }
0x8e: {  	[smem:$0x3FC6] =	sst s2  }
0x8f: {  	_ = 	snop  }
0x90: {  	s2 =	sld [smem:$0x3FD0];
	_ =	sdelay $0x2  }
0x91: {  	s15 =	simm.s32 $0xA;
	s4 =	simm.s32 $0x10  }
0x92: {  	[smem:s4], [sflag:s15] =	dma.local [hbm:s2], $0x1  }
0x93: {  	_ =	swait.eq [sflag:s15], $0x1  }
0x94: {  	[sflag:s15] =	ssyncset.done $0x0  }
0x95: {  	s16 =	sld [smem:$0x10];
	[sflag:s15] =	ssyncadd.s32 $0xFFFFFFFF  }
0x96: {  	s17 =	sld [smem:$0x12];
	(tm) =	ssettm $0x1  }
0x97: {  	s18 =	sld [smem:$0x3FFB];
	_ =	sdelay $0x3  }
0x98: {  	_ =	strace s18  }
0x99: {  	s4 =	sld [smem:$0x3FFC];
	_ =	sdelay $0x3  }
0x9a: {  	_ =	strace s4  }
0x9b: {  	s4 =	sld [smem:$0x3FFD];
	_ =	sdelay $0x3  }
0x9c: {  	_ =	strace s4  }
0x9d: {  	_ =	strace $0x8FFFFFFF  }
0x9e: {  	s19 =	sld [smem:$0x3FDB];
	_ =	sdelay $0x1  }
0x9f: {  	s5 =	simm.s32 $_scs_section_size  }
0xa0: {  	s6 =	simm.s32 $_size__tile_overlayer_lowered;
	s7 =	simm.s32 $_tile_overlayer_lowered  }
0xa1: {  	s22 =	simm.s32 $0x1BFF;
	s21 =	sshll.u32 s7, $0x1;
	s4 =	sadd.s32 s5, s19  }
0xa2: {  	s8 =	simm.s32 $0x0;
	s20 =	sshll.u32 s6, $0x1;
	s6 =	sadd.s32 s21, s4  }
0xa3: {  	[timem:s8], [sflag:s22] =	dma.local [hbm:s6], s20  }
0xa4: {  	_ =	swait.ge [sflag:s22], s20  }
0xa5: {  	s5 =	ssub.s32 $0x0, s20;
	[sflag:s22] =	ssyncset.done $0x0  }
0xa6: {  	[sflag:s22] =	ssyncadd.s32 s5;
	_ =	sdelay $0x1  }
0xa7: {  	s23 =	simm.s32 $0x1B8B  }
0xa8: {  	_ =	swait.ge [sflag:s23], $0x1  }
0xa9: {  	[sflag:s23] =	ssyncset.done $0x0  }
0xaa: {  	s25 =	simm.s32 $0x1B8E;
	s24 =	sld [smem:$0x3FFE];
	[sflag:s23] =	ssyncadd.s32 $0xFFFFFFFF  }
0xab: {  	s26 =	simm.s32 $execute0_lowered;
	[smem:$0x3FD2] =	sst s25  }
0xac: {  	s6 =	sshll.u32 s26, $0x1;
	_ =	strace $0x80000046;
	[dreg:$0x1] =	wrdreg $0xFFFFFFFF  }
0xad: {  	s28 =	simm.s32 $_size_execute0_lowered;
	s4 =	sadd.s32 s4, s6;
	[dreg:$0x0] =	wrdreg $0x0  }
0xae: {  	s6 =	sshll.u32 s28, $0x1;
	[dreg:$0x2] =	wrdreg s4  }
0xaf: {  	[dreg:$0x3] =	wrdreg s6  }
0xb0: {  	[dreg:$0x4] =	wrdreg $0xC0  }
0xb1: {  	_ =	task [dreg:s8], $0x5FFFF  }
0xb2: {  	[dreg:$0x1] =	wrdreg $0xFFFFFFFF  }
0xb3: {  	[dreg:$0x0] =	wrdreg $0x60  }
0xb4: {  	[dreg:$0x2] =	wrdreg s24  }
0xb5: {  	[dreg:$0x3] =	wrdreg s17  }
0xb6: {  	[dreg:$0x4] =	wrdreg s16  }
0xb7: {  	[dreg:$0x5] =	wrdreg $0x9  }
0xb8: {  	_ =	task.clear_ibuf [dreg:s8], $0x6FFFF;
	_ =	strace $0x90000046  }
0xb9: {  	s29 =	simm.s32 $0x9;
	_ =	strace $0x80000048  }
0xba: {  	_ =	swait.ge [sflag:s29], $0x1  }
0xbb: {  	[sflag:s29] =	ssyncadd.s32 $0xFFFFFFFF  }
0xbc: {  	_ =	strace $0x90000048  }
0xbd: {  	_ =	sfence  }
0xbe: {  	s30 =	sld [smem:$0x0];
	_ =	sdelay $0x2  }
0xbf: {  	s31 =	sshll.u32 s1, $0xD;
	s1 =	sshrl.u32 s1, $0x2  }
0xc0: {  	s3 =	sand.u32 $0x4000, s31;
	s1 =	sadd.s32 s1, s30  }
0xc1: {  	s0 =	sor.u32 s3, s0;
	s1 =	sshll.u32 s1, $0x11  }
0xc2: {  	s0 =	sor.u32 s1, s0  }
0xc3: {  	s0 =	sadd.s32 $0x8F2B, s0  }
0xc4: {  	[sflag:s0] =	ssyncadd.remote.s32 $0x1  }
0xc5: {  	_ =	sfence.sel $0xFFFF  }
0xc6: {  	[dreg:$0x0] =	wrdreg $0xFFFFFFFF;
	(pc) =	sbr.abs _section_cstart, $3  }
0xc7: {  	[dreg:$0x1] =	wrdreg $0xFFFFFFFF  }
0xc8: {  	_ =	task.clear_ibuf [dreg:s8], $0x2FFFF;
	_ =	strace $0x9FFFFFFF  }
0xc9: {  	(tm) =	ssettm $0x7FFFFFFF  }
tec
execute0_lowered:
.L_overlay_start_1:
0x0: {  	(tag) =	ssettag $0x1  }
0x1: {  	s0 =	rddreg [dreg:$0x0]  }
0x2: {  	s2 =	rddreg [dreg:$0x1]  }
0x3: {  	s1 =	rddreg [dreg:$0x2];
	s4 =	srdreg.scid  }
0x4: {  	s6 =	stileid.u32;
	s3 =	simm.s32 $0x0;
	s14 =	simm.s32 $0x3  }
0x5: {  	s18 =	simm.s32 $0x1;
	s19 =	simm.s32 $0xA400;
	s16 =	simm.s32 $0xA488  }
0x6: {  	s17 =	simm.s32 $0xAD90;
	s10 =	simm.s32 $0xAFB0;
	s15 =	simm.s32 $0xB038  }
0x7: {  	s11 =	simm.s32 $0xB0C0;
	s20 =	simm.s32 $0xB148;
	s21 =	simm.s32 $0xB1D0  }
0x8: {  	s22 =	simm.s32 $0xB258;
	s23 =	simm.s32 $0xB2E0;
	s24 =	simm.s32 $0xB368  }
0x9: {  	s25 =	simm.s32 $0xB3F0;
	s28 =	simm.s32 $0xB500;
	s29 =	simm.s32 $0x2  }
0xa: {  	s5 =	sand.u32 $0x1, s4;
	s26 =	sshll.u32 s6, $0x1;
	[smem:$0x7FF] =	sst s3  }
0xb: {  	v0 =	vlaneseq.u32;
	s4 =	sadd.s32 $0x19E00, s0;
	s6 =	sor.u32 s5, s26;
	s5 =	ssub.s32 $0x2, s5  }
0xc: {  	v1 =	vimm.s32 $0x0;
	vm0 =	vcmask $0x300;
	v0 =	vmul.u32 $0x88, v0;
	_ =	strace $0x80000047;
	s7 =	smul.u32 $0xC70, s6;
	s30 =	sshrl.u32 s5, $0x1  }
0xd: {  	v1 =	vsel vm0, $0x3, v1;
	s26 =	simm.s32 $0xB478;
	s8 =	sshll.u32 s6, $0x4;
	s9 =	ssub.s32 s5, s30  }
0xe: {  	v2 =	vadd.s32 $0x880, v0;
	v3 =	vor.u32 $0x1, v0;
	v4 =	vadd.s32 $0x881, v0;
	s5 =	smul.u32 $0xC7, s6;
	s6 =	sshll.u32 s6, $0x7;
	s7 =	sadd.s32 s7, s0  }
0xf: {  	v5 =	vor.u32 $0x2, v0;
	v6 =	vadd.s32 $0x882, v0;
	v7 =	vor.u32 $0x3, v0;
	s0 =	sadd.s32 s8, s0;
	s8 =	sadd.s32 s1, s6;
	s31 =	smax.u32 s9, $0x1  }
0x10: {  	v8 =	vadd.s32 $0x883, v0;
	v9 =	vor.u32 $0x4, v0;
	v10 =	vadd.s32 $0x884, v0;
	s6 =	simm.s32 $0xAE18;
	s7 =	sadd.s32 $0xE00, s7;
	[dreg:$0x6] =	wrdreg s31  }
0x11: {  	v11 =	vor.u32 $0x5, v0;
	v12 =	vadd.s32 $0x885, v0;
	v13 =	vor.u32 $0x6, v0;
	s9 =	simm.s32 $0xAF28;
	s0 =	sadd.s32 $0xC00, s0;
	[dreg:$0x4] =	wrdreg s7  }
0x12: {  	v14 =	vadd.s32 $0x886, v0;
	v15 =	vor.u32 $0x7, v0;
	v16 =	vadd.s32 $0x887, v0;
	s1 =	simm.s32 $0x0;
	[dreg:$0x5] =	wrdreg s0;
	s7 =	simm.s32 $0xAEA0  }
.LBB2_1:
0x13: {  	[dreg:$0x7] =	wrdreg s1  }
0x14: {  	s0 =	rddreg [dreg:$0x4]  }
0x15: {  	[tilespmem:s3], [sflag:$0x3] =	stream.linear.gather [hbm4b:s0+s3], $0x6380, $0x38;
	[tilespmem:$0xD600] =	vst v63  }
0x16: {  	_ =	swait.ge [sflag:s14], $0x6380  }
0x17: {  	[sflag:s14] =	ssyncset.done $0x0  }
0x18: {  	s31 =	simm.s32 $0x6400;
	s0 =	simm.s32 $0x80;
	[sflag:s14] =	ssyncadd.s32 $0xFFFF9C80  }
0x19: {  	[tilespmem:s31], [sflag:$0x1] =	stream.indirect.gather [hbm4b:s4+s0], $0x20, s3, s0, $0xb8;
	[tilespmem:$0xD600] =	vst v63  }
0x1a: {  	s12 =	simm.s32 $0x7400  }
0x1b: {  	[tilespmem:s12], [sflag:$0x1] =	stream.indirect.gather [hbm4b:s4+s0], $0x20, s0, s0, $0xb8;
	[tilespmem:$0xD600] =	vst v63  }
.Ltmp0:
0x1c: {  	_ = 	snop;
	(pc) =	sbr.rel .LBB2_2-.Ltmp0, $4  }
0x1d: {  	s13 =	simm.s32 $0x100;
	s12 =	simm.s32 $0x8400  }
0x1e: {  	[tilespmem:s12], [sflag:$0x1] =	stream.indirect.gather [hbm4b:s4+s0], $0x20, s13, s0, $0xb8;
	[tilespmem:$0xD600] =	vst v63  }
0x1f: {  	s30 =	simm.s32 $0x0;
	s14 =	simm.s32 $0x180;
	s31 =	simm.s32 $0x9400  }
0x20: {  	[tilespmem:s31], [sflag:$0x1] =	stream.indirect.gather [hbm4b:s4+s0], $0x20, s14, s0, $0xb8;
	[tilespmem:$0xD600] =	vst v63  }
.LBB2_13:
0x21: {  	p0 =	sgt.u32 s30, $0x2F;
	s30 =	sadd.s32 $0x1, s30  }
0x22: {  	s0 =	sadd.s32 @!p0 $0x380, s0;
	s1 =	simm.s32 @!p0 $0x80;
	s12 =	simm.s32 @!p0 $0x9400  }
0x23: {  	[tilespmem:s12], [sflag:$0x1] =	stream.indirect.gather @!p0 [hbm4b:s4+s1], $0x20, s0, s1, $0xb8;
	[tilespmem:$0xD600] =	vst v63  }
0x24: {  	p0 =	sne.s32 s30, $0x32  }
.Ltmp1:
0x25: {  	_ = 	snop;
	(pc) =	sbr.rel @!p0 .LBB2_14-.Ltmp1, $1  }
0x26: {  	_ =	sdelay $0x3  }
.LBB2_2:
0x27: {  	s31 =	sshll.u32 s30, $0x2  }
0x28: {  	_ =	swait.ge [sflag:s18], $0x1000;
	s1 =	simm.s32 $0x0;
	s0 =	sadd.s32 $0xFFFFFFFE, s31  }
0x29: {  	[sflag:s18] =	ssyncset.done $0x0;
	v17 =	vmov s1;
	p0 =	sgt.u32 s0, $0xC4  }
0x2a: {  	[sflag:s18] =	ssyncadd.s32 $0xFFFFF000;
	v17 =	vshrl.u32 v17, $0x3;
	s0 =	simm.s32 @!p0 $0x2  }
0x2b: {  	v17 =	vshll.u32 v17, v1;
	_ =	swait.ge @!p0 [sflag:s0], $0x1000  }
0x2c: {  	v17 =	vbroadcast v17, $0x0;
	[sflag:s0] =	ssyncset.done @!p0 $0x0  }
0x2d: {  	[sflag:s0] =	ssyncadd.s32 @!p0 $0xFFFFF000;
	s0 =	simm.s32 $0x6480  }
0x2e: {  	v19 =	vadd.s32 v0, v17;
	v18 =	vld [tilespmem:s0+$0xFFFFFF80];
	_ =	sdelay $0x4  }
0x2f: {  	[tilespmem:v19+s19+$0x0] =	vst.idx.msk $0xffff, v18  }
0x30: {  	s14 =	simm.s32 $0x1;
	v17 =	vadd.s32 v2, v17;
	v18 =	vld [tilespmem:s0+$0xFFFFFF90]  }
0x31: {  	v19 =	vmov s14  }
0x32: {  	v19 =	vshrl.u32 v19, $0x3  }
0x33: {  	v19 =	vshll.u32 v19, v1  }
0x34: {  	v19 =	vbroadcast v19, $0x0  }
0x35: {  	[tilespmem:v17+s19+$0x0] =	vst.idx.msk $0xffff, v18  }
0x36: {  	v18 =	vadd.s32 v3, v19;
	v17 =	vld [tilespmem:s0+$0xFFFFFFA0];
	_ =	sdelay $0x4  }
0x37: {  	[tilespmem:v18+s19+$0x0] =	vst.idx.msk $0xffff, v17  }
0x38: {  	s12 =	simm.s32 $0x2;
	v18 =	vadd.s32 v4, v19;
	v17 =	vld [tilespmem:s0+$0xFFFFFFB0]  }
0x39: {  	v19 =	vmov s12  }
0x3a: {  	v19 =	vshrl.u32 v19, $0x3  }
0x3b: {  	v19 =	vshll.u32 v19, v1  }
0x3c: {  	v19 =	vbroadcast v19, $0x0  }
0x3d: {  	[tilespmem:v18+s19+$0x0] =	vst.idx.msk $0xffff, v17  }
0x3e: {  	v18 =	vadd.s32 v5, v19;
	v17 =	vld [tilespmem:s0+$0xFFFFFFC0];
	_ =	sdelay $0x4  }
0x3f: {  	[tilespmem:v18+s19+$0x0] =	vst.idx.msk $0xffff, v17  }
0x40: {  	s13 =	simm.s32 $0x3;
	v18 =	vadd.s32 v6, v19;
	v17 =	vld [tilespmem:s0+$0xFFFFFFD0]  }
0x41: {  	v19 =	vmov s13  }
0x42: {  	v19 =	vshrl.u32 v19, $0x3  }
0x43: {  	v19 =	vshll.u32 v19, v1  }
0x44: {  	v19 =	vbroadcast v19, $0x0  }
0x45: {  	[tilespmem:v18+s19+$0x0] =	vst.idx.msk $0xffff, v17  }
0x46: {  	v18 =	vadd.s32 v7, v19;
	v17 =	vld [tilespmem:s0+$0xFFFFFFE0];
	_ =	sdelay $0x4  }
0x47: {  	[tilespmem:v18+s19+$0x0] =	vst.idx.msk $0xffff, v17  }
0x48: {  	s14 =	simm.s32 $0x4;
	v18 =	vadd.s32 v8, v19;
	v17 =	vld [tilespmem:s0+$0xFFFFFFF0]  }
0x49: {  	v19 =	vmov s14  }
0x4a: {  	v19 =	vshrl.u32 v19, $0x3  }
0x4b: {  	v19 =	vshll.u32 v19, v1  }
0x4c: {  	v19 =	vbroadcast v19, $0x0  }
0x4d: {  	[tilespmem:v18+s19+$0x0] =	vst.idx.msk $0xffff, v17  }
0x4e: {  	v18 =	vadd.s32 v9, v19;
	v17 =	vld [tilespmem:s0+$0x0];
	_ =	sdelay $0x4  }
0x4f: {  	[tilespmem:v18+s19+$0x0] =	vst.idx.msk $0xffff, v17  }
0x50: {  	s12 =	simm.s32 $0x5;
	v18 =	vadd.s32 v10, v19;
	v17 =	vld [tilespmem:s0+$0x10]  }
0x51: {  	v19 =	vmov s12  }
0x52: {  	v19 =	vshrl.u32 v19, $0x3  }
0x53: {  	v19 =	vshll.u32 v19, v1  }
0x54: {  	v19 =	vbroadcast v19, $0x0  }
0x55: {  	[tilespmem:v18+s19+$0x0] =	vst.idx.msk $0xffff, v17  }
0x56: {  	v18 =	vadd.s32 v11, v19;
	v17 =	vld [tilespmem:s0+$0x20];
	_ =	sdelay $0x4  }
0x57: {  	[tilespmem:v18+s19+$0x0] =	vst.idx.msk $0xffff, v17  }
0x58: {  	s13 =	simm.s32 $0x6;
	v18 =	vadd.s32 v12, v19;
	v17 =	vld [tilespmem:s0+$0x30]  }
0x59: {  	v19 =	vmov s13  }
0x5a: {  	v19 =	vshrl.u32 v19, $0x3  }
0x5b: {  	v19 =	vshll.u32 v19, v1  }
0x5c: {  	v19 =	vbroadcast v19, $0x0  }
0x5d: {  	[tilespmem:v18+s19+$0x0] =	vst.idx.msk $0xffff, v17  }
0x5e: {  	v18 =	vadd.s32 v13, v19;
	v17 =	vld [tilespmem:s0+$0x40];
	_ =	sdelay $0x4  }
0x5f: {  	[tilespmem:v18+s19+$0x0] =	vst.idx.msk $0xffff, v17  }
0x60: {  	s14 =	simm.s32 $0x7;
	v18 =	vadd.s32 v14, v19;
	v17 =	vld [tilespmem:s0+$0x50]  }
0x61: {  	v19 =	vmov s14  }
0x62: {  	v19 =	vshrl.u32 v19, $0x3  }
0x63: {  	v19 =	vshll.u32 v19, v1  }
0x64: {  	v19 =	vbroadcast v19, $0x0  }
0x65: {  	[tilespmem:v18+s19+$0x0] =	vst.idx.msk $0xffff, v17  }
0x66: {  	v18 =	vadd.s32 v15, v19;
	v17 =	vld [tilespmem:s0+$0x60];
	_ =	sdelay $0x4  }
0x67: {  	[tilespmem:v18+s19+$0x0] =	vst.idx.msk $0xffff, v17  }
0x68: {  	s1 =	simm.s32 $0xF;
	s12 =	simm.s32 $0x17;
	s13 =	simm.s32 $0x8;
	v18 =	vadd.s32 v16, v19;
	v17 =	vld [tilespmem:s0+$0x70]  }
.LBB2_3:
0x69: {  	p0 =	sne.s32 s12, $0x7F;
	v19 =	vmov s13  }
0x6a: {  	v19 =	vshrl.u32 v19, $0x3  }
0x6b: {  	v19 =	vshll.u32 v19, v1  }
0x6c: {  	v19 =	vbroadcast v19, $0x0  }
0x6d: {  	s0 =	sadd.s32 $0x100, s0;
	[tilespmem:v18+s19+$0x0] =	vst.idx.msk $0xffff, v17  }
0x6e: {  	v17 =	vld [tilespmem:s0+$0xFFFFFF80];
	v18 =	vadd.s32 v0, v19;
	_ =	sdelay $0x4  }
0x6f: {  	[tilespmem:v18+s19+$0x0] =	vst.idx.msk $0xffff, v17  }
0x70: {  	s13 =	sadd.s32 $0xFFFFFFFA, s1;
	v18 =	vadd.s32 v2, v19;
	v17 =	vld [tilespmem:s0+$0xFFFFFF90]  }
0x71: {  	v19 =	vmov s13  }
0x72: {  	v19 =	vshrl.u32 v19, $0x3  }
0x73: {  	v19 =	vshll.u32 v19, v1  }
0x74: {  	v19 =	vbroadcast v19, $0x0  }
0x75: {  	[tilespmem:v18+s19+$0x0] =	vst.idx.msk $0xffff, v17  }
0x76: {  	v18 =	vadd.s32 v3, v19;
	v17 =	vld [tilespmem:s0+$0xFFFFFFA0];
	_ =	sdelay $0x4  }
0x77: {  	[tilespmem:v18+s19+$0x0] =	vst.idx.msk $0xffff, v17  }
0x78: {  	s13 =	sadd.s32 $0xFFFFFFFB, s1;
	v18 =	vadd.s32 v4, v19;
	v17 =	vld [tilespmem:s0+$0xFFFFFFB0]  }
0x79: {  	v19 =	vmov s13  }
0x7a: {  	v19 =	vshrl.u32 v19, $0x3  }
0x7b: {  	v19 =	vshll.u32 v19, v1  }
0x7c: {  	v19 =	vbroadcast v19, $0x0  }
0x7d: {  	[tilespmem:v18+s19+$0x0] =	vst.idx.msk $0xffff, v17  }
0x7e: {  	v18 =	vadd.s32 v5, v19;
	v17 =	vld [tilespmem:s0+$0xFFFFFFC0];
	_ =	sdelay $0x4  }
0x7f: {  	[tilespmem:v18+s19+$0x0] =	vst.idx.msk $0xffff, v17  }
0x80: {  	s13 =	sadd.s32 $0xFFFFFFFC, s1;
	v18 =	vadd.s32 v6, v19;
	v17 =	vld [tilespmem:s0+$0xFFFFFFD0]  }
0x81: {  	v19 =	vmov s13  }
0x82: {  	v19 =	vshrl.u32 v19, $0x3  }
0x83: {  	v19 =	vshll.u32 v19, v1  }
0x84: {  	v19 =	vbroadcast v19, $0x0  }
0x85: {  	[tilespmem:v18+s19+$0x0] =	vst.idx.msk $0xffff, v17  }
0x86: {  	v18 =	vadd.s32 v7, v19;
	v17 =	vld [tilespmem:s0+$0xFFFFFFE0];
	_ =	sdelay $0x4  }
0x87: {  	[tilespmem:v18+s19+$0x0] =	vst.idx.msk $0xffff, v17  }
0x88: {  	s13 =	sadd.s32 $0xFFFFFFFD, s1;
	v18 =	vadd.s32 v8, v19;
	v17 =	vld [tilespmem:s0+$0xFFFFFFF0]  }
0x89: {  	v19 =	vmov s13  }
0x8a: {  	v19 =	vshrl.u32 v19, $0x3  }
0x8b: {  	v19 =	vshll.u32 v19, v1  }
0x8c: {  	v19 =	vbroadcast v19, $0x0  }
0x8d: {  	[tilespmem:v18+s19+$0x0] =	vst.idx.msk $0xffff, v17  }
0x8e: {  	v18 =	vadd.s32 v9, v19;
	v17 =	vld [tilespmem:s0+$0x0];
	_ =	sdelay $0x4  }
0x8f: {  	[tilespmem:v18+s19+$0x0] =	vst.idx.msk $0xffff, v17  }
0x90: {  	s13 =	sadd.s32 $0xFFFFFFFE, s1;
	v18 =	vadd.s32 v10, v19;
	v17 =	vld [tilespmem:s0+$0x10]  }
0x91: {  	v19 =	vmov s13  }
0x92: {  	v19 =	vshrl.u32 v19, $0x3  }
0x93: {  	v19 =	vshll.u32 v19, v1  }
0x94: {  	v19 =	vbroadcast v19, $0x0  }
0x95: {  	[tilespmem:v18+s19+$0x0] =	vst.idx.msk $0xffff, v17  }
0x96: {  	v18 =	vadd.s32 v11, v19;
	v17 =	vld [tilespmem:s0+$0x20];
	_ =	sdelay $0x4  }
0x97: {  	[tilespmem:v18+s19+$0x0] =	vst.idx.msk $0xffff, v17  }
0x98: {  	s13 =	sadd.s32 $0xFFFFFFFF, s1;
	v18 =	vadd.s32 v12, v19;
	v17 =	vld [tilespmem:s0+$0x30]  }
0x99: {  	v19 =	vmov s13  }
0x9a: {  	v19 =	vshrl.u32 v19, $0x3  }
0x9b: {  	v19 =	vshll.u32 v19, v1  }
0x9c: {  	v19 =	vbroadcast v19, $0x0  }
0x9d: {  	[tilespmem:v18+s19+$0x0] =	vst.idx.msk $0xffff, v17  }
0x9e: {  	v18 =	vadd.s32 v13, v19;
	v17 =	vld [tilespmem:s0+$0x40];
	_ =	sdelay $0x4  }
0x9f: {  	[tilespmem:v18+s19+$0x0] =	vst.idx.msk $0xffff, v17  }
0xa0: {  	v18 =	vadd.s32 v14, v19;
	v17 =	vld [tilespmem:s0+$0x50]  }
0xa1: {  	v19 =	vmov s1;
	s1 =	smov.u32 s12  }
0xa2: {  	v19 =	vshrl.u32 v19, $0x3  }
0xa3: {  	v19 =	vshll.u32 v19, v1  }
0xa4: {  	v19 =	vbroadcast v19, $0x0  }
0xa5: {  	[tilespmem:v18+s19+$0x0] =	vst.idx.msk $0xffff, v17  }
0xa6: {  	v18 =	vadd.s32 v15, v19;
	v17 =	vld [tilespmem:s0+$0x60];
	_ =	sdelay $0x1  }
.Ltmp2:
0xa7: {  	(pc) =	sbr.rel @p0 .LBB2_3-.Ltmp2, $3  }
0xa8: {  	_ =	sdelay $0x1  }
0xa9: {  	[tilespmem:v18+s19+$0x0] =	vst.idx.msk $0xffff, v17  }
0xaa: {  	s12 =	sadd.s32 $0x8, s12;
	s13 =	sadd.s32 $0xFFFFFFF9, s1;
	v18 =	vadd.s32 v16, v19;
	v17 =	vld [tilespmem:s0+$0x70]  }
0xab: {  	v19 =	vmov s13  }
0xac: {  	v19 =	vshrl.u32 v19, $0x3  }
0xad: {  	v19 =	vshll.u32 v19, v1  }
0xae: {  	v19 =	vbroadcast v19, $0x0  }
0xaf: {  	s0 =	sadd.s32 $0x100, s0;
	[tilespmem:v18+s19+$0x0] =	vst.idx.msk $0xffff, v17  }
0xb0: {  	v17 =	vld [tilespmem:s0+$0xFFFFFF80];
	v18 =	vadd.s32 v0, v19;
	_ =	sdelay $0x4  }
0xb1: {  	[tilespmem:v18+s19+$0x0] =	vst.idx.msk $0xffff, v17  }
0xb2: {  	s12 =	sadd.s32 $0xFFFFFFFA, s1;
	v18 =	vadd.s32 v2, v19;
	v17 =	vld [tilespmem:s0+$0xFFFFFF90]  }
0xb3: {  	v19 =	vmov s12  }
0xb4: {  	v19 =	vshrl.u32 v19, $0x3  }
0xb5: {  	v19 =	vshll.u32 v19, v1  }
0xb6: {  	v19 =	vbroadcast v19, $0x0  }
0xb7: {  	[tilespmem:v18+s19+$0x0] =	vst.idx.msk $0xffff, v17  }
0xb8: {  	v18 =	vadd.s32 v3, v19;
	v17 =	vld [tilespmem:s0+$0xFFFFFFA0];
	_ =	sdelay $0x4  }
0xb9: {  	[tilespmem:v18+s19+$0x0] =	vst.idx.msk $0xffff, v17  }
0xba: {  	s14 =	sadd.s32 $0xFFFFFFFB, s1;
	v18 =	vadd.s32 v4, v19;
	v17 =	vld [tilespmem:s0+$0xFFFFFFB0]  }
0xbb: {  	v19 =	vmov s14  }
0xbc: {  	v19 =	vshrl.u32 v19, $0x3  }
0xbd: {  	v19 =	vshll.u32 v19, v1  }
0xbe: {  	v19 =	vbroadcast v19, $0x0  }
0xbf: {  	[tilespmem:v18+s19+$0x0] =	vst.idx.msk $0xffff, v17  }
0xc0: {  	v18 =	vadd.s32 v5, v19;
	v17 =	vld [tilespmem:s0+$0xFFFFFFC0];
	_ =	sdelay $0x4  }
0xc1: {  	[tilespmem:v18+s19+$0x0] =	vst.idx.msk $0xffff, v17  }
0xc2: {  	s13 =	sadd.s32 $0xFFFFFFFC, s1;
	v18 =	vadd.s32 v6, v19;
	v17 =	vld [tilespmem:s0+$0xFFFFFFD0]  }
0xc3: {  	v19 =	vmov s13  }
0xc4: {  	v19 =	vshrl.u32 v19, $0x3  }
0xc5: {  	v19 =	vshll.u32 v19, v1  }
0xc6: {  	v19 =	vbroadcast v19, $0x0  }
0xc7: {  	[tilespmem:v18+s19+$0x0] =	vst.idx.msk $0xffff, v17  }
0xc8: {  	v18 =	vadd.s32 v7, v19;
	v17 =	vld [tilespmem:s0+$0xFFFFFFE0];
	_ =	sdelay $0x4  }
0xc9: {  	[tilespmem:v18+s19+$0x0] =	vst.idx.msk $0xffff, v17  }
0xca: {  	s14 =	sadd.s32 $0xFFFFFFFD, s1;
	v18 =	vadd.s32 v8, v19;
	v17 =	vld [tilespmem:s0+$0xFFFFFFF0]  }
0xcb: {  	v19 =	vmov s14  }
0xcc: {  	v19 =	vshrl.u32 v19, $0x3  }
0xcd: {  	v19 =	vshll.u32 v19, v1  }
0xce: {  	v19 =	vbroadcast v19, $0x0  }
0xcf: {  	[tilespmem:v18+s19+$0x0] =	vst.idx.msk $0xffff, v17  }
0xd0: {  	v18 =	vadd.s32 v9, v19;
	v17 =	vld [tilespmem:s0+$0x0];
	_ =	sdelay $0x4  }
0xd1: {  	[tilespmem:v18+s19+$0x0] =	vst.idx.msk $0xffff, v17  }
0xd2: {  	s13 =	sadd.s32 $0xFFFFFFFE, s1;
	v18 =	vadd.s32 v10, v19;
	v17 =	vld [tilespmem:s0+$0x10]  }
0xd3: {  	v19 =	vmov s13  }
0xd4: {  	v19 =	vshrl.u32 v19, $0x3  }
0xd5: {  	v19 =	vshll.u32 v19, v1  }
0xd6: {  	v19 =	vbroadcast v19, $0x0  }
0xd7: {  	[tilespmem:v18+s19+$0x0] =	vst.idx.msk $0xffff, v17  }
0xd8: {  	v18 =	vadd.s32 v11, v19;
	v17 =	vld [tilespmem:s0+$0x20];
	_ =	sdelay $0x4  }
0xd9: {  	[tilespmem:v18+s19+$0x0] =	vst.idx.msk $0xffff, v17  }
0xda: {  	s14 =	sadd.s32 $0xFFFFFFFF, s1;
	v18 =	vadd.s32 v12, v19;
	v17 =	vld [tilespmem:s0+$0x30]  }
0xdb: {  	v19 =	vmov s14  }
0xdc: {  	v19 =	vshrl.u32 v19, $0x3  }
0xdd: {  	v19 =	vshll.u32 v19, v1  }
0xde: {  	v19 =	vbroadcast v19, $0x0  }
0xdf: {  	[tilespmem:v18+s19+$0x0] =	vst.idx.msk $0xffff, v17  }
0xe0: {  	v18 =	vadd.s32 v13, v19;
	v17 =	vld [tilespmem:s0+$0x40];
	_ =	sdelay $0x4  }
0xe1: {  	[tilespmem:v18+s19+$0x0] =	vst.idx.msk $0xffff, v17  }
0xe2: {  	v18 =	vadd.s32 v14, v19;
	v17 =	vld [tilespmem:s0+$0x50]  }
0xe3: {  	v19 =	vmov s1  }
0xe4: {  	v19 =	vshrl.u32 v19, $0x3  }
0xe5: {  	v19 =	vshll.u32 v19, v1  }
0xe6: {  	v19 =	vbroadcast v19, $0x0  }
0xe7: {  	[tilespmem:v18+s19+$0x0] =	vst.idx.msk $0xffff, v17  }
0xe8: {  	v18 =	vadd.s32 v15, v19;
	v17 =	vld [tilespmem:s0+$0x60];
	_ =	sdelay $0x4  }
0xe9: {  	[tilespmem:v18+s19+$0x0] =	vst.idx.msk $0xffff, v17  }
0xea: {  	v18 =	vadd.s32 v16, v19;
	v17 =	vld [tilespmem:s0+$0x70]  }
0xeb: {  	s13 =	sadd.s32 s5, s31  }
0xec: {  	s14 =	sshll.u32 s13, $0x7  }
0xed: {  	s1 =	sand.u32 $0xF80, s14;
	s0 =	sshll.u32 s13, $0x9  }
0xee: {  	s1 =	sadd.s32 s2, s1;
	s0 =	sand.u32 $0xFFFC000, s0  }
0xef: {  	s0 =	sadd.s32 s0, s1;
	[tilespmem:v18+s19+$0x0] =	vst.idx.msk $0xffff, v17  }
0xf0: {  	[hbm4b:s0+s3] =	stream.linear.scatter [tilespmem:s19], [sflag:$0x2], $0x80, $0x38;
	[tilespmem:$0xD600] =	vst v63  }
0xf1: {  	s1 =	sadd.s32 $0x10, s0  }
0xf2: {  	[hbm4b:s1+s3] =	stream.linear.scatter [tilespmem:s16], [sflag:$0x2], $0x80, $0x38;
	[tilespmem:$0xD600] =	vst v63  }
0xf3: {  	s13 =	simm.s32 $0xA510;
	s12 =	sadd.s32 $0x20, s0  }
0xf4: {  	[hbm4b:s12+s3] =	stream.linear.scatter [tilespmem:s13], [sflag:$0x2], $0x80, $0x38;
	[tilespmem:$0xD600] =	vst v63  }
0xf5: {  	s14 =	sadd.s32 $0x30, s0;
	s16 =	simm.s32 $0xA598  }
0xf6: {  	[hbm4b:s14+s3] =	stream.linear.scatter [tilespmem:s16], [sflag:$0x2], $0x80, $0x38;
	[tilespmem:$0xD600] =	vst v63  }
0xf7: {  	s12 =	sadd.s32 $0x40, s0;
	s13 =	simm.s32 $0xA620  }
0xf8: {  	[hbm4b:s12+s3] =	stream.linear.scatter [tilespmem:s13], [sflag:$0x2], $0x80, $0x38;
	[tilespmem:$0xD600] =	vst v63  }
0xf9: {  	s14 =	sadd.s32 $0x50, s0;
	s16 =	simm.s32 $0xA6A8  }
0xfa: {  	[hbm4b:s14+s3] =	stream.linear.scatter [tilespmem:s16], [sflag:$0x2], $0x80, $0x38;
	[tilespmem:$0xD600] =	vst v63  }
0xfb: {  	s12 =	sadd.s32 $0x60, s0;
	s13 =	simm.s32 $0xA730  }
0xfc: {  	[hbm4b:s12+s3] =	stream.linear.scatter [tilespmem:s13], [sflag:$0x2], $0x80, $0x38;
	[tilespmem:$0xD600] =	vst v63  }
0xfd: {  	s14 =	sadd.s32 $0x70, s0;
	s16 =	simm.s32 $0xA7B8  }
0xfe: {  	[hbm4b:s14+s3] =	stream.linear.scatter [tilespmem:s16], [sflag:$0x2], $0x80, $0x38;
	[tilespmem:$0xD600] =	vst v63  }
0xff: {  	s12 =	sadd.s32 $0x1000, s0;
	s13 =	simm.s32 $0xA840  }
0x100: {  	[hbm4b:s12+s3] =	stream.linear.scatter [tilespmem:s13], [sflag:$0x2], $0x80, $0x38;
	[tilespmem:$0xD600] =	vst v63  }
0x101: {  	s14 =	sadd.s32 $0x1010, s0;
	s16 =	simm.s32 $0xA8C8  }
0x102: {  	[hbm4b:s14+s3] =	stream.linear.scatter [tilespmem:s16], [sflag:$0x2], $0x80, $0x38;
	[tilespmem:$0xD600] =	vst v63  }
0x103: {  	s12 =	sadd.s32 $0x1020, s0;
	s13 =	simm.s32 $0xA950  }
0x104: {  	[hbm4b:s12+s3] =	stream.linear.scatter [tilespmem:s13], [sflag:$0x2], $0x80, $0x38;
	[tilespmem:$0xD600] =	vst v63  }
0x105: {  	s14 =	sadd.s32 $0x1030, s0;
	s16 =	simm.s32 $0xA9D8  }
0x106: {  	[hbm4b:s14+s3] =	stream.linear.scatter [tilespmem:s16], [sflag:$0x2], $0x80, $0x38;
	[tilespmem:$0xD600] =	vst v63  }
0x107: {  	s12 =	sadd.s32 $0x1040, s0;
	s13 =	simm.s32 $0xAA60  }
0x108: {  	[hbm4b:s12+s3] =	stream.linear.scatter [tilespmem:s13], [sflag:$0x2], $0x80, $0x38;
	[tilespmem:$0xD600] =	vst v63  }
0x109: {  	s14 =	sadd.s32 $0x1050, s0;
	s16 =	simm.s32 $0xAAE8  }
0x10a: {  	[hbm4b:s14+s3] =	stream.linear.scatter [tilespmem:s16], [sflag:$0x2], $0x80, $0x38;
	[tilespmem:$0xD600] =	vst v63  }
0x10b: {  	s12 =	sadd.s32 $0x1060, s0;
	s13 =	simm.s32 $0xAB70  }
0x10c: {  	[hbm4b:s12+s3] =	stream.linear.scatter [tilespmem:s13], [sflag:$0x2], $0x80, $0x38;
	[tilespmem:$0xD600] =	vst v63  }
0x10d: {  	s14 =	sadd.s32 $0x1070, s0;
	s16 =	simm.s32 $0xABF8  }
0x10e: {  	[hbm4b:s14+s3] =	stream.linear.scatter [tilespmem:s16], [sflag:$0x2], $0x80, $0x38;
	[tilespmem:$0xD600] =	vst v63  }
0x10f: {  	s12 =	sadd.s32 $0x2000, s0;
	s13 =	simm.s32 $0xAC80  }
0x110: {  	[hbm4b:s12+s3] =	stream.linear.scatter [tilespmem:s13], [sflag:$0x2], $0x80, $0x38;
	[tilespmem:$0xD600] =	vst v63  }
0x111: {  	s14 =	sadd.s32 $0x2010, s0;
	s16 =	simm.s32 $0xAD08  }
0x112: {  	[hbm4b:s14+s3] =	stream.linear.scatter [tilespmem:s16], [sflag:$0x2], $0x80, $0x38;
	[tilespmem:$0xD600] =	vst v63  }
0x113: {  	s13 =	sadd.s32 $0x2020, s0  }
0x114: {  	[hbm4b:s13+s3] =	stream.linear.scatter [tilespmem:s17], [sflag:$0x2], $0x80, $0x38;
	[tilespmem:$0xD600] =	vst v63  }
0x115: {  	s14 =	sadd.s32 $0x2030, s0  }
0x116: {  	[hbm4b:s14+s3] =	stream.linear.scatter [tilespmem:s6], [sflag:$0x2], $0x80, $0x38;
	[tilespmem:$0xD600] =	vst v63  }
0x117: {  	s16 =	sadd.s32 $0x2040, s0  }
0x118: {  	[hbm4b:s16+s3] =	stream.linear.scatter [tilespmem:s7], [sflag:$0x2], $0x80, $0x38;
	[tilespmem:$0xD600] =	vst v63  }
0x119: {  	s12 =	sadd.s32 $0x2050, s0  }
0x11a: {  	[hbm4b:s12+s3] =	stream.linear.scatter [tilespmem:s9], [sflag:$0x2], $0x80, $0x38;
	[tilespmem:$0xD600] =	vst v63  }
0x11b: {  	s13 =	sadd.s32 $0x2060, s0  }
0x11c: {  	[hbm4b:s13+s3] =	stream.linear.scatter [tilespmem:s10], [sflag:$0x2], $0x80, $0x38;
	[tilespmem:$0xD600] =	vst v63  }
0x11d: {  	s14 =	sadd.s32 $0x2070, s0  }
0x11e: {  	[hbm4b:s14+s3] =	stream.linear.scatter [tilespmem:s15], [sflag:$0x2], $0x80, $0x38;
	[tilespmem:$0xD600] =	vst v63  }
0x11f: {  	s16 =	sadd.s32 $0x3000, s0  }
0x120: {  	[hbm4b:s16+s3] =	stream.linear.scatter [tilespmem:s11], [sflag:$0x2], $0x80, $0x38;
	[tilespmem:$0xD600] =	vst v63  }
0x121: {  	s12 =	sadd.s32 $0x3010, s0  }
0x122: {  	[hbm4b:s12+s3] =	stream.linear.scatter [tilespmem:s20], [sflag:$0x2], $0x80, $0x38;
	[tilespmem:$0xD600] =	vst v63  }
0x123: {  	s13 =	sadd.s32 $0x3020, s0  }
0x124: {  	[hbm4b:s13+s3] =	stream.linear.scatter [tilespmem:s21], [sflag:$0x2], $0x80, $0x38;
	[tilespmem:$0xD600] =	vst v63  }
0x125: {  	s14 =	sadd.s32 $0x3030, s0  }
0x126: {  	[hbm4b:s14+s3] =	stream.linear.scatter [tilespmem:s22], [sflag:$0x2], $0x80, $0x38;
	[tilespmem:$0xD600] =	vst v63  }
0x127: {  	s16 =	sadd.s32 $0x3040, s0  }
0x128: {  	[hbm4b:s16+s3] =	stream.linear.scatter [tilespmem:s23], [sflag:$0x2], $0x80, $0x38;
	[tilespmem:$0xD600] =	vst v63  }
0x129: {  	s12 =	sadd.s32 $0x3050, s0  }
0x12a: {  	[hbm4b:s12+s3] =	stream.linear.scatter [tilespmem:s24], [sflag:$0x2], $0x80, $0x38;
	[tilespmem:$0xD600] =	vst v63  }
0x12b: {  	s13 =	sadd.s32 $0x3060, s0  }
0x12c: {  	[hbm4b:s13+s3] =	stream.linear.scatter [tilespmem:s25], [sflag:$0x2], $0x80, $0x38;
	[tilespmem:$0xD600] =	vst v63  }
0x12d: {  	p0 =	seq.s32 s30, $0x31;
	s0 =	sadd.s32 $0x3070, s0  }
0x12e: {  	[hbm4b:s0+s3] =	stream.linear.scatter [tilespmem:s26], [sflag:$0x2], $0x80, $0x38;
	[tilespmem:$0xD600] =	vst v63  }
0x12f: {  	s0 =	sshll.u32 @!p0 s30, $0x9  }
0x130: {  	s0 =	sand.u32 @!p0 $0x3FFFFE00, s0  }
0x131: {  	s12 =	simm.s32 @!p0 $0x80;
	s13 =	simm.s32 @!p0 $0x6400;
	s1 =	sadd.s32 @!p0 $0x200, s0  }
0x132: {  	[tilespmem:s13], [sflag:$0x1] =	stream.indirect.gather @!p0 [hbm4b:s4+s12], $0x20, s1, s12, $0xb8;
	[tilespmem:$0xD600] =	vst v63  }
0x133: {  	s14 =	simm.s32 $0x0;
	_ =	swait.ge [sflag:s18], $0x1000  }
0x134: {  	p1 =	seq.s32 s30, $0x0;
	v17 =	vmov s14;
	[sflag:s18] =	ssyncset.done $0x0  }
0x135: {  	v17 =	vshrl.u32 v17, $0x3;
	s1 =	simm.s32 @!p1 $0x2;
	[sflag:s18] =	ssyncadd.s32 $0xFFFFF000  }
0x136: {  	v17 =	vshll.u32 v17, v1;
	_ =	swait.ge @!p1 [sflag:s1], $0x1000  }
0x137: {  	v17 =	vbroadcast v17, $0x0;
	[sflag:s1] =	ssyncset.done @!p1 $0x0  }
0x138: {  	s12 =	simm.s32 $0x74F0;
	[sflag:s1] =	ssyncadd.s32 @!p1 $0xFFFFF000  }
0x139: {  	v19 =	vadd.s32 v0, v17;
	v18 =	vld [tilespmem:s12+$0xFFFFFF10];
	_ =	sdelay $0x4  }
0x13a: {  	[tilespmem:v19+s28+$0x0] =	vst.idx.msk $0xffff, v18  }
0x13b: {  	s16 =	simm.s32 $0x1;
	v17 =	vadd.s32 v2, v17;
	v18 =	vld [tilespmem:s12+$0xFFFFFF20]  }
0x13c: {  	v19 =	vmov s16  }
0x13d: {  	v19 =	vshrl.u32 v19, $0x3  }
0x13e: {  	v19 =	vshll.u32 v19, v1  }
0x13f: {  	v19 =	vbroadcast v19, $0x0  }
0x140: {  	[tilespmem:v17+s28+$0x0] =	vst.idx.msk $0xffff, v18  }
0x141: {  	v18 =	vadd.s32 v3, v19;
	v17 =	vld [tilespmem:s12+$0xFFFFFF30];
	_ =	sdelay $0x4  }
0x142: {  	[tilespmem:v18+s28+$0x0] =	vst.idx.msk $0xffff, v17  }
0x143: {  	s13 =	simm.s32 $0x2;
	v18 =	vadd.s32 v4, v19;
	v17 =	vld [tilespmem:s12+$0xFFFFFF40]  }
0x144: {  	v19 =	vmov s13  }
0x145: {  	v19 =	vshrl.u32 v19, $0x3  }
0x146: {  	v19 =	vshll.u32 v19, v1  }
0x147: {  	v19 =	vbroadcast v19, $0x0  }
0x148: {  	[tilespmem:v18+s28+$0x0] =	vst.idx.msk $0xffff, v17  }
0x149: {  	v18 =	vadd.s32 v5, v19;
	v17 =	vld [tilespmem:s12+$0xFFFFFF50];
	_ =	sdelay $0x4  }
0x14a: {  	[tilespmem:v18+s28+$0x0] =	vst.idx.msk $0xffff, v17  }
0x14b: {  	s14 =	simm.s32 $0x3;
	v18 =	vadd.s32 v6, v19;
	v17 =	vld [tilespmem:s12+$0xFFFFFF60]  }
0x14c: {  	v19 =	vmov s14  }
0x14d: {  	v19 =	vshrl.u32 v19, $0x3  }
0x14e: {  	v19 =	vshll.u32 v19, v1  }
0x14f: {  	v19 =	vbroadcast v19, $0x0  }
0x150: {  	[tilespmem:v18+s28+$0x0] =	vst.idx.msk $0xffff, v17  }
0x151: {  	v18 =	vadd.s32 v7, v19;
	v17 =	vld [tilespmem:s12+$0xFFFFFF70];
	_ =	sdelay $0x4  }
0x152: {  	[tilespmem:v18+s28+$0x0] =	vst.idx.msk $0xffff, v17  }
0x153: {  	s16 =	simm.s32 $0x4;
	v18 =	vadd.s32 v8, v19;
	v17 =	vld [tilespmem:s12+$0xFFFFFF80]  }
0x154: {  	v19 =	vmov s16  }
0x155: {  	v19 =	vshrl.u32 v19, $0x3  }
0x156: {  	v19 =	vshll.u32 v19, v1  }
0x157: {  	v19 =	vbroadcast v19, $0x0  }
0x158: {  	[tilespmem:v18+s28+$0x0] =	vst.idx.msk $0xffff, v17  }
0x159: {  	v18 =	vadd.s32 v9, v19;
	v17 =	vld [tilespmem:s12+$0xFFFFFF90];
	_ =	sdelay $0x4  }
0x15a: {  	[tilespmem:v18+s28+$0x0] =	vst.idx.msk $0xffff, v17  }
0x15b: {  	s13 =	simm.s32 $0x5;
	v18 =	vadd.s32 v10, v19;
	v17 =	vld [tilespmem:s12+$0xFFFFFFA0]  }
0x15c: {  	v19 =	vmov s13  }
0x15d: {  	v19 =	vshrl.u32 v19, $0x3  }
0x15e: {  	v19 =	vshll.u32 v19, v1  }
0x15f: {  	v19 =	vbroadcast v19, $0x0  }
0x160: {  	[tilespmem:v18+s28+$0x0] =	vst.idx.msk $0xffff, v17  }
0x161: {  	v18 =	vadd.s32 v11, v19;
	v17 =	vld [tilespmem:s12+$0xFFFFFFB0];
	_ =	sdelay $0x4  }
0x162: {  	[tilespmem:v18+s28+$0x0] =	vst.idx.msk $0xffff, v17  }
0x163: {  	s14 =	simm.s32 $0x6;
	v18 =	vadd.s32 v12, v19;
	v17 =	vld [tilespmem:s12+$0xFFFFFFC0]  }
0x164: {  	v19 =	vmov s14  }
0x165: {  	v19 =	vshrl.u32 v19, $0x3  }
0x166: {  	v19 =	vshll.u32 v19, v1  }
0x167: {  	v19 =	vbroadcast v19, $0x0  }
0x168: {  	[tilespmem:v18+s28+$0x0] =	vst.idx.msk $0xffff, v17  }
0x169: {  	v18 =	vadd.s32 v13, v19;
	v17 =	vld [tilespmem:s12+$0xFFFFFFD0];
	_ =	sdelay $0x4  }
0x16a: {  	[tilespmem:v18+s28+$0x0] =	vst.idx.msk $0xffff, v17  }
0x16b: {  	s16 =	simm.s32 $0x7;
	v18 =	vadd.s32 v14, v19;
	v17 =	vld [tilespmem:s12+$0xFFFFFFE0]  }
0x16c: {  	v19 =	vmov s16  }
0x16d: {  	v19 =	vshrl.u32 v19, $0x3  }
0x16e: {  	v19 =	vshll.u32 v19, v1  }
0x16f: {  	v19 =	vbroadcast v19, $0x0  }
0x170: {  	[tilespmem:v18+s28+$0x0] =	vst.idx.msk $0xffff, v17  }
0x171: {  	v18 =	vadd.s32 v15, v19;
	v17 =	vld [tilespmem:s12+$0xFFFFFFF0];
	_ =	sdelay $0x3  }
0x172: {  	s1 =	sor.u32 @!p0 $0x1, s31  }
0x173: {  	s1 =	simm.s32 @p0 $0xC5;
	[tilespmem:v18+s28+$0x0] =	vst.idx.msk $0xffff, v17  }
0x174: {  	s13 =	simm.s32 $0xF;
	s14 =	simm.s32 $0x17;
	s16 =	simm.s32 $0x8;
	v18 =	vadd.s32 v16, v19;
	v17 =	vld [tilespmem:s12+$0x0]  }
.LBB2_5:
0x175: {  	p1 =	sne.s32 s14, $0x7F;
	v19 =	vmov s16  }
0x176: {  	v19 =	vshrl.u32 v19, $0x3  }
0x177: {  	v19 =	vshll.u32 v19, v1  }
0x178: {  	v19 =	vbroadcast v19, $0x0  }
0x179: {  	s12 =	sadd.s32 $0x100, s12;
	[tilespmem:v18+s28+$0x0] =	vst.idx.msk $0xffff, v17  }
0x17a: {  	v17 =	vld [tilespmem:s12+$0xFFFFFF10];
	v18 =	vadd.s32 v0, v19;
	_ =	sdelay $0x4  }
0x17b: {  	[tilespmem:v18+s28+$0x0] =	vst.idx.msk $0xffff, v17  }
0x17c: {  	s16 =	sadd.s32 $0xFFFFFFFA, s13;
	v18 =	vadd.s32 v2, v19;
	v17 =	vld [tilespmem:s12+$0xFFFFFF20]  }
0x17d: {  	v19 =	vmov s16  }
0x17e: {  	v19 =	vshrl.u32 v19, $0x3  }
0x17f: {  	v19 =	vshll.u32 v19, v1  }
0x180: {  	v19 =	vbroadcast v19, $0x0  }
0x181: {  	[tilespmem:v18+s28+$0x0] =	vst.idx.msk $0xffff, v17  }
0x182: {  	v18 =	vadd.s32 v3, v19;
	v17 =	vld [tilespmem:s12+$0xFFFFFF30];
	_ =	sdelay $0x4  }
0x183: {  	[tilespmem:v18+s28+$0x0] =	vst.idx.msk $0xffff, v17  }
0x184: {  	s16 =	sadd.s32 $0xFFFFFFFB, s13;
	v18 =	vadd.s32 v4, v19;
	v17 =	vld [tilespmem:s12+$0xFFFFFF40]  }
0x185: {  	v19 =	vmov s16  }
0x186: {  	v19 =	vshrl.u32 v19, $0x3  }
0x187: {  	v19 =	vshll.u32 v19, v1  }
0x188: {  	v19 =	vbroadcast v19, $0x0  }
0x189: {  	[tilespmem:v18+s28+$0x0] =	vst.idx.msk $0xffff, v17  }
0x18a: {  	v18 =	vadd.s32 v5, v19;
	v17 =	vld [tilespmem:s12+$0xFFFFFF50];
	_ =	sdelay $0x4  }
0x18b: {  	[tilespmem:v18+s28+$0x0] =	vst.idx.msk $0xffff, v17  }
0x18c: {  	s16 =	sadd.s32 $0xFFFFFFFC, s13;
	v18 =	vadd.s32 v6, v19;
	v17 =	vld [tilespmem:s12+$0xFFFFFF60]  }
0x18d: {  	v19 =	vmov s16  }
0x18e: {  	v19 =	vshrl.u32 v19, $0x3  }
0x18f: {  	v19 =	vshll.u32 v19, v1  }
0x190: {  	v19 =	vbroadcast v19, $0x0  }
0x191: {  	[tilespmem:v18+s28+$0x0] =	vst.idx.msk $0xffff, v17  }
0x192: {  	v18 =	vadd.s32 v7, v19;
	v17 =	vld [tilespmem:s12+$0xFFFFFF70];
	_ =	sdelay $0x4  }
0x193: {  	[tilespmem:v18+s28+$0x0] =	vst.idx.msk $0xffff, v17  }
0x194: {  	s16 =	sadd.s32 $0xFFFFFFFD, s13;
	v18 =	vadd.s32 v8, v19;
	v17 =	vld [tilespmem:s12+$0xFFFFFF80]  }
0x195: {  	v19 =	vmov s16  }
0x196: {  	v19 =	vshrl.u32 v19, $0x3  }
0x197: {  	v19 =	vshll.u32 v19, v1  }
0x198: {  	v19 =	vbroadcast v19, $0x0  }
0x199: {  	[tilespmem:v18+s28+$0x0] =	vst.idx.msk $0xffff, v17  }
0x19a: {  	v18 =	vadd.s32 v9, v19;
	v17 =	vld [tilespmem:s12+$0xFFFFFF90];
	_ =	sdelay $0x4  }
0x19b: {  	[tilespmem:v18+s28+$0x0] =	vst.idx.msk $0xffff, v17  }
0x19c: {  	s16 =	sadd.s32 $0xFFFFFFFE, s13;
	v18 =	vadd.s32 v10, v19;
	v17 =	vld [tilespmem:s12+$0xFFFFFFA0]  }
0x19d: {  	v19 =	vmov s16  }
0x19e: {  	v19 =	vshrl.u32 v19, $0x3  }
0x19f: {  	v19 =	vshll.u32 v19, v1  }
0x1a0: {  	v19 =	vbroadcast v19, $0x0  }
0x1a1: {  	[tilespmem:v18+s28+$0x0] =	vst.idx.msk $0xffff, v17  }
0x1a2: {  	v18 =	vadd.s32 v11, v19;
	v17 =	vld [tilespmem:s12+$0xFFFFFFB0];
	_ =	sdelay $0x4  }
0x1a3: {  	[tilespmem:v18+s28+$0x0] =	vst.idx.msk $0xffff, v17  }
0x1a4: {  	s16 =	sadd.s32 $0xFFFFFFFF, s13;
	v18 =	vadd.s32 v12, v19;
	v17 =	vld [tilespmem:s12+$0xFFFFFFC0]  }
0x1a5: {  	v19 =	vmov s16  }
0x1a6: {  	v19 =	vshrl.u32 v19, $0x3  }
0x1a7: {  	v19 =	vshll.u32 v19, v1  }
0x1a8: {  	v19 =	vbroadcast v19, $0x0  }
0x1a9: {  	[tilespmem:v18+s28+$0x0] =	vst.idx.msk $0xffff, v17  }
0x1aa: {  	v18 =	vadd.s32 v13, v19;
	v17 =	vld [tilespmem:s12+$0xFFFFFFD0];
	_ =	sdelay $0x4  }
0x1ab: {  	[tilespmem:v18+s28+$0x0] =	vst.idx.msk $0xffff, v17  }
0x1ac: {  	v18 =	vadd.s32 v14, v19;
	v17 =	vld [tilespmem:s12+$0xFFFFFFE0]  }
0x1ad: {  	v19 =	vmov s13;
	s13 =	smov.u32 s14  }
0x1ae: {  	v19 =	vshrl.u32 v19, $0x3  }
0x1af: {  	v19 =	vshll.u32 v19, v1  }
0x1b0: {  	v19 =	vbroadcast v19, $0x0  }
0x1b1: {  	[tilespmem:v18+s28+$0x0] =	vst.idx.msk $0xffff, v17  }
0x1b2: {  	v18 =	vadd.s32 v15, v19;
	v17 =	vld [tilespmem:s12+$0xFFFFFFF0];
	_ =	sdelay $0x1  }
.Ltmp3:
0x1b3: {  	(pc) =	sbr.rel @p1 .LBB2_5-.Ltmp3, $3  }
0x1b4: {  	_ =	sdelay $0x1  }
0x1b5: {  	[tilespmem:v18+s28+$0x0] =	vst.idx.msk $0xffff, v17  }
0x1b6: {  	s14 =	sadd.s32 $0x8, s14;
	s16 =	sadd.s32 $0xFFFFFFF9, s13;
	v18 =	vadd.s32 v16, v19;
	v17 =	vld [tilespmem:s12+$0x0]  }
0x1b7: {  	v19 =	vmov s16  }
0x1b8: {  	v19 =	vshrl.u32 v19, $0x3  }
0x1b9: {  	v19 =	vshll.u32 v19, v1  }
0x1ba: {  	v19 =	vbroadcast v19, $0x0  }
0x1bb: {  	s12 =	sadd.s32 $0x100, s12;
	[tilespmem:v18+s28+$0x0] =	vst.idx.msk $0xffff, v17  }
0x1bc: {  	v17 =	vld [tilespmem:s12+$0xFFFFFF10];
	v18 =	vadd.s32 v0, v19;
	_ =	sdelay $0x4  }
0x1bd: {  	[tilespmem:v18+s28+$0x0] =	vst.idx.msk $0xffff, v17  }
0x1be: {  	s14 =	sadd.s32 $0xFFFFFFFA, s13;
	v18 =	vadd.s32 v2, v19;
	v17 =	vld [tilespmem:s12+$0xFFFFFF20]  }
0x1bf: {  	v19 =	vmov s14  }
0x1c0: {  	v19 =	vshrl.u32 v19, $0x3  }
0x1c1: {  	v19 =	vshll.u32 v19, v1  }
0x1c2: {  	v19 =	vbroadcast v19, $0x0  }
0x1c3: {  	[tilespmem:v18+s28+$0x0] =	vst.idx.msk $0xffff, v17  }
0x1c4: {  	v18 =	vadd.s32 v3, v19;
	v17 =	vld [tilespmem:s12+$0xFFFFFF30];
	_ =	sdelay $0x4  }
0x1c5: {  	[tilespmem:v18+s28+$0x0] =	vst.idx.msk $0xffff, v17  }
0x1c6: {  	s16 =	sadd.s32 $0xFFFFFFFB, s13;
	v18 =	vadd.s32 v4, v19;
	v17 =	vld [tilespmem:s12+$0xFFFFFF40]  }
0x1c7: {  	v19 =	vmov s16  }
0x1c8: {  	v19 =	vshrl.u32 v19, $0x3  }
0x1c9: {  	v19 =	vshll.u32 v19, v1  }
0x1ca: {  	v19 =	vbroadcast v19, $0x0  }
0x1cb: {  	[tilespmem:v18+s28+$0x0] =	vst.idx.msk $0xffff, v17  }
0x1cc: {  	v18 =	vadd.s32 v5, v19;
	v17 =	vld [tilespmem:s12+$0xFFFFFF50];
	_ =	sdelay $0x4  }
0x1cd: {  	[tilespmem:v18+s28+$0x0] =	vst.idx.msk $0xffff, v17  }
0x1ce: {  	s16 =	sadd.s32 $0xFFFFFFFC, s13;
	v18 =	vadd.s32 v6, v19;
	v17 =	vld [tilespmem:s12+$0xFFFFFF60]  }
0x1cf: {  	v19 =	vmov s16  }
0x1d0: {  	v19 =	vshrl.u32 v19, $0x3  }
0x1d1: {  	v19 =	vshll.u32 v19, v1  }
0x1d2: {  	v19 =	vbroadcast v19, $0x0  }
0x1d3: {  	[tilespmem:v18+s28+$0x0] =	vst.idx.msk $0xffff, v17  }
0x1d4: {  	v18 =	vadd.s32 v7, v19;
	v17 =	vld [tilespmem:s12+$0xFFFFFF70];
	_ =	sdelay $0x4  }
0x1d5: {  	[tilespmem:v18+s28+$0x0] =	vst.idx.msk $0xffff, v17  }
0x1d6: {  	s16 =	sadd.s32 $0xFFFFFFFD, s13;
	v18 =	vadd.s32 v8, v19;
	v17 =	vld [tilespmem:s12+$0xFFFFFF80]  }
0x1d7: {  	v19 =	vmov s16  }
0x1d8: {  	v19 =	vshrl.u32 v19, $0x3  }
0x1d9: {  	v19 =	vshll.u32 v19, v1  }
0x1da: {  	v19 =	vbroadcast v19, $0x0  }
0x1db: {  	[tilespmem:v18+s28+$0x0] =	vst.idx.msk $0xffff, v17  }
0x1dc: {  	v18 =	vadd.s32 v9, v19;
	v17 =	vld [tilespmem:s12+$0xFFFFFF90];
	_ =	sdelay $0x4  }
0x1dd: {  	[tilespmem:v18+s28+$0x0] =	vst.idx.msk $0xffff, v17  }
0x1de: {  	s16 =	sadd.s32 $0xFFFFFFFE, s13;
	v18 =	vadd.s32 v10, v19;
	v17 =	vld [tilespmem:s12+$0xFFFFFFA0]  }
0x1df: {  	v19 =	vmov s16  }
0x1e0: {  	v19 =	vshrl.u32 v19, $0x3  }
0x1e1: {  	v19 =	vshll.u32 v19, v1  }
0x1e2: {  	v19 =	vbroadcast v19, $0x0  }
0x1e3: {  	[tilespmem:v18+s28+$0x0] =	vst.idx.msk $0xffff, v17  }
0x1e4: {  	v18 =	vadd.s32 v11, v19;
	v17 =	vld [tilespmem:s12+$0xFFFFFFB0];
	_ =	sdelay $0x4  }
0x1e5: {  	[tilespmem:v18+s28+$0x0] =	vst.idx.msk $0xffff, v17  }
0x1e6: {  	s16 =	sadd.s32 $0xFFFFFFFF, s13;
	v18 =	vadd.s32 v12, v19;
	v17 =	vld [tilespmem:s12+$0xFFFFFFC0]  }
0x1e7: {  	v19 =	vmov s16  }
0x1e8: {  	v19 =	vshrl.u32 v19, $0x3  }
0x1e9: {  	v19 =	vshll.u32 v19, v1  }
0x1ea: {  	v19 =	vbroadcast v19, $0x0  }
0x1eb: {  	[tilespmem:v18+s28+$0x0] =	vst.idx.msk $0xffff, v17  }
0x1ec: {  	v18 =	vadd.s32 v13, v19;
	v17 =	vld [tilespmem:s12+$0xFFFFFFD0];
	_ =	sdelay $0x4  }
0x1ed: {  	[tilespmem:v18+s28+$0x0] =	vst.idx.msk $0xffff, v17  }
0x1ee: {  	v18 =	vadd.s32 v14, v19;
	v17 =	vld [tilespmem:s12+$0xFFFFFFE0]  }
0x1ef: {  	v19 =	vmov s13  }
0x1f0: {  	v19 =	vshrl.u32 v19, $0x3  }
0x1f1: {  	v19 =	vshll.u32 v19, v1  }
0x1f2: {  	v19 =	vbroadcast v19, $0x0  }
0x1f3: {  	[tilespmem:v18+s28+$0x0] =	vst.idx.msk $0xffff, v17  }
0x1f4: {  	v18 =	vadd.s32 v15, v19;
	v17 =	vld [tilespmem:s12+$0xFFFFFFF0];
	_ =	sdelay $0x4  }
0x1f5: {  	[tilespmem:v18+s28+$0x0] =	vst.idx.msk $0xffff, v17  }
0x1f6: {  	v18 =	vadd.s32 v16, v19;
	v17 =	vld [tilespmem:s12+$0x0]  }
0x1f7: {  	s1 =	sadd.s32 s5, s1  }
0x1f8: {  	s14 =	sshll.u32 s1, $0x7  }
0x1f9: {  	s1 =	sshll.u32 s1, $0x9;
	s12 =	sand.u32 $0xF80, s14  }
0x1fa: {  	s1 =	sand.u32 $0xFFFC000, s1;
	s12 =	sadd.s32 s2, s12  }
0x1fb: {  	s1 =	sadd.s32 s1, s12;
	[tilespmem:v18+s28+$0x0] =	vst.idx.msk $0xffff, v17  }
0x1fc: {  	[hbm4b:s1+s3] =	stream.linear.scatter [tilespmem:s28], [sflag:$0x2], $0x80, $0x38;
	[tilespmem:$0xD600] =	vst v63  }
0x1fd: {  	s16 =	simm.s32 $0xB588;
	s12 =	sadd.s32 $0x10, s1  }
0x1fe: {  	[hbm4b:s12+s3] =	stream.linear.scatter [tilespmem:s16], [sflag:$0x2], $0x80, $0x38;
	[tilespmem:$0xD600] =	vst v63  }
0x1ff: {  	s14 =	sadd.s32 $0x20, s1;
	s16 =	simm.s32 $0xB610  }
0x200: {  	[hbm4b:s14+s3] =	stream.linear.scatter [tilespmem:s16], [sflag:$0x2], $0x80, $0x38;
	[tilespmem:$0xD600] =	vst v63  }
0x201: {  	s14 =	sadd.s32 $0x30, s1;
	s16 =	simm.s32 $0xB698  }
0x202: {  	[hbm4b:s14+s3] =	stream.linear.scatter [tilespmem:s16], [sflag:$0x2], $0x80, $0x38;
	[tilespmem:$0xD600] =	vst v63  }
0x203: {  	s14 =	sadd.s32 $0x40, s1;
	s16 =	simm.s32 $0xB720  }
0x204: {  	[hbm4b:s14+s3] =	stream.linear.scatter [tilespmem:s16], [sflag:$0x2], $0x80, $0x38;
	[tilespmem:$0xD600] =	vst v63  }
0x205: {  	s14 =	sadd.s32 $0x50, s1;
	s16 =	simm.s32 $0xB7A8  }
0x206: {  	[hbm4b:s14+s3] =	stream.linear.scatter [tilespmem:s16], [sflag:$0x2], $0x80, $0x38;
	[tilespmem:$0xD600] =	vst v63  }
0x207: {  	s14 =	sadd.s32 $0x60, s1;
	s16 =	simm.s32 $0xB830  }
0x208: {  	[hbm4b:s14+s3] =	stream.linear.scatter [tilespmem:s16], [sflag:$0x2], $0x80, $0x38;
	[tilespmem:$0xD600] =	vst v63  }
0x209: {  	s14 =	sadd.s32 $0x70, s1;
	s16 =	simm.s32 $0xB8B8  }
0x20a: {  	[hbm4b:s14+s3] =	stream.linear.scatter [tilespmem:s16], [sflag:$0x2], $0x80, $0x38;
	[tilespmem:$0xD600] =	vst v63  }
0x20b: {  	s14 =	sadd.s32 $0x1000, s1;
	s16 =	simm.s32 $0xB940  }
0x20c: {  	[hbm4b:s14+s3] =	stream.linear.scatter [tilespmem:s16], [sflag:$0x2], $0x80, $0x38;
	[tilespmem:$0xD600] =	vst v63  }
0x20d: {  	s14 =	sadd.s32 $0x1010, s1;
	s16 =	simm.s32 $0xB9C8  }
0x20e: {  	[hbm4b:s14+s3] =	stream.linear.scatter [tilespmem:s16], [sflag:$0x2], $0x80, $0x38;
	[tilespmem:$0xD600] =	vst v63  }
0x20f: {  	s14 =	sadd.s32 $0x1020, s1;
	s16 =	simm.s32 $0xBA50  }
0x210: {  	[hbm4b:s14+s3] =	stream.linear.scatter [tilespmem:s16], [sflag:$0x2], $0x80, $0x38;
	[tilespmem:$0xD600] =	vst v63  }
0x211: {  	s14 =	sadd.s32 $0x1030, s1;
	s16 =	simm.s32 $0xBAD8  }
0x212: {  	[hbm4b:s14+s3] =	stream.linear.scatter [tilespmem:s16], [sflag:$0x2], $0x80, $0x38;
	[tilespmem:$0xD600] =	vst v63  }
0x213: {  	s14 =	sadd.s32 $0x1040, s1;
	s16 =	simm.s32 $0xBB60  }
0x214: {  	[hbm4b:s14+s3] =	stream.linear.scatter [tilespmem:s16], [sflag:$0x2], $0x80, $0x38;
	[tilespmem:$0xD600] =	vst v63  }
0x215: {  	s14 =	sadd.s32 $0x1050, s1;
	s16 =	simm.s32 $0xBBE8  }
0x216: {  	[hbm4b:s14+s3] =	stream.linear.scatter [tilespmem:s16], [sflag:$0x2], $0x80, $0x38;
	[tilespmem:$0xD600] =	vst v63  }
0x217: {  	s14 =	sadd.s32 $0x1060, s1;
	s16 =	simm.s32 $0xBC70  }
0x218: {  	[hbm4b:s14+s3] =	stream.linear.scatter [tilespmem:s16], [sflag:$0x2], $0x80, $0x38;
	[tilespmem:$0xD600] =	vst v63  }
0x219: {  	s14 =	sadd.s32 $0x1070, s1;
	s16 =	simm.s32 $0xBCF8  }
0x21a: {  	[hbm4b:s14+s3] =	stream.linear.scatter [tilespmem:s16], [sflag:$0x2], $0x80, $0x38;
	[tilespmem:$0xD600] =	vst v63  }
0x21b: {  	s14 =	sadd.s32 $0x2000, s1;
	s16 =	simm.s32 $0xBD80  }
0x21c: {  	[hbm4b:s14+s3] =	stream.linear.scatter [tilespmem:s16], [sflag:$0x2], $0x80, $0x38;
	[tilespmem:$0xD600] =	vst v63  }
0x21d: {  	s14 =	sadd.s32 $0x2010, s1;
	s16 =	simm.s32 $0xBE08  }
0x21e: {  	[hbm4b:s14+s3] =	stream.linear.scatter [tilespmem:s16], [sflag:$0x2], $0x80, $0x38;
	[tilespmem:$0xD600] =	vst v63  }
0x21f: {  	s14 =	sadd.s32 $0x2020, s1;
	s16 =	simm.s32 $0xBE90  }
0x220: {  	[hbm4b:s14+s3] =	stream.linear.scatter [tilespmem:s16], [sflag:$0x2], $0x80, $0x38;
	[tilespmem:$0xD600] =	vst v63  }
0x221: {  	s14 =	sadd.s32 $0x2030, s1;
	s16 =	simm.s32 $0xBF18  }
0x222: {  	[hbm4b:s14+s3] =	stream.linear.scatter [tilespmem:s16], [sflag:$0x2], $0x80, $0x38;
	[tilespmem:$0xD600] =	vst v63  }
0x223: {  	s14 =	sadd.s32 $0x2040, s1;
	s16 =	simm.s32 $0xBFA0  }
0x224: {  	[hbm4b:s14+s3] =	stream.linear.scatter [tilespmem:s16], [sflag:$0x2], $0x80, $0x38;
	[tilespmem:$0xD600] =	vst v63  }
0x225: {  	s14 =	sadd.s32 $0x2050, s1;
	s16 =	simm.s32 $0xC028  }
0x226: {  	[hbm4b:s14+s3] =	stream.linear.scatter [tilespmem:s16], [sflag:$0x2], $0x80, $0x38;
	[tilespmem:$0xD600] =	vst v63  }
0x227: {  	s14 =	sadd.s32 $0x2060, s1;
	s16 =	simm.s32 $0xC0B0  }
0x228: {  	[hbm4b:s14+s3] =	stream.linear.scatter [tilespmem:s16], [sflag:$0x2], $0x80, $0x38;
	[tilespmem:$0xD600] =	vst v63  }
0x229: {  	s14 =	sadd.s32 $0x2070, s1;
	s16 =	simm.s32 $0xC138  }
0x22a: {  	[hbm4b:s14+s3] =	stream.linear.scatter [tilespmem:s16], [sflag:$0x2], $0x80, $0x38;
	[tilespmem:$0xD600] =	vst v63  }
0x22b: {  	s14 =	sadd.s32 $0x3000, s1;
	s16 =	simm.s32 $0xC1C0  }
0x22c: {  	[hbm4b:s14+s3] =	stream.linear.scatter [tilespmem:s16], [sflag:$0x2], $0x80, $0x38;
	[tilespmem:$0xD600] =	vst v63  }
0x22d: {  	s14 =	sadd.s32 $0x3010, s1;
	s16 =	simm.s32 $0xC248  }
0x22e: {  	[hbm4b:s14+s3] =	stream.linear.scatter [tilespmem:s16], [sflag:$0x2], $0x80, $0x38;
	[tilespmem:$0xD600] =	vst v63  }
0x22f: {  	s14 =	sadd.s32 $0x3020, s1;
	s16 =	simm.s32 $0xC2D0  }
0x230: {  	[hbm4b:s14+s3] =	stream.linear.scatter [tilespmem:s16], [sflag:$0x2], $0x80, $0x38;
	[tilespmem:$0xD600] =	vst v63  }
0x231: {  	s14 =	sadd.s32 $0x3030, s1;
	s16 =	simm.s32 $0xC358  }
0x232: {  	[hbm4b:s14+s3] =	stream.linear.scatter [tilespmem:s16], [sflag:$0x2], $0x80, $0x38;
	[tilespmem:$0xD600] =	vst v63  }
0x233: {  	s14 =	sadd.s32 $0x3040, s1;
	s16 =	simm.s32 $0xC3E0  }
0x234: {  	[hbm4b:s14+s3] =	stream.linear.scatter [tilespmem:s16], [sflag:$0x2], $0x80, $0x38;
	[tilespmem:$0xD600] =	vst v63  }
0x235: {  	s14 =	sadd.s32 $0x3050, s1;
	s16 =	simm.s32 $0xC468  }
0x236: {  	[hbm4b:s14+s3] =	stream.linear.scatter [tilespmem:s16], [sflag:$0x2], $0x80, $0x38;
	[tilespmem:$0xD600] =	vst v63  }
0x237: {  	s13 =	sadd.s32 $0x3060, s1;
	s14 =	simm.s32 $0xC4F0  }
0x238: {  	[hbm4b:s13+s3] =	stream.linear.scatter [tilespmem:s14], [sflag:$0x2], $0x80, $0x38;
	[tilespmem:$0xD600] =	vst v63  }
0x239: {  	s1 =	sadd.s32 $0x3070, s1;
	s16 =	simm.s32 $0xC578  }
0x23a: {  	[hbm4b:s1+s3] =	stream.linear.scatter [tilespmem:s16], [sflag:$0x2], $0x80, $0x38;
	[tilespmem:$0xD600] =	vst v63  }
0x23b: {  	s0 =	sadd.s32 @!p0 $0x280, s0;
	s12 =	simm.s32 @!p0 $0x7400;
	s1 =	simm.s32 @!p0 $0x80  }
0x23c: {  	[tilespmem:s12], [sflag:$0x1] =	stream.indirect.gather @!p0 [hbm4b:s4+s1], $0x20, s0, s1, $0xb8;
	[tilespmem:$0xD600] =	vst v63  }
0x23d: {  	s12 =	simm.s32 $0x0;
	_ =	swait.ge [sflag:s18], $0x1000  }
0x23e: {  	v17 =	vmov s12;
	[sflag:s18] =	ssyncset.done $0x0  }
0x23f: {  	v17 =	vshrl.u32 v17, $0x3;
	[sflag:s18] =	ssyncadd.s32 $0xFFFFF000  }
0x240: {  	v17 =	vshll.u32 v17, v1;
	_ =	swait.ge [sflag:s29], $0x1000  }
0x241: {  	v17 =	vbroadcast v17, $0x0;
	[sflag:s29] =	ssyncset.done $0x0  }
0x242: {  	s1 =	simm.s32 $0x84F0;
	[sflag:s29] =	ssyncadd.s32 $0xFFFFF000  }
0x243: {  	v19 =	vadd.s32 v0, v17;
	v18 =	vld [tilespmem:s1+$0xFFFFFF10];
	_ =	sdelay $0x4  }
0x244: {  	[tilespmem:v19+s19+$0x0] =	vst.idx.msk $0xffff, v18  }
0x245: {  	s13 =	simm.s32 $0x1;
	v17 =	vadd.s32 v2, v17;
	v18 =	vld [tilespmem:s1+$0xFFFFFF20]  }
0x246: {  	v19 =	vmov s13  }
0x247: {  	v19 =	vshrl.u32 v19, $0x3  }
0x248: {  	v19 =	vshll.u32 v19, v1  }
0x249: {  	v19 =	vbroadcast v19, $0x0  }
0x24a: {  	[tilespmem:v17+s19+$0x0] =	vst.idx.msk $0xffff, v18  }
0x24b: {  	v18 =	vadd.s32 v3, v19;
	v17 =	vld [tilespmem:s1+$0xFFFFFF30];
	_ =	sdelay $0x4  }
0x24c: {  	[tilespmem:v18+s19+$0x0] =	vst.idx.msk $0xffff, v17  }
0x24d: {  	s14 =	simm.s32 $0x2;
	v18 =	vadd.s32 v4, v19;
	v17 =	vld [tilespmem:s1+$0xFFFFFF40]  }
0x24e: {  	v19 =	vmov s14  }
0x24f: {  	v19 =	vshrl.u32 v19, $0x3  }
0x250: {  	v19 =	vshll.u32 v19, v1  }
0x251: {  	v19 =	vbroadcast v19, $0x0  }
0x252: {  	[tilespmem:v18+s19+$0x0] =	vst.idx.msk $0xffff, v17  }
0x253: {  	v18 =	vadd.s32 v5, v19;
	v17 =	vld [tilespmem:s1+$0xFFFFFF50];
	_ =	sdelay $0x4  }
0x254: {  	[tilespmem:v18+s19+$0x0] =	vst.idx.msk $0xffff, v17  }
0x255: {  	s16 =	simm.s32 $0x3;
	v18 =	vadd.s32 v6, v19;
	v17 =	vld [tilespmem:s1+$0xFFFFFF60]  }
0x256: {  	v19 =	vmov s16  }
0x257: {  	v19 =	vshrl.u32 v19, $0x3  }
0x258: {  	v19 =	vshll.u32 v19, v1  }
0x259: {  	v19 =	vbroadcast v19, $0x0  }
0x25a: {  	[tilespmem:v18+s19+$0x0] =	vst.idx.msk $0xffff, v17  }
0x25b: {  	v18 =	vadd.s32 v7, v19;
	v17 =	vld [tilespmem:s1+$0xFFFFFF70];
	_ =	sdelay $0x4  }
0x25c: {  	[tilespmem:v18+s19+$0x0] =	vst.idx.msk $0xffff, v17  }
0x25d: {  	s12 =	simm.s32 $0x4;
	v18 =	vadd.s32 v8, v19;
	v17 =	vld [tilespmem:s1+$0xFFFFFF80]  }
0x25e: {  	v19 =	vmov s12  }
0x25f: {  	v19 =	vshrl.u32 v19, $0x3  }
0x260: {  	v19 =	vshll.u32 v19, v1  }
0x261: {  	v19 =	vbroadcast v19, $0x0  }
0x262: {  	[tilespmem:v18+s19+$0x0] =	vst.idx.msk $0xffff, v17  }
0x263: {  	v18 =	vadd.s32 v9, v19;
	v17 =	vld [tilespmem:s1+$0xFFFFFF90];
	_ =	sdelay $0x4  }
0x264: {  	[tilespmem:v18+s19+$0x0] =	vst.idx.msk $0xffff, v17  }
0x265: {  	s13 =	simm.s32 $0x5;
	v18 =	vadd.s32 v10, v19;
	v17 =	vld [tilespmem:s1+$0xFFFFFFA0]  }
0x266: {  	v19 =	vmov s13  }
0x267: {  	v19 =	vshrl.u32 v19, $0x3  }
0x268: {  	v19 =	vshll.u32 v19, v1  }
0x269: {  	v19 =	vbroadcast v19, $0x0  }
0x26a: {  	[tilespmem:v18+s19+$0x0] =	vst.idx.msk $0xffff, v17  }
0x26b: {  	v18 =	vadd.s32 v11, v19;
	v17 =	vld [tilespmem:s1+$0xFFFFFFB0];
	_ =	sdelay $0x4  }
0x26c: {  	[tilespmem:v18+s19+$0x0] =	vst.idx.msk $0xffff, v17  }
0x26d: {  	s14 =	simm.s32 $0x6;
	v18 =	vadd.s32 v12, v19;
	v17 =	vld [tilespmem:s1+$0xFFFFFFC0]  }
0x26e: {  	v19 =	vmov s14  }
0x26f: {  	v19 =	vshrl.u32 v19, $0x3  }
0x270: {  	v19 =	vshll.u32 v19, v1  }
0x271: {  	v19 =	vbroadcast v19, $0x0  }
0x272: {  	[tilespmem:v18+s19+$0x0] =	vst.idx.msk $0xffff, v17  }
0x273: {  	v18 =	vadd.s32 v13, v19;
	v17 =	vld [tilespmem:s1+$0xFFFFFFD0];
	_ =	sdelay $0x4  }
0x274: {  	[tilespmem:v18+s19+$0x0] =	vst.idx.msk $0xffff, v17  }
0x275: {  	s16 =	simm.s32 $0x7;
	v18 =	vadd.s32 v14, v19;
	v17 =	vld [tilespmem:s1+$0xFFFFFFE0]  }
0x276: {  	v19 =	vmov s16  }
0x277: {  	v19 =	vshrl.u32 v19, $0x3  }
0x278: {  	v19 =	vshll.u32 v19, v1  }
0x279: {  	v19 =	vbroadcast v19, $0x0  }
0x27a: {  	[tilespmem:v18+s19+$0x0] =	vst.idx.msk $0xffff, v17  }
0x27b: {  	v18 =	vadd.s32 v15, v19;
	v17 =	vld [tilespmem:s1+$0xFFFFFFF0];
	_ =	sdelay $0x3  }
0x27c: {  	s0 =	sor.u32 @!p0 $0x2, s31  }
0x27d: {  	s0 =	simm.s32 @p0 $0xC6;
	[tilespmem:v18+s19+$0x0] =	vst.idx.msk $0xffff, v17  }
0x27e: {  	s12 =	simm.s32 $0xF;
	s13 =	simm.s32 $0x17;
	s14 =	simm.s32 $0x8;
	v18 =	vadd.s32 v16, v19;
	v17 =	vld [tilespmem:s1+$0x0]  }
.LBB2_7:
0x27f: {  	p1 =	sne.s32 s13, $0x7F;
	v19 =	vmov s14  }
0x280: {  	v19 =	vshrl.u32 v19, $0x3  }
0x281: {  	v19 =	vshll.u32 v19, v1  }
0x282: {  	v19 =	vbroadcast v19, $0x0  }
0x283: {  	s1 =	sadd.s32 $0x100, s1;
	[tilespmem:v18+s19+$0x0] =	vst.idx.msk $0xffff, v17  }
0x284: {  	v17 =	vld [tilespmem:s1+$0xFFFFFF10];
	v18 =	vadd.s32 v0, v19;
	_ =	sdelay $0x4  }
0x285: {  	[tilespmem:v18+s19+$0x0] =	vst.idx.msk $0xffff, v17  }
0x286: {  	s14 =	sadd.s32 $0xFFFFFFFA, s12;
	v18 =	vadd.s32 v2, v19;
	v17 =	vld [tilespmem:s1+$0xFFFFFF20]  }
0x287: {  	v19 =	vmov s14  }
0x288: {  	v19 =	vshrl.u32 v19, $0x3  }
0x289: {  	v19 =	vshll.u32 v19, v1  }
0x28a: {  	v19 =	vbroadcast v19, $0x0  }
0x28b: {  	[tilespmem:v18+s19+$0x0] =	vst.idx.msk $0xffff, v17  }
0x28c: {  	v18 =	vadd.s32 v3, v19;
	v17 =	vld [tilespmem:s1+$0xFFFFFF30];
	_ =	sdelay $0x4  }
0x28d: {  	[tilespmem:v18+s19+$0x0] =	vst.idx.msk $0xffff, v17  }
0x28e: {  	s14 =	sadd.s32 $0xFFFFFFFB, s12;
	v18 =	vadd.s32 v4, v19;
	v17 =	vld [tilespmem:s1+$0xFFFFFF40]  }
0x28f: {  	v19 =	vmov s14  }
0x290: {  	v19 =	vshrl.u32 v19, $0x3  }
0x291: {  	v19 =	vshll.u32 v19, v1  }
0x292: {  	v19 =	vbroadcast v19, $0x0  }
0x293: {  	[tilespmem:v18+s19+$0x0] =	vst.idx.msk $0xffff, v17  }
0x294: {  	v18 =	vadd.s32 v5, v19;
	v17 =	vld [tilespmem:s1+$0xFFFFFF50];
	_ =	sdelay $0x4  }
0x295: {  	[tilespmem:v18+s19+$0x0] =	vst.idx.msk $0xffff, v17  }
0x296: {  	s14 =	sadd.s32 $0xFFFFFFFC, s12;
	v18 =	vadd.s32 v6, v19;
	v17 =	vld [tilespmem:s1+$0xFFFFFF60]  }
0x297: {  	v19 =	vmov s14  }
0x298: {  	v19 =	vshrl.u32 v19, $0x3  }
0x299: {  	v19 =	vshll.u32 v19, v1  }
0x29a: {  	v19 =	vbroadcast v19, $0x0  }
0x29b: {  	[tilespmem:v18+s19+$0x0] =	vst.idx.msk $0xffff, v17  }
0x29c: {  	v18 =	vadd.s32 v7, v19;
	v17 =	vld [tilespmem:s1+$0xFFFFFF70];
	_ =	sdelay $0x4  }
0x29d: {  	[tilespmem:v18+s19+$0x0] =	vst.idx.msk $0xffff, v17  }
0x29e: {  	s14 =	sadd.s32 $0xFFFFFFFD, s12;
	v18 =	vadd.s32 v8, v19;
	v17 =	vld [tilespmem:s1+$0xFFFFFF80]  }
0x29f: {  	v19 =	vmov s14  }
0x2a0: {  	v19 =	vshrl.u32 v19, $0x3  }
0x2a1: {  	v19 =	vshll.u32 v19, v1  }
0x2a2: {  	v19 =	vbroadcast v19, $0x0  }
0x2a3: {  	[tilespmem:v18+s19+$0x0] =	vst.idx.msk $0xffff, v17  }
0x2a4: {  	v18 =	vadd.s32 v9, v19;
	v17 =	vld [tilespmem:s1+$0xFFFFFF90];
	_ =	sdelay $0x4  }
0x2a5: {  	[tilespmem:v18+s19+$0x0] =	vst.idx.msk $0xffff, v17  }
0x2a6: {  	s14 =	sadd.s32 $0xFFFFFFFE, s12;
	v18 =	vadd.s32 v10, v19;
	v17 =	vld [tilespmem:s1+$0xFFFFFFA0]  }
0x2a7: {  	v19 =	vmov s14  }
0x2a8: {  	v19 =	vshrl.u32 v19, $0x3  }
0x2a9: {  	v19 =	vshll.u32 v19, v1  }
0x2aa: {  	v19 =	vbroadcast v19, $0x0  }
0x2ab: {  	[tilespmem:v18+s19+$0x0] =	vst.idx.msk $0xffff, v17  }
0x2ac: {  	v18 =	vadd.s32 v11, v19;
	v17 =	vld [tilespmem:s1+$0xFFFFFFB0];
	_ =	sdelay $0x4  }
0x2ad: {  	[tilespmem:v18+s19+$0x0] =	vst.idx.msk $0xffff, v17  }
0x2ae: {  	s14 =	sadd.s32 $0xFFFFFFFF, s12;
	v18 =	vadd.s32 v12, v19;
	v17 =	vld [tilespmem:s1+$0xFFFFFFC0]  }
0x2af: {  	v19 =	vmov s14  }
0x2b0: {  	v19 =	vshrl.u32 v19, $0x3  }
0x2b1: {  	v19 =	vshll.u32 v19, v1  }
0x2b2: {  	v19 =	vbroadcast v19, $0x0  }
0x2b3: {  	[tilespmem:v18+s19+$0x0] =	vst.idx.msk $0xffff, v17  }
0x2b4: {  	v18 =	vadd.s32 v13, v19;
	v17 =	vld [tilespmem:s1+$0xFFFFFFD0];
	_ =	sdelay $0x4  }
0x2b5: {  	[tilespmem:v18+s19+$0x0] =	vst.idx.msk $0xffff, v17  }
0x2b6: {  	v18 =	vadd.s32 v14, v19;
	v17 =	vld [tilespmem:s1+$0xFFFFFFE0]  }
0x2b7: {  	v19 =	vmov s12;
	s12 =	smov.u32 s13  }
0x2b8: {  	v19 =	vshrl.u32 v19, $0x3  }
0x2b9: {  	v19 =	vshll.u32 v19, v1  }
0x2ba: {  	v19 =	vbroadcast v19, $0x0  }
0x2bb: {  	[tilespmem:v18+s19+$0x0] =	vst.idx.msk $0xffff, v17  }
0x2bc: {  	v18 =	vadd.s32 v15, v19;
	v17 =	vld [tilespmem:s1+$0xFFFFFFF0];
	_ =	sdelay $0x1  }
.Ltmp4:
0x2bd: {  	(pc) =	sbr.rel @p1 .LBB2_7-.Ltmp4, $3  }
0x2be: {  	_ =	sdelay $0x1  }
0x2bf: {  	[tilespmem:v18+s19+$0x0] =	vst.idx.msk $0xffff, v17  }
0x2c0: {  	s13 =	sadd.s32 $0x8, s13;
	s14 =	sadd.s32 $0xFFFFFFF9, s12;
	v18 =	vadd.s32 v16, v19;
	v17 =	vld [tilespmem:s1+$0x0]  }
0x2c1: {  	v19 =	vmov s14  }
0x2c2: {  	v19 =	vshrl.u32 v19, $0x3  }
0x2c3: {  	v19 =	vshll.u32 v19, v1  }
0x2c4: {  	v19 =	vbroadcast v19, $0x0  }
0x2c5: {  	s1 =	sadd.s32 $0x100, s1;
	[tilespmem:v18+s19+$0x0] =	vst.idx.msk $0xffff, v17  }
0x2c6: {  	v17 =	vld [tilespmem:s1+$0xFFFFFF10];
	v18 =	vadd.s32 v0, v19;
	_ =	sdelay $0x4  }
0x2c7: {  	[tilespmem:v18+s19+$0x0] =	vst.idx.msk $0xffff, v17  }
0x2c8: {  	s13 =	sadd.s32 $0xFFFFFFFA, s12;
	v18 =	vadd.s32 v2, v19;
	v17 =	vld [tilespmem:s1+$0xFFFFFF20]  }
0x2c9: {  	v19 =	vmov s13  }
0x2ca: {  	v19 =	vshrl.u32 v19, $0x3  }
0x2cb: {  	v19 =	vshll.u32 v19, v1  }
0x2cc: {  	v19 =	vbroadcast v19, $0x0  }
0x2cd: {  	[tilespmem:v18+s19+$0x0] =	vst.idx.msk $0xffff, v17  }
0x2ce: {  	v18 =	vadd.s32 v3, v19;
	v17 =	vld [tilespmem:s1+$0xFFFFFF30];
	_ =	sdelay $0x4  }
0x2cf: {  	[tilespmem:v18+s19+$0x0] =	vst.idx.msk $0xffff, v17  }
0x2d0: {  	s16 =	sadd.s32 $0xFFFFFFFB, s12;
	v18 =	vadd.s32 v4, v19;
	v17 =	vld [tilespmem:s1+$0xFFFFFF40]  }
0x2d1: {  	v19 =	vmov s16  }
0x2d2: {  	v19 =	vshrl.u32 v19, $0x3  }
0x2d3: {  	v19 =	vshll.u32 v19, v1  }
0x2d4: {  	v19 =	vbroadcast v19, $0x0  }
0x2d5: {  	[tilespmem:v18+s19+$0x0] =	vst.idx.msk $0xffff, v17  }
0x2d6: {  	v18 =	vadd.s32 v5, v19;
	v17 =	vld [tilespmem:s1+$0xFFFFFF50];
	_ =	sdelay $0x4  }
0x2d7: {  	[tilespmem:v18+s19+$0x0] =	vst.idx.msk $0xffff, v17  }
0x2d8: {  	s14 =	sadd.s32 $0xFFFFFFFC, s12;
	v18 =	vadd.s32 v6, v19;
	v17 =	vld [tilespmem:s1+$0xFFFFFF60]  }
0x2d9: {  	v19 =	vmov s14  }
0x2da: {  	v19 =	vshrl.u32 v19, $0x3  }
0x2db: {  	v19 =	vshll.u32 v19, v1  }
0x2dc: {  	v19 =	vbroadcast v19, $0x0  }
0x2dd: {  	[tilespmem:v18+s19+$0x0] =	vst.idx.msk $0xffff, v17  }
0x2de: {  	v18 =	vadd.s32 v7, v19;
	v17 =	vld [tilespmem:s1+$0xFFFFFF70];
	_ =	sdelay $0x4  }
0x2df: {  	[tilespmem:v18+s19+$0x0] =	vst.idx.msk $0xffff, v17  }
0x2e0: {  	s16 =	sadd.s32 $0xFFFFFFFD, s12;
	v18 =	vadd.s32 v8, v19;
	v17 =	vld [tilespmem:s1+$0xFFFFFF80]  }
0x2e1: {  	v19 =	vmov s16  }
0x2e2: {  	v19 =	vshrl.u32 v19, $0x3  }
0x2e3: {  	v19 =	vshll.u32 v19, v1  }
0x2e4: {  	v19 =	vbroadcast v19, $0x0  }
0x2e5: {  	[tilespmem:v18+s19+$0x0] =	vst.idx.msk $0xffff, v17  }
0x2e6: {  	v18 =	vadd.s32 v9, v19;
	v17 =	vld [tilespmem:s1+$0xFFFFFF90];
	_ =	sdelay $0x4  }
0x2e7: {  	[tilespmem:v18+s19+$0x0] =	vst.idx.msk $0xffff, v17  }
0x2e8: {  	s14 =	sadd.s32 $0xFFFFFFFE, s12;
	v18 =	vadd.s32 v10, v19;
	v17 =	vld [tilespmem:s1+$0xFFFFFFA0]  }
0x2e9: {  	v19 =	vmov s14  }
0x2ea: {  	v19 =	vshrl.u32 v19, $0x3  }
0x2eb: {  	v19 =	vshll.u32 v19, v1  }
0x2ec: {  	v19 =	vbroadcast v19, $0x0  }
0x2ed: {  	[tilespmem:v18+s19+$0x0] =	vst.idx.msk $0xffff, v17  }
0x2ee: {  	v18 =	vadd.s32 v11, v19;
	v17 =	vld [tilespmem:s1+$0xFFFFFFB0];
	_ =	sdelay $0x4  }
0x2ef: {  	[tilespmem:v18+s19+$0x0] =	vst.idx.msk $0xffff, v17  }
0x2f0: {  	s16 =	sadd.s32 $0xFFFFFFFF, s12;
	v18 =	vadd.s32 v12, v19;
	v17 =	vld [tilespmem:s1+$0xFFFFFFC0]  }
0x2f1: {  	v19 =	vmov s16  }
0x2f2: {  	v19 =	vshrl.u32 v19, $0x3  }
0x2f3: {  	v19 =	vshll.u32 v19, v1  }
0x2f4: {  	v19 =	vbroadcast v19, $0x0  }
0x2f5: {  	[tilespmem:v18+s19+$0x0] =	vst.idx.msk $0xffff, v17  }
0x2f6: {  	v18 =	vadd.s32 v13, v19;
	v17 =	vld [tilespmem:s1+$0xFFFFFFD0];
	_ =	sdelay $0x4  }
0x2f7: {  	[tilespmem:v18+s19+$0x0] =	vst.idx.msk $0xffff, v17  }
0x2f8: {  	v18 =	vadd.s32 v14, v19;
	v17 =	vld [tilespmem:s1+$0xFFFFFFE0]  }
0x2f9: {  	v19 =	vmov s12  }
0x2fa: {  	v19 =	vshrl.u32 v19, $0x3  }
0x2fb: {  	v19 =	vshll.u32 v19, v1  }
0x2fc: {  	v19 =	vbroadcast v19, $0x0  }
0x2fd: {  	[tilespmem:v18+s19+$0x0] =	vst.idx.msk $0xffff, v17  }
0x2fe: {  	v18 =	vadd.s32 v15, v19;
	v17 =	vld [tilespmem:s1+$0xFFFFFFF0];
	_ =	sdelay $0x4  }
0x2ff: {  	[tilespmem:v18+s19+$0x0] =	vst.idx.msk $0xffff, v17  }
0x300: {  	v18 =	vadd.s32 v16, v19;
	v17 =	vld [tilespmem:s1+$0x0]  }
0x301: {  	s0 =	sadd.s32 s5, s0  }
0x302: {  	s12 =	sshll.u32 s0, $0x7  }
0x303: {  	s0 =	sshll.u32 s0, $0x9;
	s1 =	sand.u32 $0xF80, s12  }
0x304: {  	s0 =	sand.u32 $0xFFFC000, s0;
	s1 =	sadd.s32 s2, s1  }
0x305: {  	s0 =	sadd.s32 s0, s1;
	[tilespmem:v18+s19+$0x0] =	vst.idx.msk $0xffff, v17  }
0x306: {  	[hbm4b:s0+s3] =	stream.linear.scatter [tilespmem:s19], [sflag:$0x2], $0x80, $0x38;
	[tilespmem:$0xD600] =	vst v63  }
0x307: {  	s16 =	simm.s32 $0xA488;
	s1 =	sadd.s32 $0x10, s0  }
0x308: {  	[hbm4b:s1+s3] =	stream.linear.scatter [tilespmem:s16], [sflag:$0x2], $0x80, $0x38;
	[tilespmem:$0xD600] =	vst v63  }
0x309: {  	s14 =	simm.s32 $0xA510;
	s13 =	sadd.s32 $0x20, s0  }
0x30a: {  	[hbm4b:s13+s3] =	stream.linear.scatter [tilespmem:s14], [sflag:$0x2], $0x80, $0x38;
	[tilespmem:$0xD600] =	vst v63  }
0x30b: {  	s13 =	sadd.s32 $0x30, s0;
	s14 =	simm.s32 $0xA598  }
0x30c: {  	[hbm4b:s13+s3] =	stream.linear.scatter [tilespmem:s14], [sflag:$0x2], $0x80, $0x38;
	[tilespmem:$0xD600] =	vst v63  }
0x30d: {  	s13 =	sadd.s32 $0x40, s0;
	s14 =	simm.s32 $0xA620  }
0x30e: {  	[hbm4b:s13+s3] =	stream.linear.scatter [tilespmem:s14], [sflag:$0x2], $0x80, $0x38;
	[tilespmem:$0xD600] =	vst v63  }
0x30f: {  	s13 =	sadd.s32 $0x50, s0;
	s14 =	simm.s32 $0xA6A8  }
0x310: {  	[hbm4b:s13+s3] =	stream.linear.scatter [tilespmem:s14], [sflag:$0x2], $0x80, $0x38;
	[tilespmem:$0xD600] =	vst v63  }
0x311: {  	s13 =	sadd.s32 $0x60, s0;
	s14 =	simm.s32 $0xA730  }
0x312: {  	[hbm4b:s13+s3] =	stream.linear.scatter [tilespmem:s14], [sflag:$0x2], $0x80, $0x38;
	[tilespmem:$0xD600] =	vst v63  }
0x313: {  	s13 =	sadd.s32 $0x70, s0;
	s14 =	simm.s32 $0xA7B8  }
0x314: {  	[hbm4b:s13+s3] =	stream.linear.scatter [tilespmem:s14], [sflag:$0x2], $0x80, $0x38;
	[tilespmem:$0xD600] =	vst v63  }
0x315: {  	s13 =	sadd.s32 $0x1000, s0;
	s14 =	simm.s32 $0xA840  }
0x316: {  	[hbm4b:s13+s3] =	stream.linear.scatter [tilespmem:s14], [sflag:$0x2], $0x80, $0x38;
	[tilespmem:$0xD600] =	vst v63  }
0x317: {  	s13 =	sadd.s32 $0x1010, s0;
	s14 =	simm.s32 $0xA8C8  }
0x318: {  	[hbm4b:s13+s3] =	stream.linear.scatter [tilespmem:s14], [sflag:$0x2], $0x80, $0x38;
	[tilespmem:$0xD600] =	vst v63  }
0x319: {  	s13 =	sadd.s32 $0x1020, s0;
	s14 =	simm.s32 $0xA950  }
0x31a: {  	[hbm4b:s13+s3] =	stream.linear.scatter [tilespmem:s14], [sflag:$0x2], $0x80, $0x38;
	[tilespmem:$0xD600] =	vst v63  }
0x31b: {  	s13 =	sadd.s32 $0x1030, s0;
	s14 =	simm.s32 $0xA9D8  }
0x31c: {  	[hbm4b:s13+s3] =	stream.linear.scatter [tilespmem:s14], [sflag:$0x2], $0x80, $0x38;
	[tilespmem:$0xD600] =	vst v63  }
0x31d: {  	s13 =	sadd.s32 $0x1040, s0;
	s14 =	simm.s32 $0xAA60  }
0x31e: {  	[hbm4b:s13+s3] =	stream.linear.scatter [tilespmem:s14], [sflag:$0x2], $0x80, $0x38;
	[tilespmem:$0xD600] =	vst v63  }
0x31f: {  	s13 =	sadd.s32 $0x1050, s0;
	s14 =	simm.s32 $0xAAE8  }
0x320: {  	[hbm4b:s13+s3] =	stream.linear.scatter [tilespmem:s14], [sflag:$0x2], $0x80, $0x38;
	[tilespmem:$0xD600] =	vst v63  }
0x321: {  	s13 =	sadd.s32 $0x1060, s0;
	s14 =	simm.s32 $0xAB70  }
0x322: {  	[hbm4b:s13+s3] =	stream.linear.scatter [tilespmem:s14], [sflag:$0x2], $0x80, $0x38;
	[tilespmem:$0xD600] =	vst v63  }
0x323: {  	s13 =	sadd.s32 $0x1070, s0;
	s14 =	simm.s32 $0xABF8  }
0x324: {  	[hbm4b:s13+s3] =	stream.linear.scatter [tilespmem:s14], [sflag:$0x2], $0x80, $0x38;
	[tilespmem:$0xD600] =	vst v63  }
0x325: {  	s13 =	sadd.s32 $0x2000, s0;
	s14 =	simm.s32 $0xAC80  }
0x326: {  	[hbm4b:s13+s3] =	stream.linear.scatter [tilespmem:s14], [sflag:$0x2], $0x80, $0x38;
	[tilespmem:$0xD600] =	vst v63  }
0x327: {  	s12 =	sadd.s32 $0x2010, s0;
	s13 =	simm.s32 $0xAD08  }
0x328: {  	[hbm4b:s12+s3] =	stream.linear.scatter [tilespmem:s13], [sflag:$0x2], $0x80, $0x38;
	[tilespmem:$0xD600] =	vst v63  }
0x329: {  	s14 =	sadd.s32 $0x2020, s0  }
0x32a: {  	[hbm4b:s14+s3] =	stream.linear.scatter [tilespmem:s17], [sflag:$0x2], $0x80, $0x38;
	[tilespmem:$0xD600] =	vst v63  }
0x32b: {  	s12 =	sadd.s32 $0x2030, s0  }
0x32c: {  	[hbm4b:s12+s3] =	stream.linear.scatter [tilespmem:s6], [sflag:$0x2], $0x80, $0x38;
	[tilespmem:$0xD600] =	vst v63  }
0x32d: {  	s13 =	sadd.s32 $0x2040, s0  }
0x32e: {  	[hbm4b:s13+s3] =	stream.linear.scatter [tilespmem:s7], [sflag:$0x2], $0x80, $0x38;
	[tilespmem:$0xD600] =	vst v63  }
0x32f: {  	s14 =	sadd.s32 $0x2050, s0  }
0x330: {  	[hbm4b:s14+s3] =	stream.linear.scatter [tilespmem:s9], [sflag:$0x2], $0x80, $0x38;
	[tilespmem:$0xD600] =	vst v63  }
0x331: {  	s12 =	sadd.s32 $0x2060, s0  }
0x332: {  	[hbm4b:s12+s3] =	stream.linear.scatter [tilespmem:s10], [sflag:$0x2], $0x80, $0x38;
	[tilespmem:$0xD600] =	vst v63  }
0x333: {  	s13 =	sadd.s32 $0x2070, s0  }
0x334: {  	[hbm4b:s13+s3] =	stream.linear.scatter [tilespmem:s15], [sflag:$0x2], $0x80, $0x38;
	[tilespmem:$0xD600] =	vst v63  }
0x335: {  	s14 =	sadd.s32 $0x3000, s0  }
0x336: {  	[hbm4b:s14+s3] =	stream.linear.scatter [tilespmem:s11], [sflag:$0x2], $0x80, $0x38;
	[tilespmem:$0xD600] =	vst v63  }
0x337: {  	s12 =	sadd.s32 $0x3010, s0  }
0x338: {  	[hbm4b:s12+s3] =	stream.linear.scatter [tilespmem:s20], [sflag:$0x2], $0x80, $0x38;
	[tilespmem:$0xD600] =	vst v63  }
0x339: {  	s13 =	sadd.s32 $0x3020, s0  }
0x33a: {  	[hbm4b:s13+s3] =	stream.linear.scatter [tilespmem:s21], [sflag:$0x2], $0x80, $0x38;
	[tilespmem:$0xD600] =	vst v63  }
0x33b: {  	s14 =	sadd.s32 $0x3030, s0  }
0x33c: {  	[hbm4b:s14+s3] =	stream.linear.scatter [tilespmem:s22], [sflag:$0x2], $0x80, $0x38;
	[tilespmem:$0xD600] =	vst v63  }
0x33d: {  	s12 =	sadd.s32 $0x3040, s0  }
0x33e: {  	[hbm4b:s12+s3] =	stream.linear.scatter [tilespmem:s23], [sflag:$0x2], $0x80, $0x38;
	[tilespmem:$0xD600] =	vst v63  }
0x33f: {  	s13 =	sadd.s32 $0x3050, s0  }
0x340: {  	[hbm4b:s13+s3] =	stream.linear.scatter [tilespmem:s24], [sflag:$0x2], $0x80, $0x38;
	[tilespmem:$0xD600] =	vst v63  }
.Ltmp5:
0x341: {  	_ = 	snop;
	(pc) =	sbr.rel @p0 .LBB2_14-.Ltmp5, $4  }
0x342: {  	s14 =	sadd.s32 $0x3060, s0  }
0x343: {  	[hbm4b:s14+s3] =	stream.linear.scatter [tilespmem:s25], [sflag:$0x2], $0x80, $0x38;
	[tilespmem:$0xD600] =	vst v63  }
0x344: {  	s0 =	sadd.s32 $0x3070, s0  }
0x345: {  	[hbm4b:s0+s3] =	stream.linear.scatter [tilespmem:s26], [sflag:$0x2], $0x80, $0x38;
	[tilespmem:$0xD600] =	vst v63  }
0x346: {  	s31 =	sor.u32 $0x3, s31  }
0x347: {  	p0 =	sgt.u32 s31, $0xC6  }
.Ltmp6:
0x348: {  	_ = 	snop;
	(pc) =	sbr.rel @p0 .LBB2_13-.Ltmp6, $4  }
0x349: {  	s0 =	sshll.u32 s30, $0x9  }
0x34a: {  	s0 =	sand.u32 $0x3FFFFE00, s0  }
0x34b: {  	s12 =	simm.s32 $0x80;
	s13 =	simm.s32 $0x8400;
	s1 =	sadd.s32 $0x300, s0  }
0x34c: {  	[tilespmem:s13], [sflag:$0x1] =	stream.indirect.gather [hbm4b:s4+s12], $0x20, s1, s12, $0xb8;
	[tilespmem:$0xD600] =	vst v63  }
0x34d: {  	_ =	swait.ge [sflag:s18], $0x1000;
	s1 =	simm.s32 $0x0  }
0x34e: {  	[sflag:s18] =	ssyncset.done $0x0;
	v17 =	vmov s1  }
0x34f: {  	[sflag:s18] =	ssyncadd.s32 $0xFFFFF000;
	v17 =	vshrl.u32 v17, $0x3  }
0x350: {  	_ =	swait.ge [sflag:s29], $0x1000;
	v17 =	vshll.u32 v17, v1  }
0x351: {  	[sflag:s29] =	ssyncset.done $0x0;
	v17 =	vbroadcast v17, $0x0  }
0x352: {  	s1 =	simm.s32 $0x94F0;
	[sflag:s29] =	ssyncadd.s32 $0xFFFFF000  }
0x353: {  	v18 =	vld [tilespmem:s1+$0xFFFFFF10];
	v19 =	vadd.s32 v0, v17;
	_ =	sdelay $0x4  }
0x354: {  	[tilespmem:v19+s28+$0x0] =	vst.idx.msk $0xffff, v18  }
0x355: {  	s12 =	simm.s32 $0x1;
	v17 =	vadd.s32 v2, v17;
	v18 =	vld [tilespmem:s1+$0xFFFFFF20]  }
0x356: {  	v19 =	vmov s12  }
0x357: {  	v19 =	vshrl.u32 v19, $0x3  }
0x358: {  	v19 =	vshll.u32 v19, v1  }
0x359: {  	v19 =	vbroadcast v19, $0x0  }
0x35a: {  	[tilespmem:v17+s28+$0x0] =	vst.idx.msk $0xffff, v18  }
0x35b: {  	v18 =	vadd.s32 v3, v19;
	v17 =	vld [tilespmem:s1+$0xFFFFFF30];
	_ =	sdelay $0x4  }
0x35c: {  	[tilespmem:v18+s28+$0x0] =	vst.idx.msk $0xffff, v17  }
0x35d: {  	s13 =	simm.s32 $0x2;
	v18 =	vadd.s32 v4, v19;
	v17 =	vld [tilespmem:s1+$0xFFFFFF40]  }
0x35e: {  	v19 =	vmov s13  }
0x35f: {  	v19 =	vshrl.u32 v19, $0x3  }
0x360: {  	v19 =	vshll.u32 v19, v1  }
0x361: {  	v19 =	vbroadcast v19, $0x0  }
0x362: {  	[tilespmem:v18+s28+$0x0] =	vst.idx.msk $0xffff, v17  }
0x363: {  	v18 =	vadd.s32 v5, v19;
	v17 =	vld [tilespmem:s1+$0xFFFFFF50];
	_ =	sdelay $0x4  }
0x364: {  	[tilespmem:v18+s28+$0x0] =	vst.idx.msk $0xffff, v17  }
0x365: {  	s14 =	simm.s32 $0x3;
	v18 =	vadd.s32 v6, v19;
	v17 =	vld [tilespmem:s1+$0xFFFFFF60]  }
0x366: {  	v19 =	vmov s14  }
0x367: {  	v19 =	vshrl.u32 v19, $0x3  }
0x368: {  	v19 =	vshll.u32 v19, v1  }
0x369: {  	v19 =	vbroadcast v19, $0x0  }
0x36a: {  	[tilespmem:v18+s28+$0x0] =	vst.idx.msk $0xffff, v17  }
0x36b: {  	v18 =	vadd.s32 v7, v19;
	v17 =	vld [tilespmem:s1+$0xFFFFFF70];
	_ =	sdelay $0x4  }
0x36c: {  	[tilespmem:v18+s28+$0x0] =	vst.idx.msk $0xffff, v17  }
0x36d: {  	s13 =	simm.s32 $0x4;
	v18 =	vadd.s32 v8, v19;
	v17 =	vld [tilespmem:s1+$0xFFFFFF80]  }
0x36e: {  	v19 =	vmov s13  }
0x36f: {  	v19 =	vshrl.u32 v19, $0x3  }
0x370: {  	v19 =	vshll.u32 v19, v1  }
0x371: {  	v19 =	vbroadcast v19, $0x0  }
0x372: {  	[tilespmem:v18+s28+$0x0] =	vst.idx.msk $0xffff, v17  }
0x373: {  	v18 =	vadd.s32 v9, v19;
	v17 =	vld [tilespmem:s1+$0xFFFFFF90];
	_ =	sdelay $0x4  }
0x374: {  	[tilespmem:v18+s28+$0x0] =	vst.idx.msk $0xffff, v17  }
0x375: {  	s14 =	simm.s32 $0x5;
	v18 =	vadd.s32 v10, v19;
	v17 =	vld [tilespmem:s1+$0xFFFFFFA0]  }
0x376: {  	v19 =	vmov s14  }
0x377: {  	v19 =	vshrl.u32 v19, $0x3  }
0x378: {  	v19 =	vshll.u32 v19, v1  }
0x379: {  	v19 =	vbroadcast v19, $0x0  }
0x37a: {  	[tilespmem:v18+s28+$0x0] =	vst.idx.msk $0xffff, v17  }
0x37b: {  	v18 =	vadd.s32 v11, v19;
	v17 =	vld [tilespmem:s1+$0xFFFFFFB0];
	_ =	sdelay $0x4  }
0x37c: {  	[tilespmem:v18+s28+$0x0] =	vst.idx.msk $0xffff, v17  }
0x37d: {  	s13 =	simm.s32 $0x6;
	v18 =	vadd.s32 v12, v19;
	v17 =	vld [tilespmem:s1+$0xFFFFFFC0]  }
0x37e: {  	v19 =	vmov s13  }
0x37f: {  	v19 =	vshrl.u32 v19, $0x3  }
0x380: {  	v19 =	vshll.u32 v19, v1  }
0x381: {  	v19 =	vbroadcast v19, $0x0  }
0x382: {  	[tilespmem:v18+s28+$0x0] =	vst.idx.msk $0xffff, v17  }
0x383: {  	v18 =	vadd.s32 v13, v19;
	v17 =	vld [tilespmem:s1+$0xFFFFFFD0];
	_ =	sdelay $0x4  }
0x384: {  	[tilespmem:v18+s28+$0x0] =	vst.idx.msk $0xffff, v17  }
0x385: {  	s14 =	simm.s32 $0x7;
	v18 =	vadd.s32 v14, v19;
	v17 =	vld [tilespmem:s1+$0xFFFFFFE0]  }
0x386: {  	v19 =	vmov s14  }
0x387: {  	v19 =	vshrl.u32 v19, $0x3  }
0x388: {  	v19 =	vshll.u32 v19, v1  }
0x389: {  	v19 =	vbroadcast v19, $0x0  }
0x38a: {  	[tilespmem:v18+s28+$0x0] =	vst.idx.msk $0xffff, v17  }
0x38b: {  	v18 =	vadd.s32 v15, v19;
	v17 =	vld [tilespmem:s1+$0xFFFFFFF0];
	_ =	sdelay $0x4  }
0x38c: {  	[tilespmem:v18+s28+$0x0] =	vst.idx.msk $0xffff, v17  }
0x38d: {  	s12 =	simm.s32 $0xF;
	s13 =	simm.s32 $0x17;
	s14 =	simm.s32 $0x8;
	v18 =	vadd.s32 v16, v19;
	v17 =	vld [tilespmem:s1+$0x0]  }
.LBB2_11:
0x38e: {  	p0 =	sne.s32 s13, $0x7F;
	v19 =	vmov s14  }
0x38f: {  	v19 =	vshrl.u32 v19, $0x3  }
0x390: {  	v19 =	vshll.u32 v19, v1  }
0x391: {  	v19 =	vbroadcast v19, $0x0  }
0x392: {  	s1 =	sadd.s32 $0x100, s1;
	[tilespmem:v18+s28+$0x0] =	vst.idx.msk $0xffff, v17  }
0x393: {  	v17 =	vld [tilespmem:s1+$0xFFFFFF10];
	v18 =	vadd.s32 v0, v19;
	_ =	sdelay $0x4  }
0x394: {  	[tilespmem:v18+s28+$0x0] =	vst.idx.msk $0xffff, v17  }
0x395: {  	s14 =	sadd.s32 $0xFFFFFFFA, s12;
	v18 =	vadd.s32 v2, v19;
	v17 =	vld [tilespmem:s1+$0xFFFFFF20]  }
0x396: {  	v19 =	vmov s14  }
0x397: {  	v19 =	vshrl.u32 v19, $0x3  }
0x398: {  	v19 =	vshll.u32 v19, v1  }
0x399: {  	v19 =	vbroadcast v19, $0x0  }
0x39a: {  	[tilespmem:v18+s28+$0x0] =	vst.idx.msk $0xffff, v17  }
0x39b: {  	v18 =	vadd.s32 v3, v19;
	v17 =	vld [tilespmem:s1+$0xFFFFFF30];
	_ =	sdelay $0x4  }
0x39c: {  	[tilespmem:v18+s28+$0x0] =	vst.idx.msk $0xffff, v17  }
0x39d: {  	s14 =	sadd.s32 $0xFFFFFFFB, s12;
	v18 =	vadd.s32 v4, v19;
	v17 =	vld [tilespmem:s1+$0xFFFFFF40]  }
0x39e: {  	v19 =	vmov s14  }
0x39f: {  	v19 =	vshrl.u32 v19, $0x3  }
0x3a0: {  	v19 =	vshll.u32 v19, v1  }
0x3a1: {  	v19 =	vbroadcast v19, $0x0  }
0x3a2: {  	[tilespmem:v18+s28+$0x0] =	vst.idx.msk $0xffff, v17  }
0x3a3: {  	v18 =	vadd.s32 v5, v19;
	v17 =	vld [tilespmem:s1+$0xFFFFFF50];
	_ =	sdelay $0x4  }
0x3a4: {  	[tilespmem:v18+s28+$0x0] =	vst.idx.msk $0xffff, v17  }
0x3a5: {  	s14 =	sadd.s32 $0xFFFFFFFC, s12;
	v18 =	vadd.s32 v6, v19;
	v17 =	vld [tilespmem:s1+$0xFFFFFF60]  }
0x3a6: {  	v19 =	vmov s14  }
0x3a7: {  	v19 =	vshrl.u32 v19, $0x3  }
0x3a8: {  	v19 =	vshll.u32 v19, v1  }
0x3a9: {  	v19 =	vbroadcast v19, $0x0  }
0x3aa: {  	[tilespmem:v18+s28+$0x0] =	vst.idx.msk $0xffff, v17  }
0x3ab: {  	v18 =	vadd.s32 v7, v19;
	v17 =	vld [tilespmem:s1+$0xFFFFFF70];
	_ =	sdelay $0x4  }
0x3ac: {  	[tilespmem:v18+s28+$0x0] =	vst.idx.msk $0xffff, v17  }
0x3ad: {  	s14 =	sadd.s32 $0xFFFFFFFD, s12;
	v18 =	vadd.s32 v8, v19;
	v17 =	vld [tilespmem:s1+$0xFFFFFF80]  }
0x3ae: {  	v19 =	vmov s14  }
0x3af: {  	v19 =	vshrl.u32 v19, $0x3  }
0x3b0: {  	v19 =	vshll.u32 v19, v1  }
0x3b1: {  	v19 =	vbroadcast v19, $0x0  }
0x3b2: {  	[tilespmem:v18+s28+$0x0] =	vst.idx.msk $0xffff, v17  }
0x3b3: {  	v18 =	vadd.s32 v9, v19;
	v17 =	vld [tilespmem:s1+$0xFFFFFF90];
	_ =	sdelay $0x4  }
0x3b4: {  	[tilespmem:v18+s28+$0x0] =	vst.idx.msk $0xffff, v17  }
0x3b5: {  	s14 =	sadd.s32 $0xFFFFFFFE, s12;
	v18 =	vadd.s32 v10, v19;
	v17 =	vld [tilespmem:s1+$0xFFFFFFA0]  }
0x3b6: {  	v19 =	vmov s14  }
0x3b7: {  	v19 =	vshrl.u32 v19, $0x3  }
0x3b8: {  	v19 =	vshll.u32 v19, v1  }
0x3b9: {  	v19 =	vbroadcast v19, $0x0  }
0x3ba: {  	[tilespmem:v18+s28+$0x0] =	vst.idx.msk $0xffff, v17  }
0x3bb: {  	v18 =	vadd.s32 v11, v19;
	v17 =	vld [tilespmem:s1+$0xFFFFFFB0];
	_ =	sdelay $0x4  }
0x3bc: {  	[tilespmem:v18+s28+$0x0] =	vst.idx.msk $0xffff, v17  }
0x3bd: {  	s14 =	sadd.s32 $0xFFFFFFFF, s12;
	v18 =	vadd.s32 v12, v19;
	v17 =	vld [tilespmem:s1+$0xFFFFFFC0]  }
0x3be: {  	v19 =	vmov s14  }
0x3bf: {  	v19 =	vshrl.u32 v19, $0x3  }
0x3c0: {  	v19 =	vshll.u32 v19, v1  }
0x3c1: {  	v19 =	vbroadcast v19, $0x0  }
0x3c2: {  	[tilespmem:v18+s28+$0x0] =	vst.idx.msk $0xffff, v17  }
0x3c3: {  	v18 =	vadd.s32 v13, v19;
	v17 =	vld [tilespmem:s1+$0xFFFFFFD0];
	_ =	sdelay $0x4  }
0x3c4: {  	[tilespmem:v18+s28+$0x0] =	vst.idx.msk $0xffff, v17  }
0x3c5: {  	v18 =	vadd.s32 v14, v19;
	v17 =	vld [tilespmem:s1+$0xFFFFFFE0]  }
0x3c6: {  	v19 =	vmov s12;
	s12 =	smov.u32 s13  }
0x3c7: {  	v19 =	vshrl.u32 v19, $0x3  }
0x3c8: {  	v19 =	vshll.u32 v19, v1  }
0x3c9: {  	v19 =	vbroadcast v19, $0x0  }
0x3ca: {  	[tilespmem:v18+s28+$0x0] =	vst.idx.msk $0xffff, v17  }
0x3cb: {  	v18 =	vadd.s32 v15, v19;
	v17 =	vld [tilespmem:s1+$0xFFFFFFF0];
	_ =	sdelay $0x1  }
.Ltmp7:
0x3cc: {  	(pc) =	sbr.rel @p0 .LBB2_11-.Ltmp7, $3  }
0x3cd: {  	_ =	sdelay $0x1  }
0x3ce: {  	[tilespmem:v18+s28+$0x0] =	vst.idx.msk $0xffff, v17  }
0x3cf: {  	s13 =	sadd.s32 $0x8, s13;
	s14 =	sadd.s32 $0xFFFFFFF9, s12;
	v18 =	vadd.s32 v16, v19;
	v17 =	vld [tilespmem:s1+$0x0]  }
0x3d0: {  	v19 =	vmov s14  }
0x3d1: {  	v19 =	vshrl.u32 v19, $0x3  }
0x3d2: {  	v19 =	vshll.u32 v19, v1  }
0x3d3: {  	v19 =	vbroadcast v19, $0x0  }
0x3d4: {  	s1 =	sadd.s32 $0x100, s1;
	[tilespmem:v18+s28+$0x0] =	vst.idx.msk $0xffff, v17  }
0x3d5: {  	v17 =	vld [tilespmem:s1+$0xFFFFFF10];
	v18 =	vadd.s32 v0, v19;
	_ =	sdelay $0x4  }
0x3d6: {  	[tilespmem:v18+s28+$0x0] =	vst.idx.msk $0xffff, v17  }
0x3d7: {  	s13 =	sadd.s32 $0xFFFFFFFA, s12;
	v18 =	vadd.s32 v2, v19;
	v17 =	vld [tilespmem:s1+$0xFFFFFF20]  }
0x3d8: {  	v19 =	vmov s13  }
0x3d9: {  	v19 =	vshrl.u32 v19, $0x3  }
0x3da: {  	v19 =	vshll.u32 v19, v1  }
0x3db: {  	v19 =	vbroadcast v19, $0x0  }
0x3dc: {  	[tilespmem:v18+s28+$0x0] =	vst.idx.msk $0xffff, v17  }
0x3dd: {  	v18 =	vadd.s32 v3, v19;
	v17 =	vld [tilespmem:s1+$0xFFFFFF30];
	_ =	sdelay $0x4  }
0x3de: {  	[tilespmem:v18+s28+$0x0] =	vst.idx.msk $0xffff, v17  }
0x3df: {  	s14 =	sadd.s32 $0xFFFFFFFB, s12;
	v18 =	vadd.s32 v4, v19;
	v17 =	vld [tilespmem:s1+$0xFFFFFF40]  }
0x3e0: {  	v19 =	vmov s14  }
0x3e1: {  	v19 =	vshrl.u32 v19, $0x3  }
0x3e2: {  	v19 =	vshll.u32 v19, v1  }
0x3e3: {  	v19 =	vbroadcast v19, $0x0  }
0x3e4: {  	[tilespmem:v18+s28+$0x0] =	vst.idx.msk $0xffff, v17  }
0x3e5: {  	v18 =	vadd.s32 v5, v19;
	v17 =	vld [tilespmem:s1+$0xFFFFFF50];
	_ =	sdelay $0x4  }
0x3e6: {  	[tilespmem:v18+s28+$0x0] =	vst.idx.msk $0xffff, v17  }
0x3e7: {  	s14 =	sadd.s32 $0xFFFFFFFC, s12;
	v18 =	vadd.s32 v6, v19;
	v17 =	vld [tilespmem:s1+$0xFFFFFF60]  }
0x3e8: {  	v19 =	vmov s14  }
0x3e9: {  	v19 =	vshrl.u32 v19, $0x3  }
0x3ea: {  	v19 =	vshll.u32 v19, v1  }
0x3eb: {  	v19 =	vbroadcast v19, $0x0  }
0x3ec: {  	[tilespmem:v18+s28+$0x0] =	vst.idx.msk $0xffff, v17  }
0x3ed: {  	v18 =	vadd.s32 v7, v19;
	v17 =	vld [tilespmem:s1+$0xFFFFFF70];
	_ =	sdelay $0x4  }
0x3ee: {  	[tilespmem:v18+s28+$0x0] =	vst.idx.msk $0xffff, v17  }
0x3ef: {  	s14 =	sadd.s32 $0xFFFFFFFD, s12;
	v18 =	vadd.s32 v8, v19;
	v17 =	vld [tilespmem:s1+$0xFFFFFF80]  }
0x3f0: {  	v19 =	vmov s14  }
0x3f1: {  	v19 =	vshrl.u32 v19, $0x3  }
0x3f2: {  	v19 =	vshll.u32 v19, v1  }
0x3f3: {  	v19 =	vbroadcast v19, $0x0  }
0x3f4: {  	[tilespmem:v18+s28+$0x0] =	vst.idx.msk $0xffff, v17  }
0x3f5: {  	v18 =	vadd.s32 v9, v19;
	v17 =	vld [tilespmem:s1+$0xFFFFFF90];
	_ =	sdelay $0x4  }
0x3f6: {  	[tilespmem:v18+s28+$0x0] =	vst.idx.msk $0xffff, v17  }
0x3f7: {  	s14 =	sadd.s32 $0xFFFFFFFE, s12;
	v18 =	vadd.s32 v10, v19;
	v17 =	vld [tilespmem:s1+$0xFFFFFFA0]  }
0x3f8: {  	v19 =	vmov s14  }
0x3f9: {  	v19 =	vshrl.u32 v19, $0x3  }
0x3fa: {  	v19 =	vshll.u32 v19, v1  }
0x3fb: {  	v19 =	vbroadcast v19, $0x0  }
0x3fc: {  	[tilespmem:v18+s28+$0x0] =	vst.idx.msk $0xffff, v17  }
0x3fd: {  	v18 =	vadd.s32 v11, v19;
	v17 =	vld [tilespmem:s1+$0xFFFFFFB0];
	_ =	sdelay $0x4  }
0x3fe: {  	[tilespmem:v18+s28+$0x0] =	vst.idx.msk $0xffff, v17  }
0x3ff: {  	s14 =	sadd.s32 $0xFFFFFFFF, s12;
	v18 =	vadd.s32 v12, v19;
	v17 =	vld [tilespmem:s1+$0xFFFFFFC0]  }
0x400: {  	v19 =	vmov s14  }
0x401: {  	v19 =	vshrl.u32 v19, $0x3  }
0x402: {  	v19 =	vshll.u32 v19, v1  }
0x403: {  	v19 =	vbroadcast v19, $0x0  }
0x404: {  	[tilespmem:v18+s28+$0x0] =	vst.idx.msk $0xffff, v17  }
0x405: {  	v18 =	vadd.s32 v13, v19;
	v17 =	vld [tilespmem:s1+$0xFFFFFFD0];
	_ =	sdelay $0x4  }
0x406: {  	[tilespmem:v18+s28+$0x0] =	vst.idx.msk $0xffff, v17  }
0x407: {  	v18 =	vadd.s32 v14, v19;
	v17 =	vld [tilespmem:s1+$0xFFFFFFE0]  }
0x408: {  	v19 =	vmov s12  }
0x409: {  	v19 =	vshrl.u32 v19, $0x3  }
0x40a: {  	v19 =	vshll.u32 v19, v1  }
0x40b: {  	v19 =	vbroadcast v19, $0x0  }
0x40c: {  	[tilespmem:v18+s28+$0x0] =	vst.idx.msk $0xffff, v17  }
0x40d: {  	v18 =	vadd.s32 v15, v19;
	v17 =	vld [tilespmem:s1+$0xFFFFFFF0];
	_ =	sdelay $0x4  }
0x40e: {  	[tilespmem:v18+s28+$0x0] =	vst.idx.msk $0xffff, v17  }
0x40f: {  	v18 =	vadd.s32 v16, v19;
	v17 =	vld [tilespmem:s1+$0x0]  }
0x410: {  	s13 =	sadd.s32 s5, s31  }
0x411: {  	s14 =	sshll.u32 s13, $0x7  }
0x412: {  	s12 =	sand.u32 $0xF80, s14;
	s1 =	sshll.u32 s13, $0x9  }
0x413: {  	s12 =	sadd.s32 s2, s12;
	s1 =	sand.u32 $0xFFFC000, s1  }
0x414: {  	s1 =	sadd.s32 s1, s12;
	[tilespmem:v18+s28+$0x0] =	vst.idx.msk $0xffff, v17  }
0x415: {  	[hbm4b:s1+s3] =	stream.linear.scatter [tilespmem:s28], [sflag:$0x2], $0x80, $0x38;
	[tilespmem:$0xD600] =	vst v63  }
0x416: {  	s31 =	simm.s32 $0xB588;
	s12 =	sadd.s32 $0x10, s1  }
0x417: {  	[hbm4b:s12+s3] =	stream.linear.scatter [tilespmem:s31], [sflag:$0x2], $0x80, $0x38;
	[tilespmem:$0xD600] =	vst v63  }
0x418: {  	s14 =	sadd.s32 $0x20, s1;
	s31 =	simm.s32 $0xB610  }
0x419: {  	[hbm4b:s14+s3] =	stream.linear.scatter [tilespmem:s31], [sflag:$0x2], $0x80, $0x38;
	[tilespmem:$0xD600] =	vst v63  }
0x41a: {  	s14 =	sadd.s32 $0x30, s1;
	s31 =	simm.s32 $0xB698  }
0x41b: {  	[hbm4b:s14+s3] =	stream.linear.scatter [tilespmem:s31], [sflag:$0x2], $0x80, $0x38;
	[tilespmem:$0xD600] =	vst v63  }
0x41c: {  	s14 =	sadd.s32 $0x40, s1;
	s31 =	simm.s32 $0xB720  }
0x41d: {  	[hbm4b:s14+s3] =	stream.linear.scatter [tilespmem:s31], [sflag:$0x2], $0x80, $0x38;
	[tilespmem:$0xD600] =	vst v63  }
0x41e: {  	s14 =	sadd.s32 $0x50, s1;
	s31 =	simm.s32 $0xB7A8  }
0x41f: {  	[hbm4b:s14+s3] =	stream.linear.scatter [tilespmem:s31], [sflag:$0x2], $0x80, $0x38;
	[tilespmem:$0xD600] =	vst v63  }
0x420: {  	s14 =	sadd.s32 $0x60, s1;
	s31 =	simm.s32 $0xB830  }
0x421: {  	[hbm4b:s14+s3] =	stream.linear.scatter [tilespmem:s31], [sflag:$0x2], $0x80, $0x38;
	[tilespmem:$0xD600] =	vst v63  }
0x422: {  	s14 =	sadd.s32 $0x70, s1;
	s31 =	simm.s32 $0xB8B8  }
0x423: {  	[hbm4b:s14+s3] =	stream.linear.scatter [tilespmem:s31], [sflag:$0x2], $0x80, $0x38;
	[tilespmem:$0xD600] =	vst v63  }
0x424: {  	s14 =	sadd.s32 $0x1000, s1;
	s31 =	simm.s32 $0xB940  }
0x425: {  	[hbm4b:s14+s3] =	stream.linear.scatter [tilespmem:s31], [sflag:$0x2], $0x80, $0x38;
	[tilespmem:$0xD600] =	vst v63  }
0x426: {  	s14 =	sadd.s32 $0x1010, s1;
	s31 =	simm.s32 $0xB9C8  }
0x427: {  	[hbm4b:s14+s3] =	stream.linear.scatter [tilespmem:s31], [sflag:$0x2], $0x80, $0x38;
	[tilespmem:$0xD600] =	vst v63  }
0x428: {  	s14 =	sadd.s32 $0x1020, s1;
	s31 =	simm.s32 $0xBA50  }
0x429: {  	[hbm4b:s14+s3] =	stream.linear.scatter [tilespmem:s31], [sflag:$0x2], $0x80, $0x38;
	[tilespmem:$0xD600] =	vst v63  }
0x42a: {  	s14 =	sadd.s32 $0x1030, s1;
	s31 =	simm.s32 $0xBAD8  }
0x42b: {  	[hbm4b:s14+s3] =	stream.linear.scatter [tilespmem:s31], [sflag:$0x2], $0x80, $0x38;
	[tilespmem:$0xD600] =	vst v63  }
0x42c: {  	s14 =	sadd.s32 $0x1040, s1;
	s31 =	simm.s32 $0xBB60  }
0x42d: {  	[hbm4b:s14+s3] =	stream.linear.scatter [tilespmem:s31], [sflag:$0x2], $0x80, $0x38;
	[tilespmem:$0xD600] =	vst v63  }
0x42e: {  	s14 =	sadd.s32 $0x1050, s1;
	s31 =	simm.s32 $0xBBE8  }
0x42f: {  	[hbm4b:s14+s3] =	stream.linear.scatter [tilespmem:s31], [sflag:$0x2], $0x80, $0x38;
	[tilespmem:$0xD600] =	vst v63  }
0x430: {  	s14 =	sadd.s32 $0x1060, s1;
	s31 =	simm.s32 $0xBC70  }
0x431: {  	[hbm4b:s14+s3] =	stream.linear.scatter [tilespmem:s31], [sflag:$0x2], $0x80, $0x38;
	[tilespmem:$0xD600] =	vst v63  }
0x432: {  	s14 =	sadd.s32 $0x1070, s1;
	s31 =	simm.s32 $0xBCF8  }
0x433: {  	[hbm4b:s14+s3] =	stream.linear.scatter [tilespmem:s31], [sflag:$0x2], $0x80, $0x38;
	[tilespmem:$0xD600] =	vst v63  }
0x434: {  	s14 =	sadd.s32 $0x2000, s1;
	s31 =	simm.s32 $0xBD80  }
0x435: {  	[hbm4b:s14+s3] =	stream.linear.scatter [tilespmem:s31], [sflag:$0x2], $0x80, $0x38;
	[tilespmem:$0xD600] =	vst v63  }
0x436: {  	s14 =	sadd.s32 $0x2010, s1;
	s31 =	simm.s32 $0xBE08  }
0x437: {  	[hbm4b:s14+s3] =	stream.linear.scatter [tilespmem:s31], [sflag:$0x2], $0x80, $0x38;
	[tilespmem:$0xD600] =	vst v63  }
0x438: {  	s14 =	sadd.s32 $0x2020, s1;
	s31 =	simm.s32 $0xBE90  }
0x439: {  	[hbm4b:s14+s3] =	stream.linear.scatter [tilespmem:s31], [sflag:$0x2], $0x80, $0x38;
	[tilespmem:$0xD600] =	vst v63  }
0x43a: {  	s14 =	sadd.s32 $0x2030, s1;
	s31 =	simm.s32 $0xBF18  }
0x43b: {  	[hbm4b:s14+s3] =	stream.linear.scatter [tilespmem:s31], [sflag:$0x2], $0x80, $0x38;
	[tilespmem:$0xD600] =	vst v63  }
0x43c: {  	s14 =	sadd.s32 $0x2040, s1;
	s31 =	simm.s32 $0xBFA0  }
0x43d: {  	[hbm4b:s14+s3] =	stream.linear.scatter [tilespmem:s31], [sflag:$0x2], $0x80, $0x38;
	[tilespmem:$0xD600] =	vst v63  }
0x43e: {  	s14 =	sadd.s32 $0x2050, s1;
	s31 =	simm.s32 $0xC028  }
0x43f: {  	[hbm4b:s14+s3] =	stream.linear.scatter [tilespmem:s31], [sflag:$0x2], $0x80, $0x38;
	[tilespmem:$0xD600] =	vst v63  }
0x440: {  	s14 =	sadd.s32 $0x2060, s1;
	s31 =	simm.s32 $0xC0B0  }
0x441: {  	[hbm4b:s14+s3] =	stream.linear.scatter [tilespmem:s31], [sflag:$0x2], $0x80, $0x38;
	[tilespmem:$0xD600] =	vst v63  }
0x442: {  	s14 =	sadd.s32 $0x2070, s1;
	s31 =	simm.s32 $0xC138  }
0x443: {  	[hbm4b:s14+s3] =	stream.linear.scatter [tilespmem:s31], [sflag:$0x2], $0x80, $0x38;
	[tilespmem:$0xD600] =	vst v63  }
0x444: {  	s14 =	sadd.s32 $0x3000, s1;
	s31 =	simm.s32 $0xC1C0  }
0x445: {  	[hbm4b:s14+s3] =	stream.linear.scatter [tilespmem:s31], [sflag:$0x2], $0x80, $0x38;
	[tilespmem:$0xD600] =	vst v63  }
0x446: {  	s14 =	sadd.s32 $0x3010, s1;
	s31 =	simm.s32 $0xC248  }
0x447: {  	[hbm4b:s14+s3] =	stream.linear.scatter [tilespmem:s31], [sflag:$0x2], $0x80, $0x38;
	[tilespmem:$0xD600] =	vst v63  }
0x448: {  	s14 =	sadd.s32 $0x3020, s1;
	s31 =	simm.s32 $0xC2D0  }
0x449: {  	[hbm4b:s14+s3] =	stream.linear.scatter [tilespmem:s31], [sflag:$0x2], $0x80, $0x38;
	[tilespmem:$0xD600] =	vst v63  }
0x44a: {  	s14 =	sadd.s32 $0x3030, s1;
	s31 =	simm.s32 $0xC358  }
0x44b: {  	[hbm4b:s14+s3] =	stream.linear.scatter [tilespmem:s31], [sflag:$0x2], $0x80, $0x38;
	[tilespmem:$0xD600] =	vst v63  }
0x44c: {  	s14 =	sadd.s32 $0x3040, s1;
	s31 =	simm.s32 $0xC3E0  }
0x44d: {  	[hbm4b:s14+s3] =	stream.linear.scatter [tilespmem:s31], [sflag:$0x2], $0x80, $0x38;
	[tilespmem:$0xD600] =	vst v63  }
0x44e: {  	s14 =	sadd.s32 $0x3050, s1;
	s31 =	simm.s32 $0xC468  }
0x44f: {  	[hbm4b:s14+s3] =	stream.linear.scatter [tilespmem:s31], [sflag:$0x2], $0x80, $0x38;
	[tilespmem:$0xD600] =	vst v63  }
.Ltmp8:
0x450: {  	_ = 	snop;
	(pc) =	sbr.rel .LBB2_13-.Ltmp8, $4  }
0x451: {  	s13 =	sadd.s32 $0x3060, s1;
	s14 =	simm.s32 $0xC4F0  }
0x452: {  	[hbm4b:s13+s3] =	stream.linear.scatter [tilespmem:s14], [sflag:$0x2], $0x80, $0x38;
	[tilespmem:$0xD600] =	vst v63  }
0x453: {  	s1 =	sadd.s32 $0x3070, s1;
	s31 =	simm.s32 $0xC578  }
0x454: {  	[hbm4b:s1+s3] =	stream.linear.scatter [tilespmem:s31], [sflag:$0x2], $0x80, $0x38;
	[tilespmem:$0xD600] =	vst v63  }
.LBB2_14:
0x455: {  	_ =	swait.ge [sflag:s29], $0x1000  }
0x456: {  	[sflag:s29] =	ssyncset.done $0x0  }
0x457: {  	[sflag:s29] =	ssyncadd.s32 $0xFFFFF000  }
0x458: {  	_ =	swait.ge [sflag:s29], $0x1000  }
0x459: {  	s1 =	simm.s32 $0x6380;
	[sflag:s29] =	ssyncset.done $0x0  }
0x45a: {  	s14 =	simm.s32 $0x3;
	s0 =	rddreg [dreg:$0x5];
	[sflag:s29] =	ssyncadd.s32 $0xFFFFF000  }
0x45b: {  	[tilespmem:s1], [sflag:$0x3] =	stream.linear.gather [hbm4b:s0+s3], $0x80, $0x38;
	[tilespmem:$0xD600] =	vst v63  }
0x45c: {  	_ =	swait.ge [sflag:s14], $0x80  }
0x45d: {  	s30 =	simm.s32 $0x0;
	[sflag:s14] =	ssyncset.done $0x0  }
0x45e: {  	s31 =	simm.s32 $0x80;
	s12 =	simm.s32 $0xC600;
	v17 =	vmov s30;
	[sflag:s14] =	ssyncadd.s32 $0xFFFFFF80  }
0x45f: {  	v17 =	vshrl.u32 v17, $0x3;
	[tilespmem:s12], [sflag:$0x1] =	stream.indirect.gather [hbm4b:s4+s31], $0x20, s1, s31, $0xb8;
	[tilespmem:$0xD600] =	vst v63  }
0x460: {  	v17 =	vshll.u32 v17, v1;
	_ =	swait.ge [sflag:s18], $0x1000  }
0x461: {  	v17 =	vbroadcast v17, $0x0;
	[sflag:s18] =	ssyncset.done $0x0  }
0x462: {  	s0 =	simm.s32 $0xC680;
	[sflag:s18] =	ssyncadd.s32 $0xFFFFF000  }
0x463: {  	v19 =	vadd.s32 v0, v17;
	v18 =	vld [tilespmem:s0+$0xFFFFFF80];
	_ =	sdelay $0x4  }
0x464: {  	[tilespmem:v19+s19+$0x0] =	vst.idx.msk $0xffff, v18  }
0x465: {  	s13 =	simm.s32 $0x1;
	v17 =	vadd.s32 v2, v17;
	v18 =	vld [tilespmem:s0+$0xFFFFFF90]  }
0x466: {  	v19 =	vmov s13  }
0x467: {  	v19 =	vshrl.u32 v19, $0x3  }
0x468: {  	v19 =	vshll.u32 v19, v1  }
0x469: {  	v19 =	vbroadcast v19, $0x0  }
0x46a: {  	[tilespmem:v17+s19+$0x0] =	vst.idx.msk $0xffff, v18  }
0x46b: {  	v18 =	vadd.s32 v3, v19;
	v17 =	vld [tilespmem:s0+$0xFFFFFFA0];
	_ =	sdelay $0x4  }
0x46c: {  	[tilespmem:v18+s19+$0x0] =	vst.idx.msk $0xffff, v17  }
0x46d: {  	s30 =	simm.s32 $0x2;
	v18 =	vadd.s32 v4, v19;
	v17 =	vld [tilespmem:s0+$0xFFFFFFB0]  }
0x46e: {  	v19 =	vmov s30  }
0x46f: {  	v19 =	vshrl.u32 v19, $0x3  }
0x470: {  	v19 =	vshll.u32 v19, v1  }
0x471: {  	v19 =	vbroadcast v19, $0x0  }
0x472: {  	[tilespmem:v18+s19+$0x0] =	vst.idx.msk $0xffff, v17  }
0x473: {  	v18 =	vadd.s32 v5, v19;
	v17 =	vld [tilespmem:s0+$0xFFFFFFC0];
	_ =	sdelay $0x4  }
0x474: {  	[tilespmem:v18+s19+$0x0] =	vst.idx.msk $0xffff, v17  }
0x475: {  	s31 =	simm.s32 $0x3;
	v18 =	vadd.s32 v6, v19;
	v17 =	vld [tilespmem:s0+$0xFFFFFFD0]  }
0x476: {  	v19 =	vmov s31  }
0x477: {  	v19 =	vshrl.u32 v19, $0x3  }
0x478: {  	v19 =	vshll.u32 v19, v1  }
0x479: {  	v19 =	vbroadcast v19, $0x0  }
0x47a: {  	[tilespmem:v18+s19+$0x0] =	vst.idx.msk $0xffff, v17  }
0x47b: {  	v18 =	vadd.s32 v7, v19;
	v17 =	vld [tilespmem:s0+$0xFFFFFFE0];
	_ =	sdelay $0x4  }
0x47c: {  	[tilespmem:v18+s19+$0x0] =	vst.idx.msk $0xffff, v17  }
0x47d: {  	s12 =	simm.s32 $0x4;
	v18 =	vadd.s32 v8, v19;
	v17 =	vld [tilespmem:s0+$0xFFFFFFF0]  }
0x47e: {  	v19 =	vmov s12  }
0x47f: {  	v19 =	vshrl.u32 v19, $0x3  }
0x480: {  	v19 =	vshll.u32 v19, v1  }
0x481: {  	v19 =	vbroadcast v19, $0x0  }
0x482: {  	[tilespmem:v18+s19+$0x0] =	vst.idx.msk $0xffff, v17  }
0x483: {  	v18 =	vadd.s32 v9, v19;
	v17 =	vld [tilespmem:s0+$0x0];
	_ =	sdelay $0x4  }
0x484: {  	[tilespmem:v18+s19+$0x0] =	vst.idx.msk $0xffff, v17  }
0x485: {  	s13 =	simm.s32 $0x5;
	v18 =	vadd.s32 v10, v19;
	v17 =	vld [tilespmem:s0+$0x10]  }
0x486: {  	v19 =	vmov s13  }
0x487: {  	v19 =	vshrl.u32 v19, $0x3  }
0x488: {  	v19 =	vshll.u32 v19, v1  }
0x489: {  	v19 =	vbroadcast v19, $0x0  }
0x48a: {  	[tilespmem:v18+s19+$0x0] =	vst.idx.msk $0xffff, v17  }
0x48b: {  	v18 =	vadd.s32 v11, v19;
	v17 =	vld [tilespmem:s0+$0x20];
	_ =	sdelay $0x4  }
0x48c: {  	[tilespmem:v18+s19+$0x0] =	vst.idx.msk $0xffff, v17  }
0x48d: {  	s30 =	simm.s32 $0x6;
	v18 =	vadd.s32 v12, v19;
	v17 =	vld [tilespmem:s0+$0x30]  }
0x48e: {  	v19 =	vmov s30  }
0x48f: {  	v19 =	vshrl.u32 v19, $0x3  }
0x490: {  	v19 =	vshll.u32 v19, v1  }
0x491: {  	v19 =	vbroadcast v19, $0x0  }
0x492: {  	[tilespmem:v18+s19+$0x0] =	vst.idx.msk $0xffff, v17  }
0x493: {  	v18 =	vadd.s32 v13, v19;
	v17 =	vld [tilespmem:s0+$0x40];
	_ =	sdelay $0x4  }
0x494: {  	[tilespmem:v18+s19+$0x0] =	vst.idx.msk $0xffff, v17  }
0x495: {  	s31 =	simm.s32 $0x7;
	v18 =	vadd.s32 v14, v19;
	v17 =	vld [tilespmem:s0+$0x50]  }
0x496: {  	v19 =	vmov s31  }
0x497: {  	v19 =	vshrl.u32 v19, $0x3  }
0x498: {  	v19 =	vshll.u32 v19, v1  }
0x499: {  	v19 =	vbroadcast v19, $0x0  }
0x49a: {  	[tilespmem:v18+s19+$0x0] =	vst.idx.msk $0xffff, v17  }
0x49b: {  	v18 =	vadd.s32 v15, v19;
	v17 =	vld [tilespmem:s0+$0x60];
	_ =	sdelay $0x4  }
0x49c: {  	[tilespmem:v18+s19+$0x0] =	vst.idx.msk $0xffff, v17  }
0x49d: {  	s1 =	simm.s32 $0xF;
	s12 =	simm.s32 $0x17;
	s13 =	simm.s32 $0x8;
	v18 =	vadd.s32 v16, v19;
	v17 =	vld [tilespmem:s0+$0x70]  }
.LBB2_15:
0x49e: {  	p0 =	sne.s32 s12, $0x7F;
	v19 =	vmov s13  }
0x49f: {  	v19 =	vshrl.u32 v19, $0x3  }
0x4a0: {  	v19 =	vshll.u32 v19, v1  }
0x4a1: {  	v19 =	vbroadcast v19, $0x0  }
0x4a2: {  	s0 =	sadd.s32 $0x100, s0;
	[tilespmem:v18+s19+$0x0] =	vst.idx.msk $0xffff, v17  }
0x4a3: {  	v17 =	vld [tilespmem:s0+$0xFFFFFF80];
	v18 =	vadd.s32 v0, v19;
	_ =	sdelay $0x4  }
0x4a4: {  	[tilespmem:v18+s19+$0x0] =	vst.idx.msk $0xffff, v17  }
0x4a5: {  	s13 =	sadd.s32 $0xFFFFFFFA, s1;
	v18 =	vadd.s32 v2, v19;
	v17 =	vld [tilespmem:s0+$0xFFFFFF90]  }
0x4a6: {  	v19 =	vmov s13  }
0x4a7: {  	v19 =	vshrl.u32 v19, $0x3  }
0x4a8: {  	v19 =	vshll.u32 v19, v1  }
0x4a9: {  	v19 =	vbroadcast v19, $0x0  }
0x4aa: {  	[tilespmem:v18+s19+$0x0] =	vst.idx.msk $0xffff, v17  }
0x4ab: {  	v18 =	vadd.s32 v3, v19;
	v17 =	vld [tilespmem:s0+$0xFFFFFFA0];
	_ =	sdelay $0x4  }
0x4ac: {  	[tilespmem:v18+s19+$0x0] =	vst.idx.msk $0xffff, v17  }
0x4ad: {  	s13 =	sadd.s32 $0xFFFFFFFB, s1;
	v18 =	vadd.s32 v4, v19;
	v17 =	vld [tilespmem:s0+$0xFFFFFFB0]  }
0x4ae: {  	v19 =	vmov s13  }
0x4af: {  	v19 =	vshrl.u32 v19, $0x3  }
0x4b0: {  	v19 =	vshll.u32 v19, v1  }
0x4b1: {  	v19 =	vbroadcast v19, $0x0  }
0x4b2: {  	[tilespmem:v18+s19+$0x0] =	vst.idx.msk $0xffff, v17  }
0x4b3: {  	v18 =	vadd.s32 v5, v19;
	v17 =	vld [tilespmem:s0+$0xFFFFFFC0];
	_ =	sdelay $0x4  }
0x4b4: {  	[tilespmem:v18+s19+$0x0] =	vst.idx.msk $0xffff, v17  }
0x4b5: {  	s13 =	sadd.s32 $0xFFFFFFFC, s1;
	v18 =	vadd.s32 v6, v19;
	v17 =	vld [tilespmem:s0+$0xFFFFFFD0]  }
0x4b6: {  	v19 =	vmov s13  }
0x4b7: {  	v19 =	vshrl.u32 v19, $0x3  }
0x4b8: {  	v19 =	vshll.u32 v19, v1  }
0x4b9: {  	v19 =	vbroadcast v19, $0x0  }
0x4ba: {  	[tilespmem:v18+s19+$0x0] =	vst.idx.msk $0xffff, v17  }
0x4bb: {  	v18 =	vadd.s32 v7, v19;
	v17 =	vld [tilespmem:s0+$0xFFFFFFE0];
	_ =	sdelay $0x4  }
0x4bc: {  	[tilespmem:v18+s19+$0x0] =	vst.idx.msk $0xffff, v17  }
0x4bd: {  	s13 =	sadd.s32 $0xFFFFFFFD, s1;
	v18 =	vadd.s32 v8, v19;
	v17 =	vld [tilespmem:s0+$0xFFFFFFF0]  }
0x4be: {  	v19 =	vmov s13  }
0x4bf: {  	v19 =	vshrl.u32 v19, $0x3  }
0x4c0: {  	v19 =	vshll.u32 v19, v1  }
0x4c1: {  	v19 =	vbroadcast v19, $0x0  }
0x4c2: {  	[tilespmem:v18+s19+$0x0] =	vst.idx.msk $0xffff, v17  }
0x4c3: {  	v18 =	vadd.s32 v9, v19;
	v17 =	vld [tilespmem:s0+$0x0];
	_ =	sdelay $0x4  }
0x4c4: {  	[tilespmem:v18+s19+$0x0] =	vst.idx.msk $0xffff, v17  }
0x4c5: {  	s13 =	sadd.s32 $0xFFFFFFFE, s1;
	v18 =	vadd.s32 v10, v19;
	v17 =	vld [tilespmem:s0+$0x10]  }
0x4c6: {  	v19 =	vmov s13  }
0x4c7: {  	v19 =	vshrl.u32 v19, $0x3  }
0x4c8: {  	v19 =	vshll.u32 v19, v1  }
0x4c9: {  	v19 =	vbroadcast v19, $0x0  }
0x4ca: {  	[tilespmem:v18+s19+$0x0] =	vst.idx.msk $0xffff, v17  }
0x4cb: {  	v18 =	vadd.s32 v11, v19;
	v17 =	vld [tilespmem:s0+$0x20];
	_ =	sdelay $0x4  }
0x4cc: {  	[tilespmem:v18+s19+$0x0] =	vst.idx.msk $0xffff, v17  }
0x4cd: {  	s13 =	sadd.s32 $0xFFFFFFFF, s1;
	v18 =	vadd.s32 v12, v19;
	v17 =	vld [tilespmem:s0+$0x30]  }
0x4ce: {  	v19 =	vmov s13  }
0x4cf: {  	v19 =	vshrl.u32 v19, $0x3  }
0x4d0: {  	v19 =	vshll.u32 v19, v1  }
0x4d1: {  	v19 =	vbroadcast v19, $0x0  }
0x4d2: {  	[tilespmem:v18+s19+$0x0] =	vst.idx.msk $0xffff, v17  }
0x4d3: {  	v18 =	vadd.s32 v13, v19;
	v17 =	vld [tilespmem:s0+$0x40];
	_ =	sdelay $0x4  }
0x4d4: {  	[tilespmem:v18+s19+$0x0] =	vst.idx.msk $0xffff, v17  }
0x4d5: {  	v18 =	vadd.s32 v14, v19;
	v17 =	vld [tilespmem:s0+$0x50]  }
0x4d6: {  	v19 =	vmov s1;
	s1 =	smov.u32 s12  }
0x4d7: {  	v19 =	vshrl.u32 v19, $0x3  }
0x4d8: {  	v19 =	vshll.u32 v19, v1  }
0x4d9: {  	v19 =	vbroadcast v19, $0x0  }
0x4da: {  	[tilespmem:v18+s19+$0x0] =	vst.idx.msk $0xffff, v17  }
0x4db: {  	v18 =	vadd.s32 v15, v19;
	v17 =	vld [tilespmem:s0+$0x60];
	_ =	sdelay $0x1  }
.Ltmp9:
0x4dc: {  	(pc) =	sbr.rel @p0 .LBB2_15-.Ltmp9, $3  }
0x4dd: {  	_ =	sdelay $0x1  }
0x4de: {  	[tilespmem:v18+s19+$0x0] =	vst.idx.msk $0xffff, v17  }
0x4df: {  	s12 =	sadd.s32 $0x8, s12;
	s13 =	sadd.s32 $0xFFFFFFF9, s1;
	v18 =	vadd.s32 v16, v19;
	v17 =	vld [tilespmem:s0+$0x70]  }
0x4e0: {  	v19 =	vmov s13  }
0x4e1: {  	v19 =	vshrl.u32 v19, $0x3  }
0x4e2: {  	v19 =	vshll.u32 v19, v1  }
0x4e3: {  	v19 =	vbroadcast v19, $0x0  }
0x4e4: {  	s0 =	sadd.s32 $0x100, s0;
	[tilespmem:v18+s19+$0x0] =	vst.idx.msk $0xffff, v17  }
0x4e5: {  	v17 =	vld [tilespmem:s0+$0xFFFFFF80];
	v18 =	vadd.s32 v0, v19;
	_ =	sdelay $0x4  }
0x4e6: {  	[tilespmem:v18+s19+$0x0] =	vst.idx.msk $0xffff, v17  }
0x4e7: {  	s12 =	sadd.s32 $0xFFFFFFFA, s1;
	v18 =	vadd.s32 v2, v19;
	v17 =	vld [tilespmem:s0+$0xFFFFFF90]  }
0x4e8: {  	v19 =	vmov s12  }
0x4e9: {  	v19 =	vshrl.u32 v19, $0x3  }
0x4ea: {  	v19 =	vshll.u32 v19, v1  }
0x4eb: {  	v19 =	vbroadcast v19, $0x0  }
0x4ec: {  	[tilespmem:v18+s19+$0x0] =	vst.idx.msk $0xffff, v17  }
0x4ed: {  	v18 =	vadd.s32 v3, v19;
	v17 =	vld [tilespmem:s0+$0xFFFFFFA0];
	_ =	sdelay $0x4  }
0x4ee: {  	[tilespmem:v18+s19+$0x0] =	vst.idx.msk $0xffff, v17  }
0x4ef: {  	s30 =	sadd.s32 $0xFFFFFFFB, s1;
	v18 =	vadd.s32 v4, v19;
	v17 =	vld [tilespmem:s0+$0xFFFFFFB0]  }
0x4f0: {  	v19 =	vmov s30  }
0x4f1: {  	v19 =	vshrl.u32 v19, $0x3  }
0x4f2: {  	v19 =	vshll.u32 v19, v1  }
0x4f3: {  	v19 =	vbroadcast v19, $0x0  }
0x4f4: {  	[tilespmem:v18+s19+$0x0] =	vst.idx.msk $0xffff, v17  }
0x4f5: {  	v18 =	vadd.s32 v5, v19;
	v17 =	vld [tilespmem:s0+$0xFFFFFFC0];
	_ =	sdelay $0x4  }
0x4f6: {  	[tilespmem:v18+s19+$0x0] =	vst.idx.msk $0xffff, v17  }
0x4f7: {  	s31 =	sadd.s32 $0xFFFFFFFC, s1;
	v18 =	vadd.s32 v6, v19;
	v17 =	vld [tilespmem:s0+$0xFFFFFFD0]  }
0x4f8: {  	v19 =	vmov s31  }
0x4f9: {  	v19 =	vshrl.u32 v19, $0x3  }
0x4fa: {  	v19 =	vshll.u32 v19, v1  }
0x4fb: {  	v19 =	vbroadcast v19, $0x0  }
0x4fc: {  	[tilespmem:v18+s19+$0x0] =	vst.idx.msk $0xffff, v17  }
0x4fd: {  	v18 =	vadd.s32 v7, v19;
	v17 =	vld [tilespmem:s0+$0xFFFFFFE0];
	_ =	sdelay $0x4  }
0x4fe: {  	[tilespmem:v18+s19+$0x0] =	vst.idx.msk $0xffff, v17  }
0x4ff: {  	s13 =	sadd.s32 $0xFFFFFFFD, s1;
	v18 =	vadd.s32 v8, v19;
	v17 =	vld [tilespmem:s0+$0xFFFFFFF0]  }
0x500: {  	v19 =	vmov s13  }
0x501: {  	v19 =	vshrl.u32 v19, $0x3  }
0x502: {  	v19 =	vshll.u32 v19, v1  }
0x503: {  	v19 =	vbroadcast v19, $0x0  }
0x504: {  	[tilespmem:v18+s19+$0x0] =	vst.idx.msk $0xffff, v17  }
0x505: {  	v18 =	vadd.s32 v9, v19;
	v17 =	vld [tilespmem:s0+$0x0];
	_ =	sdelay $0x4  }
0x506: {  	[tilespmem:v18+s19+$0x0] =	vst.idx.msk $0xffff, v17  }
0x507: {  	s30 =	sadd.s32 $0xFFFFFFFE, s1;
	v18 =	vadd.s32 v10, v19;
	v17 =	vld [tilespmem:s0+$0x10]  }
0x508: {  	v19 =	vmov s30  }
0x509: {  	v19 =	vshrl.u32 v19, $0x3  }
0x50a: {  	v19 =	vshll.u32 v19, v1  }
0x50b: {  	v19 =	vbroadcast v19, $0x0  }
0x50c: {  	[tilespmem:v18+s19+$0x0] =	vst.idx.msk $0xffff, v17  }
0x50d: {  	v18 =	vadd.s32 v11, v19;
	v17 =	vld [tilespmem:s0+$0x20];
	_ =	sdelay $0x4  }
0x50e: {  	[tilespmem:v18+s19+$0x0] =	vst.idx.msk $0xffff, v17  }
0x50f: {  	s31 =	sadd.s32 $0xFFFFFFFF, s1;
	v18 =	vadd.s32 v12, v19;
	v17 =	vld [tilespmem:s0+$0x30]  }
0x510: {  	v19 =	vmov s31  }
0x511: {  	v19 =	vshrl.u32 v19, $0x3  }
0x512: {  	v19 =	vshll.u32 v19, v1  }
0x513: {  	v19 =	vbroadcast v19, $0x0  }
0x514: {  	[tilespmem:v18+s19+$0x0] =	vst.idx.msk $0xffff, v17  }
0x515: {  	v18 =	vadd.s32 v13, v19;
	v17 =	vld [tilespmem:s0+$0x40];
	_ =	sdelay $0x4  }
0x516: {  	[tilespmem:v18+s19+$0x0] =	vst.idx.msk $0xffff, v17  }
0x517: {  	v18 =	vadd.s32 v14, v19;
	v17 =	vld [tilespmem:s0+$0x50]  }
0x518: {  	v19 =	vmov s1  }
0x519: {  	v19 =	vshrl.u32 v19, $0x3  }
0x51a: {  	v19 =	vshll.u32 v19, v1  }
0x51b: {  	v19 =	vbroadcast v19, $0x0  }
0x51c: {  	[tilespmem:v18+s19+$0x0] =	vst.idx.msk $0xffff, v17  }
0x51d: {  	v18 =	vadd.s32 v15, v19;
	v17 =	vld [tilespmem:s0+$0x60];
	_ =	sdelay $0x4  }
0x51e: {  	[tilespmem:v18+s19+$0x0] =	vst.idx.msk $0xffff, v17  }
0x51f: {  	v18 =	vadd.s32 v16, v19;
	v17 =	vld [tilespmem:s0+$0x70];
	_ =	sdelay $0x4  }
0x520: {  	[tilespmem:v18+s19+$0x0] =	vst.idx.msk $0xffff, v17  }
0x521: {  	[hbm4b:s8+s3] =	stream.linear.scatter [tilespmem:s19], [sflag:$0x2], $0x80, $0x38;
	[tilespmem:$0xD600] =	vst v63  }
0x522: {  	s1 =	sadd.s32 $0x10, s8  }
0x523: {  	[hbm4b:s1+s3] =	stream.linear.scatter [tilespmem:s16], [sflag:$0x2], $0x80, $0x38;
	[tilespmem:$0xD600] =	vst v63  }
0x524: {  	s12 =	sadd.s32 $0x20, s8;
	s13 =	simm.s32 $0xA510  }
0x525: {  	[hbm4b:s12+s3] =	stream.linear.scatter [tilespmem:s13], [sflag:$0x2], $0x80, $0x38;
	[tilespmem:$0xD600] =	vst v63  }
0x526: {  	s30 =	sadd.s32 $0x30, s8;
	s31 =	simm.s32 $0xA598  }
0x527: {  	[hbm4b:s30+s3] =	stream.linear.scatter [tilespmem:s31], [sflag:$0x2], $0x80, $0x38;
	[tilespmem:$0xD600] =	vst v63  }
0x528: {  	s12 =	sadd.s32 $0x40, s8;
	s13 =	simm.s32 $0xA620  }
0x529: {  	[hbm4b:s12+s3] =	stream.linear.scatter [tilespmem:s13], [sflag:$0x2], $0x80, $0x38;
	[tilespmem:$0xD600] =	vst v63  }
0x52a: {  	s30 =	sadd.s32 $0x50, s8;
	s31 =	simm.s32 $0xA6A8  }
0x52b: {  	[hbm4b:s30+s3] =	stream.linear.scatter [tilespmem:s31], [sflag:$0x2], $0x80, $0x38;
	[tilespmem:$0xD600] =	vst v63  }
0x52c: {  	s12 =	sadd.s32 $0x60, s8;
	s13 =	simm.s32 $0xA730  }
0x52d: {  	[hbm4b:s12+s3] =	stream.linear.scatter [tilespmem:s13], [sflag:$0x2], $0x80, $0x38;
	[tilespmem:$0xD600] =	vst v63  }
0x52e: {  	s30 =	sadd.s32 $0x70, s8;
	s31 =	simm.s32 $0xA7B8  }
0x52f: {  	[hbm4b:s30+s3] =	stream.linear.scatter [tilespmem:s31], [sflag:$0x2], $0x80, $0x38;
	[tilespmem:$0xD600] =	vst v63  }
0x530: {  	s12 =	sadd.s32 $0x1000, s8;
	s13 =	simm.s32 $0xA840  }
0x531: {  	[hbm4b:s12+s3] =	stream.linear.scatter [tilespmem:s13], [sflag:$0x2], $0x80, $0x38;
	[tilespmem:$0xD600] =	vst v63  }
0x532: {  	s30 =	sadd.s32 $0x1010, s8;
	s31 =	simm.s32 $0xA8C8  }
0x533: {  	[hbm4b:s30+s3] =	stream.linear.scatter [tilespmem:s31], [sflag:$0x2], $0x80, $0x38;
	[tilespmem:$0xD600] =	vst v63  }
0x534: {  	s12 =	sadd.s32 $0x1020, s8;
	s13 =	simm.s32 $0xA950  }
0x535: {  	[hbm4b:s12+s3] =	stream.linear.scatter [tilespmem:s13], [sflag:$0x2], $0x80, $0x38;
	[tilespmem:$0xD600] =	vst v63  }
0x536: {  	s30 =	sadd.s32 $0x1030, s8;
	s31 =	simm.s32 $0xA9D8  }
0x537: {  	[hbm4b:s30+s3] =	stream.linear.scatter [tilespmem:s31], [sflag:$0x2], $0x80, $0x38;
	[tilespmem:$0xD600] =	vst v63  }
0x538: {  	s12 =	sadd.s32 $0x1040, s8;
	s13 =	simm.s32 $0xAA60  }
0x539: {  	[hbm4b:s12+s3] =	stream.linear.scatter [tilespmem:s13], [sflag:$0x2], $0x80, $0x38;
	[tilespmem:$0xD600] =	vst v63  }
0x53a: {  	s30 =	sadd.s32 $0x1050, s8;
	s31 =	simm.s32 $0xAAE8  }
0x53b: {  	[hbm4b:s30+s3] =	stream.linear.scatter [tilespmem:s31], [sflag:$0x2], $0x80, $0x38;
	[tilespmem:$0xD600] =	vst v63  }
0x53c: {  	s12 =	sadd.s32 $0x1060, s8;
	s13 =	simm.s32 $0xAB70  }
0x53d: {  	[hbm4b:s12+s3] =	stream.linear.scatter [tilespmem:s13], [sflag:$0x2], $0x80, $0x38;
	[tilespmem:$0xD600] =	vst v63  }
0x53e: {  	s30 =	sadd.s32 $0x1070, s8;
	s31 =	simm.s32 $0xABF8  }
0x53f: {  	[hbm4b:s30+s3] =	stream.linear.scatter [tilespmem:s31], [sflag:$0x2], $0x80, $0x38;
	[tilespmem:$0xD600] =	vst v63  }
0x540: {  	s1 =	sadd.s32 $0x2000, s8;
	s12 =	simm.s32 $0xAC80  }
0x541: {  	[hbm4b:s1+s3] =	stream.linear.scatter [tilespmem:s12], [sflag:$0x2], $0x80, $0x38;
	[tilespmem:$0xD600] =	vst v63  }
0x542: {  	s13 =	sadd.s32 $0x2010, s8;
	s30 =	simm.s32 $0xAD08  }
0x543: {  	[hbm4b:s13+s3] =	stream.linear.scatter [tilespmem:s30], [sflag:$0x2], $0x80, $0x38;
	[tilespmem:$0xD600] =	vst v63  }
0x544: {  	s31 =	sadd.s32 $0x2020, s8  }
0x545: {  	[hbm4b:s31+s3] =	stream.linear.scatter [tilespmem:s17], [sflag:$0x2], $0x80, $0x38;
	[tilespmem:$0xD600] =	vst v63  }
0x546: {  	s1 =	sadd.s32 $0x2030, s8  }
0x547: {  	[hbm4b:s1+s3] =	stream.linear.scatter [tilespmem:s6], [sflag:$0x2], $0x80, $0x38;
	[tilespmem:$0xD600] =	vst v63  }
0x548: {  	s12 =	sadd.s32 $0x2040, s8  }
0x549: {  	[hbm4b:s12+s3] =	stream.linear.scatter [tilespmem:s7], [sflag:$0x2], $0x80, $0x38;
	[tilespmem:$0xD600] =	vst v63  }
0x54a: {  	s13 =	sadd.s32 $0x2050, s8  }
0x54b: {  	[hbm4b:s13+s3] =	stream.linear.scatter [tilespmem:s9], [sflag:$0x2], $0x80, $0x38;
	[tilespmem:$0xD600] =	vst v63  }
0x54c: {  	s30 =	sadd.s32 $0x2060, s8  }
0x54d: {  	[hbm4b:s30+s3] =	stream.linear.scatter [tilespmem:s10], [sflag:$0x2], $0x80, $0x38;
	[tilespmem:$0xD600] =	vst v63  }
0x54e: {  	s31 =	sadd.s32 $0x2070, s8  }
0x54f: {  	[hbm4b:s31+s3] =	stream.linear.scatter [tilespmem:s15], [sflag:$0x2], $0x80, $0x38;
	[tilespmem:$0xD600] =	vst v63  }
0x550: {  	s1 =	sadd.s32 $0x3000, s8  }
0x551: {  	[hbm4b:s1+s3] =	stream.linear.scatter [tilespmem:s11], [sflag:$0x2], $0x80, $0x38;
	[tilespmem:$0xD600] =	vst v63  }
0x552: {  	s12 =	sadd.s32 $0x3010, s8  }
0x553: {  	[hbm4b:s12+s3] =	stream.linear.scatter [tilespmem:s20], [sflag:$0x2], $0x80, $0x38;
	[tilespmem:$0xD600] =	vst v63  }
0x554: {  	s13 =	sadd.s32 $0x3020, s8  }
0x555: {  	[hbm4b:s13+s3] =	stream.linear.scatter [tilespmem:s21], [sflag:$0x2], $0x80, $0x38;
	[tilespmem:$0xD600] =	vst v63  }
0x556: {  	s30 =	sadd.s32 $0x3030, s8  }
0x557: {  	[hbm4b:s30+s3] =	stream.linear.scatter [tilespmem:s22], [sflag:$0x2], $0x80, $0x38;
	[tilespmem:$0xD600] =	vst v63  }
0x558: {  	s31 =	sadd.s32 $0x3040, s8  }
0x559: {  	[hbm4b:s31+s3] =	stream.linear.scatter [tilespmem:s23], [sflag:$0x2], $0x80, $0x38;
	[tilespmem:$0xD600] =	vst v63  }
0x55a: {  	s1 =	sadd.s32 $0x3050, s8  }
0x55b: {  	[hbm4b:s1+s3] =	stream.linear.scatter [tilespmem:s24], [sflag:$0x2], $0x80, $0x38;
	[tilespmem:$0xD600] =	vst v63  }
0x55c: {  	s12 =	sadd.s32 $0x3060, s8  }
0x55d: {  	[hbm4b:s12+s3] =	stream.linear.scatter [tilespmem:s25], [sflag:$0x2], $0x80, $0x38;
	[tilespmem:$0xD600] =	vst v63  }
0x55e: {  	s13 =	sadd.s32 $0x3070, s8  }
0x55f: {  	[hbm4b:s13+s3] =	stream.linear.scatter [tilespmem:s26], [sflag:$0x2], $0x80, $0x38;
	[tilespmem:$0xD600] =	vst v63  }
0x560: {  	_ =	swait.ge [sflag:s29], $0x1000  }
0x561: {  	s30 =	rddreg [dreg:$0x7]  }
0x562: {  	s31 =	rddreg [dreg:$0x6];
	s1 =	sadd.s32 $0x1, s30  }
0x563: {  	p0 =	sne.s32 s1, s31  }
.Ltmp10:
0x564: {  	_ = 	snop;
	(pc) =	sbr.rel @p0 .LBB2_1-.Ltmp10, $3  }
0x565: {  	_ =	sdelay $0x1  }
0x566: {  	[sflag:s29] =	ssyncset.done $0x0  }
0x567: {  	[sflag:s29] =	ssyncadd.s32 $0xFFFFF000  }
0x568: {  	_ =	sfence.sel $0x180000  }
0x569: {  	[bflag:$0x0] =	sbarrier.arrive $0xFFFF  }
0x56a: {  	_ =	strace $0x90000047  }
0x56b: {  	s0 =	stileid.u32;
	[bflag:$0x2] =	sbarrier.arrive $0xFFFF  }
0x56c: {  	p0 =	sne.s32 s0, $0x0;
	s0 =	rddreg [dreg:$0x3]  }
0x56d: {  	s0 =	sadd.s32 @!p0 $0x100000, s0  }
0x56e: {  	[sflag:s0] =	ssyncadd.tile.s32 @!p0 $0x1;
	_ =	shalt  }
.Lfunc_end2:
_tile_overlayer_lowered:
.L_overlay_start_2:
0x56f: {  	(tag) =	ssettag $0x2  }
0x570: {  	s0 =	rddreg [dreg:$0x0];
	s2 =	stileid.u32  }
0x571: {  	s1 =	rddreg [dreg:$0x1];
	p0 =	sne.s32 s2, $0x0  }
0x572: {  	s3 =	rddreg [dreg:$0x2];
	[bflag:$0x3] =	sbarrier.arrive $0xFFFF;
	s2 =	simm.s32 @!p0 $0x1C03  }
0x573: {  	[timem:s3], [sflag:s2] =	dma.local @!p0 [hbm:s0], s1  }
0x574: {  	s0 =	simm.s32 @!p0 $0x3  }
0x575: {  	_ =	swait.ge @!p0 [sflag:s0], s1  }
0x576: {  	s1 =	ssub.s32 @!p0 $0x0, s1;
	[sflag:s0] =	ssyncset.done @!p0 $0x0  }
0x577: {  	[sflag:s0] =	ssyncadd.s32 @!p0 s1  }
0x578: {  	[bflag:$0x3] =	sbarrier.arrive $0xFFFF  }
0x579: {  	_ =	shalt  }

</sc_bundles>
